<compile_context>
chip_gen: v7x
topology: tpu7x:2x2x1
jax: 0.10.2.dev20260603
libtpu: 0.0.44.dev20260713+nightly
codegen_flags: <defaults>
</compile_context>

<pallas_src>
import jax
import jax.numpy as jnp
from jax import lax
from jax.experimental import pallas as pl
from jax.experimental.pallas import tpu as pltpu
from jax.experimental.pallas import tpu_sc as plsc

N_ENT = 2048
N_REL = 8
N_EDGE = 65536
D = 128
H = 128

NC = 2
NS = 16
NW = NC * NS
E_PER_W = N_EDGE // NW
CHUNK = 128
N_CHUNKS = E_PER_W // CHUNK
NSTRIP = 4
SW = D // NSTRIP
ACC_W = N_ENT * SW
DEN_W = N_ENT * 16

BN = 512
BM = 512

_SC_MESH = plsc.VectorSubcoreMesh(core_axis_name="c", subcore_axis_name="s")

_GDN = lax.GatherDimensionNumbers(
    offset_dims=(), collapsed_slice_dims=(0,), start_index_map=(0,))


def _vsplat(vec, lane):
    idx = jnp.full((16, 1), lane, jnp.int32)
    return lax.gather(vec, idx, _GDN, (1,),
                      mode=lax.GatherScatterMode.PROMISE_IN_BOUNDS)


def _passA_body(h_src, h_dst, rtab, att, srci, dsti, reli,
                accp_out,
                src_v, dst_v, rel_v, srows, drows, rrows, att_v, accbuf, sem):
    cid = lax.axis_index("c")
    sid = lax.axis_index("s")
    base = (cid * NS + sid) * E_PER_W

    pltpu.sync_copy(att, att_v)

    def _chunk(k, _):
        off = base + k * CHUNK
        pltpu.sync_copy(srci.at[pl.ds(off, CHUNK)], src_v)
        pltpu.sync_copy(dsti.at[pl.ds(off, CHUNK)], dst_v)
        pltpu.sync_copy(reli.at[pl.ds(off, CHUNK)], rel_v)
        pltpu.async_copy(h_src.at[src_v], srows, sem).wait()
        pltpu.async_copy(h_dst.at[dst_v], drows, sem).wait()
        pltpu.async_copy(rtab.at[rel_v], rrows, sem).wait()

        def _edge(e, _):
            acc = jnp.zeros((16,), jnp.float32)
            for j in range(H // 16):
                s = srows[e, pl.ds(j * 16, 16)]
                d = drows[e, pl.ds(j * 16, 16)]
                r = rrows[e, pl.ds(j * 16, 16)]
                x = s + d + r
                y = jnp.maximum(x, 0.2 * x)
                acc = acc + y * att_v[pl.ds(j * 16, 16)]
            accbuf[pl.ds(e * 16, 16)] = acc
            return 0

        lax.fori_loop(0, CHUNK, _edge, 0)
        pltpu.sync_copy(accbuf, accp_out.at[pl.ds(off * 16, CHUNK * 16)])
        return 0

    lax.fori_loop(0, N_CHUNKS, _chunk, 0)


def _passA(h_src, h_dst, rtab, att, srci, dsti, reli):
    f = pl.kernel(
        _passA_body,
        out_type=jax.ShapeDtypeStruct((N_EDGE * 16,), jnp.float32),
        mesh=_SC_MESH,
        scratch_types=[
            pltpu.VMEM((CHUNK,), jnp.int32),
            pltpu.VMEM((CHUNK,), jnp.int32),
            pltpu.VMEM((CHUNK,), jnp.int32),
            pltpu.VMEM((CHUNK, D), jnp.float32),
            pltpu.VMEM((CHUNK, D), jnp.float32),
            pltpu.VMEM((CHUNK, D), jnp.float32),
            pltpu.VMEM((H,), jnp.float32),
            pltpu.VMEM((CHUNK * 16,), jnp.float32),
            pltpu.SemaphoreType.DMA,
        ],
    )
    return f(h_src, h_dst, rtab, att, srci, dsti, reli)


def _red_body(accp_ref, exw_ref):
    a = accp_ref[...]
    rr = lax.broadcasted_iota(jnp.int32, (128, 128), 0) // 16
    cc = lax.broadcasted_iota(jnp.int32, (128, 128), 1) // 16
    blk = (rr == cc).astype(jnp.float32)
    lg = jax.lax.dot_general(
        a, blk, (((1,), (0,)), ((), ())),
        precision=jax.lax.Precision.HIGHEST,
        preferred_element_type=jnp.float32)
    gmax = jnp.max(lg)
    exw_ref[...] = jnp.exp(lg - gmax)


def _red(accp2d):
    return pl.pallas_call(
        _red_body,
        out_shape=jax.ShapeDtypeStruct((N_EDGE * 16 // 128, 128), jnp.float32),
    )(accp2d)


def _passB_body(h_src, srci, dsti, exwf,
                acc_out, den_out,
                src_v, dst_v, exw_v, srows, acc_v, den_v, sem):
    cid = lax.axis_index("c")
    sid = lax.axis_index("s")
    wid = cid * NS + sid
    base = wid * E_PER_W
    lanes = lax.iota(jnp.int32, 16)

    def _zden(i, _):
        den_v[pl.ds(i * 16, 16)] = jnp.zeros((16,), jnp.float32)
        return 0
    lax.fori_loop(0, DEN_W // 16, _zden, 0)

    for s in range(NSTRIP):
        def _zacc(i, _):
            acc_v[pl.ds(i * 16, 16)] = jnp.zeros((16,), jnp.float32)
            return 0
        lax.fori_loop(0, ACC_W // 16, _zacc, 0)

        def _chunk(k, _):
            off = base + k * CHUNK
            pltpu.sync_copy(srci.at[pl.ds(off, CHUNK)], src_v)
            pltpu.sync_copy(dsti.at[pl.ds(off, CHUNK)], dst_v)
            pltpu.sync_copy(exwf.at[pl.ds(off * 16, CHUNK * 16)], exw_v)
            pltpu.async_copy(h_src.at[src_v], srows, sem).wait()

            def _grp(g, _):
                dvec = dst_v[pl.ds(g * 16, 16)] * SW
                for e16 in range(16):
                    e = g * 16 + e16
                    sel = _vsplat(dvec, e16)
                    ex = exw_v[pl.ds(e * 16, 16)]
                    srow = srows.at[e]
                    for t in range(SW // 16):
                        sv = srow[pl.ds(s * SW + t * 16, 16)]
                        plsc.addupdate_scatter(
                            acc_v, [sel + (t * 16) + lanes], sv * ex)
                    if s == 0:
                        plsc.addupdate_scatter(
                            den_v, [jnp.right_shift(sel, 1) + lanes], ex)
                return 0

            lax.fori_loop(0, CHUNK // 16, _grp, 0)
            return 0

        lax.fori_loop(0, N_CHUNKS, _chunk, 0)
        pltpu.sync_copy(acc_v,
                        acc_out.at[pl.ds((s * NW + wid) * ACC_W, ACC_W)])

    pltpu.sync_copy(den_v, den_out.at[pl.ds(wid * DEN_W, DEN_W)])


def _passB(h_src, srci, dsti, exwf):
    f = pl.kernel(
        _passB_body,
        out_type=(
            jax.ShapeDtypeStruct((NSTRIP * NW * ACC_W,), jnp.float32),
            jax.ShapeDtypeStruct((NW * DEN_W,), jnp.float32),
        ),
        mesh=_SC_MESH,
        compiler_params=pltpu.CompilerParams(needs_layout_passes=False),
        scratch_types=[
            pltpu.VMEM((CHUNK,), jnp.int32),
            pltpu.VMEM((CHUNK,), jnp.int32),
            pltpu.VMEM((CHUNK * 16,), jnp.float32),
            pltpu.VMEM((CHUNK, D), jnp.float32),
            pltpu.VMEM((ACC_W,), jnp.float32),
            pltpu.VMEM((DEN_W,), jnp.float32),
            pltpu.SemaphoreType.DMA,
        ],
    )
    return f(h_src, srci, dsti, exwf)


def _pre_body(ent_ref, Ws_ref, Wd_ref, rel_ref, Wr_ref, hs_ref, hd_ref, rt_ref):
    e = ent_ref[...]
    hs_ref[...] = jax.lax.dot_general(
        e, Ws_ref[...], (((1,), (0,)), ((), ())),
        preferred_element_type=jnp.float32)
    hd_ref[...] = jax.lax.dot_general(
        e, Wd_ref[...], (((1,), (0,)), ((), ())),
        preferred_element_type=jnp.float32)
    rt_ref[...] = jax.lax.dot_general(
        rel_ref[...], Wr_ref[...], (((1,), (0,)), ((), ())),
        preferred_element_type=jnp.float32)


def _pre(entities, W_src, W_dst, relations, W_rel):
    return pl.pallas_call(
        _pre_body,
        out_shape=(
            jax.ShapeDtypeStruct((N_ENT, H), jnp.float32),
            jax.ShapeDtypeStruct((N_ENT, H), jnp.float32),
            jax.ShapeDtypeStruct((N_REL, H), jnp.float32),
        ),
    )(entities, W_src, W_dst, relations, W_rel)


def _merge_body(accs_ref, agg_ref):
    w = pl.program_id(1)

    @pl.when(w == 0)
    def _():
        agg_ref[...] = jnp.zeros_like(agg_ref)

    agg_ref[...] += accs_ref[0]


def _merge(accs):
    return pl.pallas_call(
        _merge_body,
        grid=(NSTRIP, NW),
        in_specs=[pl.BlockSpec((1, 1, N_ENT, SW), lambda s, w: (s, w, 0, 0))],
        out_specs=pl.BlockSpec((1, N_ENT, SW), lambda s, w: (s, 0, 0)),
        out_shape=jax.ShapeDtypeStruct((NSTRIP, N_ENT, SW), jnp.float32),
    )(accs)


def _dmerge_body(denp_ref, den_ref):
    w = pl.program_id(0)

    @pl.when(w == 0)
    def _():
        den_ref[...] = jnp.zeros_like(den_ref)

    den_ref[...] += denp_ref[0]


def _dmerge(denp):
    return pl.pallas_call(
        _dmerge_body,
        grid=(NW,),
        in_specs=[pl.BlockSpec((1, N_ENT, 16), lambda w: (w, 0, 0))],
        out_specs=pl.BlockSpec((N_ENT, 16), lambda w: (0, 0)),
        out_shape=jax.ShapeDtypeStruct((N_ENT, 16), jnp.float32),
    )(denp)


def _mid_body(aggs_ref, den_ref, W_out_ref, relations_ref, W_relmap_ref,
              emb_ref, rel_emb_ref):
    den = den_ref[...][:, 0:1]
    agg = aggs_ref[...] / (den + 1e-16)
    e = jnp.where(agg > 0, agg, jnp.exp(jnp.minimum(agg, 0.0)) - 1.0)
    emb_ref[...] = jax.lax.dot_general(
        e, W_out_ref[...], (((1,), (0,)), ((), ())),
        preferred_element_type=jnp.float32)
    rel_emb_ref[...] = jax.lax.dot_general(
        relations_ref[...], W_relmap_ref[...], (((1,), (0,)), ((), ())),
        preferred_element_type=jnp.float32)


def _mid(aggs, den, W_out, relations, W_relmap):
    return pl.pallas_call(
        _mid_body,
        out_shape=(
            jax.ShapeDtypeStruct((N_ENT, D), jnp.float32),
            jax.ShapeDtypeStruct((N_REL, D), jnp.float32),
        ),
    )(aggs, den, W_out, relations, W_relmap)


def _decoder_body(emb_n_ref, rel_ref, emb_m_ref, out_ref):
    r = pl.program_id(0)
    rel_row = rel_ref[pl.ds(r, 1), :]
    a = emb_n_ref[...] * rel_row
    out_ref[0] = jax.lax.dot_general(
        a, emb_m_ref[...], (((1,), (1,)), ((), ())),
        preferred_element_type=jnp.float32)


def _decoder(emb, rel_emb):
    grid = (N_REL, N_ENT // BN, N_ENT // BM)
    return pl.pallas_call(
        _decoder_body,
        grid=grid,
        in_specs=[
            pl.BlockSpec((BN, D), lambda r, i, j: (i, 0)),
            pl.BlockSpec((N_REL, D), lambda r, i, j: (0, 0)),
            pl.BlockSpec((BM, D), lambda r, i, j: (j, 0)),
        ],
        out_specs=pl.BlockSpec((1, BN, BM), lambda r, i, j: (r, i, j)),
        out_shape=jax.ShapeDtypeStruct((N_REL, N_ENT, N_ENT), jnp.float32),
    )(emb, rel_emb, emb)


def kernel(entities, relations, x_coo, W_src, W_dst, W_rel, att, W_out, W_relmap):
    x = x_coo.astype(jnp.int32)
    src = x[:, 0] + 0
    rel = x[:, 1] + 0
    dst = x[:, 2] + 0
    h_src, h_dst, rtab = _pre(entities, W_src, W_dst, relations, W_rel)
    accp = _passA(h_src, h_dst, rtab, att, src, dst, rel)
    exw = _red(accp.reshape(N_EDGE * 16 // 128, 128))
    accs, denp = _passB(h_src, src, dst, exw.reshape(-1))
    aggs = _merge(accs.reshape(NSTRIP, NW, N_ENT, SW))
    agg = aggs.transpose(1, 0, 2).reshape(N_ENT, D)
    den = _dmerge(denp.reshape(NW, N_ENT, 16))
    emb, rel_emb = _mid(agg, den, W_out, relations, W_relmap)
    return _decoder(emb, rel_emb)

# --- scband reference (transcript-rebuilt; emitter-appended) ---
"""Pipeline reference for scband-graph-encoder-decoder-63488206569482 (READ-ONLY COPY).

The authoritative reference and input builder live on the scoring server;
editing this copy changes nothing except your own understanding.
"""

import jax, jax.numpy as jnp
import numpy as np

N_ENT = 2048
N_REL = 8
N_EDGE = 65536
D = 128   # n_features
H = 128   # h_dim

def setup_inputs(seed: int = 0) -> dict:
    key = jax.random.key(seed)
    ks = jax.random.split(key, 12)
    entities = jax.random.normal(ks[0], (N_ENT, D), dtype=jnp.float32)
    relations = jax.random.normal(ks[1], (N_REL, D), dtype=jnp.float32)
    heads = jax.random.randint(ks[2], (N_EDGE,), 0, N_ENT)
    tails = jax.random.randint(ks[3], (N_EDGE,), 0, N_ENT)
    rels = jax.random.randint(ks[4], (N_EDGE,), 0, N_REL)
    x_coo = jnp.stack([heads, rels, tails], axis=1).astype(jnp.int64)
    s_in = 1.0 / np.sqrt(D)
    s_h = 1.0 / np.sqrt(H)
    W_src = (jax.random.normal(ks[5], (D, H), dtype=jnp.float32) * s_in)
    W_dst = (jax.random.normal(ks[6], (D, H), dtype=jnp.float32) * s_in)
    W_rel = (jax.random.normal(ks[7], (D, H), dtype=jnp.float32) * s_in)
    att = (jax.random.normal(ks[8], (H,), dtype=jnp.float32) * s_h)
    W_out = (jax.random.normal(ks[9], (H, D), dtype=jnp.float32) * s_h)
    W_relmap = (jax.random.normal(ks[10], (D, D), dtype=jnp.float32) * s_in)
    return {"entities": entities, "relations": relations, "x_coo": x_coo,
            "W_src": W_src, "W_dst": W_dst, "W_rel": W_rel, "att": att,
            "W_out": W_out, "W_relmap": W_relmap}

def reference(entities, relations, x_coo, W_src, W_dst, W_rel, att, W_out, W_relmap):
    # edge_index = x_coo[:, [0, 2]].T ; relation_index = x_coo[:, 1]
    src = x_coo[:, 0]
    dst = x_coo[:, 2]
    relation_index = x_coo[:, 1]
    # --- GraphEncoder: single GATv2 layer (heads=1), eval mode (dropout off) ---
    h_src = entities @ W_src           # [N, H]
    h_dst = entities @ W_dst           # [N, H]
    r_e = relations[relation_index] @ W_rel  # [E, H] relation-as-edge-feature
    z = jax.nn.leaky_relu(h_src[src] + h_dst[dst] + r_e, negative_slope=0.2)  # [E, H]
    logits = z @ att                   # [E]
    m = jax.ops.segment_max(logits, dst, num_segments=N_ENT)
    m = jnp.where(jnp.isfinite(m), m, 0.0)
    ex = jnp.exp(logits - m[dst])
    denom = jax.ops.segment_sum(ex, dst, num_segments=N_ENT)
    alpha = ex / (denom[dst] + 1e-16)
    agg = jax.ops.segment_sum(alpha[:, None] * h_src[src], dst, num_segments=N_ENT)  # [N, H]
    entities_emb = jax.nn.elu(agg) @ W_out       # [N, D]
    relations_emb = relations @ W_relmap          # [R, D]
    # --- RESCAL decoder, to_matrix='diagonal': score[r] = E diag(rel_r) E^T ---
    score = jnp.einsum('nd,rd,md->rnm', entities_emb, relations_emb, entities_emb)  # [R, N, N]
    return score

if __name__ == "__main__":
    import jax
    _d = setup_inputs()
    print(jax.jit(kernel)(*tuple(_d.values())))

</pallas_src>

<mosaic_0001>
#map = affine_map<(d0, d1) -> (0, 0)>
#map1 = affine_map<(d0, d1) -> (0)>
module attributes {stable_mosaic.version = 14 : i64} {
  func.func @_passB_body(%arg0: i32, %arg1: i32, %arg2: memref<2048x128xf32, #tpu.memory_space<hbm>>, %arg3: memref<65536xi32, #tpu.memory_space<hbm>>, %arg4: memref<65536xi32, #tpu.memory_space<hbm>>, %arg5: memref<1048576xf32, #tpu.memory_space<hbm>>, %arg6: memref<8388608xf32, #tpu.memory_space<hbm>>, %arg7: memref<1048576xf32, #tpu.memory_space<hbm>>, %arg8: memref<128xi32, #tpu.memory_space<vmem>>, %arg9: memref<128xi32, #tpu.memory_space<vmem>>, %arg10: memref<2048xf32, #tpu.memory_space<vmem>>, %arg11: memref<128x128xf32, #tpu.memory_space<vmem>>, %arg12: memref<65536xf32, #tpu.memory_space<vmem>>, %arg13: memref<32768xf32, #tpu.memory_space<vmem>>, %arg14: memref<!tpu.dma_semaphore, #tpu.memory_space<semaphore_mem>>) attributes {dimension_semantics = [#tpu.dimension_semantics<core_parallel>, #tpu.dimension_semantics<subcore_parallel>], iteration_bounds = array<i64: 2, 16>, scalar_prefetch = 0 : i64, scratch_operands = 7 : i64, tpu.core_type = #tpu.core_type<sc_vector_subcore>, window_params = [{transform_indices = #map}, {transform_indices = #map1}, {transform_indices = #map1}, {transform_indices = #map1}, {transform_indices = #map1}, {transform_indices = #map1}]} {
    %mul3A = arith.constant 16 : i32
    %mul3A_0 = arith.muli %arg0, %mul3A : i32
    %add3A = arith.addi %mul3A_0, %arg1 : i32
    %mul3A_1 = arith.constant 2048 : i32
    %mul3A_2 = arith.muli %add3A, %mul3A_1 : i32
    %iota3A = tpu.iota {dimensions = array<i32: 0>} : vector<16xi32>
    %scan3A = arith.constant 0 : i32
    %scan3A_3 = arith.constant 0 : i32
    %scan3A_4 = arith.constant 2048 : i32
    %scan3A_5 = arith.addi %scan3A_3, %scan3A_4 : i32
    %scan3A_6 = arith.constant 1 : i32
    %scan3A_7 = scf.for %scan3A_83 = %scan3A_3 to %scan3A_5 step %scan3A_6 iter_args(%scan3A_84 = %scan3A) -> (i32)  : i32 {
      %broadcast_in_dim3A = arith.constant 0.000000e+00 : f32
      %broadcast_in_dim3A_85 = vector.broadcast %broadcast_in_dim3A : f32 to vector<16xf32>
      %mul3A_86 = arith.constant 16 : i32
      %mul3A_87 = arith.muli %scan3A_83, %mul3A_86 : i32
      %swap3A = arith.index_cast %mul3A_87 : i32 to index
      %swap3A_88 = tpu.vector_load %arg13[%swap3A] {strides = array<i32>} : memref<32768xf32, #tpu.memory_space<vmem>>, vector<16xf32>,
      tpu.vector_store %arg13[%swap3A], %broadcast_in_dim3A_85 {strides = array<i32>} : memref<32768xf32, #tpu.memory_space<vmem>>, vector<16xf32>,
      %scan3A_89 = arith.constant 0 : i32
      scf.yield %scan3A_89 : i32
    }
    %scan3A_8 = arith.constant 2048 : i32
    %scan3A_9 = arith.constant 0 : i32
    %scan3A_10 = arith.constant 0 : i32
    %scan3A_11 = arith.constant 4096 : i32
    %scan3A_12 = arith.addi %scan3A_10, %scan3A_11 : i32
    %scan3A_13 = arith.constant 1 : i32
    %scan3A_14 = scf.for %scan3A_83 = %scan3A_10 to %scan3A_12 step %scan3A_13 iter_args(%scan3A_84 = %scan3A_9) -> (i32)  : i32 {
      %broadcast_in_dim3A = arith.constant 0.000000e+00 : f32
      %broadcast_in_dim3A_85 = vector.broadcast %broadcast_in_dim3A : f32 to vector<16xf32>
      %mul3A_86 = arith.constant 16 : i32
      %mul3A_87 = arith.muli %scan3A_83, %mul3A_86 : i32
      %swap3A = arith.index_cast %mul3A_87 : i32 to index
      %swap3A_88 = tpu.vector_load %arg12[%swap3A] {strides = array<i32>} : memref<65536xf32, #tpu.memory_space<vmem>>, vector<16xf32>,
      tpu.vector_store %arg12[%swap3A], %broadcast_in_dim3A_85 {strides = array<i32>} : memref<65536xf32, #tpu.memory_space<vmem>>, vector<16xf32>,
      %scan3A_89 = arith.constant 0 : i32
      scf.yield %scan3A_89 : i32
    }
    %scan3A_15 = arith.constant 4096 : i32
    %scan3A_16 = arith.constant 0 : i32
    %scan3A_17 = arith.constant 0 : i32
    %scan3A_18 = arith.constant 16 : i32
    %scan3A_19 = arith.addi %scan3A_17, %scan3A_18 : i32
    %scan3A_20 = arith.constant 1 : i32
    %scan3A_21 = scf.for %scan3A_83 = %scan3A_17 to %scan3A_19 step %scan3A_20 iter_args(%scan3A_84 = %scan3A_16) -> (i32)  : i32 {
      %mul3A_85 = arith.constant 128 : i32
      %mul3A_86 = arith.muli %scan3A_83, %mul3A_85 : i32
      %add3A_87 = arith.addi %mul3A_2, %mul3A_86 : i32
      "tpu.region"() ({
        %run_scoped3A = tpu.sem_alloc : memref<!tpu.dma_semaphore, #tpu.memory_space<semaphore_mem>>
        %dma_start3A_102 = tpu.memref_slice %arg3[%add3A_87] : memref<65536xi32, #tpu.memory_space<hbm>> -> memref<128xi32, #tpu.memory_space<hbm>>
        %dma_start3A_103 = tpu.memref_slice %arg3[%add3A_87] : memref<65536xi32, #tpu.memory_space<hbm>> -> memref<128xi32, #tpu.memory_space<hbm>>
        tpu.enqueue_dma source(%dma_start3A_103 : memref<128xi32, #tpu.memory_space<hbm>>) target(%arg8 : memref<128xi32, #tpu.memory_space<vmem>>) target_semaphore(%run_scoped3A : memref<!tpu.dma_semaphore, #tpu.memory_space<semaphore_mem>>)
        %dma_wait3A_104 = tpu.memref_slice %arg3[%add3A_87] : memref<65536xi32, #tpu.memory_space<hbm>> -> memref<128xi32, #tpu.memory_space<hbm>>
        %dma_wait3A_105 = tpu.memref_slice %arg3[%add3A_87] : memref<65536xi32, #tpu.memory_space<hbm>> -> memref<128xi32, #tpu.memory_space<hbm>>
        tpu.wait_dma2 semaphore(%run_scoped3A : memref<!tpu.dma_semaphore, #tpu.memory_space<semaphore_mem>>) src(%dma_wait3A_105 : memref<128xi32, #tpu.memory_space<hbm>>) dst(%arg8 : memref<128xi32, #tpu.memory_space<vmem>>)
        tpu.yield
      }) : () -> ()
      "tpu.region"() ({
        %run_scoped3A = tpu.sem_alloc : memref<!tpu.dma_semaphore, #tpu.memory_space<semaphore_mem>>
        %dma_start3A_102 = tpu.memref_slice %arg4[%add3A_87] : memref<65536xi32, #tpu.memory_space<hbm>> -> memref<128xi32, #tpu.memory_space<hbm>>
        %dma_start3A_103 = tpu.memref_slice %arg4[%add3A_87] : memref<65536xi32, #tpu.memory_space<hbm>> -> memref<128xi32, #tpu.memory_space<hbm>>
        tpu.enqueue_dma source(%dma_start3A_103 : memref<128xi32, #tpu.memory_space<hbm>>) target(%arg9 : memref<128xi32, #tpu.memory_space<vmem>>) target_semaphore(%run_scoped3A : memref<!tpu.dma_semaphore, #tpu.memory_space<semaphore_mem>>)
        %dma_wait3A_104 = tpu.memref_slice %arg4[%add3A_87] : memref<65536xi32, #tpu.memory_space<hbm>> -> memref<128xi32, #tpu.memory_space<hbm>>
        %dma_wait3A_105 = tpu.memref_slice %arg4[%add3A_87] : memref<65536xi32, #tpu.memory_space<hbm>> -> memref<128xi32, #tpu.memory_space<hbm>>
        tpu.wait_dma2 semaphore(%run_scoped3A : memref<!tpu.dma_semaphore, #tpu.memory_space<semaphore_mem>>) src(%dma_wait3A_105 : memref<128xi32, #tpu.memory_space<hbm>>) dst(%arg9 : memref<128xi32, #tpu.memory_space<vmem>>)
        tpu.yield
      }) : () -> ()
      %mul3A_88 = arith.constant 16 : i32
      %mul3A_89 = arith.muli %add3A_87, %mul3A_88 : i32
      "tpu.region"() ({
        %run_scoped3A = tpu.sem_alloc : memref<!tpu.dma_semaphore, #tpu.memory_space<semaphore_mem>>
        %dma_start3A_102 = tpu.memref_slice %arg5[%mul3A_89] : memref<1048576xf32, #tpu.memory_space<hbm>> -> memref<2048xf32, #tpu.memory_space<hbm>>
        %dma_start3A_103 = tpu.memref_slice %arg5[%mul3A_89] : memref<1048576xf32, #tpu.memory_space<hbm>> -> memref<2048xf32, #tpu.memory_space<hbm>>
        tpu.enqueue_dma source(%dma_start3A_103 : memref<2048xf32, #tpu.memory_space<hbm>>) target(%arg10 : memref<2048xf32, #tpu.memory_space<vmem>>) target_semaphore(%run_scoped3A : memref<!tpu.dma_semaphore, #tpu.memory_space<semaphore_mem>>)
        %dma_wait3A_104 = tpu.memref_slice %arg5[%mul3A_89] : memref<1048576xf32, #tpu.memory_space<hbm>> -> memref<2048xf32, #tpu.memory_space<hbm>>
        %dma_wait3A_105 = tpu.memref_slice %arg5[%mul3A_89] : memref<1048576xf32, #tpu.memory_space<hbm>> -> memref<2048xf32, #tpu.memory_space<hbm>>
        tpu.wait_dma2 semaphore(%run_scoped3A : memref<!tpu.dma_semaphore, #tpu.memory_space<semaphore_mem>>) src(%dma_wait3A_105 : memref<2048xf32, #tpu.memory_space<hbm>>) dst(%arg10 : memref<2048xf32, #tpu.memory_space<vmem>>)
        tpu.yield
      }) : () -> ()
      %dma_start3A = arith.constant 0 : i32
      %dma_start3A_90 = arith.constant 0 : i32
      %dma_start3A_91 = tpu.memref_slice %arg2[%dma_start3A, %dma_start3A_90] : memref<2048x128xf32, #tpu.memory_space<hbm>> -> memref<2048x128xf32, #tpu.memory_space<hbm>>
      tpu.enqueue_indirect_dma source(%dma_start3A_91 : memref<2048x128xf32, #tpu.memory_space<hbm>>) target(%arg11 : memref<128x128xf32, #tpu.memory_space<vmem>>) offsets(%arg8 : memref<128xi32, #tpu.memory_space<vmem>>) semaphore(%arg14 : memref<!tpu.dma_semaphore, #tpu.memory_space<semaphore_mem>>)
      %dma_wait3A = arith.constant 0 : i32
      %dma_wait3A_92 = arith.constant 0 : i32
      %dma_wait3A_93 = tpu.memref_slice %arg2[%dma_wait3A, %dma_wait3A_92] : memref<2048x128xf32, #tpu.memory_space<hbm>> -> memref<2048x128xf32, #tpu.memory_space<hbm>>
      tpu.wait_indirect_dma semaphore(%arg14 : memref<!tpu.dma_semaphore, #tpu.memory_space<semaphore_mem>>) src(%dma_wait3A_93 : memref<2048x128xf32, #tpu.memory_space<hbm>>) dst(%arg11 : memref<128x128xf32, #tpu.memory_space<vmem>>)
      %scan3A_94 = arith.constant 0 : i32
      %scan3A_95 = arith.constant 0 : i32
      %scan3A_96 = arith.constant 8 : i32
      %scan3A_97 = arith.addi %scan3A_95, %scan3A_96 : i32
      %scan3A_98 = arith.constant 1 : i32
      %scan3A_99 = scf.for %scan3A_102 = %scan3A_95 to %scan3A_97 step %scan3A_98 iter_args(%scan3A_103 = %scan3A_94) -> (i32)  : i32 {
        %mul3A_104 = arith.constant 16 : i32
        %mul3A_105 = arith.muli %scan3A_102, %mul3A_104 : i32
        %get3A = arith.index_cast %mul3A_105 : i32 to index
        %get3A_106 = tpu.vector_load %arg9[%get3A] {strides = array<i32>} : memref<128xi32, #tpu.memory_space<vmem>>, vector<16xi32>,
        %mul3A_107 = arith.constant 32 : i32
        %mul3A_108 = vector.broadcast %mul3A_107 : i32 to vector<16xi32>
        %mul3A_109 = arith.muli %get3A_106, %mul3A_108 : vector<16xi32>
        %mul3A_110 = arith.constant 16 : i32
        %mul3A_111 = arith.muli %scan3A_102, %mul3A_110 : i32
        %add3A_112 = arith.constant 0 : i32
        %add3A_113 = arith.addi %mul3A_111, %add3A_112 : i32
        %broadcast_in_dim3A = arith.constant 0 : i32
        %broadcast_in_dim3A_114 = vector.broadcast %broadcast_in_dim3A : i32 to vector<16x1xi32>
        %gather3A = vector.shape_cast %broadcast_in_dim3A_114 : vector<16x1xi32> to vector<16xi32>
        %gather3A_115 = tpu.dynamic_gather %mul3A_109[%gather3A] in [0] : vector<16xi32>, vector<16xi32> -> vector<16xi32>
        %mul3A_116 = arith.constant 16 : i32
        %mul3A_117 = arith.muli %add3A_113, %mul3A_116 : i32
        %get3A_118 = arith.index_cast %mul3A_117 : i32 to index
        %get3A_119 = tpu.vector_load %arg10[%get3A_118] {strides = array<i32>} : memref<2048xf32, #tpu.memory_space<vmem>>, vector<16xf32>,
        %get3A_120 = arith.constant 0 : i32
        %get3A_121 = tpu.memref_slice %arg11[%add3A_113, %get3A_120] : memref<128x128xf32, #tpu.memory_space<vmem>> -> memref<1x128xf32, #tpu.memory_space<vmem>>
        %get3A_122 = tpu.memref_squeeze %get3A_121 : memref<1x128xf32, #tpu.memory_space<vmem>> -> memref<128xf32, #tpu.memory_space<vmem>>
        %get3A_123 = arith.constant 0 : index
        %get3A_124 = tpu.vector_load %get3A_122[%get3A_123] {strides = array<i32>} : memref<128xf32, #tpu.memory_space<vmem>>, vector<16xf32>,
        %add3A_125 = arith.constant 0 : i32
        %add3A_126 = vector.broadcast %add3A_125 : i32 to vector<16xi32>
        %add3A_127 = arith.addi %gather3A_115, %add3A_126 : vector<16xi32>
        %add3A_128 = arith.addi %add3A_127, %iota3A : vector<16xi32>
        %mul3A_129 = arith.mulf %get3A_124, %get3A_119 : vector<16xf32>
        tpu.vector_store_idx %arg12[%add3A_128], %mul3A_129 {add = true} : memref<65536xf32, #tpu.memory_space<vmem>>[vector<16xi32>], vector<16xf32>,
        %get3A_130 = arith.constant 0 : i32
        %get3A_131 = tpu.memref_slice %arg11[%add3A_113, %get3A_130] : memref<128x128xf32, #tpu.memory_space<vmem>> -> memref<1x128xf32, #tpu.memory_space<vmem>>
        %get3A_132 = tpu.memref_squeeze %get3A_131 : memref<1x128xf32, #tpu.memory_space<vmem>> -> memref<128xf32, #tpu.memory_space<vmem>>
        %get3A_133 = arith.constant 16 : index
        %get3A_134 = tpu.vector_load %get3A_132[%get3A_133] {strides = array<i32>} : memref<128xf32, #tpu.memory_space<vmem>>, vector<16xf32>,
        %add3A_135 = arith.constant 16 : i32
        %add3A_136 = vector.broadcast %add3A_135 : i32 to vector<16xi32>
        %add3A_137 = arith.addi %gather3A_115, %add3A_136 : vector<16xi32>
        %add3A_138 = arith.addi %add3A_137, %iota3A : vector<16xi32>
        %mul3A_139 = arith.mulf %get3A_134, %get3A_119 : vector<16xf32>
        tpu.vector_store_idx %arg12[%add3A_138], %mul3A_139 {add = true} : memref<65536xf32, #tpu.memory_space<vmem>>[vector<16xi32>], vector<16xf32>,
        %shift_right_arithmetic3A = arith.constant 1 : i32
        %shift_right_arithmetic3A_140 = vector.broadcast %shift_right_arithmetic3A : i32 to vector<16xi32>
        %shift_right_arithmetic3A_141 = arith.shrsi %gather3A_115, %shift_right_arithmetic3A_140 : vector<16xi32>
        %add3A_142 = arith.addi %shift_right_arithmetic3A_141, %iota3A : vector<16xi32>
        tpu.vector_store_idx %arg13[%add3A_142], %get3A_119 {add = true} : memref<32768xf32, #tpu.memory_space<vmem>>[vector<16xi32>], vector<16xf32>,
        %mul3A_143 = arith.constant 16 : i32
        %mul3A_144 = arith.muli %scan3A_102, %mul3A_143 : i32
        %add3A_145 = arith.constant 1 : i32
        %add3A_146 = arith.addi %mul3A_144, %add3A_145 : i32
        %broadcast_in_dim3A_147 = arith.constant 1 : i32
        %broadcast_in_dim3A_148 = vector.broadcast %broadcast_in_dim3A_147 : i32 to vector<16x1xi32>
        %gather3A_149 = vector.shape_cast %broadcast_in_dim3A_148 : vector<16x1xi32> to vector<16xi32>
        %gather3A_150 = tpu.dynamic_gather %mul3A_109[%gather3A_149] in [0] : vector<16xi32>, vector<16xi32> -> vector<16xi32>
        %mul3A_151 = arith.constant 16 : i32
        %mul3A_152 = arith.muli %add3A_146, %mul3A_151 : i32
        %get3A_153 = arith.index_cast %mul3A_152 : i32 to index
        %get3A_154 = tpu.vector_load %arg10[%get3A_153] {strides = array<i32>} : memref<2048xf32, #tpu.memory_space<vmem>>, vector<16xf32>,
        %get3A_155 = arith.constant 0 : i32
        %get3A_156 = tpu.memref_slice %arg11[%add3A_146, %get3A_155] : memref<128x128xf32, #tpu.memory_space<vmem>> -> memref<1x128xf32, #tpu.memory_space<vmem>>
        %get3A_157 = tpu.memref_squeeze %get3A_156 : memref<1x128xf32, #tpu.memory_space<vmem>> -> memref<128xf32, #tpu.memory_space<vmem>>
        %get3A_158 = arith.constant 0 : index
        %get3A_159 = tpu.vector_load %get3A_157[%get3A_158] {strides = array<i32>} : memref<128xf32, #tpu.memory_space<vmem>>, vector<16xf32>,
        %add3A_160 = arith.constant 0 : i32
        %add3A_161 = vector.broadcast %add3A_160 : i32 to vector<16xi32>
        %add3A_162 = arith.addi %gather3A_150, %add3A_161 : vector<16xi32>
        %add3A_163 = arith.addi %add3A_162, %iota3A : vector<16xi32>
        %mul3A_164 = arith.mulf %get3A_159, %get3A_154 : vector<16xf32>
        tpu.vector_store_idx %arg12[%add3A_163], %mul3A_164 {add = true} : memref<65536xf32, #tpu.memory_space<vmem>>[vector<16xi32>], vector<16xf32>,
        %get3A_165 = arith.constant 0 : i32
        %get3A_166 = tpu.memref_slice %arg11[%add3A_146, %get3A_165] : memref<128x128xf32, #tpu.memory_space<vmem>> -> memref<1x128xf32, #tpu.memory_space<vmem>>
        %get3A_167 = tpu.memref_squeeze %get3A_166 : memref<1x128xf32, #tpu.memory_space<vmem>> -> memref<128xf32, #tpu.memory_space<vmem>>
        %get3A_168 = arith.constant 16 : index
        %get3A_169 = tpu.vector_load %get3A_167[%get3A_168] {strides = array<i32>} : memref<128xf32, #tpu.memory_space<vmem>>, vector<16xf32>,
        %add3A_170 = arith.constant 16 : i32
        %add3A_171 = vector.broadcast %add3A_170 : i32 to vector<16xi32>
        %add3A_172 = arith.addi %gather3A_150, %add3A_171 : vector<16xi32>
        %add3A_173 = arith.addi %add3A_172, %iota3A : vector<16xi32>
        %mul3A_174 = arith.mulf %get3A_169, %get3A_154 : vector<16xf32>
        tpu.vector_store_idx %arg12[%add3A_173], %mul3A_174 {add = true} : memref<65536xf32, #tpu.memory_space<vmem>>[vector<16xi32>], vector<16xf32>,
        %shift_right_arithmetic3A_175 = arith.constant 1 : i32
        %shift_right_arithmetic3A_176 = vector.broadcast %shift_right_arithmetic3A_175 : i32 to vector<16xi32>
        %shift_right_arithmetic3A_177 = arith.shrsi %gather3A_150, %shift_right_arithmetic3A_176 : vector<16xi32>
        %add3A_178 = arith.addi %shift_right_arithmetic3A_177, %iota3A : vector<16xi32>
        tpu.vector_store_idx %arg13[%add3A_178], %get3A_154 {add = true} : memref<32768xf32, #tpu.memory_space<vmem>>[vector<16xi32>], vector<16xf32>,
        %mul3A_179 = arith.constant 16 : i32
        %mul3A_180 = arith.muli %scan3A_102, %mul3A_179 : i32
        %add3A_181 = arith.constant 2 : i32
        %add3A_182 = arith.addi %mul3A_180, %add3A_181 : i32
        %broadcast_in_dim3A_183 = arith.constant 2 : i32
        %broadcast_in_dim3A_184 = vector.broadcast %broadcast_in_dim3A_183 : i32 to vector<16x1xi32>
        %gather3A_185 = vector.shape_cast %broadcast_in_dim3A_184 : vector<16x1xi32> to vector<16xi32>
        %gather3A_186 = tpu.dynamic_gather %mul3A_109[%gather3A_185] in [0] : vector<16xi32>, vector<16xi32> -> vector<16xi32>
        %mul3A_187 = arith.constant 16 : i32
        %mul3A_188 = arith.muli %add3A_182, %mul3A_187 : i32
        %get3A_189 = arith.index_cast %mul3A_188 : i32 to index
        %get3A_190 = tpu.vector_load %arg10[%get3A_189] {strides = array<i32>} : memref<2048xf32, #tpu.memory_space<vmem>>, vector<16xf32>,
        %get3A_191 = arith.constant 0 : i32
        %get3A_192 = tpu.memref_slice %arg11[%add3A_182, %get3A_191] : memref<128x128xf32, #tpu.memory_space<vmem>> -> memref<1x128xf32, #tpu.memory_space<vmem>>
        %get3A_193 = tpu.memref_squeeze %get3A_192 : memref<1x128xf32, #tpu.memory_space<vmem>> -> memref<128xf32, #tpu.memory_space<vmem>>
        %get3A_194 = arith.constant 0 : index
        %get3A_195 = tpu.vector_load %get3A_193[%get3A_194] {strides = array<i32>} : memref<128xf32, #tpu.memory_space<vmem>>, vector<16xf32>,
        %add3A_196 = arith.constant 0 : i32
        %add3A_197 = vector.broadcast %add3A_196 : i32 to vector<16xi32>
        %add3A_198 = arith.addi %gather3A_186, %add3A_197 : vector<16xi32>
        %add3A_199 = arith.addi %add3A_198, %iota3A : vector<16xi32>
        %mul3A_200 = arith.mulf %get3A_195, %get3A_190 : vector<16xf32>
        tpu.vector_store_idx %arg12[%add3A_199], %mul3A_200 {add = true} : memref<65536xf32, #tpu.memory_space<vmem>>[vector<16xi32>], vector<16xf32>,
        %get3A_201 = arith.constant 0 : i32
        %get3A_202 = tpu.memref_slice %arg11[%add3A_182, %get3A_201] : memref<128x128xf32, #tpu.memory_space<vmem>> -> memref<1x128xf32, #tpu.memory_space<vmem>>
        %get3A_203 = tpu.memref_squeeze %get3A_202 : memref<1x128xf32, #tpu.memory_space<vmem>> -> memref<128xf32, #tpu.memory_space<vmem>>
        %get3A_204 = arith.constant 16 : index
        %get3A_205 = tpu.vector_load %get3A_203[%get3A_204] {strides = array<i32>} : memref<128xf32, #tpu.memory_space<vmem>>, vector<16xf32>,
        %add3A_206 = arith.constant 16 : i32
        %add3A_207 = vector.broadcast %add3A_206 : i32 to vector<16xi32>
        %add3A_208 = arith.addi %gather3A_186, %add3A_207 : vector<16xi32>
        %add3A_209 = arith.addi %add3A_208, %iota3A : vector<16xi32>
        %mul3A_210 = arith.mulf %get3A_205, %get3A_190 : vector<16xf32>
        tpu.vector_store_idx %arg12[%add3A_209], %mul3A_210 {add = true} : memref<65536xf32, #tpu.memory_space<vmem>>[vector<16xi32>], vector<16xf32>,
        %shift_right_arithmetic3A_211 = arith.constant 1 : i32
        %shift_right_arithmetic3A_212 = vector.broadcast %shift_right_arithmetic3A_211 : i32 to vector<16xi32>
        %shift_right_arithmetic3A_213 = arith.shrsi %gather3A_186, %shift_right_arithmetic3A_212 : vector<16xi32>
        %add3A_214 = arith.addi %shift_right_arithmetic3A_213, %iota3A : vector<16xi32>
        tpu.vector_store_idx %arg13[%add3A_214], %get3A_190 {add = true} : memref<32768xf32, #tpu.memory_space<vmem>>[vector<16xi32>], vector<16xf32>,
        %mul3A_215 = arith.constant 16 : i32
        %mul3A_216 = arith.muli %scan3A_102, %mul3A_215 : i32
        %add3A_217 = arith.constant 3 : i32
        %add3A_218 = arith.addi %mul3A_216, %add3A_217 : i32
        %broadcast_in_dim3A_219 = arith.constant 3 : i32
        %broadcast_in_dim3A_220 = vector.broadcast %broadcast_in_dim3A_219 : i32 to vector<16x1xi32>
        %gather3A_221 = vector.shape_cast %broadcast_in_dim3A_220 : vector<16x1xi32> to vector<16xi32>
        %gather3A_222 = tpu.dynamic_gather %mul3A_109[%gather3A_221] in [0] : vector<16xi32>, vector<16xi32> -> vector<16xi32>
        %mul3A_223 = arith.constant 16 : i32
        %mul3A_224 = arith.muli %add3A_218, %mul3A_223 : i32
        %get3A_225 = arith.index_cast %mul3A_224 : i32 to index
        %get3A_226 = tpu.vector_load %arg10[%get3A_225] {strides = array<i32>} : memref<2048xf32, #tpu.memory_space<vmem>>, vector<16xf32>,
        %get3A_227 = arith.constant 0 : i32
        %get3A_228 = tpu.memref_slice %arg11[%add3A_218, %get3A_227] : memref<128x128xf32, #tpu.memory_space<vmem>> -> memref<1x128xf32, #tpu.memory_space<vmem>>
        %get3A_229 = tpu.memref_squeeze %get3A_228 : memref<1x128xf32, #tpu.memory_space<vmem>> -> memref<128xf32, #tpu.memory_space<vmem>>
        %get3A_230 = arith.constant 0 : index
        %get3A_231 = tpu.vector_load %get3A_229[%get3A_230] {strides = array<i32>} : memref<128xf32, #tpu.memory_space<vmem>>, vector<16xf32>,
        %add3A_232 = arith.constant 0 : i32
        %add3A_233 = vector.broadcast %add3A_232 : i32 to vector<16xi32>
        %add3A_234 = arith.addi %gather3A_222, %add3A_233 : vector<16xi32>
        %add3A_235 = arith.addi %add3A_234, %iota3A : vector<16xi32>
        %mul3A_236 = arith.mulf %get3A_231, %get3A_226 : vector<16xf32>
        tpu.vector_store_idx %arg12[%add3A_235], %mul3A_236 {add = true} : memref<65536xf32, #tpu.memory_space<vmem>>[vector<16xi32>], vector<16xf32>,
        %get3A_237 = arith.constant 0 : i32
        %get3A_238 = tpu.memref_slice %arg11[%add3A_218, %get3A_237] : memref<128x128xf32, #tpu.memory_space<vmem>> -> memref<1x128xf32, #tpu.memory_space<vmem>>
        %get3A_239 = tpu.memref_squeeze %get3A_238 : memref<1x128xf32, #tpu.memory_space<vmem>> -> memref<128xf32, #tpu.memory_space<vmem>>
        %get3A_240 = arith.constant 16 : index
        %get3A_241 = tpu.vector_load %get3A_239[%get3A_240] {strides = array<i32>} : memref<128xf32, #tpu.memory_space<vmem>>, vector<16xf32>,
        %add3A_242 = arith.constant 16 : i32
        %add3A_243 = vector.broadcast %add3A_242 : i32 to vector<16xi32>
        %add3A_244 = arith.addi %gather3A_222, %add3A_243 : vector<16xi32>
        %add3A_245 = arith.addi %add3A_244, %iota3A : vector<16xi32>
        %mul3A_246 = arith.mulf %get3A_241, %get3A_226 : vector<16xf32>
        tpu.vector_store_idx %arg12[%add3A_245], %mul3A_246 {add = true} : memref<65536xf32, #tpu.memory_space<vmem>>[vector<16xi32>], vector<16xf32>,
        %shift_right_arithmetic3A_247 = arith.constant 1 : i32
        %shift_right_arithmetic3A_248 = vector.broadcast %shift_right_arithmetic3A_247 : i32 to vector<16xi32>
        %shift_right_arithmetic3A_249 = arith.shrsi %gather3A_222, %shift_right_arithmetic3A_248 : vector<16xi32>
        %add3A_250 = arith.addi %shift_right_arithmetic3A_249, %iota3A : vector<16xi32>
        tpu.vector_store_idx %arg13[%add3A_250], %get3A_226 {add = true} : memref<32768xf32, #tpu.memory_space<vmem>>[vector<16xi32>], vector<16xf32>,
        %mul3A_251 = arith.constant 16 : i32
        %mul3A_252 = arith.muli %scan3A_102, %mul3A_251 : i32
        %add3A_253 = arith.constant 4 : i32
        %add3A_254 = arith.addi %mul3A_252, %add3A_253 : i32
        %broadcast_in_dim3A_255 = arith.constant 4 : i32
        %broadcast_in_dim3A_256 = vector.broadcast %broadcast_in_dim3A_255 : i32 to vector<16x1xi32>
        %gather3A_257 = vector.shape_cast %broadcast_in_dim3A_256 : vector<16x1xi32> to vector<16xi32>
        %gather3A_258 = tpu.dynamic_gather %mul3A_109[%gather3A_257] in [0] : vector<16xi32>, vector<16xi32> -> vector<16xi32>
        %mul3A_259 = arith.constant 16 : i32
        %mul3A_260 = arith.muli %add3A_254, %mul3A_259 : i32
        %get3A_261 = arith.index_cast %mul3A_260 : i32 to index
        %get3A_262 = tpu.vector_load %arg10[%get3A_261] {strides = array<i32>} : memref<2048xf32, #tpu.memory_space<vmem>>, vector<16xf32>,
        %get3A_263 = arith.constant 0 : i32
        %get3A_264 = tpu.memref_slice %arg11[%add3A_254, %get3A_263] : memref<128x128xf32, #tpu.memory_space<vmem>> -> memref<1x128xf32, #tpu.memory_space<vmem>>
        %get3A_265 = tpu.memref_squeeze %get3A_264 : memref<1x128xf32, #tpu.memory_space<vmem>> -> memref<128xf32, #tpu.memory_space<vmem>>
        %get3A_266 = arith.constant 0 : index
        %get3A_267 = tpu.vector_load %get3A_265[%get3A_266] {strides = array<i32>} : memref<128xf32, #tpu.memory_space<vmem>>, vector<16xf32>,
        %add3A_268 = arith.constant 0 : i32
        %add3A_269 = vector.broadcast %add3A_268 : i32 to vector<16xi32>
        %add3A_270 = arith.addi %gather3A_258, %add3A_269 : vector<16xi32>
        %add3A_271 = arith.addi %add3A_270, %iota3A : vector<16xi32>
        %mul3A_272 = arith.mulf %get3A_267, %get3A_262 : vector<16xf32>
        tpu.vector_store_idx %arg12[%add3A_271], %mul3A_272 {add = true} : memref<65536xf32, #tpu.memory_space<vmem>>[vector<16xi32>], vector<16xf32>,
        %get3A_273 = arith.constant 0 : i32
        %get3A_274 = tpu.memref_slice %arg11[%add3A_254, %get3A_273] : memref<128x128xf32, #tpu.memory_space<vmem>> -> memref<1x128xf32, #tpu.memory_space<vmem>>
        %get3A_275 = tpu.memref_squeeze %get3A_274 : memref<1x128xf32, #tpu.memory_space<vmem>> -> memref<128xf32, #tpu.memory_space<vmem>>
        %get3A_276 = arith.constant 16 : index
        %get3A_277 = tpu.vector_load %get3A_275[%get3A_276] {strides = array<i32>} : memref<128xf32, #tpu.memory_space<vmem>>, vector<16xf32>,
        %add3A_278 = arith.constant 16 : i32
        %add3A_279 = vector.broadcast %add3A_278 : i32 to vector<16xi32>
        %add3A_280 = arith.addi %gather3A_258, %add3A_279 : vector<16xi32>
        %add3A_281 = arith.addi %add3A_280, %iota3A : vector<16xi32>
        %mul3A_282 = arith.mulf %get3A_277, %get3A_262 : vector<16xf32>
        tpu.vector_store_idx %arg12[%add3A_281], %mul3A_282 {add = true} : memref<65536xf32, #tpu.memory_space<vmem>>[vector<16xi32>], vector<16xf32>,
        %shift_right_arithmetic3A_283 = arith.constant 1 : i32
        %shift_right_arithmetic3A_284 = vector.broadcast %shift_right_arithmetic3A_283 : i32 to vector<16xi32>
        %shift_right_arithmetic3A_285 = arith.shrsi %gather3A_258, %shift_right_arithmetic3A_284 : vector<16xi32>
        %add3A_286 = arith.addi %shift_right_arithmetic3A_285, %iota3A : vector<16xi32>
        tpu.vector_store_idx %arg13[%add3A_286], %get3A_262 {add = true} : memref<32768xf32, #tpu.memory_space<vmem>>[vector<16xi32>], vector<16xf32>,
        %mul3A_287 = arith.constant 16 : i32
        %mul3A_288 = arith.muli %scan3A_102, %mul3A_287 : i32
        %add3A_289 = arith.constant 5 : i32
        %add3A_290 = arith.addi %mul3A_288, %add3A_289 : i32
        %broadcast_in_dim3A_291 = arith.constant 5 : i32
        %broadcast_in_dim3A_292 = vector.broadcast %broadcast_in_dim3A_291 : i32 to vector<16x1xi32>
        %gather3A_293 = vector.shape_cast %broadcast_in_dim3A_292 : vector<16x1xi32> to vector<16xi32>
        %gather3A_294 = tpu.dynamic_gather %mul3A_109[%gather3A_293] in [0] : vector<16xi32>, vector<16xi32> -> vector<16xi32>
        %mul3A_295 = arith.constant 16 : i32
        %mul3A_296 = arith.muli %add3A_290, %mul3A_295 : i32
        %get3A_297 = arith.index_cast %mul3A_296 : i32 to index
        %get3A_298 = tpu.vector_load %arg10[%get3A_297] {strides = array<i32>} : memref<2048xf32, #tpu.memory_space<vmem>>, vector<16xf32>,
        %get3A_299 = arith.constant 0 : i32
        %get3A_300 = tpu.memref_slice %arg11[%add3A_290, %get3A_299] : memref<128x128xf32, #tpu.memory_space<vmem>> -> memref<1x128xf32, #tpu.memory_space<vmem>>
        %get3A_301 = tpu.memref_squeeze %get3A_300 : memref<1x128xf32, #tpu.memory_space<vmem>> -> memref<128xf32, #tpu.memory_space<vmem>>
        %get3A_302 = arith.constant 0 : index
        %get3A_303 = tpu.vector_load %get3A_301[%get3A_302] {strides = array<i32>} : memref<128xf32, #tpu.memory_space<vmem>>, vector<16xf32>,
        %add3A_304 = arith.constant 0 : i32
        %add3A_305 = vector.broadcast %add3A_304 : i32 to vector<16xi32>
        %add3A_306 = arith.addi %gather3A_294, %add3A_305 : vector<16xi32>
        %add3A_307 = arith.addi %add3A_306, %iota3A : vector<16xi32>
        %mul3A_308 = arith.mulf %get3A_303, %get3A_298 : vector<16xf32>
        tpu.vector_store_idx %arg12[%add3A_307], %mul3A_308 {add = true} : memref<65536xf32, #tpu.memory_space<vmem>>[vector<16xi32>], vector<16xf32>,
        %get3A_309 = arith.constant 0 : i32
        %get3A_310 = tpu.memref_slice %arg11[%add3A_290, %get3A_309] : memref<128x128xf32, #tpu.memory_space<vmem>> -> memref<1x128xf32, #tpu.memory_space<vmem>>
        %get3A_311 = tpu.memref_squeeze %get3A_310 : memref<1x128xf32, #tpu.memory_space<vmem>> -> memref<128xf32, #tpu.memory_space<vmem>>
        %get3A_312 = arith.constant 16 : index
        %get3A_313 = tpu.vector_load %get3A_311[%get3A_312] {strides = array<i32>} : memref<128xf32, #tpu.memory_space<vmem>>, vector<16xf32>,
        %add3A_314 = arith.constant 16 : i32
        %add3A_315 = vector.broadcast %add3A_314 : i32 to vector<16xi32>
        %add3A_316 = arith.addi %gather3A_294, %add3A_315 : vector<16xi32>
        %add3A_317 = arith.addi %add3A_316, %iota3A : vector<16xi32>
        %mul3A_318 = arith.mulf %get3A_313, %get3A_298 : vector<16xf32>
        tpu.vector_store_idx %arg12[%add3A_317], %mul3A_318 {add = true} : memref<65536xf32, #tpu.memory_space<vmem>>[vector<16xi32>], vector<16xf32>,
        %shift_right_arithmetic3A_319 = arith.constant 1 : i32
        %shift_right_arithmetic3A_320 = vector.broadcast %shift_right_arithmetic3A_319 : i32 to vector<16xi32>
        %shift_right_arithmetic3A_321 = arith.shrsi %gather3A_294, %shift_right_arithmetic3A_320 : vector<16xi32>
        %add3A_322 = arith.addi %shift_right_arithmetic3A_321, %iota3A : vector<16xi32>
        tpu.vector_store_idx %arg13[%add3A_322], %get3A_298 {add = true} : memref<32768xf32, #tpu.memory_space<vmem>>[vector<16xi32>], vector<16xf32>,
        %mul3A_323 = arith.constant 16 : i32
        %mul3A_324 = arith.muli %scan3A_102, %mul3A_323 : i32
        %add3A_325 = arith.constant 6 : i32
        %add3A_326 = arith.addi %mul3A_324, %add3A_325 : i32
        %broadcast_in_dim3A_327 = arith.constant 6 : i32
        %broadcast_in_dim3A_328 = vector.broadcast %broadcast_in_dim3A_327 : i32 to vector<16x1xi32>
        %gather3A_329 = vector.shape_cast %broadcast_in_dim3A_328 : vector<16x1xi32> to vector<16xi32>
        %gather3A_330 = tpu.dynamic_gather %mul3A_109[%gather3A_329] in [0] : vector<16xi32>, vector<16xi32> -> vector<16xi32>
        %mul3A_331 = arith.constant 16 : i32
        %mul3A_332 = arith.muli %add3A_326, %mul3A_331 : i32
        %get3A_333 = arith.index_cast %mul3A_332 : i32 to index
        %get3A_334 = tpu.vector_load %arg10[%get3A_333] {strides = array<i32>} : memref<2048xf32, #tpu.memory_space<vmem>>, vector<16xf32>,
        %get3A_335 = arith.constant 0 : i32
        %get3A_336 = tpu.memref_slice %arg11[%add3A_326, %get3A_335] : memref<128x128xf32, #tpu.memory_space<vmem>> -> memref<1x128xf32, #tpu.memory_space<vmem>>
        %get3A_337 = tpu.memref_squeeze %get3A_336 : memref<1x128xf32, #tpu.memory_space<vmem>> -> memref<128xf32, #tpu.memory_space<vmem>>
        %get3A_338 = arith.constant 0 : index
        %get3A_339 = tpu.vector_load %get3A_337[%get3A_338] {strides = array<i32>} : memref<128xf32, #tpu.memory_space<vmem>>, vector<16xf32>,
        %add3A_340 = arith.constant 0 : i32
        %add3A_341 = vector.broadcast %add3A_340 : i32 to vector<16xi32>
        %add3A_342 = arith.addi %gather3A_330, %add3A_341 : vector<16xi32>
        %add3A_343 = arith.addi %add3A_342, %iota3A : vector<16xi32>
        %mul3A_344 = arith.mulf %get3A_339, %get3A_334 : vector<16xf32>
        tpu.vector_store_idx %arg12[%add3A_343], %mul3A_344 {add = true} : memref<65536xf32, #tpu.memory_space<vmem>>[vector<16xi32>], vector<16xf32>,
        %get3A_345 = arith.constant 0 : i32
        %get3A_346 = tpu.memref_slice %arg11[%add3A_326, %get3A_345] : memref<128x128xf32, #tpu.memory_space<vmem>> -> memref<1x128xf32, #tpu.memory_space<vmem>>
        %get3A_347 = tpu.memref_squeeze %get3A_346 : memref<1x128xf32, #tpu.memory_space<vmem>> -> memref<128xf32, #tpu.memory_space<vmem>>
        %get3A_348 = arith.constant 16 : index
        %get3A_349 = tpu.vector_load %get3A_347[%get3A_348] {strides = array<i32>} : memref<128xf32, #tpu.memory_space<vmem>>, vector<16xf32>,
        %add3A_350 = arith.constant 16 : i32
        %add3A_351 = vector.broadcast %add3A_350 : i32 to vector<16xi32>
        %add3A_352 = arith.addi %gather3A_330, %add3A_351 : vector<16xi32>
        %add3A_353 = arith.addi %add3A_352, %iota3A : vector<16xi32>
        %mul3A_354 = arith.mulf %get3A_349, %get3A_334 : vector<16xf32>
        tpu.vector_store_idx %arg12[%add3A_353], %mul3A_354 {add = true} : memref<65536xf32, #tpu.memory_space<vmem>>[vector<16xi32>], vector<16xf32>,
        %shift_right_arithmetic3A_355 = arith.constant 1 : i32
        %shift_right_arithmetic3A_356 = vector.broadcast %shift_right_arithmetic3A_355 : i32 to vector<16xi32>
        %shift_right_arithmetic3A_357 = arith.shrsi %gather3A_330, %shift_right_arithmetic3A_356 : vector<16xi32>
        %add3A_358 = arith.addi %shift_right_arithmetic3A_357, %iota3A : vector<16xi32>
        tpu.vector_store_idx %arg13[%add3A_358], %get3A_334 {add = true} : memref<32768xf32, #tpu.memory_space<vmem>>[vector<16xi32>], vector<16xf32>,
        %mul3A_359 = arith.constant 16 : i32
        %mul3A_360 = arith.muli %scan3A_102, %mul3A_359 : i32
        %add3A_361 = arith.constant 7 : i32
        %add3A_362 = arith.addi %mul3A_360, %add3A_361 : i32
        %broadcast_in_dim3A_363 = arith.constant 7 : i32
        %broadcast_in_dim3A_364 = vector.broadcast %broadcast_in_dim3A_363 : i32 to vector<16x1xi32>
        %gather3A_365 = vector.shape_cast %broadcast_in_dim3A_364 : vector<16x1xi32> to vector<16xi32>
        %gather3A_366 = tpu.dynamic_gather %mul3A_109[%gather3A_365] in [0] : vector<16xi32>, vector<16xi32> -> vector<16xi32>
        %mul3A_367 = arith.constant 16 : i32
        %mul3A_368 = arith.muli %add3A_362, %mul3A_367 : i32
        %get3A_369 = arith.index_cast %mul3A_368 : i32 to index
        %get3A_370 = tpu.vector_load %arg10[%get3A_369] {strides = array<i32>} : memref<2048xf32, #tpu.memory_space<vmem>>, vector<16xf32>,
        %get3A_371 = arith.constant 0 : i32
        %get3A_372 = tpu.memref_slice %arg11[%add3A_362, %get3A_371] : memref<128x128xf32, #tpu.memory_space<vmem>> -> memref<1x128xf32, #tpu.memory_space<vmem>>
        %get3A_373 = tpu.memref_squeeze %get3A_372 : memref<1x128xf32, #tpu.memory_space<vmem>> -> memref<128xf32, #tpu.memory_space<vmem>>
        %get3A_374 = arith.constant 0 : index
        %get3A_375 = tpu.vector_load %get3A_373[%get3A_374] {strides = array<i32>} : memref<128xf32, #tpu.memory_space<vmem>>, vector<16xf32>,
        %add3A_376 = arith.constant 0 : i32
        %add3A_377 = vector.broadcast %add3A_376 : i32 to vector<16xi32>
        %add3A_378 = arith.addi %gather3A_366, %add3A_377 : vector<16xi32>
        %add3A_379 = arith.addi %add3A_378, %iota3A : vector<16xi32>
        %mul3A_380 = arith.mulf %get3A_375, %get3A_370 : vector<16xf32>
        tpu.vector_store_idx %arg12[%add3A_379], %mul3A_380 {add = true} : memref<65536xf32, #tpu.memory_space<vmem>>[vector<16xi32>], vector<16xf32>,
        %get3A_381 = arith.constant 0 : i32
        %get3A_382 = tpu.memref_slice %arg11[%add3A_362, %get3A_381] : memref<128x128xf32, #tpu.memory_space<vmem>> -> memref<1x128xf32, #tpu.memory_space<vmem>>
        %get3A_383 = tpu.memref_squeeze %get3A_382 : memref<1x128xf32, #tpu.memory_space<vmem>> -> memref<128xf32, #tpu.memory_space<vmem>>
        %get3A_384 = arith.constant 16 : index
        %get3A_385 = tpu.vector_load %get3A_383[%get3A_384] {strides = array<i32>} : memref<128xf32, #tpu.memory_space<vmem>>, vector<16xf32>,
        %add3A_386 = arith.constant 16 : i32
        %add3A_387 = vector.broadcast %add3A_386 : i32 to vector<16xi32>
        %add3A_388 = arith.addi %gather3A_366, %add3A_387 : vector<16xi32>
        %add3A_389 = arith.addi %add3A_388, %iota3A : vector<16xi32>
        %mul3A_390 = arith.mulf %get3A_385, %get3A_370 : vector<16xf32>
        tpu.vector_store_idx %arg12[%add3A_389], %mul3A_390 {add = true} : memref<65536xf32, #tpu.memory_space<vmem>>[vector<16xi32>], vector<16xf32>,
        %shift_right_arithmetic3A_391 = arith.constant 1 : i32
        %shift_right_arithmetic3A_392 = vector.broadcast %shift_right_arithmetic3A_391 : i32 to vector<16xi32>
        %shift_right_arithmetic3A_393 = arith.shrsi %gather3A_366, %shift_right_arithmetic3A_392 : vector<16xi32>
        %add3A_394 = arith.addi %shift_right_arithmetic3A_393, %iota3A : vector<16xi32>
        tpu.vector_store_idx %arg13[%add3A_394], %get3A_370 {add = true} : memref<32768xf32, #tpu.memory_space<vmem>>[vector<16xi32>], vector<16xf32>,
        %mul3A_395 = arith.constant 16 : i32
        %mul3A_396 = arith.muli %scan3A_102, %mul3A_395 : i32
        %add3A_397 = arith.constant 8 : i32
        %add3A_398 = arith.addi %mul3A_396, %add3A_397 : i32
        %broadcast_in_dim3A_399 = arith.constant 8 : i32
        %broadcast_in_dim3A_400 = vector.broadcast %broadcast_in_dim3A_399 : i32 to vector<16x1xi32>
        %gather3A_401 = vector.shape_cast %broadcast_in_dim3A_400 : vector<16x1xi32> to vector<16xi32>
        %gather3A_402 = tpu.dynamic_gather %mul3A_109[%gather3A_401] in [0] : vector<16xi32>, vector<16xi32> -> vector<16xi32>
        %mul3A_403 = arith.constant 16 : i32
        %mul3A_404 = arith.muli %add3A_398, %mul3A_403 : i32
        %get3A_405 = arith.index_cast %mul3A_404 : i32 to index
        %get3A_406 = tpu.vector_load %arg10[%get3A_405] {strides = array<i32>} : memref<2048xf32, #tpu.memory_space<vmem>>, vector<16xf32>,
        %get3A_407 = arith.constant 0 : i32
        %get3A_408 = tpu.memref_slice %arg11[%add3A_398, %get3A_407] : memref<128x128xf32, #tpu.memory_space<vmem>> -> memref<1x128xf32, #tpu.memory_space<vmem>>
        %get3A_409 = tpu.memref_squeeze %get3A_408 : memref<1x128xf32, #tpu.memory_space<vmem>> -> memref<128xf32, #tpu.memory_space<vmem>>
        %get3A_410 = arith.constant 0 : index
        %get3A_411 = tpu.vector_load %get3A_409[%get3A_410] {strides = array<i32>} : memref<128xf32, #tpu.memory_space<vmem>>, vector<16xf32>,
        %add3A_412 = arith.constant 0 : i32
        %add3A_413 = vector.broadcast %add3A_412 : i32 to vector<16xi32>
        %add3A_414 = arith.addi %gather3A_402, %add3A_413 : vector<16xi32>
        %add3A_415 = arith.addi %add3A_414, %iota3A : vector<16xi32>
        %mul3A_416 = arith.mulf %get3A_411, %get3A_406 : vector<16xf32>
        tpu.vector_store_idx %arg12[%add3A_415], %mul3A_416 {add = true} : memref<65536xf32, #tpu.memory_space<vmem>>[vector<16xi32>], vector<16xf32>,
        %get3A_417 = arith.constant 0 : i32
        %get3A_418 = tpu.memref_slice %arg11[%add3A_398, %get3A_417] : memref<128x128xf32, #tpu.memory_space<vmem>> -> memref<1x128xf32, #tpu.memory_space<vmem>>
        %get3A_419 = tpu.memref_squeeze %get3A_418 : memref<1x128xf32, #tpu.memory_space<vmem>> -> memref<128xf32, #tpu.memory_space<vmem>>
        %get3A_420 = arith.constant 16 : index
        %get3A_421 = tpu.vector_load %get3A_419[%get3A_420] {strides = array<i32>} : memref<128xf32, #tpu.memory_space<vmem>>, vector<16xf32>,
        %add3A_422 = arith.constant 16 : i32
        %add3A_423 = vector.broadcast %add3A_422 : i32 to vector<16xi32>
        %add3A_424 = arith.addi %gather3A_402, %add3A_423 : vector<16xi32>
        %add3A_425 = arith.addi %add3A_424, %iota3A : vector<16xi32>
        %mul3A_426 = arith.mulf %get3A_421, %get3A_406 : vector<16xf32>
        tpu.vector_store_idx %arg12[%add3A_425], %mul3A_426 {add = true} : memref<65536xf32, #tpu.memory_space<vmem>>[vector<16xi32>], vector<16xf32>,
        %shift_right_arithmetic3A_427 = arith.constant 1 : i32
        %shift_right_arithmetic3A_428 = vector.broadcast %shift_right_arithmetic3A_427 : i32 to vector<16xi32>
        %shift_right_arithmetic3A_429 = arith.shrsi %gather3A_402, %shift_right_arithmetic3A_428 : vector<16xi32>
        %add3A_430 = arith.addi %shift_right_arithmetic3A_429, %iota3A : vector<16xi32>
        tpu.vector_store_idx %arg13[%add3A_430], %get3A_406 {add = true} : memref<32768xf32, #tpu.memory_space<vmem>>[vector<16xi32>], vector<16xf32>,
        %mul3A_431 = arith.constant 16 : i32
        %mul3A_432 = arith.muli %scan3A_102, %mul3A_431 : i32
        %add3A_433 = arith.constant 9 : i32
        %add3A_434 = arith.addi %mul3A_432, %add3A_433 : i32
        %broadcast_in_dim3A_435 = arith.constant 9 : i32
        %broadcast_in_dim3A_436 = vector.broadcast %broadcast_in_dim3A_435 : i32 to vector<16x1xi32>
        %gather3A_437 = vector.shape_cast %broadcast_in_dim3A_436 : vector<16x1xi32> to vector<16xi32>
        %gather3A_438 = tpu.dynamic_gather %mul3A_109[%gather3A_437] in [0] : vector<16xi32>, vector<16xi32> -> vector<16xi32>
        %mul3A_439 = arith.constant 16 : i32
        %mul3A_440 = arith.muli %add3A_434, %mul3A_439 : i32
        %get3A_441 = arith.index_cast %mul3A_440 : i32 to index
        %get3A_442 = tpu.vector_load %arg10[%get3A_441] {strides = array<i32>} : memref<2048xf32, #tpu.memory_space<vmem>>, vector<16xf32>,
        %get3A_443 = arith.constant 0 : i32
        %get3A_444 = tpu.memref_slice %arg11[%add3A_434, %get3A_443] : memref<128x128xf32, #tpu.memory_space<vmem>> -> memref<1x128xf32, #tpu.memory_space<vmem>>
        %get3A_445 = tpu.memref_squeeze %get3A_444 : memref<1x128xf32, #tpu.memory_space<vmem>> -> memref<128xf32, #tpu.memory_space<vmem>>
        %get3A_446 = arith.constant 0 : index
        %get3A_447 = tpu.vector_load %get3A_445[%get3A_446] {strides = array<i32>} : memref<128xf32, #tpu.memory_space<vmem>>, vector<16xf32>,
        %add3A_448 = arith.constant 0 : i32
        %add3A_449 = vector.broadcast %add3A_448 : i32 to vector<16xi32>
        %add3A_450 = arith.addi %gather3A_438, %add3A_449 : vector<16xi32>
        %add3A_451 = arith.addi %add3A_450, %iota3A : vector<16xi32>
        %mul3A_452 = arith.mulf %get3A_447, %get3A_442 : vector<16xf32>
        tpu.vector_store_idx %arg12[%add3A_451], %mul3A_452 {add = true} : memref<65536xf32, #tpu.memory_space<vmem>>[vector<16xi32>], vector<16xf32>,
        %get3A_453 = arith.constant 0 : i32
        %get3A_454 = tpu.memref_slice %arg11[%add3A_434, %get3A_453] : memref<128x128xf32, #tpu.memory_space<vmem>> -> memref<1x128xf32, #tpu.memory_space<vmem>>
        %get3A_455 = tpu.memref_squeeze %get3A_454 : memref<1x128xf32, #tpu.memory_space<vmem>> -> memref<128xf32, #tpu.memory_space<vmem>>
        %get3A_456 = arith.constant 16 : index
        %get3A_457 = tpu.vector_load %get3A_455[%get3A_456] {strides = array<i32>} : memref<128xf32, #tpu.memory_space<vmem>>, vector<16xf32>,
        %add3A_458 = arith.constant 16 : i32
        %add3A_459 = vector.broadcast %add3A_458 : i32 to vector<16xi32>
        %add3A_460 = arith.addi %gather3A_438, %add3A_459 : vector<16xi32>
        %add3A_461 = arith.addi %add3A_460, %iota3A : vector<16xi32>
        %mul3A_462 = arith.mulf %get3A_457, %get3A_442 : vector<16xf32>
        tpu.vector_store_idx %arg12[%add3A_461], %mul3A_462 {add = true} : memref<65536xf32, #tpu.memory_space<vmem>>[vector<16xi32>], vector<16xf32>,
        %shift_right_arithmetic3A_463 = arith.constant 1 : i32
        %shift_right_arithmetic3A_464 = vector.broadcast %shift_right_arithmetic3A_463 : i32 to vector<16xi32>
        %shift_right_arithmetic3A_465 = arith.shrsi %gather3A_438, %shift_right_arithmetic3A_464 : vector<16xi32>
        %add3A_466 = arith.addi %shift_right_arithmetic3A_465, %iota3A : vector<16xi32>
        tpu.vector_store_idx %arg13[%add3A_466], %get3A_442 {add = true} : memref<32768xf32, #tpu.memory_space<vmem>>[vector<16xi32>], vector<16xf32>,
        %mul3A_467 = arith.constant 16 : i32
        %mul3A_468 = arith.muli %scan3A_102, %mul3A_467 : i32
        %add3A_469 = arith.constant 10 : i32
        %add3A_470 = arith.addi %mul3A_468, %add3A_469 : i32
        %broadcast_in_dim3A_471 = arith.constant 10 : i32
        %broadcast_in_dim3A_472 = vector.broadcast %broadcast_in_dim3A_471 : i32 to vector<16x1xi32>
        %gather3A_473 = vector.shape_cast %broadcast_in_dim3A_472 : vector<16x1xi32> to vector<16xi32>
        %gather3A_474 = tpu.dynamic_gather %mul3A_109[%gather3A_473] in [0] : vector<16xi32>, vector<16xi32> -> vector<16xi32>
        %mul3A_475 = arith.constant 16 : i32
        %mul3A_476 = arith.muli %add3A_470, %mul3A_475 : i32
        %get3A_477 = arith.index_cast %mul3A_476 : i32 to index
        %get3A_478 = tpu.vector_load %arg10[%get3A_477] {strides = array<i32>} : memref<2048xf32, #tpu.memory_space<vmem>>, vector<16xf32>,
        %get3A_479 = arith.constant 0 : i32
        %get3A_480 = tpu.memref_slice %arg11[%add3A_470, %get3A_479] : memref<128x128xf32, #tpu.memory_space<vmem>> -> memref<1x128xf32, #tpu.memory_space<vmem>>
        %get3A_481 = tpu.memref_squeeze %get3A_480 : memref<1x128xf32, #tpu.memory_space<vmem>> -> memref<128xf32, #tpu.memory_space<vmem>>
        %get3A_482 = arith.constant 0 : index
        %get3A_483 = tpu.vector_load %get3A_481[%get3A_482] {strides = array<i32>} : memref<128xf32, #tpu.memory_space<vmem>>, vector<16xf32>,
        %add3A_484 = arith.constant 0 : i32
        %add3A_485 = vector.broadcast %add3A_484 : i32 to vector<16xi32>
        %add3A_486 = arith.addi %gather3A_474, %add3A_485 : vector<16xi32>
        %add3A_487 = arith.addi %add3A_486, %iota3A : vector<16xi32>
        %mul3A_488 = arith.mulf %get3A_483, %get3A_478 : vector<16xf32>
        tpu.vector_store_idx %arg12[%add3A_487], %mul3A_488 {add = true} : memref<65536xf32, #tpu.memory_space<vmem>>[vector<16xi32>], vector<16xf32>,
        %get3A_489 = arith.constant 0 : i32
        %get3A_490 = tpu.memref_slice %arg11[%add3A_470, %get3A_489] : memref<128x128xf32, #tpu.memory_space<vmem>> -> memref<1x128xf32, #tpu.memory_space<vmem>>
        %get3A_491 = tpu.memref_squeeze %get3A_490 : memref<1x128xf32, #tpu.memory_space<vmem>> -> memref<128xf32, #tpu.memory_space<vmem>>
        %get3A_492 = arith.constant 16 : index
        %get3A_493 = tpu.vector_load %get3A_491[%get3A_492] {strides = array<i32>} : memref<128xf32, #tpu.memory_space<vmem>>, vector<16xf32>,
        %add3A_494 = arith.constant 16 : i32
        %add3A_495 = vector.broadcast %add3A_494 : i32 to vector<16xi32>
        %add3A_496 = arith.addi %gather3A_474, %add3A_495 : vector<16xi32>
        %add3A_497 = arith.addi %add3A_496, %iota3A : vector<16xi32>
        %mul3A_498 = arith.mulf %get3A_493, %get3A_478 : vector<16xf32>
        tpu.vector_store_idx %arg12[%add3A_497], %mul3A_498 {add = true} : memref<65536xf32, #tpu.memory_space<vmem>>[vector<16xi32>], vector<16xf32>,
        %shift_right_arithmetic3A_499 = arith.constant 1 : i32
        %shift_right_arithmetic3A_500 = vector.broadcast %shift_right_arithmetic3A_499 : i32 to vector<16xi32>
        %shift_right_arithmetic3A_501 = arith.shrsi %gather3A_474, %shift_right_arithmetic3A_500 : vector<16xi32>
        %add3A_502 = arith.addi %shift_right_arithmetic3A_501, %iota3A : vector<16xi32>
        tpu.vector_store_idx %arg13[%add3A_502], %get3A_478 {add = true} : memref<32768xf32, #tpu.memory_space<vmem>>[vector<16xi32>], vector<16xf32>,
        %mul3A_503 = arith.constant 16 : i32
        %mul3A_504 = arith.muli %scan3A_102, %mul3A_503 : i32
        %add3A_505 = arith.constant 11 : i32
        %add3A_506 = arith.addi %mul3A_504, %add3A_505 : i32
        %broadcast_in_dim3A_507 = arith.constant 11 : i32
        %broadcast_in_dim3A_508 = vector.broadcast %broadcast_in_dim3A_507 : i32 to vector<16x1xi32>
        %gather3A_509 = vector.shape_cast %broadcast_in_dim3A_508 : vector<16x1xi32> to vector<16xi32>
        %gather3A_510 = tpu.dynamic_gather %mul3A_109[%gather3A_509] in [0] : vector<16xi32>, vector<16xi32> -> vector<16xi32>
        %mul3A_511 = arith.constant 16 : i32
        %mul3A_512 = arith.muli %add3A_506, %mul3A_511 : i32
        %get3A_513 = arith.index_cast %mul3A_512 : i32 to index
        %get3A_514 = tpu.vector_load %arg10[%get3A_513] {strides = array<i32>} : memref<2048xf32, #tpu.memory_space<vmem>>, vector<16xf32>,
        %get3A_515 = arith.constant 0 : i32
        %get3A_516 = tpu.memref_slice %arg11[%add3A_506, %get3A_515] : memref<128x128xf32, #tpu.memory_space<vmem>> -> memref<1x128xf32, #tpu.memory_space<vmem>>
        %get3A_517 = tpu.memref_squeeze %get3A_516 : memref<1x128xf32, #tpu.memory_space<vmem>> -> memref<128xf32, #tpu.memory_space<vmem>>
        %get3A_518 = arith.constant 0 : index
        %get3A_519 = tpu.vector_load %get3A_517[%get3A_518] {strides = array<i32>} : memref<128xf32, #tpu.memory_space<vmem>>, vector<16xf32>,
        %add3A_520 = arith.constant 0 : i32
        %add3A_521 = vector.broadcast %add3A_520 : i32 to vector<16xi32>
        %add3A_522 = arith.addi %gather3A_510, %add3A_521 : vector<16xi32>
        %add3A_523 = arith.addi %add3A_522, %iota3A : vector<16xi32>
        %mul3A_524 = arith.mulf %get3A_519, %get3A_514 : vector<16xf32>
        tpu.vector_store_idx %arg12[%add3A_523], %mul3A_524 {add = true} : memref<65536xf32, #tpu.memory_space<vmem>>[vector<16xi32>], vector<16xf32>,
        %get3A_525 = arith.constant 0 : i32
        %get3A_526 = tpu.memref_slice %arg11[%add3A_506, %get3A_525] : memref<128x128xf32, #tpu.memory_space<vmem>> -> memref<1x128xf32, #tpu.memory_space<vmem>>
        %get3A_527 = tpu.memref_squeeze %get3A_526 : memref<1x128xf32, #tpu.memory_space<vmem>> -> memref<128xf32, #tpu.memory_space<vmem>>
        %get3A_528 = arith.constant 16 : index
        %get3A_529 = tpu.vector_load %get3A_527[%get3A_528] {strides = array<i32>} : memref<128xf32, #tpu.memory_space<vmem>>, vector<16xf32>,
        %add3A_530 = arith.constant 16 : i32
        %add3A_531 = vector.broadcast %add3A_530 : i32 to vector<16xi32>
        %add3A_532 = arith.addi %gather3A_510, %add3A_531 : vector<16xi32>
        %add3A_533 = arith.addi %add3A_532, %iota3A : vector<16xi32>
        %mul3A_534 = arith.mulf %get3A_529, %get3A_514 : vector<16xf32>
        tpu.vector_store_idx %arg12[%add3A_533], %mul3A_534 {add = true} : memref<65536xf32, #tpu.memory_space<vmem>>[vector<16xi32>], vector<16xf32>,
        %shift_right_arithmetic3A_535 = arith.constant 1 : i32
        %shift_right_arithmetic3A_536 = vector.broadcast %shift_right_arithmetic3A_535 : i32 to vector<16xi32>
        %shift_right_arithmetic3A_537 = arith.shrsi %gather3A_510, %shift_right_arithmetic3A_536 : vector<16xi32>
        %add3A_538 = arith.addi %shift_right_arithmetic3A_537, %iota3A : vector<16xi32>
        tpu.vector_store_idx %arg13[%add3A_538], %get3A_514 {add = true} : memref<32768xf32, #tpu.memory_space<vmem>>[vector<16xi32>], vector<16xf32>,
        %mul3A_539 = arith.constant 16 : i32
        %mul3A_540 = arith.muli %scan3A_102, %mul3A_539 : i32
        %add3A_541 = arith.constant 12 : i32
        %add3A_542 = arith.addi %mul3A_540, %add3A_541 : i32
        %broadcast_in_dim3A_543 = arith.constant 12 : i32
        %broadcast_in_dim3A_544 = vector.broadcast %broadcast_in_dim3A_543 : i32 to vector<16x1xi32>
        %gather3A_545 = vector.shape_cast %broadcast_in_dim3A_544 : vector<16x1xi32> to vector<16xi32>
        %gather3A_546 = tpu.dynamic_gather %mul3A_109[%gather3A_545] in [0] : vector<16xi32>, vector<16xi32> -> vector<16xi32>
        %mul3A_547 = arith.constant 16 : i32
        %mul3A_548 = arith.muli %add3A_542, %mul3A_547 : i32
        %get3A_549 = arith.index_cast %mul3A_548 : i32 to index
        %get3A_550 = tpu.vector_load %arg10[%get3A_549] {strides = array<i32>} : memref<2048xf32, #tpu.memory_space<vmem>>, vector<16xf32>,
        %get3A_551 = arith.constant 0 : i32
        %get3A_552 = tpu.memref_slice %arg11[%add3A_542, %get3A_551] : memref<128x128xf32, #tpu.memory_space<vmem>> -> memref<1x128xf32, #tpu.memory_space<vmem>>
        %get3A_553 = tpu.memref_squeeze %get3A_552 : memref<1x128xf32, #tpu.memory_space<vmem>> -> memref<128xf32, #tpu.memory_space<vmem>>
        %get3A_554 = arith.constant 0 : index
        %get3A_555 = tpu.vector_load %get3A_553[%get3A_554] {strides = array<i32>} : memref<128xf32, #tpu.memory_space<vmem>>, vector<16xf32>,
        %add3A_556 = arith.constant 0 : i32
        %add3A_557 = vector.broadcast %add3A_556 : i32 to vector<16xi32>
        %add3A_558 = arith.addi %gather3A_546, %add3A_557 : vector<16xi32>
        %add3A_559 = arith.addi %add3A_558, %iota3A : vector<16xi32>
        %mul3A_560 = arith.mulf %get3A_555, %get3A_550 : vector<16xf32>
        tpu.vector_store_idx %arg12[%add3A_559], %mul3A_560 {add = true} : memref<65536xf32, #tpu.memory_space<vmem>>[vector<16xi32>], vector<16xf32>,
        %get3A_561 = arith.constant 0 : i32
        %get3A_562 = tpu.memref_slice %arg11[%add3A_542, %get3A_561] : memref<128x128xf32, #tpu.memory_space<vmem>> -> memref<1x128xf32, #tpu.memory_space<vmem>>
        %get3A_563 = tpu.memref_squeeze %get3A_562 : memref<1x128xf32, #tpu.memory_space<vmem>> -> memref<128xf32, #tpu.memory_space<vmem>>
        %get3A_564 = arith.constant 16 : index
        %get3A_565 = tpu.vector_load %get3A_563[%get3A_564] {strides = array<i32>} : memref<128xf32, #tpu.memory_space<vmem>>, vector<16xf32>,
        %add3A_566 = arith.constant 16 : i32
        %add3A_567 = vector.broadcast %add3A_566 : i32 to vector<16xi32>
        %add3A_568 = arith.addi %gather3A_546, %add3A_567 : vector<16xi32>
        %add3A_569 = arith.addi %add3A_568, %iota3A : vector<16xi32>
        %mul3A_570 = arith.mulf %get3A_565, %get3A_550 : vector<16xf32>
        tpu.vector_store_idx %arg12[%add3A_569], %mul3A_570 {add = true} : memref<65536xf32, #tpu.memory_space<vmem>>[vector<16xi32>], vector<16xf32>,
        %shift_right_arithmetic3A_571 = arith.constant 1 : i32
        %shift_right_arithmetic3A_572 = vector.broadcast %shift_right_arithmetic3A_571 : i32 to vector<16xi32>
        %shift_right_arithmetic3A_573 = arith.shrsi %gather3A_546, %shift_right_arithmetic3A_572 : vector<16xi32>
        %add3A_574 = arith.addi %shift_right_arithmetic3A_573, %iota3A : vector<16xi32>
        tpu.vector_store_idx %arg13[%add3A_574], %get3A_550 {add = true} : memref<32768xf32, #tpu.memory_space<vmem>>[vector<16xi32>], vector<16xf32>,
        %mul3A_575 = arith.constant 16 : i32
        %mul3A_576 = arith.muli %scan3A_102, %mul3A_575 : i32
        %add3A_577 = arith.constant 13 : i32
        %add3A_578 = arith.addi %mul3A_576, %add3A_577 : i32
        %broadcast_in_dim3A_579 = arith.constant 13 : i32
        %broadcast_in_dim3A_580 = vector.broadcast %broadcast_in_dim3A_579 : i32 to vector<16x1xi32>
        %gather3A_581 = vector.shape_cast %broadcast_in_dim3A_580 : vector<16x1xi32> to vector<16xi32>
        %gather3A_582 = tpu.dynamic_gather %mul3A_109[%gather3A_581] in [0] : vector<16xi32>, vector<16xi32> -> vector<16xi32>
        %mul3A_583 = arith.constant 16 : i32
        %mul3A_584 = arith.muli %add3A_578, %mul3A_583 : i32
        %get3A_585 = arith.index_cast %mul3A_584 : i32 to index
        %get3A_586 = tpu.vector_load %arg10[%get3A_585] {strides = array<i32>} : memref<2048xf32, #tpu.memory_space<vmem>>, vector<16xf32>,
        %get3A_587 = arith.constant 0 : i32
        %get3A_588 = tpu.memref_slice %arg11[%add3A_578, %get3A_587] : memref<128x128xf32, #tpu.memory_space<vmem>> -> memref<1x128xf32, #tpu.memory_space<vmem>>
        %get3A_589 = tpu.memref_squeeze %get3A_588 : memref<1x128xf32, #tpu.memory_space<vmem>> -> memref<128xf32, #tpu.memory_space<vmem>>
        %get3A_590 = arith.constant 0 : index
        %get3A_591 = tpu.vector_load %get3A_589[%get3A_590] {strides = array<i32>} : memref<128xf32, #tpu.memory_space<vmem>>, vector<16xf32>,
        %add3A_592 = arith.constant 0 : i32
        %add3A_593 = vector.broadcast %add3A_592 : i32 to vector<16xi32>
        %add3A_594 = arith.addi %gather3A_582, %add3A_593 : vector<16xi32>
        %add3A_595 = arith.addi %add3A_594, %iota3A : vector<16xi32>
        %mul3A_596 = arith.mulf %get3A_591, %get3A_586 : vector<16xf32>
        tpu.vector_store_idx %arg12[%add3A_595], %mul3A_596 {add = true} : memref<65536xf32, #tpu.memory_space<vmem>>[vector<16xi32>], vector<16xf32>,
        %get3A_597 = arith.constant 0 : i32
        %get3A_598 = tpu.memref_slice %arg11[%add3A_578, %get3A_597] : memref<128x128xf32, #tpu.memory_space<vmem>> -> memref<1x128xf32, #tpu.memory_space<vmem>>
        %get3A_599 = tpu.memref_squeeze %get3A_598 : memref<1x128xf32, #tpu.memory_space<vmem>> -> memref<128xf32, #tpu.memory_space<vmem>>
        %get3A_600 = arith.constant 16 : index
        %get3A_601 = tpu.vector_load %get3A_599[%get3A_600] {strides = array<i32>} : memref<128xf32, #tpu.memory_space<vmem>>, vector<16xf32>,
        %add3A_602 = arith.constant 16 : i32
        %add3A_603 = vector.broadcast %add3A_602 : i32 to vector<16xi32>
        %add3A_604 = arith.addi %gather3A_582, %add3A_603 : vector<16xi32>
        %add3A_605 = arith.addi %add3A_604, %iota3A : vector<16xi32>
        %mul3A_606 = arith.mulf %get3A_601, %get3A_586 : vector<16xf32>
        tpu.vector_store_idx %arg12[%add3A_605], %mul3A_606 {add = true} : memref<65536xf32, #tpu.memory_space<vmem>>[vector<16xi32>], vector<16xf32>,
        %shift_right_arithmetic3A_607 = arith.constant 1 : i32
        %shift_right_arithmetic3A_608 = vector.broadcast %shift_right_arithmetic3A_607 : i32 to vector<16xi32>
        %shift_right_arithmetic3A_609 = arith.shrsi %gather3A_582, %shift_right_arithmetic3A_608 : vector<16xi32>
        %add3A_610 = arith.addi %shift_right_arithmetic3A_609, %iota3A : vector<16xi32>
        tpu.vector_store_idx %arg13[%add3A_610], %get3A_586 {add = true} : memref<32768xf32, #tpu.memory_space<vmem>>[vector<16xi32>], vector<16xf32>,
        %mul3A_611 = arith.constant 16 : i32
        %mul3A_612 = arith.muli %scan3A_102, %mul3A_611 : i32
        %add3A_613 = arith.constant 14 : i32
        %add3A_614 = arith.addi %mul3A_612, %add3A_613 : i32
        %broadcast_in_dim3A_615 = arith.constant 14 : i32
        %broadcast_in_dim3A_616 = vector.broadcast %broadcast_in_dim3A_615 : i32 to vector<16x1xi32>
        %gather3A_617 = vector.shape_cast %broadcast_in_dim3A_616 : vector<16x1xi32> to vector<16xi32>
        %gather3A_618 = tpu.dynamic_gather %mul3A_109[%gather3A_617] in [0] : vector<16xi32>, vector<16xi32> -> vector<16xi32>
        %mul3A_619 = arith.constant 16 : i32
        %mul3A_620 = arith.muli %add3A_614, %mul3A_619 : i32
        %get3A_621 = arith.index_cast %mul3A_620 : i32 to index
        %get3A_622 = tpu.vector_load %arg10[%get3A_621] {strides = array<i32>} : memref<2048xf32, #tpu.memory_space<vmem>>, vector<16xf32>,
        %get3A_623 = arith.constant 0 : i32
        %get3A_624 = tpu.memref_slice %arg11[%add3A_614, %get3A_623] : memref<128x128xf32, #tpu.memory_space<vmem>> -> memref<1x128xf32, #tpu.memory_space<vmem>>
        %get3A_625 = tpu.memref_squeeze %get3A_624 : memref<1x128xf32, #tpu.memory_space<vmem>> -> memref<128xf32, #tpu.memory_space<vmem>>
        %get3A_626 = arith.constant 0 : index
        %get3A_627 = tpu.vector_load %get3A_625[%get3A_626] {strides = array<i32>} : memref<128xf32, #tpu.memory_space<vmem>>, vector<16xf32>,
        %add3A_628 = arith.constant 0 : i32
        %add3A_629 = vector.broadcast %add3A_628 : i32 to vector<16xi32>
        %add3A_630 = arith.addi %gather3A_618, %add3A_629 : vector<16xi32>
        %add3A_631 = arith.addi %add3A_630, %iota3A : vector<16xi32>
        %mul3A_632 = arith.mulf %get3A_627, %get3A_622 : vector<16xf32>
        tpu.vector_store_idx %arg12[%add3A_631], %mul3A_632 {add = true} : memref<65536xf32, #tpu.memory_space<vmem>>[vector<16xi32>], vector<16xf32>,
        %get3A_633 = arith.constant 0 : i32
        %get3A_634 = tpu.memref_slice %arg11[%add3A_614, %get3A_633] : memref<128x128xf32, #tpu.memory_space<vmem>> -> memref<1x128xf32, #tpu.memory_space<vmem>>
        %get3A_635 = tpu.memref_squeeze %get3A_634 : memref<1x128xf32, #tpu.memory_space<vmem>> -> memref<128xf32, #tpu.memory_space<vmem>>
        %get3A_636 = arith.constant 16 : index
        %get3A_637 = tpu.vector_load %get3A_635[%get3A_636] {strides = array<i32>} : memref<128xf32, #tpu.memory_space<vmem>>, vector<16xf32>,
        %add3A_638 = arith.constant 16 : i32
        %add3A_639 = vector.broadcast %add3A_638 : i32 to vector<16xi32>
        %add3A_640 = arith.addi %gather3A_618, %add3A_639 : vector<16xi32>
        %add3A_641 = arith.addi %add3A_640, %iota3A : vector<16xi32>
        %mul3A_642 = arith.mulf %get3A_637, %get3A_622 : vector<16xf32>
        tpu.vector_store_idx %arg12[%add3A_641], %mul3A_642 {add = true} : memref<65536xf32, #tpu.memory_space<vmem>>[vector<16xi32>], vector<16xf32>,
        %shift_right_arithmetic3A_643 = arith.constant 1 : i32
        %shift_right_arithmetic3A_644 = vector.broadcast %shift_right_arithmetic3A_643 : i32 to vector<16xi32>
        %shift_right_arithmetic3A_645 = arith.shrsi %gather3A_618, %shift_right_arithmetic3A_644 : vector<16xi32>
        %add3A_646 = arith.addi %shift_right_arithmetic3A_645, %iota3A : vector<16xi32>
        tpu.vector_store_idx %arg13[%add3A_646], %get3A_622 {add = true} : memref<32768xf32, #tpu.memory_space<vmem>>[vector<16xi32>], vector<16xf32>,
        %mul3A_647 = arith.constant 16 : i32
        %mul3A_648 = arith.muli %scan3A_102, %mul3A_647 : i32
        %add3A_649 = arith.constant 15 : i32
        %add3A_650 = arith.addi %mul3A_648, %add3A_649 : i32
        %broadcast_in_dim3A_651 = arith.constant 15 : i32
        %broadcast_in_dim3A_652 = vector.broadcast %broadcast_in_dim3A_651 : i32 to vector<16x1xi32>
        %gather3A_653 = vector.shape_cast %broadcast_in_dim3A_652 : vector<16x1xi32> to vector<16xi32>
        %gather3A_654 = tpu.dynamic_gather %mul3A_109[%gather3A_653] in [0] : vector<16xi32>, vector<16xi32> -> vector<16xi32>
        %mul3A_655 = arith.constant 16 : i32
        %mul3A_656 = arith.muli %add3A_650, %mul3A_655 : i32
        %get3A_657 = arith.index_cast %mul3A_656 : i32 to index
        %get3A_658 = tpu.vector_load %arg10[%get3A_657] {strides = array<i32>} : memref<2048xf32, #tpu.memory_space<vmem>>, vector<16xf32>,
        %get3A_659 = arith.constant 0 : i32
        %get3A_660 = tpu.memref_slice %arg11[%add3A_650, %get3A_659] : memref<128x128xf32, #tpu.memory_space<vmem>> -> memref<1x128xf32, #tpu.memory_space<vmem>>
        %get3A_661 = tpu.memref_squeeze %get3A_660 : memref<1x128xf32, #tpu.memory_space<vmem>> -> memref<128xf32, #tpu.memory_space<vmem>>
        %get3A_662 = arith.constant 0 : index
        %get3A_663 = tpu.vector_load %get3A_661[%get3A_662] {strides = array<i32>} : memref<128xf32, #tpu.memory_space<vmem>>, vector<16xf32>,
        %add3A_664 = arith.constant 0 : i32
        %add3A_665 = vector.broadcast %add3A_664 : i32 to vector<16xi32>
        %add3A_666 = arith.addi %gather3A_654, %add3A_665 : vector<16xi32>
        %add3A_667 = arith.addi %add3A_666, %iota3A : vector<16xi32>
        %mul3A_668 = arith.mulf %get3A_663, %get3A_658 : vector<16xf32>
        tpu.vector_store_idx %arg12[%add3A_667], %mul3A_668 {add = true} : memref<65536xf32, #tpu.memory_space<vmem>>[vector<16xi32>], vector<16xf32>,
        %get3A_669 = arith.constant 0 : i32
        %get3A_670 = tpu.memref_slice %arg11[%add3A_650, %get3A_669] : memref<128x128xf32, #tpu.memory_space<vmem>> -> memref<1x128xf32, #tpu.memory_space<vmem>>
        %get3A_671 = tpu.memref_squeeze %get3A_670 : memref<1x128xf32, #tpu.memory_space<vmem>> -> memref<128xf32, #tpu.memory_space<vmem>>
        %get3A_672 = arith.constant 16 : index
        %get3A_673 = tpu.vector_load %get3A_671[%get3A_672] {strides = array<i32>} : memref<128xf32, #tpu.memory_space<vmem>>, vector<16xf32>,
        %add3A_674 = arith.constant 16 : i32
        %add3A_675 = vector.broadcast %add3A_674 : i32 to vector<16xi32>
        %add3A_676 = arith.addi %gather3A_654, %add3A_675 : vector<16xi32>
        %add3A_677 = arith.addi %add3A_676, %iota3A : vector<16xi32>
        %mul3A_678 = arith.mulf %get3A_673, %get3A_658 : vector<16xf32>
        tpu.vector_store_idx %arg12[%add3A_677], %mul3A_678 {add = true} : memref<65536xf32, #tpu.memory_space<vmem>>[vector<16xi32>], vector<16xf32>,
        %shift_right_arithmetic3A_679 = arith.constant 1 : i32
        %shift_right_arithmetic3A_680 = vector.broadcast %shift_right_arithmetic3A_679 : i32 to vector<16xi32>
        %shift_right_arithmetic3A_681 = arith.shrsi %gather3A_654, %shift_right_arithmetic3A_680 : vector<16xi32>
        %add3A_682 = arith.addi %shift_right_arithmetic3A_681, %iota3A : vector<16xi32>
        tpu.vector_store_idx %arg13[%add3A_682], %get3A_658 {add = true} : memref<32768xf32, #tpu.memory_space<vmem>>[vector<16xi32>], vector<16xf32>,
        %scan3A_683 = arith.constant 0 : i32
        scf.yield %scan3A_683 : i32
      }
      %scan3A_100 = arith.constant 8 : i32
      %scan3A_101 = arith.constant 0 : i32
      scf.yield %scan3A_101 : i32
    }
    %scan3A_22 = arith.constant 16 : i32
    %add3A_23 = arith.constant 0 : i32
    %add3A_24 = arith.addi %add3A_23, %add3A : i32
    %mul3A_25 = arith.constant 65536 : i32
    %mul3A_26 = arith.muli %add3A_24, %mul3A_25 : i32
    "tpu.region"() ({
      %run_scoped3A = tpu.sem_alloc : memref<!tpu.dma_semaphore, #tpu.memory_space<semaphore_mem>>
      %dma_start3A = tpu.memref_slice %arg6[%mul3A_26] : memref<8388608xf32, #tpu.memory_space<hbm>> -> memref<65536xf32, #tpu.memory_space<hbm>>
      %dma_start3A_83 = tpu.memref_slice %arg6[%mul3A_26] : memref<8388608xf32, #tpu.memory_space<hbm>> -> memref<65536xf32, #tpu.memory_space<hbm>>
      tpu.enqueue_dma source(%arg12 : memref<65536xf32, #tpu.memory_space<vmem>>) target(%dma_start3A_83 : memref<65536xf32, #tpu.memory_space<hbm>>) target_semaphore(%run_scoped3A : memref<!tpu.dma_semaphore, #tpu.memory_space<semaphore_mem>>)
      %dma_wait3A = tpu.memref_slice %arg6[%mul3A_26] : memref<8388608xf32, #tpu.memory_space<hbm>> -> memref<65536xf32, #tpu.memory_space<hbm>>
      %dma_wait3A_84 = tpu.memref_slice %arg6[%mul3A_26] : memref<8388608xf32, #tpu.memory_space<hbm>> -> memref<65536xf32, #tpu.memory_space<hbm>>
      tpu.wait_dma2 semaphore(%run_scoped3A : memref<!tpu.dma_semaphore, #tpu.memory_space<semaphore_mem>>) src(%arg12 : memref<65536xf32, #tpu.memory_space<vmem>>) dst(%dma_wait3A_84 : memref<65536xf32, #tpu.memory_space<hbm>>)
      tpu.yield
    }) : () -> ()
    %scan3A_27 = arith.constant 0 : i32
    %scan3A_28 = arith.constant 0 : i32
    %scan3A_29 = arith.constant 4096 : i32
    %scan3A_30 = arith.addi %scan3A_28, %scan3A_29 : i32
    %scan3A_31 = arith.constant 1 : i32
    %scan3A_32 = scf.for %scan3A_83 = %scan3A_28 to %scan3A_30 step %scan3A_31 iter_args(%scan3A_84 = %scan3A_27) -> (i32)  : i32 {
      %broadcast_in_dim3A = arith.constant 0.000000e+00 : f32
      %broadcast_in_dim3A_85 = vector.broadcast %broadcast_in_dim3A : f32 to vector<16xf32>
      %mul3A_86 = arith.constant 16 : i32
      %mul3A_87 = arith.muli %scan3A_83, %mul3A_86 : i32
      %swap3A = arith.index_cast %mul3A_87 : i32 to index
      %swap3A_88 = tpu.vector_load %arg12[%swap3A] {strides = array<i32>} : memref<65536xf32, #tpu.memory_space<vmem>>, vector<16xf32>,
      tpu.vector_store %arg12[%swap3A], %broadcast_in_dim3A_85 {strides = array<i32>} : memref<65536xf32, #tpu.memory_space<vmem>>, vector<16xf32>,
      %scan3A_89 = arith.constant 0 : i32
      scf.yield %scan3A_89 : i32
    }
    %scan3A_33 = arith.constant 4096 : i32
    %scan3A_34 = arith.constant 0 : i32
    %scan3A_35 = arith.constant 0 : i32
    %scan3A_36 = arith.constant 16 : i32
    %scan3A_37 = arith.addi %scan3A_35, %scan3A_36 : i32
    %scan3A_38 = arith.constant 1 : i32
    %scan3A_39 = scf.for %scan3A_83 = %scan3A_35 to %scan3A_37 step %scan3A_38 iter_args(%scan3A_84 = %scan3A_34) -> (i32)  : i32 {
      %mul3A_85 = arith.constant 128 : i32
      %mul3A_86 = arith.muli %scan3A_83, %mul3A_85 : i32
      %add3A_87 = arith.addi %mul3A_2, %mul3A_86 : i32
      "tpu.region"() ({
        %run_scoped3A = tpu.sem_alloc : memref<!tpu.dma_semaphore, #tpu.memory_space<semaphore_mem>>
        %dma_start3A_102 = tpu.memref_slice %arg3[%add3A_87] : memref<65536xi32, #tpu.memory_space<hbm>> -> memref<128xi32, #tpu.memory_space<hbm>>
        %dma_start3A_103 = tpu.memref_slice %arg3[%add3A_87] : memref<65536xi32, #tpu.memory_space<hbm>> -> memref<128xi32, #tpu.memory_space<hbm>>
        tpu.enqueue_dma source(%dma_start3A_103 : memref<128xi32, #tpu.memory_space<hbm>>) target(%arg8 : memref<128xi32, #tpu.memory_space<vmem>>) target_semaphore(%run_scoped3A : memref<!tpu.dma_semaphore, #tpu.memory_space<semaphore_mem>>)
        %dma_wait3A_104 = tpu.memref_slice %arg3[%add3A_87] : memref<65536xi32, #tpu.memory_space<hbm>> -> memref<128xi32, #tpu.memory_space<hbm>>
        %dma_wait3A_105 = tpu.memref_slice %arg3[%add3A_87] : memref<65536xi32, #tpu.memory_space<hbm>> -> memref<128xi32, #tpu.memory_space<hbm>>
        tpu.wait_dma2 semaphore(%run_scoped3A : memref<!tpu.dma_semaphore, #tpu.memory_space<semaphore_mem>>) src(%dma_wait3A_105 : memref<128xi32, #tpu.memory_space<hbm>>) dst(%arg8 : memref<128xi32, #tpu.memory_space<vmem>>)
        tpu.yield
      }) : () -> ()
      "tpu.region"() ({
        %run_scoped3A = tpu.sem_alloc : memref<!tpu.dma_semaphore, #tpu.memory_space<semaphore_mem>>
        %dma_start3A_102 = tpu.memref_slice %arg4[%add3A_87] : memref<65536xi32, #tpu.memory_space<hbm>> -> memref<128xi32, #tpu.memory_space<hbm>>
        %dma_start3A_103 = tpu.memref_slice %arg4[%add3A_87] : memref<65536xi32, #tpu.memory_space<hbm>> -> memref<128xi32, #tpu.memory_space<hbm>>
        tpu.enqueue_dma source(%dma_start3A_103 : memref<128xi32, #tpu.memory_space<hbm>>) target(%arg9 : memref<128xi32, #tpu.memory_space<vmem>>) target_semaphore(%run_scoped3A : memref<!tpu.dma_semaphore, #tpu.memory_space<semaphore_mem>>)
        %dma_wait3A_104 = tpu.memref_slice %arg4[%add3A_87] : memref<65536xi32, #tpu.memory_space<hbm>> -> memref<128xi32, #tpu.memory_space<hbm>>
        %dma_wait3A_105 = tpu.memref_slice %arg4[%add3A_87] : memref<65536xi32, #tpu.memory_space<hbm>> -> memref<128xi32, #tpu.memory_space<hbm>>
        tpu.wait_dma2 semaphore(%run_scoped3A : memref<!tpu.dma_semaphore, #tpu.memory_space<semaphore_mem>>) src(%dma_wait3A_105 : memref<128xi32, #tpu.memory_space<hbm>>) dst(%arg9 : memref<128xi32, #tpu.memory_space<vmem>>)
        tpu.yield
      }) : () -> ()
      %mul3A_88 = arith.constant 16 : i32
      %mul3A_89 = arith.muli %add3A_87, %mul3A_88 : i32
      "tpu.region"() ({
        %run_scoped3A = tpu.sem_alloc : memref<!tpu.dma_semaphore, #tpu.memory_space<semaphore_mem>>
        %dma_start3A_102 = tpu.memref_slice %arg5[%mul3A_89] : memref<1048576xf32, #tpu.memory_space<hbm>> -> memref<2048xf32, #tpu.memory_space<hbm>>
        %dma_start3A_103 = tpu.memref_slice %arg5[%mul3A_89] : memref<1048576xf32, #tpu.memory_space<hbm>> -> memref<2048xf32, #tpu.memory_space<hbm>>
        tpu.enqueue_dma source(%dma_start3A_103 : memref<2048xf32, #tpu.memory_space<hbm>>) target(%arg10 : memref<2048xf32, #tpu.memory_space<vmem>>) target_semaphore(%run_scoped3A : memref<!tpu.dma_semaphore, #tpu.memory_space<semaphore_mem>>)
        %dma_wait3A_104 = tpu.memref_slice %arg5[%mul3A_89] : memref<1048576xf32, #tpu.memory_space<hbm>> -> memref<2048xf32, #tpu.memory_space<hbm>>
        %dma_wait3A_105 = tpu.memref_slice %arg5[%mul3A_89] : memref<1048576xf32, #tpu.memory_space<hbm>> -> memref<2048xf32, #tpu.memory_space<hbm>>
        tpu.wait_dma2 semaphore(%run_scoped3A : memref<!tpu.dma_semaphore, #tpu.memory_space<semaphore_mem>>) src(%dma_wait3A_105 : memref<2048xf32, #tpu.memory_space<hbm>>) dst(%arg10 : memref<2048xf32, #tpu.memory_space<vmem>>)
        tpu.yield
      }) : () -> ()
      %dma_start3A = arith.constant 0 : i32
      %dma_start3A_90 = arith.constant 0 : i32
      %dma_start3A_91 = tpu.memref_slice %arg2[%dma_start3A, %dma_start3A_90] : memref<2048x128xf32, #tpu.memory_space<hbm>> -> memref<2048x128xf32, #tpu.memory_space<hbm>>
      tpu.enqueue_indirect_dma source(%dma_start3A_91 : memref<2048x128xf32, #tpu.memory_space<hbm>>) target(%arg11 : memref<128x128xf32, #tpu.memory_space<vmem>>) offsets(%arg8 : memref<128xi32, #tpu.memory_space<vmem>>) semaphore(%arg14 : memref<!tpu.dma_semaphore, #tpu.memory_space<semaphore_mem>>)
      %dma_wait3A = arith.constant 0 : i32
      %dma_wait3A_92 = arith.constant 0 : i32
      %dma_wait3A_93 = tpu.memref_slice %arg2[%dma_wait3A, %dma_wait3A_92] : memref<2048x128xf32, #tpu.memory_space<hbm>> -> memref<2048x128xf32, #tpu.memory_space<hbm>>
      tpu.wait_indirect_dma semaphore(%arg14 : memref<!tpu.dma_semaphore, #tpu.memory_space<semaphore_mem>>) src(%dma_wait3A_93 : memref<2048x128xf32, #tpu.memory_space<hbm>>) dst(%arg11 : memref<128x128xf32, #tpu.memory_space<vmem>>)
      %scan3A_94 = arith.constant 0 : i32
      %scan3A_95 = arith.constant 0 : i32
      %scan3A_96 = arith.constant 8 : i32
      %scan3A_97 = arith.addi %scan3A_95, %scan3A_96 : i32
      %scan3A_98 = arith.constant 1 : i32
      %scan3A_99 = scf.for %scan3A_102 = %scan3A_95 to %scan3A_97 step %scan3A_98 iter_args(%scan3A_103 = %scan3A_94) -> (i32)  : i32 {
        %mul3A_104 = arith.constant 16 : i32
        %mul3A_105 = arith.muli %scan3A_102, %mul3A_104 : i32
        %get3A = arith.index_cast %mul3A_105 : i32 to index
        %get3A_106 = tpu.vector_load %arg9[%get3A] {strides = array<i32>} : memref<128xi32, #tpu.memory_space<vmem>>, vector<16xi32>,
        %mul3A_107 = arith.constant 32 : i32
        %mul3A_108 = vector.broadcast %mul3A_107 : i32 to vector<16xi32>
        %mul3A_109 = arith.muli %get3A_106, %mul3A_108 : vector<16xi32>
        %mul3A_110 = arith.constant 16 : i32
        %mul3A_111 = arith.muli %scan3A_102, %mul3A_110 : i32
        %add3A_112 = arith.constant 0 : i32
        %add3A_113 = arith.addi %mul3A_111, %add3A_112 : i32
        %broadcast_in_dim3A = arith.constant 0 : i32
        %broadcast_in_dim3A_114 = vector.broadcast %broadcast_in_dim3A : i32 to vector<16x1xi32>
        %gather3A = vector.shape_cast %broadcast_in_dim3A_114 : vector<16x1xi32> to vector<16xi32>
        %gather3A_115 = tpu.dynamic_gather %mul3A_109[%gather3A] in [0] : vector<16xi32>, vector<16xi32> -> vector<16xi32>
        %mul3A_116 = arith.constant 16 : i32
        %mul3A_117 = arith.muli %add3A_113, %mul3A_116 : i32
        %get3A_118 = arith.index_cast %mul3A_117 : i32 to index
        %get3A_119 = tpu.vector_load %arg10[%get3A_118] {strides = array<i32>} : memref<2048xf32, #tpu.memory_space<vmem>>, vector<16xf32>,
        %get3A_120 = arith.constant 0 : i32
        %get3A_121 = tpu.memref_slice %arg11[%add3A_113, %get3A_120] : memref<128x128xf32, #tpu.memory_space<vmem>> -> memref<1x128xf32, #tpu.memory_space<vmem>>
        %get3A_122 = tpu.memref_squeeze %get3A_121 : memref<1x128xf32, #tpu.memory_space<vmem>> -> memref<128xf32, #tpu.memory_space<vmem>>
        %get3A_123 = arith.constant 32 : index
        %get3A_124 = tpu.vector_load %get3A_122[%get3A_123] {strides = array<i32>} : memref<128xf32, #tpu.memory_space<vmem>>, vector<16xf32>,
        %add3A_125 = arith.constant 0 : i32
        %add3A_126 = vector.broadcast %add3A_125 : i32 to vector<16xi32>
        %add3A_127 = arith.addi %gather3A_115, %add3A_126 : vector<16xi32>
        %add3A_128 = arith.addi %add3A_127, %iota3A : vector<16xi32>
        %mul3A_129 = arith.mulf %get3A_124, %get3A_119 : vector<16xf32>
        tpu.vector_store_idx %arg12[%add3A_128], %mul3A_129 {add = true} : memref<65536xf32, #tpu.memory_space<vmem>>[vector<16xi32>], vector<16xf32>,
        %get3A_130 = arith.constant 0 : i32
        %get3A_131 = tpu.memref_slice %arg11[%add3A_113, %get3A_130] : memref<128x128xf32, #tpu.memory_space<vmem>> -> memref<1x128xf32, #tpu.memory_space<vmem>>
        %get3A_132 = tpu.memref_squeeze %get3A_131 : memref<1x128xf32, #tpu.memory_space<vmem>> -> memref<128xf32, #tpu.memory_space<vmem>>
        %get3A_133 = arith.constant 48 : index
        %get3A_134 = tpu.vector_load %get3A_132[%get3A_133] {strides = array<i32>} : memref<128xf32, #tpu.memory_space<vmem>>, vector<16xf32>,
        %add3A_135 = arith.constant 16 : i32
        %add3A_136 = vector.broadcast %add3A_135 : i32 to vector<16xi32>
        %add3A_137 = arith.addi %gather3A_115, %add3A_136 : vector<16xi32>
        %add3A_138 = arith.addi %add3A_137, %iota3A : vector<16xi32>
        %mul3A_139 = arith.mulf %get3A_134, %get3A_119 : vector<16xf32>
        tpu.vector_store_idx %arg12[%add3A_138], %mul3A_139 {add = true} : memref<65536xf32, #tpu.memory_space<vmem>>[vector<16xi32>], vector<16xf32>,
        %mul3A_140 = arith.constant 16 : i32
        %mul3A_141 = arith.muli %scan3A_102, %mul3A_140 : i32
        %add3A_142 = arith.constant 1 : i32
        %add3A_143 = arith.addi %mul3A_141, %add3A_142 : i32
        %broadcast_in_dim3A_144 = arith.constant 1 : i32
        %broadcast_in_dim3A_145 = vector.broadcast %broadcast_in_dim3A_144 : i32 to vector<16x1xi32>
        %gather3A_146 = vector.shape_cast %broadcast_in_dim3A_145 : vector<16x1xi32> to vector<16xi32>
        %gather3A_147 = tpu.dynamic_gather %mul3A_109[%gather3A_146] in [0] : vector<16xi32>, vector<16xi32> -> vector<16xi32>
        %mul3A_148 = arith.constant 16 : i32
        %mul3A_149 = arith.muli %add3A_143, %mul3A_148 : i32
        %get3A_150 = arith.index_cast %mul3A_149 : i32 to index
        %get3A_151 = tpu.vector_load %arg10[%get3A_150] {strides = array<i32>} : memref<2048xf32, #tpu.memory_space<vmem>>, vector<16xf32>,
        %get3A_152 = arith.constant 0 : i32
        %get3A_153 = tpu.memref_slice %arg11[%add3A_143, %get3A_152] : memref<128x128xf32, #tpu.memory_space<vmem>> -> memref<1x128xf32, #tpu.memory_space<vmem>>
        %get3A_154 = tpu.memref_squeeze %get3A_153 : memref<1x128xf32, #tpu.memory_space<vmem>> -> memref<128xf32, #tpu.memory_space<vmem>>
        %get3A_155 = arith.constant 32 : index
        %get3A_156 = tpu.vector_load %get3A_154[%get3A_155] {strides = array<i32>} : memref<128xf32, #tpu.memory_space<vmem>>, vector<16xf32>,
        %add3A_157 = arith.constant 0 : i32
        %add3A_158 = vector.broadcast %add3A_157 : i32 to vector<16xi32>
        %add3A_159 = arith.addi %gather3A_147, %add3A_158 : vector<16xi32>
        %add3A_160 = arith.addi %add3A_159, %iota3A : vector<16xi32>
        %mul3A_161 = arith.mulf %get3A_156, %get3A_151 : vector<16xf32>
        tpu.vector_store_idx %arg12[%add3A_160], %mul3A_161 {add = true} : memref<65536xf32, #tpu.memory_space<vmem>>[vector<16xi32>], vector<16xf32>,
        %get3A_162 = arith.constant 0 : i32
        %get3A_163 = tpu.memref_slice %arg11[%add3A_143, %get3A_162] : memref<128x128xf32, #tpu.memory_space<vmem>> -> memref<1x128xf32, #tpu.memory_space<vmem>>
        %get3A_164 = tpu.memref_squeeze %get3A_163 : memref<1x128xf32, #tpu.memory_space<vmem>> -> memref<128xf32, #tpu.memory_space<vmem>>
        %get3A_165 = arith.constant 48 : index
        %get3A_166 = tpu.vector_load %get3A_164[%get3A_165] {strides = array<i32>} : memref<128xf32, #tpu.memory_space<vmem>>, vector<16xf32>,
        %add3A_167 = arith.constant 16 : i32
        %add3A_168 = vector.broadcast %add3A_167 : i32 to vector<16xi32>
        %add3A_169 = arith.addi %gather3A_147, %add3A_168 : vector<16xi32>
        %add3A_170 = arith.addi %add3A_169, %iota3A : vector<16xi32>
        %mul3A_171 = arith.mulf %get3A_166, %get3A_151 : vector<16xf32>
        tpu.vector_store_idx %arg12[%add3A_170], %mul3A_171 {add = true} : memref<65536xf32, #tpu.memory_space<vmem>>[vector<16xi32>], vector<16xf32>,
        %mul3A_172 = arith.constant 16 : i32
        %mul3A_173 = arith.muli %scan3A_102, %mul3A_172 : i32
        %add3A_174 = arith.constant 2 : i32
        %add3A_175 = arith.addi %mul3A_173, %add3A_174 : i32
        %broadcast_in_dim3A_176 = arith.constant 2 : i32
        %broadcast_in_dim3A_177 = vector.broadcast %broadcast_in_dim3A_176 : i32 to vector<16x1xi32>
        %gather3A_178 = vector.shape_cast %broadcast_in_dim3A_177 : vector<16x1xi32> to vector<16xi32>
        %gather3A_179 = tpu.dynamic_gather %mul3A_109[%gather3A_178] in [0] : vector<16xi32>, vector<16xi32> -> vector<16xi32>
        %mul3A_180 = arith.constant 16 : i32
        %mul3A_181 = arith.muli %add3A_175, %mul3A_180 : i32
        %get3A_182 = arith.index_cast %mul3A_181 : i32 to index
        %get3A_183 = tpu.vector_load %arg10[%get3A_182] {strides = array<i32>} : memref<2048xf32, #tpu.memory_space<vmem>>, vector<16xf32>,
        %get3A_184 = arith.constant 0 : i32
        %get3A_185 = tpu.memref_slice %arg11[%add3A_175, %get3A_184] : memref<128x128xf32, #tpu.memory_space<vmem>> -> memref<1x128xf32, #tpu.memory_space<vmem>>
        %get3A_186 = tpu.memref_squeeze %get3A_185 : memref<1x128xf32, #tpu.memory_space<vmem>> -> memref<128xf32, #tpu.memory_space<vmem>>
        %get3A_187 = arith.constant 32 : index
        %get3A_188 = tpu.vector_load %get3A_186[%get3A_187] {strides = array<i32>} : memref<128xf32, #tpu.memory_space<vmem>>, vector<16xf32>,
        %add3A_189 = arith.constant 0 : i32
        %add3A_190 = vector.broadcast %add3A_189 : i32 to vector<16xi32>
        %add3A_191 = arith.addi %gather3A_179, %add3A_190 : vector<16xi32>
        %add3A_192 = arith.addi %add3A_191, %iota3A : vector<16xi32>
        %mul3A_193 = arith.mulf %get3A_188, %get3A_183 : vector<16xf32>
        tpu.vector_store_idx %arg12[%add3A_192], %mul3A_193 {add = true} : memref<65536xf32, #tpu.memory_space<vmem>>[vector<16xi32>], vector<16xf32>,
        %get3A_194 = arith.constant 0 : i32
        %get3A_195 = tpu.memref_slice %arg11[%add3A_175, %get3A_194] : memref<128x128xf32, #tpu.memory_space<vmem>> -> memref<1x128xf32, #tpu.memory_space<vmem>>
        %get3A_196 = tpu.memref_squeeze %get3A_195 : memref<1x128xf32, #tpu.memory_space<vmem>> -> memref<128xf32, #tpu.memory_space<vmem>>
        %get3A_197 = arith.constant 48 : index
        %get3A_198 = tpu.vector_load %get3A_196[%get3A_197] {strides = array<i32>} : memref<128xf32, #tpu.memory_space<vmem>>, vector<16xf32>,
        %add3A_199 = arith.constant 16 : i32
        %add3A_200 = vector.broadcast %add3A_199 : i32 to vector<16xi32>
        %add3A_201 = arith.addi %gather3A_179, %add3A_200 : vector<16xi32>
        %add3A_202 = arith.addi %add3A_201, %iota3A : vector<16xi32>
        %mul3A_203 = arith.mulf %get3A_198, %get3A_183 : vector<16xf32>
        tpu.vector_store_idx %arg12[%add3A_202], %mul3A_203 {add = true} : memref<65536xf32, #tpu.memory_space<vmem>>[vector<16xi32>], vector<16xf32>,
        %mul3A_204 = arith.constant 16 : i32
        %mul3A_205 = arith.muli %scan3A_102, %mul3A_204 : i32
        %add3A_206 = arith.constant 3 : i32
        %add3A_207 = arith.addi %mul3A_205, %add3A_206 : i32
        %broadcast_in_dim3A_208 = arith.constant 3 : i32
        %broadcast_in_dim3A_209 = vector.broadcast %broadcast_in_dim3A_208 : i32 to vector<16x1xi32>
        %gather3A_210 = vector.shape_cast %broadcast_in_dim3A_209 : vector<16x1xi32> to vector<16xi32>
        %gather3A_211 = tpu.dynamic_gather %mul3A_109[%gather3A_210] in [0] : vector<16xi32>, vector<16xi32> -> vector<16xi32>
        %mul3A_212 = arith.constant 16 : i32
        %mul3A_213 = arith.muli %add3A_207, %mul3A_212 : i32
        %get3A_214 = arith.index_cast %mul3A_213 : i32 to index
        %get3A_215 = tpu.vector_load %arg10[%get3A_214] {strides = array<i32>} : memref<2048xf32, #tpu.memory_space<vmem>>, vector<16xf32>,
        %get3A_216 = arith.constant 0 : i32
        %get3A_217 = tpu.memref_slice %arg11[%add3A_207, %get3A_216] : memref<128x128xf32, #tpu.memory_space<vmem>> -> memref<1x128xf32, #tpu.memory_space<vmem>>
        %get3A_218 = tpu.memref_squeeze %get3A_217 : memref<1x128xf32, #tpu.memory_space<vmem>> -> memref<128xf32, #tpu.memory_space<vmem>>
        %get3A_219 = arith.constant 32 : index
        %get3A_220 = tpu.vector_load %get3A_218[%get3A_219] {strides = array<i32>} : memref<128xf32, #tpu.memory_space<vmem>>, vector<16xf32>,
        %add3A_221 = arith.constant 0 : i32
        %add3A_222 = vector.broadcast %add3A_221 : i32 to vector<16xi32>
        %add3A_223 = arith.addi %gather3A_211, %add3A_222 : vector<16xi32>
        %add3A_224 = arith.addi %add3A_223, %iota3A : vector<16xi32>
        %mul3A_225 = arith.mulf %get3A_220, %get3A_215 : vector<16xf32>
        tpu.vector_store_idx %arg12[%add3A_224], %mul3A_225 {add = true} : memref<65536xf32, #tpu.memory_space<vmem>>[vector<16xi32>], vector<16xf32>,
        %get3A_226 = arith.constant 0 : i32
        %get3A_227 = tpu.memref_slice %arg11[%add3A_207, %get3A_226] : memref<128x128xf32, #tpu.memory_space<vmem>> -> memref<1x128xf32, #tpu.memory_space<vmem>>
        %get3A_228 = tpu.memref_squeeze %get3A_227 : memref<1x128xf32, #tpu.memory_space<vmem>> -> memref<128xf32, #tpu.memory_space<vmem>>
        %get3A_229 = arith.constant 48 : index
        %get3A_230 = tpu.vector_load %get3A_228[%get3A_229] {strides = array<i32>} : memref<128xf32, #tpu.memory_space<vmem>>, vector<16xf32>,
        %add3A_231 = arith.constant 16 : i32
        %add3A_232 = vector.broadcast %add3A_231 : i32 to vector<16xi32>
        %add3A_233 = arith.addi %gather3A_211, %add3A_232 : vector<16xi32>
        %add3A_234 = arith.addi %add3A_233, %iota3A : vector<16xi32>
        %mul3A_235 = arith.mulf %get3A_230, %get3A_215 : vector<16xf32>
        tpu.vector_store_idx %arg12[%add3A_234], %mul3A_235 {add = true} : memref<65536xf32, #tpu.memory_space<vmem>>[vector<16xi32>], vector<16xf32>,
        %mul3A_236 = arith.constant 16 : i32
        %mul3A_237 = arith.muli %scan3A_102, %mul3A_236 : i32
        %add3A_238 = arith.constant 4 : i32
        %add3A_239 = arith.addi %mul3A_237, %add3A_238 : i32
        %broadcast_in_dim3A_240 = arith.constant 4 : i32
        %broadcast_in_dim3A_241 = vector.broadcast %broadcast_in_dim3A_240 : i32 to vector<16x1xi32>
        %gather3A_242 = vector.shape_cast %broadcast_in_dim3A_241 : vector<16x1xi32> to vector<16xi32>
        %gather3A_243 = tpu.dynamic_gather %mul3A_109[%gather3A_242] in [0] : vector<16xi32>, vector<16xi32> -> vector<16xi32>
        %mul3A_244 = arith.constant 16 : i32
        %mul3A_245 = arith.muli %add3A_239, %mul3A_244 : i32
        %get3A_246 = arith.index_cast %mul3A_245 : i32 to index
        %get3A_247 = tpu.vector_load %arg10[%get3A_246] {strides = array<i32>} : memref<2048xf32, #tpu.memory_space<vmem>>, vector<16xf32>,
        %get3A_248 = arith.constant 0 : i32
        %get3A_249 = tpu.memref_slice %arg11[%add3A_239, %get3A_248] : memref<128x128xf32, #tpu.memory_space<vmem>> -> memref<1x128xf32, #tpu.memory_space<vmem>>
        %get3A_250 = tpu.memref_squeeze %get3A_249 : memref<1x128xf32, #tpu.memory_space<vmem>> -> memref<128xf32, #tpu.memory_space<vmem>>
        %get3A_251 = arith.constant 32 : index
        %get3A_252 = tpu.vector_load %get3A_250[%get3A_251] {strides = array<i32>} : memref<128xf32, #tpu.memory_space<vmem>>, vector<16xf32>,
        %add3A_253 = arith.constant 0 : i32
        %add3A_254 = vector.broadcast %add3A_253 : i32 to vector<16xi32>
        %add3A_255 = arith.addi %gather3A_243, %add3A_254 : vector<16xi32>
        %add3A_256 = arith.addi %add3A_255, %iota3A : vector<16xi32>
        %mul3A_257 = arith.mulf %get3A_252, %get3A_247 : vector<16xf32>
        tpu.vector_store_idx %arg12[%add3A_256], %mul3A_257 {add = true} : memref<65536xf32, #tpu.memory_space<vmem>>[vector<16xi32>], vector<16xf32>,
        %get3A_258 = arith.constant 0 : i32
        %get3A_259 = tpu.memref_slice %arg11[%add3A_239, %get3A_258] : memref<128x128xf32, #tpu.memory_space<vmem>> -> memref<1x128xf32, #tpu.memory_space<vmem>>
        %get3A_260 = tpu.memref_squeeze %get3A_259 : memref<1x128xf32, #tpu.memory_space<vmem>> -> memref<128xf32, #tpu.memory_space<vmem>>
        %get3A_261 = arith.constant 48 : index
        %get3A_262 = tpu.vector_load %get3A_260[%get3A_261] {strides = array<i32>} : memref<128xf32, #tpu.memory_space<vmem>>, vector<16xf32>,
        %add3A_263 = arith.constant 16 : i32
        %add3A_264 = vector.broadcast %add3A_263 : i32 to vector<16xi32>
        %add3A_265 = arith.addi %gather3A_243, %add3A_264 : vector<16xi32>
        %add3A_266 = arith.addi %add3A_265, %iota3A : vector<16xi32>
        %mul3A_267 = arith.mulf %get3A_262, %get3A_247 : vector<16xf32>
        tpu.vector_store_idx %arg12[%add3A_266], %mul3A_267 {add = true} : memref<65536xf32, #tpu.memory_space<vmem>>[vector<16xi32>], vector<16xf32>,
        %mul3A_268 = arith.constant 16 : i32
        %mul3A_269 = arith.muli %scan3A_102, %mul3A_268 : i32
        %add3A_270 = arith.constant 5 : i32
        %add3A_271 = arith.addi %mul3A_269, %add3A_270 : i32
        %broadcast_in_dim3A_272 = arith.constant 5 : i32
        %broadcast_in_dim3A_273 = vector.broadcast %broadcast_in_dim3A_272 : i32 to vector<16x1xi32>
        %gather3A_274 = vector.shape_cast %broadcast_in_dim3A_273 : vector<16x1xi32> to vector<16xi32>
        %gather3A_275 = tpu.dynamic_gather %mul3A_109[%gather3A_274] in [0] : vector<16xi32>, vector<16xi32> -> vector<16xi32>
        %mul3A_276 = arith.constant 16 : i32
        %mul3A_277 = arith.muli %add3A_271, %mul3A_276 : i32
        %get3A_278 = arith.index_cast %mul3A_277 : i32 to index
        %get3A_279 = tpu.vector_load %arg10[%get3A_278] {strides = array<i32>} : memref<2048xf32, #tpu.memory_space<vmem>>, vector<16xf32>,
        %get3A_280 = arith.constant 0 : i32
        %get3A_281 = tpu.memref_slice %arg11[%add3A_271, %get3A_280] : memref<128x128xf32, #tpu.memory_space<vmem>> -> memref<1x128xf32, #tpu.memory_space<vmem>>
        %get3A_282 = tpu.memref_squeeze %get3A_281 : memref<1x128xf32, #tpu.memory_space<vmem>> -> memref<128xf32, #tpu.memory_space<vmem>>
        %get3A_283 = arith.constant 32 : index
        %get3A_284 = tpu.vector_load %get3A_282[%get3A_283] {strides = array<i32>} : memref<128xf32, #tpu.memory_space<vmem>>, vector<16xf32>,
        %add3A_285 = arith.constant 0 : i32
        %add3A_286 = vector.broadcast %add3A_285 : i32 to vector<16xi32>
        %add3A_287 = arith.addi %gather3A_275, %add3A_286 : vector<16xi32>
        %add3A_288 = arith.addi %add3A_287, %iota3A : vector<16xi32>
        %mul3A_289 = arith.mulf %get3A_284, %get3A_279 : vector<16xf32>
        tpu.vector_store_idx %arg12[%add3A_288], %mul3A_289 {add = true} : memref<65536xf32, #tpu.memory_space<vmem>>[vector<16xi32>], vector<16xf32>,
        %get3A_290 = arith.constant 0 : i32
        %get3A_291 = tpu.memref_slice %arg11[%add3A_271, %get3A_290] : memref<128x128xf32, #tpu.memory_space<vmem>> -> memref<1x128xf32, #tpu.memory_space<vmem>>
        %get3A_292 = tpu.memref_squeeze %get3A_291 : memref<1x128xf32, #tpu.memory_space<vmem>> -> memref<128xf32, #tpu.memory_space<vmem>>
        %get3A_293 = arith.constant 48 : index
        %get3A_294 = tpu.vector_load %get3A_292[%get3A_293] {strides = array<i32>} : memref<128xf32, #tpu.memory_space<vmem>>, vector<16xf32>,
        %add3A_295 = arith.constant 16 : i32
        %add3A_296 = vector.broadcast %add3A_295 : i32 to vector<16xi32>
        %add3A_297 = arith.addi %gather3A_275, %add3A_296 : vector<16xi32>
        %add3A_298 = arith.addi %add3A_297, %iota3A : vector<16xi32>
        %mul3A_299 = arith.mulf %get3A_294, %get3A_279 : vector<16xf32>
        tpu.vector_store_idx %arg12[%add3A_298], %mul3A_299 {add = true} : memref<65536xf32, #tpu.memory_space<vmem>>[vector<16xi32>], vector<16xf32>,
        %mul3A_300 = arith.constant 16 : i32
        %mul3A_301 = arith.muli %scan3A_102, %mul3A_300 : i32
        %add3A_302 = arith.constant 6 : i32
        %add3A_303 = arith.addi %mul3A_301, %add3A_302 : i32
        %broadcast_in_dim3A_304 = arith.constant 6 : i32
        %broadcast_in_dim3A_305 = vector.broadcast %broadcast_in_dim3A_304 : i32 to vector<16x1xi32>
        %gather3A_306 = vector.shape_cast %broadcast_in_dim3A_305 : vector<16x1xi32> to vector<16xi32>
        %gather3A_307 = tpu.dynamic_gather %mul3A_109[%gather3A_306] in [0] : vector<16xi32>, vector<16xi32> -> vector<16xi32>
        %mul3A_308 = arith.constant 16 : i32
        %mul3A_309 = arith.muli %add3A_303, %mul3A_308 : i32
        %get3A_310 = arith.index_cast %mul3A_309 : i32 to index
        %get3A_311 = tpu.vector_load %arg10[%get3A_310] {strides = array<i32>} : memref<2048xf32, #tpu.memory_space<vmem>>, vector<16xf32>,
        %get3A_312 = arith.constant 0 : i32
        %get3A_313 = tpu.memref_slice %arg11[%add3A_303, %get3A_312] : memref<128x128xf32, #tpu.memory_space<vmem>> -> memref<1x128xf32, #tpu.memory_space<vmem>>
        %get3A_314 = tpu.memref_squeeze %get3A_313 : memref<1x128xf32, #tpu.memory_space<vmem>> -> memref<128xf32, #tpu.memory_space<vmem>>
        %get3A_315 = arith.constant 32 : index
        %get3A_316 = tpu.vector_load %get3A_314[%get3A_315] {strides = array<i32>} : memref<128xf32, #tpu.memory_space<vmem>>, vector<16xf32>,
        %add3A_317 = arith.constant 0 : i32
        %add3A_318 = vector.broadcast %add3A_317 : i32 to vector<16xi32>
        %add3A_319 = arith.addi %gather3A_307, %add3A_318 : vector<16xi32>
        %add3A_320 = arith.addi %add3A_319, %iota3A : vector<16xi32>
        %mul3A_321 = arith.mulf %get3A_316, %get3A_311 : vector<16xf32>
        tpu.vector_store_idx %arg12[%add3A_320], %mul3A_321 {add = true} : memref<65536xf32, #tpu.memory_space<vmem>>[vector<16xi32>], vector<16xf32>,
        %get3A_322 = arith.constant 0 : i32
        %get3A_323 = tpu.memref_slice %arg11[%add3A_303, %get3A_322] : memref<128x128xf32, #tpu.memory_space<vmem>> -> memref<1x128xf32, #tpu.memory_space<vmem>>
        %get3A_324 = tpu.memref_squeeze %get3A_323 : memref<1x128xf32, #tpu.memory_space<vmem>> -> memref<128xf32, #tpu.memory_space<vmem>>
        %get3A_325 = arith.constant 48 : index
        %get3A_326 = tpu.vector_load %get3A_324[%get3A_325] {strides = array<i32>} : memref<128xf32, #tpu.memory_space<vmem>>, vector<16xf32>,
        %add3A_327 = arith.constant 16 : i32
        %add3A_328 = vector.broadcast %add3A_327 : i32 to vector<16xi32>
        %add3A_329 = arith.addi %gather3A_307, %add3A_328 : vector<16xi32>
        %add3A_330 = arith.addi %add3A_329, %iota3A : vector<16xi32>
        %mul3A_331 = arith.mulf %get3A_326, %get3A_311 : vector<16xf32>
        tpu.vector_store_idx %arg12[%add3A_330], %mul3A_331 {add = true} : memref<65536xf32, #tpu.memory_space<vmem>>[vector<16xi32>], vector<16xf32>,
        %mul3A_332 = arith.constant 16 : i32
        %mul3A_333 = arith.muli %scan3A_102, %mul3A_332 : i32
        %add3A_334 = arith.constant 7 : i32
        %add3A_335 = arith.addi %mul3A_333, %add3A_334 : i32
        %broadcast_in_dim3A_336 = arith.constant 7 : i32
        %broadcast_in_dim3A_337 = vector.broadcast %broadcast_in_dim3A_336 : i32 to vector<16x1xi32>
        %gather3A_338 = vector.shape_cast %broadcast_in_dim3A_337 : vector<16x1xi32> to vector<16xi32>
        %gather3A_339 = tpu.dynamic_gather %mul3A_109[%gather3A_338] in [0] : vector<16xi32>, vector<16xi32> -> vector<16xi32>
        %mul3A_340 = arith.constant 16 : i32
        %mul3A_341 = arith.muli %add3A_335, %mul3A_340 : i32
        %get3A_342 = arith.index_cast %mul3A_341 : i32 to index
        %get3A_343 = tpu.vector_load %arg10[%get3A_342] {strides = array<i32>} : memref<2048xf32, #tpu.memory_space<vmem>>, vector<16xf32>,
        %get3A_344 = arith.constant 0 : i32
        %get3A_345 = tpu.memref_slice %arg11[%add3A_335, %get3A_344] : memref<128x128xf32, #tpu.memory_space<vmem>> -> memref<1x128xf32, #tpu.memory_space<vmem>>
        %get3A_346 = tpu.memref_squeeze %get3A_345 : memref<1x128xf32, #tpu.memory_space<vmem>> -> memref<128xf32, #tpu.memory_space<vmem>>
        %get3A_347 = arith.constant 32 : index
        %get3A_348 = tpu.vector_load %get3A_346[%get3A_347] {strides = array<i32>} : memref<128xf32, #tpu.memory_space<vmem>>, vector<16xf32>,
        %add3A_349 = arith.constant 0 : i32
        %add3A_350 = vector.broadcast %add3A_349 : i32 to vector<16xi32>
        %add3A_351 = arith.addi %gather3A_339, %add3A_350 : vector<16xi32>
        %add3A_352 = arith.addi %add3A_351, %iota3A : vector<16xi32>
        %mul3A_353 = arith.mulf %get3A_348, %get3A_343 : vector<16xf32>
        tpu.vector_store_idx %arg12[%add3A_352], %mul3A_353 {add = true} : memref<65536xf32, #tpu.memory_space<vmem>>[vector<16xi32>], vector<16xf32>,
        %get3A_354 = arith.constant 0 : i32
        %get3A_355 = tpu.memref_slice %arg11[%add3A_335, %get3A_354] : memref<128x128xf32, #tpu.memory_space<vmem>> -> memref<1x128xf32, #tpu.memory_space<vmem>>
        %get3A_356 = tpu.memref_squeeze %get3A_355 : memref<1x128xf32, #tpu.memory_space<vmem>> -> memref<128xf32, #tpu.memory_space<vmem>>
        %get3A_357 = arith.constant 48 : index
        %get3A_358 = tpu.vector_load %get3A_356[%get3A_357] {strides = array<i32>} : memref<128xf32, #tpu.memory_space<vmem>>, vector<16xf32>,
        %add3A_359 = arith.constant 16 : i32
        %add3A_360 = vector.broadcast %add3A_359 : i32 to vector<16xi32>
        %add3A_361 = arith.addi %gather3A_339, %add3A_360 : vector<16xi32>
        %add3A_362 = arith.addi %add3A_361, %iota3A : vector<16xi32>
        %mul3A_363 = arith.mulf %get3A_358, %get3A_343 : vector<16xf32>
        tpu.vector_store_idx %arg12[%add3A_362], %mul3A_363 {add = true} : memref<65536xf32, #tpu.memory_space<vmem>>[vector<16xi32>], vector<16xf32>,
        %mul3A_364 = arith.constant 16 : i32
        %mul3A_365 = arith.muli %scan3A_102, %mul3A_364 : i32
        %add3A_366 = arith.constant 8 : i32
        %add3A_367 = arith.addi %mul3A_365, %add3A_366 : i32
        %broadcast_in_dim3A_368 = arith.constant 8 : i32
        %broadcast_in_dim3A_369 = vector.broadcast %broadcast_in_dim3A_368 : i32 to vector<16x1xi32>
        %gather3A_370 = vector.shape_cast %broadcast_in_dim3A_369 : vector<16x1xi32> to vector<16xi32>
        %gather3A_371 = tpu.dynamic_gather %mul3A_109[%gather3A_370] in [0] : vector<16xi32>, vector<16xi32> -> vector<16xi32>
        %mul3A_372 = arith.constant 16 : i32
        %mul3A_373 = arith.muli %add3A_367, %mul3A_372 : i32
        %get3A_374 = arith.index_cast %mul3A_373 : i32 to index
        %get3A_375 = tpu.vector_load %arg10[%get3A_374] {strides = array<i32>} : memref<2048xf32, #tpu.memory_space<vmem>>, vector<16xf32>,
        %get3A_376 = arith.constant 0 : i32
        %get3A_377 = tpu.memref_slice %arg11[%add3A_367, %get3A_376] : memref<128x128xf32, #tpu.memory_space<vmem>> -> memref<1x128xf32, #tpu.memory_space<vmem>>
        %get3A_378 = tpu.memref_squeeze %get3A_377 : memref<1x128xf32, #tpu.memory_space<vmem>> -> memref<128xf32, #tpu.memory_space<vmem>>
        %get3A_379 = arith.constant 32 : index
        %get3A_380 = tpu.vector_load %get3A_378[%get3A_379] {strides = array<i32>} : memref<128xf32, #tpu.memory_space<vmem>>, vector<16xf32>,
        %add3A_381 = arith.constant 0 : i32
        %add3A_382 = vector.broadcast %add3A_381 : i32 to vector<16xi32>
        %add3A_383 = arith.addi %gather3A_371, %add3A_382 : vector<16xi32>
        %add3A_384 = arith.addi %add3A_383, %iota3A : vector<16xi32>
        %mul3A_385 = arith.mulf %get3A_380, %get3A_375 : vector<16xf32>
        tpu.vector_store_idx %arg12[%add3A_384], %mul3A_385 {add = true} : memref<65536xf32, #tpu.memory_space<vmem>>[vector<16xi32>], vector<16xf32>,
        %get3A_386 = arith.constant 0 : i32
        %get3A_387 = tpu.memref_slice %arg11[%add3A_367, %get3A_386] : memref<128x128xf32, #tpu.memory_space<vmem>> -> memref<1x128xf32, #tpu.memory_space<vmem>>
        %get3A_388 = tpu.memref_squeeze %get3A_387 : memref<1x128xf32, #tpu.memory_space<vmem>> -> memref<128xf32, #tpu.memory_space<vmem>>
        %get3A_389 = arith.constant 48 : index
        %get3A_390 = tpu.vector_load %get3A_388[%get3A_389] {strides = array<i32>} : memref<128xf32, #tpu.memory_space<vmem>>, vector<16xf32>,
        %add3A_391 = arith.constant 16 : i32
        %add3A_392 = vector.broadcast %add3A_391 : i32 to vector<16xi32>
        %add3A_393 = arith.addi %gather3A_371, %add3A_392 : vector<16xi32>
        %add3A_394 = arith.addi %add3A_393, %iota3A : vector<16xi32>
        %mul3A_395 = arith.mulf %get3A_390, %get3A_375 : vector<16xf32>
        tpu.vector_store_idx %arg12[%add3A_394], %mul3A_395 {add = true} : memref<65536xf32, #tpu.memory_space<vmem>>[vector<16xi32>], vector<16xf32>,
        %mul3A_396 = arith.constant 16 : i32
        %mul3A_397 = arith.muli %scan3A_102, %mul3A_396 : i32
        %add3A_398 = arith.constant 9 : i32
        %add3A_399 = arith.addi %mul3A_397, %add3A_398 : i32
        %broadcast_in_dim3A_400 = arith.constant 9 : i32
        %broadcast_in_dim3A_401 = vector.broadcast %broadcast_in_dim3A_400 : i32 to vector<16x1xi32>
        %gather3A_402 = vector.shape_cast %broadcast_in_dim3A_401 : vector<16x1xi32> to vector<16xi32>
        %gather3A_403 = tpu.dynamic_gather %mul3A_109[%gather3A_402] in [0] : vector<16xi32>, vector<16xi32> -> vector<16xi32>
        %mul3A_404 = arith.constant 16 : i32
        %mul3A_405 = arith.muli %add3A_399, %mul3A_404 : i32
        %get3A_406 = arith.index_cast %mul3A_405 : i32 to index
        %get3A_407 = tpu.vector_load %arg10[%get3A_406] {strides = array<i32>} : memref<2048xf32, #tpu.memory_space<vmem>>, vector<16xf32>,
        %get3A_408 = arith.constant 0 : i32
        %get3A_409 = tpu.memref_slice %arg11[%add3A_399, %get3A_408] : memref<128x128xf32, #tpu.memory_space<vmem>> -> memref<1x128xf32, #tpu.memory_space<vmem>>
        %get3A_410 = tpu.memref_squeeze %get3A_409 : memref<1x128xf32, #tpu.memory_space<vmem>> -> memref<128xf32, #tpu.memory_space<vmem>>
        %get3A_411 = arith.constant 32 : index
        %get3A_412 = tpu.vector_load %get3A_410[%get3A_411] {strides = array<i32>} : memref<128xf32, #tpu.memory_space<vmem>>, vector<16xf32>,
        %add3A_413 = arith.constant 0 : i32
        %add3A_414 = vector.broadcast %add3A_413 : i32 to vector<16xi32>
        %add3A_415 = arith.addi %gather3A_403, %add3A_414 : vector<16xi32>
        %add3A_416 = arith.addi %add3A_415, %iota3A : vector<16xi32>
        %mul3A_417 = arith.mulf %get3A_412, %get3A_407 : vector<16xf32>
        tpu.vector_store_idx %arg12[%add3A_416], %mul3A_417 {add = true} : memref<65536xf32, #tpu.memory_space<vmem>>[vector<16xi32>], vector<16xf32>,
        %get3A_418 = arith.constant 0 : i32
        %get3A_419 = tpu.memref_slice %arg11[%add3A_399, %get3A_418] : memref<128x128xf32, #tpu.memory_space<vmem>> -> memref<1x128xf32, #tpu.memory_space<vmem>>
        %get3A_420 = tpu.memref_squeeze %get3A_419 : memref<1x128xf32, #tpu.memory_space<vmem>> -> memref<128xf32, #tpu.memory_space<vmem>>
        %get3A_421 = arith.constant 48 : index
        %get3A_422 = tpu.vector_load %get3A_420[%get3A_421] {strides = array<i32>} : memref<128xf32, #tpu.memory_space<vmem>>, vector<16xf32>,
        %add3A_423 = arith.constant 16 : i32
        %add3A_424 = vector.broadcast %add3A_423 : i32 to vector<16xi32>
        %add3A_425 = arith.addi %gather3A_403, %add3A_424 : vector<16xi32>
        %add3A_426 = arith.addi %add3A_425, %iota3A : vector<16xi32>
        %mul3A_427 = arith.mulf %get3A_422, %get3A_407 : vector<16xf32>
        tpu.vector_store_idx %arg12[%add3A_426], %mul3A_427 {add = true} : memref<65536xf32, #tpu.memory_space<vmem>>[vector<16xi32>], vector<16xf32>,
        %mul3A_428 = arith.constant 16 : i32
        %mul3A_429 = arith.muli %scan3A_102, %mul3A_428 : i32
        %add3A_430 = arith.constant 10 : i32
        %add3A_431 = arith.addi %mul3A_429, %add3A_430 : i32
        %broadcast_in_dim3A_432 = arith.constant 10 : i32
        %broadcast_in_dim3A_433 = vector.broadcast %broadcast_in_dim3A_432 : i32 to vector<16x1xi32>
        %gather3A_434 = vector.shape_cast %broadcast_in_dim3A_433 : vector<16x1xi32> to vector<16xi32>
        %gather3A_435 = tpu.dynamic_gather %mul3A_109[%gather3A_434] in [0] : vector<16xi32>, vector<16xi32> -> vector<16xi32>
        %mul3A_436 = arith.constant 16 : i32
        %mul3A_437 = arith.muli %add3A_431, %mul3A_436 : i32
        %get3A_438 = arith.index_cast %mul3A_437 : i32 to index
        %get3A_439 = tpu.vector_load %arg10[%get3A_438] {strides = array<i32>} : memref<2048xf32, #tpu.memory_space<vmem>>, vector<16xf32>,
        %get3A_440 = arith.constant 0 : i32
        %get3A_441 = tpu.memref_slice %arg11[%add3A_431, %get3A_440] : memref<128x128xf32, #tpu.memory_space<vmem>> -> memref<1x128xf32, #tpu.memory_space<vmem>>
        %get3A_442 = tpu.memref_squeeze %get3A_441 : memref<1x128xf32, #tpu.memory_space<vmem>> -> memref<128xf32, #tpu.memory_space<vmem>>
        %get3A_443 = arith.constant 32 : index
        %get3A_444 = tpu.vector_load %get3A_442[%get3A_443] {strides = array<i32>} : memref<128xf32, #tpu.memory_space<vmem>>, vector<16xf32>,
        %add3A_445 = arith.constant 0 : i32
        %add3A_446 = vector.broadcast %add3A_445 : i32 to vector<16xi32>
        %add3A_447 = arith.addi %gather3A_435, %add3A_446 : vector<16xi32>
        %add3A_448 = arith.addi %add3A_447, %iota3A : vector<16xi32>
        %mul3A_449 = arith.mulf %get3A_444, %get3A_439 : vector<16xf32>
        tpu.vector_store_idx %arg12[%add3A_448], %mul3A_449 {add = true} : memref<65536xf32, #tpu.memory_space<vmem>>[vector<16xi32>], vector<16xf32>,
        %get3A_450 = arith.constant 0 : i32
        %get3A_451 = tpu.memref_slice %arg11[%add3A_431, %get3A_450] : memref<128x128xf32, #tpu.memory_space<vmem>> -> memref<1x128xf32, #tpu.memory_space<vmem>>
        %get3A_452 = tpu.memref_squeeze %get3A_451 : memref<1x128xf32, #tpu.memory_space<vmem>> -> memref<128xf32, #tpu.memory_space<vmem>>
        %get3A_453 = arith.constant 48 : index
        %get3A_454 = tpu.vector_load %get3A_452[%get3A_453] {strides = array<i32>} : memref<128xf32, #tpu.memory_space<vmem>>, vector<16xf32>,
        %add3A_455 = arith.constant 16 : i32
        %add3A_456 = vector.broadcast %add3A_455 : i32 to vector<16xi32>
        %add3A_457 = arith.addi %gather3A_435, %add3A_456 : vector<16xi32>
        %add3A_458 = arith.addi %add3A_457, %iota3A : vector<16xi32>
        %mul3A_459 = arith.mulf %get3A_454, %get3A_439 : vector<16xf32>
        tpu.vector_store_idx %arg12[%add3A_458], %mul3A_459 {add = true} : memref<65536xf32, #tpu.memory_space<vmem>>[vector<16xi32>], vector<16xf32>,
        %mul3A_460 = arith.constant 16 : i32
        %mul3A_461 = arith.muli %scan3A_102, %mul3A_460 : i32
        %add3A_462 = arith.constant 11 : i32
        %add3A_463 = arith.addi %mul3A_461, %add3A_462 : i32
        %broadcast_in_dim3A_464 = arith.constant 11 : i32
        %broadcast_in_dim3A_465 = vector.broadcast %broadcast_in_dim3A_464 : i32 to vector<16x1xi32>
        %gather3A_466 = vector.shape_cast %broadcast_in_dim3A_465 : vector<16x1xi32> to vector<16xi32>
        %gather3A_467 = tpu.dynamic_gather %mul3A_109[%gather3A_466] in [0] : vector<16xi32>, vector<16xi32> -> vector<16xi32>
        %mul3A_468 = arith.constant 16 : i32
        %mul3A_469 = arith.muli %add3A_463, %mul3A_468 : i32
        %get3A_470 = arith.index_cast %mul3A_469 : i32 to index
        %get3A_471 = tpu.vector_load %arg10[%get3A_470] {strides = array<i32>} : memref<2048xf32, #tpu.memory_space<vmem>>, vector<16xf32>,
        %get3A_472 = arith.constant 0 : i32
        %get3A_473 = tpu.memref_slice %arg11[%add3A_463, %get3A_472] : memref<128x128xf32, #tpu.memory_space<vmem>> -> memref<1x128xf32, #tpu.memory_space<vmem>>
        %get3A_474 = tpu.memref_squeeze %get3A_473 : memref<1x128xf32, #tpu.memory_space<vmem>> -> memref<128xf32, #tpu.memory_space<vmem>>
        %get3A_475 = arith.constant 32 : index
        %get3A_476 = tpu.vector_load %get3A_474[%get3A_475] {strides = array<i32>} : memref<128xf32, #tpu.memory_space<vmem>>, vector<16xf32>,
        %add3A_477 = arith.constant 0 : i32
        %add3A_478 = vector.broadcast %add3A_477 : i32 to vector<16xi32>
        %add3A_479 = arith.addi %gather3A_467, %add3A_478 : vector<16xi32>
        %add3A_480 = arith.addi %add3A_479, %iota3A : vector<16xi32>
        %mul3A_481 = arith.mulf %get3A_476, %get3A_471 : vector<16xf32>
        tpu.vector_store_idx %arg12[%add3A_480], %mul3A_481 {add = true} : memref<65536xf32, #tpu.memory_space<vmem>>[vector<16xi32>], vector<16xf32>,
        %get3A_482 = arith.constant 0 : i32
        %get3A_483 = tpu.memref_slice %arg11[%add3A_463, %get3A_482] : memref<128x128xf32, #tpu.memory_space<vmem>> -> memref<1x128xf32, #tpu.memory_space<vmem>>
        %get3A_484 = tpu.memref_squeeze %get3A_483 : memref<1x128xf32, #tpu.memory_space<vmem>> -> memref<128xf32, #tpu.memory_space<vmem>>
        %get3A_485 = arith.constant 48 : index
        %get3A_486 = tpu.vector_load %get3A_484[%get3A_485] {strides = array<i32>} : memref<128xf32, #tpu.memory_space<vmem>>, vector<16xf32>,
        %add3A_487 = arith.constant 16 : i32
        %add3A_488 = vector.broadcast %add3A_487 : i32 to vector<16xi32>
        %add3A_489 = arith.addi %gather3A_467, %add3A_488 : vector<16xi32>
        %add3A_490 = arith.addi %add3A_489, %iota3A : vector<16xi32>
        %mul3A_491 = arith.mulf %get3A_486, %get3A_471 : vector<16xf32>
        tpu.vector_store_idx %arg12[%add3A_490], %mul3A_491 {add = true} : memref<65536xf32, #tpu.memory_space<vmem>>[vector<16xi32>], vector<16xf32>,
        %mul3A_492 = arith.constant 16 : i32
        %mul3A_493 = arith.muli %scan3A_102, %mul3A_492 : i32
        %add3A_494 = arith.constant 12 : i32
        %add3A_495 = arith.addi %mul3A_493, %add3A_494 : i32
        %broadcast_in_dim3A_496 = arith.constant 12 : i32
        %broadcast_in_dim3A_497 = vector.broadcast %broadcast_in_dim3A_496 : i32 to vector<16x1xi32>
        %gather3A_498 = vector.shape_cast %broadcast_in_dim3A_497 : vector<16x1xi32> to vector<16xi32>
        %gather3A_499 = tpu.dynamic_gather %mul3A_109[%gather3A_498] in [0] : vector<16xi32>, vector<16xi32> -> vector<16xi32>
        %mul3A_500 = arith.constant 16 : i32
        %mul3A_501 = arith.muli %add3A_495, %mul3A_500 : i32
        %get3A_502 = arith.index_cast %mul3A_501 : i32 to index
        %get3A_503 = tpu.vector_load %arg10[%get3A_502] {strides = array<i32>} : memref<2048xf32, #tpu.memory_space<vmem>>, vector<16xf32>,
        %get3A_504 = arith.constant 0 : i32
        %get3A_505 = tpu.memref_slice %arg11[%add3A_495, %get3A_504] : memref<128x128xf32, #tpu.memory_space<vmem>> -> memref<1x128xf32, #tpu.memory_space<vmem>>
        %get3A_506 = tpu.memref_squeeze %get3A_505 : memref<1x128xf32, #tpu.memory_space<vmem>> -> memref<128xf32, #tpu.memory_space<vmem>>
        %get3A_507 = arith.constant 32 : index
        %get3A_508 = tpu.vector_load %get3A_506[%get3A_507] {strides = array<i32>} : memref<128xf32, #tpu.memory_space<vmem>>, vector<16xf32>,
        %add3A_509 = arith.constant 0 : i32
        %add3A_510 = vector.broadcast %add3A_509 : i32 to vector<16xi32>
        %add3A_511 = arith.addi %gather3A_499, %add3A_510 : vector<16xi32>
        %add3A_512 = arith.addi %add3A_511, %iota3A : vector<16xi32>
        %mul3A_513 = arith.mulf %get3A_508, %get3A_503 : vector<16xf32>
        tpu.vector_store_idx %arg12[%add3A_512], %mul3A_513 {add = true} : memref<65536xf32, #tpu.memory_space<vmem>>[vector<16xi32>], vector<16xf32>,
        %get3A_514 = arith.constant 0 : i32
        %get3A_515 = tpu.memref_slice %arg11[%add3A_495, %get3A_514] : memref<128x128xf32, #tpu.memory_space<vmem>> -> memref<1x128xf32, #tpu.memory_space<vmem>>
        %get3A_516 = tpu.memref_squeeze %get3A_515 : memref<1x128xf32, #tpu.memory_space<vmem>> -> memref<128xf32, #tpu.memory_space<vmem>>
        %get3A_517 = arith.constant 48 : index
        %get3A_518 = tpu.vector_load %get3A_516[%get3A_517] {strides = array<i32>} : memref<128xf32, #tpu.memory_space<vmem>>, vector<16xf32>,
        %add3A_519 = arith.constant 16 : i32
        %add3A_520 = vector.broadcast %add3A_519 : i32 to vector<16xi32>
        %add3A_521 = arith.addi %gather3A_499, %add3A_520 : vector<16xi32>
        %add3A_522 = arith.addi %add3A_521, %iota3A : vector<16xi32>
        %mul3A_523 = arith.mulf %get3A_518, %get3A_503 : vector<16xf32>
        tpu.vector_store_idx %arg12[%add3A_522], %mul3A_523 {add = true} : memref<65536xf32, #tpu.memory_space<vmem>>[vector<16xi32>], vector<16xf32>,
        %mul3A_524 = arith.constant 16 : i32
        %mul3A_525 = arith.muli %scan3A_102, %mul3A_524 : i32
        %add3A_526 = arith.constant 13 : i32
        %add3A_527 = arith.addi %mul3A_525, %add3A_526 : i32
        %broadcast_in_dim3A_528 = arith.constant 13 : i32
        %broadcast_in_dim3A_529 = vector.broadcast %broadcast_in_dim3A_528 : i32 to vector<16x1xi32>
        %gather3A_530 = vector.shape_cast %broadcast_in_dim3A_529 : vector<16x1xi32> to vector<16xi32>
        %gather3A_531 = tpu.dynamic_gather %mul3A_109[%gather3A_530] in [0] : vector<16xi32>, vector<16xi32> -> vector<16xi32>
        %mul3A_532 = arith.constant 16 : i32
        %mul3A_533 = arith.muli %add3A_527, %mul3A_532 : i32
        %get3A_534 = arith.index_cast %mul3A_533 : i32 to index
        %get3A_535 = tpu.vector_load %arg10[%get3A_534] {strides = array<i32>} : memref<2048xf32, #tpu.memory_space<vmem>>, vector<16xf32>,
        %get3A_536 = arith.constant 0 : i32
        %get3A_537 = tpu.memref_slice %arg11[%add3A_527, %get3A_536] : memref<128x128xf32, #tpu.memory_space<vmem>> -> memref<1x128xf32, #tpu.memory_space<vmem>>
        %get3A_538 = tpu.memref_squeeze %get3A_537 : memref<1x128xf32, #tpu.memory_space<vmem>> -> memref<128xf32, #tpu.memory_space<vmem>>
        %get3A_539 = arith.constant 32 : index
        %get3A_540 = tpu.vector_load %get3A_538[%get3A_539] {strides = array<i32>} : memref<128xf32, #tpu.memory_space<vmem>>, vector<16xf32>,
        %add3A_541 = arith.constant 0 : i32
        %add3A_542 = vector.broadcast %add3A_541 : i32 to vector<16xi32>
        %add3A_543 = arith.addi %gather3A_531, %add3A_542 : vector<16xi32>
        %add3A_544 = arith.addi %add3A_543, %iota3A : vector<16xi32>
        %mul3A_545 = arith.mulf %get3A_540, %get3A_535 : vector<16xf32>
        tpu.vector_store_idx %arg12[%add3A_544], %mul3A_545 {add = true} : memref<65536xf32, #tpu.memory_space<vmem>>[vector<16xi32>], vector<16xf32>,
        %get3A_546 = arith.constant 0 : i32
        %get3A_547 = tpu.memref_slice %arg11[%add3A_527, %get3A_546] : memref<128x128xf32, #tpu.memory_space<vmem>> -> memref<1x128xf32, #tpu.memory_space<vmem>>
        %get3A_548 = tpu.memref_squeeze %get3A_547 : memref<1x128xf32, #tpu.memory_space<vmem>> -> memref<128xf32, #tpu.memory_space<vmem>>
        %get3A_549 = arith.constant 48 : index
        %get3A_550 = tpu.vector_load %get3A_548[%get3A_549] {strides = array<i32>} : memref<128xf32, #tpu.memory_space<vmem>>, vector<16xf32>,
        %add3A_551 = arith.constant 16 : i32
        %add3A_552 = vector.broadcast %add3A_551 : i32 to vector<16xi32>
        %add3A_553 = arith.addi %gather3A_531, %add3A_552 : vector<16xi32>
        %add3A_554 = arith.addi %add3A_553, %iota3A : vector<16xi32>
        %mul3A_555 = arith.mulf %get3A_550, %get3A_535 : vector<16xf32>
        tpu.vector_store_idx %arg12[%add3A_554], %mul3A_555 {add = true} : memref<65536xf32, #tpu.memory_space<vmem>>[vector<16xi32>], vector<16xf32>,
        %mul3A_556 = arith.constant 16 : i32
        %mul3A_557 = arith.muli %scan3A_102, %mul3A_556 : i32
        %add3A_558 = arith.constant 14 : i32
        %add3A_559 = arith.addi %mul3A_557, %add3A_558 : i32
        %broadcast_in_dim3A_560 = arith.constant 14 : i32
        %broadcast_in_dim3A_561 = vector.broadcast %broadcast_in_dim3A_560 : i32 to vector<16x1xi32>
        %gather3A_562 = vector.shape_cast %broadcast_in_dim3A_561 : vector<16x1xi32> to vector<16xi32>
        %gather3A_563 = tpu.dynamic_gather %mul3A_109[%gather3A_562] in [0] : vector<16xi32>, vector<16xi32> -> vector<16xi32>
        %mul3A_564 = arith.constant 16 : i32
        %mul3A_565 = arith.muli %add3A_559, %mul3A_564 : i32
        %get3A_566 = arith.index_cast %mul3A_565 : i32 to index
        %get3A_567 = tpu.vector_load %arg10[%get3A_566] {strides = array<i32>} : memref<2048xf32, #tpu.memory_space<vmem>>, vector<16xf32>,
        %get3A_568 = arith.constant 0 : i32
        %get3A_569 = tpu.memref_slice %arg11[%add3A_559, %get3A_568] : memref<128x128xf32, #tpu.memory_space<vmem>> -> memref<1x128xf32, #tpu.memory_space<vmem>>
        %get3A_570 = tpu.memref_squeeze %get3A_569 : memref<1x128xf32, #tpu.memory_space<vmem>> -> memref<128xf32, #tpu.memory_space<vmem>>
        %get3A_571 = arith.constant 32 : index
        %get3A_572 = tpu.vector_load %get3A_570[%get3A_571] {strides = array<i32>} : memref<128xf32, #tpu.memory_space<vmem>>, vector<16xf32>,
        %add3A_573 = arith.constant 0 : i32
        %add3A_574 = vector.broadcast %add3A_573 : i32 to vector<16xi32>
        %add3A_575 = arith.addi %gather3A_563, %add3A_574 : vector<16xi32>
        %add3A_576 = arith.addi %add3A_575, %iota3A : vector<16xi32>
        %mul3A_577 = arith.mulf %get3A_572, %get3A_567 : vector<16xf32>
        tpu.vector_store_idx %arg12[%add3A_576], %mul3A_577 {add = true} : memref<65536xf32, #tpu.memory_space<vmem>>[vector<16xi32>], vector<16xf32>,
        %get3A_578 = arith.constant 0 : i32
        %get3A_579 = tpu.memref_slice %arg11[%add3A_559, %get3A_578] : memref<128x128xf32, #tpu.memory_space<vmem>> -> memref<1x128xf32, #tpu.memory_space<vmem>>
        %get3A_580 = tpu.memref_squeeze %get3A_579 : memref<1x128xf32, #tpu.memory_space<vmem>> -> memref<128xf32, #tpu.memory_space<vmem>>
        %get3A_581 = arith.constant 48 : index
        %get3A_582 = tpu.vector_load %get3A_580[%get3A_581] {strides = array<i32>} : memref<128xf32, #tpu.memory_space<vmem>>, vector<16xf32>,
        %add3A_583 = arith.constant 16 : i32
        %add3A_584 = vector.broadcast %add3A_583 : i32 to vector<16xi32>
        %add3A_585 = arith.addi %gather3A_563, %add3A_584 : vector<16xi32>
        %add3A_586 = arith.addi %add3A_585, %iota3A : vector<16xi32>
        %mul3A_587 = arith.mulf %get3A_582, %get3A_567 : vector<16xf32>
        tpu.vector_store_idx %arg12[%add3A_586], %mul3A_587 {add = true} : memref<65536xf32, #tpu.memory_space<vmem>>[vector<16xi32>], vector<16xf32>,
        %mul3A_588 = arith.constant 16 : i32
        %mul3A_589 = arith.muli %scan3A_102, %mul3A_588 : i32
        %add3A_590 = arith.constant 15 : i32
        %add3A_591 = arith.addi %mul3A_589, %add3A_590 : i32
        %broadcast_in_dim3A_592 = arith.constant 15 : i32
        %broadcast_in_dim3A_593 = vector.broadcast %broadcast_in_dim3A_592 : i32 to vector<16x1xi32>
        %gather3A_594 = vector.shape_cast %broadcast_in_dim3A_593 : vector<16x1xi32> to vector<16xi32>
        %gather3A_595 = tpu.dynamic_gather %mul3A_109[%gather3A_594] in [0] : vector<16xi32>, vector<16xi32> -> vector<16xi32>
        %mul3A_596 = arith.constant 16 : i32
        %mul3A_597 = arith.muli %add3A_591, %mul3A_596 : i32
        %get3A_598 = arith.index_cast %mul3A_597 : i32 to index
        %get3A_599 = tpu.vector_load %arg10[%get3A_598] {strides = array<i32>} : memref<2048xf32, #tpu.memory_space<vmem>>, vector<16xf32>,
        %get3A_600 = arith.constant 0 : i32
        %get3A_601 = tpu.memref_slice %arg11[%add3A_591, %get3A_600] : memref<128x128xf32, #tpu.memory_space<vmem>> -> memref<1x128xf32, #tpu.memory_space<vmem>>
        %get3A_602 = tpu.memref_squeeze %get3A_601 : memref<1x128xf32, #tpu.memory_space<vmem>> -> memref<128xf32, #tpu.memory_space<vmem>>
        %get3A_603 = arith.constant 32 : index
        %get3A_604 = tpu.vector_load %get3A_602[%get3A_603] {strides = array<i32>} : memref<128xf32, #tpu.memory_space<vmem>>, vector<16xf32>,
        %add3A_605 = arith.constant 0 : i32
        %add3A_606 = vector.broadcast %add3A_605 : i32 to vector<16xi32>
        %add3A_607 = arith.addi %gather3A_595, %add3A_606 : vector<16xi32>
        %add3A_608 = arith.addi %add3A_607, %iota3A : vector<16xi32>
        %mul3A_609 = arith.mulf %get3A_604, %get3A_599 : vector<16xf32>
        tpu.vector_store_idx %arg12[%add3A_608], %mul3A_609 {add = true} : memref<65536xf32, #tpu.memory_space<vmem>>[vector<16xi32>], vector<16xf32>,
        %get3A_610 = arith.constant 0 : i32
        %get3A_611 = tpu.memref_slice %arg11[%add3A_591, %get3A_610] : memref<128x128xf32, #tpu.memory_space<vmem>> -> memref<1x128xf32, #tpu.memory_space<vmem>>
        %get3A_612 = tpu.memref_squeeze %get3A_611 : memref<1x128xf32, #tpu.memory_space<vmem>> -> memref<128xf32, #tpu.memory_space<vmem>>
        %get3A_613 = arith.constant 48 : index
        %get3A_614 = tpu.vector_load %get3A_612[%get3A_613] {strides = array<i32>} : memref<128xf32, #tpu.memory_space<vmem>>, vector<16xf32>,
        %add3A_615 = arith.constant 16 : i32
        %add3A_616 = vector.broadcast %add3A_615 : i32 to vector<16xi32>
        %add3A_617 = arith.addi %gather3A_595, %add3A_616 : vector<16xi32>
        %add3A_618 = arith.addi %add3A_617, %iota3A : vector<16xi32>
        %mul3A_619 = arith.mulf %get3A_614, %get3A_599 : vector<16xf32>
        tpu.vector_store_idx %arg12[%add3A_618], %mul3A_619 {add = true} : memref<65536xf32, #tpu.memory_space<vmem>>[vector<16xi32>], vector<16xf32>,
        %scan3A_620 = arith.constant 0 : i32
        scf.yield %scan3A_620 : i32
      }
      %scan3A_100 = arith.constant 8 : i32
      %scan3A_101 = arith.constant 0 : i32
      scf.yield %scan3A_101 : i32
    }
    %scan3A_40 = arith.constant 16 : i32
    %add3A_41 = arith.constant 32 : i32
    %add3A_42 = arith.addi %add3A_41, %add3A : i32
    %mul3A_43 = arith.constant 65536 : i32
    %mul3A_44 = arith.muli %add3A_42, %mul3A_43 : i32
    "tpu.region"() ({
      %run_scoped3A = tpu.sem_alloc : memref<!tpu.dma_semaphore, #tpu.memory_space<semaphore_mem>>
      %dma_start3A = tpu.memref_slice %arg6[%mul3A_44] : memref<8388608xf32, #tpu.memory_space<hbm>> -> memref<65536xf32, #tpu.memory_space<hbm>>
      %dma_start3A_83 = tpu.memref_slice %arg6[%mul3A_44] : memref<8388608xf32, #tpu.memory_space<hbm>> -> memref<65536xf32, #tpu.memory_space<hbm>>
      tpu.enqueue_dma source(%arg12 : memref<65536xf32, #tpu.memory_space<vmem>>) target(%dma_start3A_83 : memref<65536xf32, #tpu.memory_space<hbm>>) target_semaphore(%run_scoped3A : memref<!tpu.dma_semaphore, #tpu.memory_space<semaphore_mem>>)
      %dma_wait3A = tpu.memref_slice %arg6[%mul3A_44] : memref<8388608xf32, #tpu.memory_space<hbm>> -> memref<65536xf32, #tpu.memory_space<hbm>>
      %dma_wait3A_84 = tpu.memref_slice %arg6[%mul3A_44] : memref<8388608xf32, #tpu.memory_space<hbm>> -> memref<65536xf32, #tpu.memory_space<hbm>>
      tpu.wait_dma2 semaphore(%run_scoped3A : memref<!tpu.dma_semaphore, #tpu.memory_space<semaphore_mem>>) src(%arg12 : memref<65536xf32, #tpu.memory_space<vmem>>) dst(%dma_wait3A_84 : memref<65536xf32, #tpu.memory_space<hbm>>)
      tpu.yield
    }) : () -> ()
    %scan3A_45 = arith.constant 0 : i32
    %scan3A_46 = arith.constant 0 : i32
    %scan3A_47 = arith.constant 4096 : i32
    %scan3A_48 = arith.addi %scan3A_46, %scan3A_47 : i32
    %scan3A_49 = arith.constant 1 : i32
    %scan3A_50 = scf.for %scan3A_83 = %scan3A_46 to %scan3A_48 step %scan3A_49 iter_args(%scan3A_84 = %scan3A_45) -> (i32)  : i32 {
      %broadcast_in_dim3A = arith.constant 0.000000e+00 : f32
      %broadcast_in_dim3A_85 = vector.broadcast %broadcast_in_dim3A : f32 to vector<16xf32>
      %mul3A_86 = arith.constant 16 : i32
      %mul3A_87 = arith.muli %scan3A_83, %mul3A_86 : i32
      %swap3A = arith.index_cast %mul3A_87 : i32 to index
      %swap3A_88 = tpu.vector_load %arg12[%swap3A] {strides = array<i32>} : memref<65536xf32, #tpu.memory_space<vmem>>, vector<16xf32>,
      tpu.vector_store %arg12[%swap3A], %broadcast_in_dim3A_85 {strides = array<i32>} : memref<65536xf32, #tpu.memory_space<vmem>>, vector<16xf32>,
      %scan3A_89 = arith.constant 0 : i32
      scf.yield %scan3A_89 : i32
    }
    %scan3A_51 = arith.constant 4096 : i32
    %scan3A_52 = arith.constant 0 : i32
    %scan3A_53 = arith.constant 0 : i32
    %scan3A_54 = arith.constant 16 : i32
    %scan3A_55 = arith.addi %scan3A_53, %scan3A_54 : i32
    %scan3A_56 = arith.constant 1 : i32
    %scan3A_57 = scf.for %scan3A_83 = %scan3A_53 to %scan3A_55 step %scan3A_56 iter_args(%scan3A_84 = %scan3A_52) -> (i32)  : i32 {
      %mul3A_85 = arith.constant 128 : i32
      %mul3A_86 = arith.muli %scan3A_83, %mul3A_85 : i32
      %add3A_87 = arith.addi %mul3A_2, %mul3A_86 : i32
      "tpu.region"() ({
        %run_scoped3A = tpu.sem_alloc : memref<!tpu.dma_semaphore, #tpu.memory_space<semaphore_mem>>
        %dma_start3A_102 = tpu.memref_slice %arg3[%add3A_87] : memref<65536xi32, #tpu.memory_space<hbm>> -> memref<128xi32, #tpu.memory_space<hbm>>
        %dma_start3A_103 = tpu.memref_slice %arg3[%add3A_87] : memref<65536xi32, #tpu.memory_space<hbm>> -> memref<128xi32, #tpu.memory_space<hbm>>
        tpu.enqueue_dma source(%dma_start3A_103 : memref<128xi32, #tpu.memory_space<hbm>>) target(%arg8 : memref<128xi32, #tpu.memory_space<vmem>>) target_semaphore(%run_scoped3A : memref<!tpu.dma_semaphore, #tpu.memory_space<semaphore_mem>>)
        %dma_wait3A_104 = tpu.memref_slice %arg3[%add3A_87] : memref<65536xi32, #tpu.memory_space<hbm>> -> memref<128xi32, #tpu.memory_space<hbm>>
        %dma_wait3A_105 = tpu.memref_slice %arg3[%add3A_87] : memref<65536xi32, #tpu.memory_space<hbm>> -> memref<128xi32, #tpu.memory_space<hbm>>
        tpu.wait_dma2 semaphore(%run_scoped3A : memref<!tpu.dma_semaphore, #tpu.memory_space<semaphore_mem>>) src(%dma_wait3A_105 : memref<128xi32, #tpu.memory_space<hbm>>) dst(%arg8 : memref<128xi32, #tpu.memory_space<vmem>>)
        tpu.yield
      }) : () -> ()
      "tpu.region"() ({
        %run_scoped3A = tpu.sem_alloc : memref<!tpu.dma_semaphore, #tpu.memory_space<semaphore_mem>>
        %dma_start3A_102 = tpu.memref_slice %arg4[%add3A_87] : memref<65536xi32, #tpu.memory_space<hbm>> -> memref<128xi32, #tpu.memory_space<hbm>>
        %dma_start3A_103 = tpu.memref_slice %arg4[%add3A_87] : memref<65536xi32, #tpu.memory_space<hbm>> -> memref<128xi32, #tpu.memory_space<hbm>>
        tpu.enqueue_dma source(%dma_start3A_103 : memref<128xi32, #tpu.memory_space<hbm>>) target(%arg9 : memref<128xi32, #tpu.memory_space<vmem>>) target_semaphore(%run_scoped3A : memref<!tpu.dma_semaphore, #tpu.memory_space<semaphore_mem>>)
        %dma_wait3A_104 = tpu.memref_slice %arg4[%add3A_87] : memref<65536xi32, #tpu.memory_space<hbm>> -> memref<128xi32, #tpu.memory_space<hbm>>
        %dma_wait3A_105 = tpu.memref_slice %arg4[%add3A_87] : memref<65536xi32, #tpu.memory_space<hbm>> -> memref<128xi32, #tpu.memory_space<hbm>>
        tpu.wait_dma2 semaphore(%run_scoped3A : memref<!tpu.dma_semaphore, #tpu.memory_space<semaphore_mem>>) src(%dma_wait3A_105 : memref<128xi32, #tpu.memory_space<hbm>>) dst(%arg9 : memref<128xi32, #tpu.memory_space<vmem>>)
        tpu.yield
      }) : () -> ()
      %mul3A_88 = arith.constant 16 : i32
      %mul3A_89 = arith.muli %add3A_87, %mul3A_88 : i32
      "tpu.region"() ({
        %run_scoped3A = tpu.sem_alloc : memref<!tpu.dma_semaphore, #tpu.memory_space<semaphore_mem>>
        %dma_start3A_102 = tpu.memref_slice %arg5[%mul3A_89] : memref<1048576xf32, #tpu.memory_space<hbm>> -> memref<2048xf32, #tpu.memory_space<hbm>>
        %dma_start3A_103 = tpu.memref_slice %arg5[%mul3A_89] : memref<1048576xf32, #tpu.memory_space<hbm>> -> memref<2048xf32, #tpu.memory_space<hbm>>
        tpu.enqueue_dma source(%dma_start3A_103 : memref<2048xf32, #tpu.memory_space<hbm>>) target(%arg10 : memref<2048xf32, #tpu.memory_space<vmem>>) target_semaphore(%run_scoped3A : memref<!tpu.dma_semaphore, #tpu.memory_space<semaphore_mem>>)
        %dma_wait3A_104 = tpu.memref_slice %arg5[%mul3A_89] : memref<1048576xf32, #tpu.memory_space<hbm>> -> memref<2048xf32, #tpu.memory_space<hbm>>
        %dma_wait3A_105 = tpu.memref_slice %arg5[%mul3A_89] : memref<1048576xf32, #tpu.memory_space<hbm>> -> memref<2048xf32, #tpu.memory_space<hbm>>
        tpu.wait_dma2 semaphore(%run_scoped3A : memref<!tpu.dma_semaphore, #tpu.memory_space<semaphore_mem>>) src(%dma_wait3A_105 : memref<2048xf32, #tpu.memory_space<hbm>>) dst(%arg10 : memref<2048xf32, #tpu.memory_space<vmem>>)
        tpu.yield
      }) : () -> ()
      %dma_start3A = arith.constant 0 : i32
      %dma_start3A_90 = arith.constant 0 : i32
      %dma_start3A_91 = tpu.memref_slice %arg2[%dma_start3A, %dma_start3A_90] : memref<2048x128xf32, #tpu.memory_space<hbm>> -> memref<2048x128xf32, #tpu.memory_space<hbm>>
      tpu.enqueue_indirect_dma source(%dma_start3A_91 : memref<2048x128xf32, #tpu.memory_space<hbm>>) target(%arg11 : memref<128x128xf32, #tpu.memory_space<vmem>>) offsets(%arg8 : memref<128xi32, #tpu.memory_space<vmem>>) semaphore(%arg14 : memref<!tpu.dma_semaphore, #tpu.memory_space<semaphore_mem>>)
      %dma_wait3A = arith.constant 0 : i32
      %dma_wait3A_92 = arith.constant 0 : i32
      %dma_wait3A_93 = tpu.memref_slice %arg2[%dma_wait3A, %dma_wait3A_92] : memref<2048x128xf32, #tpu.memory_space<hbm>> -> memref<2048x128xf32, #tpu.memory_space<hbm>>
      tpu.wait_indirect_dma semaphore(%arg14 : memref<!tpu.dma_semaphore, #tpu.memory_space<semaphore_mem>>) src(%dma_wait3A_93 : memref<2048x128xf32, #tpu.memory_space<hbm>>) dst(%arg11 : memref<128x128xf32, #tpu.memory_space<vmem>>)
      %scan3A_94 = arith.constant 0 : i32
      %scan3A_95 = arith.constant 0 : i32
      %scan3A_96 = arith.constant 8 : i32
      %scan3A_97 = arith.addi %scan3A_95, %scan3A_96 : i32
      %scan3A_98 = arith.constant 1 : i32
      %scan3A_99 = scf.for %scan3A_102 = %scan3A_95 to %scan3A_97 step %scan3A_98 iter_args(%scan3A_103 = %scan3A_94) -> (i32)  : i32 {
        %mul3A_104 = arith.constant 16 : i32
        %mul3A_105 = arith.muli %scan3A_102, %mul3A_104 : i32
        %get3A = arith.index_cast %mul3A_105 : i32 to index
        %get3A_106 = tpu.vector_load %arg9[%get3A] {strides = array<i32>} : memref<128xi32, #tpu.memory_space<vmem>>, vector<16xi32>,
        %mul3A_107 = arith.constant 32 : i32
        %mul3A_108 = vector.broadcast %mul3A_107 : i32 to vector<16xi32>
        %mul3A_109 = arith.muli %get3A_106, %mul3A_108 : vector<16xi32>
        %mul3A_110 = arith.constant 16 : i32
        %mul3A_111 = arith.muli %scan3A_102, %mul3A_110 : i32
        %add3A_112 = arith.constant 0 : i32
        %add3A_113 = arith.addi %mul3A_111, %add3A_112 : i32
        %broadcast_in_dim3A = arith.constant 0 : i32
        %broadcast_in_dim3A_114 = vector.broadcast %broadcast_in_dim3A : i32 to vector<16x1xi32>
        %gather3A = vector.shape_cast %broadcast_in_dim3A_114 : vector<16x1xi32> to vector<16xi32>
        %gather3A_115 = tpu.dynamic_gather %mul3A_109[%gather3A] in [0] : vector<16xi32>, vector<16xi32> -> vector<16xi32>
        %mul3A_116 = arith.constant 16 : i32
        %mul3A_117 = arith.muli %add3A_113, %mul3A_116 : i32
        %get3A_118 = arith.index_cast %mul3A_117 : i32 to index
        %get3A_119 = tpu.vector_load %arg10[%get3A_118] {strides = array<i32>} : memref<2048xf32, #tpu.memory_space<vmem>>, vector<16xf32>,
        %get3A_120 = arith.constant 0 : i32
        %get3A_121 = tpu.memref_slice %arg11[%add3A_113, %get3A_120] : memref<128x128xf32, #tpu.memory_space<vmem>> -> memref<1x128xf32, #tpu.memory_space<vmem>>
        %get3A_122 = tpu.memref_squeeze %get3A_121 : memref<1x128xf32, #tpu.memory_space<vmem>> -> memref<128xf32, #tpu.memory_space<vmem>>
        %get3A_123 = arith.constant 64 : index
        %get3A_124 = tpu.vector_load %get3A_122[%get3A_123] {strides = array<i32>} : memref<128xf32, #tpu.memory_space<vmem>>, vector<16xf32>,
        %add3A_125 = arith.constant 0 : i32
        %add3A_126 = vector.broadcast %add3A_125 : i32 to vector<16xi32>
        %add3A_127 = arith.addi %gather3A_115, %add3A_126 : vector<16xi32>
        %add3A_128 = arith.addi %add3A_127, %iota3A : vector<16xi32>
        %mul3A_129 = arith.mulf %get3A_124, %get3A_119 : vector<16xf32>
        tpu.vector_store_idx %arg12[%add3A_128], %mul3A_129 {add = true} : memref<65536xf32, #tpu.memory_space<vmem>>[vector<16xi32>], vector<16xf32>,
        %get3A_130 = arith.constant 0 : i32
        %get3A_131 = tpu.memref_slice %arg11[%add3A_113, %get3A_130] : memref<128x128xf32, #tpu.memory_space<vmem>> -> memref<1x128xf32, #tpu.memory_space<vmem>>
        %get3A_132 = tpu.memref_squeeze %get3A_131 : memref<1x128xf32, #tpu.memory_space<vmem>> -> memref<128xf32, #tpu.memory_space<vmem>>
        %get3A_133 = arith.constant 80 : index
        %get3A_134 = tpu.vector_load %get3A_132[%get3A_133] {strides = array<i32>} : memref<128xf32, #tpu.memory_space<vmem>>, vector<16xf32>,
        %add3A_135 = arith.constant 16 : i32
        %add3A_136 = vector.broadcast %add3A_135 : i32 to vector<16xi32>
        %add3A_137 = arith.addi %gather3A_115, %add3A_136 : vector<16xi32>
        %add3A_138 = arith.addi %add3A_137, %iota3A : vector<16xi32>
        %mul3A_139 = arith.mulf %get3A_134, %get3A_119 : vector<16xf32>
        tpu.vector_store_idx %arg12[%add3A_138], %mul3A_139 {add = true} : memref<65536xf32, #tpu.memory_space<vmem>>[vector<16xi32>], vector<16xf32>,
        %mul3A_140 = arith.constant 16 : i32
        %mul3A_141 = arith.muli %scan3A_102, %mul3A_140 : i32
        %add3A_142 = arith.constant 1 : i32
        %add3A_143 = arith.addi %mul3A_141, %add3A_142 : i32
        %broadcast_in_dim3A_144 = arith.constant 1 : i32
        %broadcast_in_dim3A_145 = vector.broadcast %broadcast_in_dim3A_144 : i32 to vector<16x1xi32>
        %gather3A_146 = vector.shape_cast %broadcast_in_dim3A_145 : vector<16x1xi32> to vector<16xi32>
        %gather3A_147 = tpu.dynamic_gather %mul3A_109[%gather3A_146] in [0] : vector<16xi32>, vector<16xi32> -> vector<16xi32>
        %mul3A_148 = arith.constant 16 : i32
        %mul3A_149 = arith.muli %add3A_143, %mul3A_148 : i32
        %get3A_150 = arith.index_cast %mul3A_149 : i32 to index
        %get3A_151 = tpu.vector_load %arg10[%get3A_150] {strides = array<i32>} : memref<2048xf32, #tpu.memory_space<vmem>>, vector<16xf32>,
        %get3A_152 = arith.constant 0 : i32
        %get3A_153 = tpu.memref_slice %arg11[%add3A_143, %get3A_152] : memref<128x128xf32, #tpu.memory_space<vmem>> -> memref<1x128xf32, #tpu.memory_space<vmem>>
        %get3A_154 = tpu.memref_squeeze %get3A_153 : memref<1x128xf32, #tpu.memory_space<vmem>> -> memref<128xf32, #tpu.memory_space<vmem>>
        %get3A_155 = arith.constant 64 : index
        %get3A_156 = tpu.vector_load %get3A_154[%get3A_155] {strides = array<i32>} : memref<128xf32, #tpu.memory_space<vmem>>, vector<16xf32>,
        %add3A_157 = arith.constant 0 : i32
        %add3A_158 = vector.broadcast %add3A_157 : i32 to vector<16xi32>
        %add3A_159 = arith.addi %gather3A_147, %add3A_158 : vector<16xi32>
        %add3A_160 = arith.addi %add3A_159, %iota3A : vector<16xi32>
        %mul3A_161 = arith.mulf %get3A_156, %get3A_151 : vector<16xf32>
        tpu.vector_store_idx %arg12[%add3A_160], %mul3A_161 {add = true} : memref<65536xf32, #tpu.memory_space<vmem>>[vector<16xi32>], vector<16xf32>,
        %get3A_162 = arith.constant 0 : i32
        %get3A_163 = tpu.memref_slice %arg11[%add3A_143, %get3A_162] : memref<128x128xf32, #tpu.memory_space<vmem>> -> memref<1x128xf32, #tpu.memory_space<vmem>>
        %get3A_164 = tpu.memref_squeeze %get3A_163 : memref<1x128xf32, #tpu.memory_space<vmem>> -> memref<128xf32, #tpu.memory_space<vmem>>
        %get3A_165 = arith.constant 80 : index
        %get3A_166 = tpu.vector_load %get3A_164[%get3A_165] {strides = array<i32>} : memref<128xf32, #tpu.memory_space<vmem>>, vector<16xf32>,
        %add3A_167 = arith.constant 16 : i32
        %add3A_168 = vector.broadcast %add3A_167 : i32 to vector<16xi32>
        %add3A_169 = arith.addi %gather3A_147, %add3A_168 : vector<16xi32>
        %add3A_170 = arith.addi %add3A_169, %iota3A : vector<16xi32>
        %mul3A_171 = arith.mulf %get3A_166, %get3A_151 : vector<16xf32>
        tpu.vector_store_idx %arg12[%add3A_170], %mul3A_171 {add = true} : memref<65536xf32, #tpu.memory_space<vmem>>[vector<16xi32>], vector<16xf32>,
        %mul3A_172 = arith.constant 16 : i32
        %mul3A_173 = arith.muli %scan3A_102, %mul3A_172 : i32
        %add3A_174 = arith.constant 2 : i32
        %add3A_175 = arith.addi %mul3A_173, %add3A_174 : i32
        %broadcast_in_dim3A_176 = arith.constant 2 : i32
        %broadcast_in_dim3A_177 = vector.broadcast %broadcast_in_dim3A_176 : i32 to vector<16x1xi32>
        %gather3A_178 = vector.shape_cast %broadcast_in_dim3A_177 : vector<16x1xi32> to vector<16xi32>
        %gather3A_179 = tpu.dynamic_gather %mul3A_109[%gather3A_178] in [0] : vector<16xi32>, vector<16xi32> -> vector<16xi32>
        %mul3A_180 = arith.constant 16 : i32
        %mul3A_181 = arith.muli %add3A_175, %mul3A_180 : i32
        %get3A_182 = arith.index_cast %mul3A_181 : i32 to index
        %get3A_183 = tpu.vector_load %arg10[%get3A_182] {strides = array<i32>} : memref<2048xf32, #tpu.memory_space<vmem>>, vector<16xf32>,
        %get3A_184 = arith.constant 0 : i32
        %get3A_185 = tpu.memref_slice %arg11[%add3A_175, %get3A_184] : memref<128x128xf32, #tpu.memory_space<vmem>> -> memref<1x128xf32, #tpu.memory_space<vmem>>
        %get3A_186 = tpu.memref_squeeze %get3A_185 : memref<1x128xf32, #tpu.memory_space<vmem>> -> memref<128xf32, #tpu.memory_space<vmem>>
        %get3A_187 = arith.constant 64 : index
        %get3A_188 = tpu.vector_load %get3A_186[%get3A_187] {strides = array<i32>} : memref<128xf32, #tpu.memory_space<vmem>>, vector<16xf32>,
        %add3A_189 = arith.constant 0 : i32
        %add3A_190 = vector.broadcast %add3A_189 : i32 to vector<16xi32>
        %add3A_191 = arith.addi %gather3A_179, %add3A_190 : vector<16xi32>
        %add3A_192 = arith.addi %add3A_191, %iota3A : vector<16xi32>
        %mul3A_193 = arith.mulf %get3A_188, %get3A_183 : vector<16xf32>
        tpu.vector_store_idx %arg12[%add3A_192], %mul3A_193 {add = true} : memref<65536xf32, #tpu.memory_space<vmem>>[vector<16xi32>], vector<16xf32>,
        %get3A_194 = arith.constant 0 : i32
        %get3A_195 = tpu.memref_slice %arg11[%add3A_175, %get3A_194] : memref<128x128xf32, #tpu.memory_space<vmem>> -> memref<1x128xf32, #tpu.memory_space<vmem>>
        %get3A_196 = tpu.memref_squeeze %get3A_195 : memref<1x128xf32, #tpu.memory_space<vmem>> -> memref<128xf32, #tpu.memory_space<vmem>>
        %get3A_197 = arith.constant 80 : index
        %get3A_198 = tpu.vector_load %get3A_196[%get3A_197] {strides = array<i32>} : memref<128xf32, #tpu.memory_space<vmem>>, vector<16xf32>,
        %add3A_199 = arith.constant 16 : i32
        %add3A_200 = vector.broadcast %add3A_199 : i32 to vector<16xi32>
        %add3A_201 = arith.addi %gather3A_179, %add3A_200 : vector<16xi32>
        %add3A_202 = arith.addi %add3A_201, %iota3A : vector<16xi32>
        %mul3A_203 = arith.mulf %get3A_198, %get3A_183 : vector<16xf32>
        tpu.vector_store_idx %arg12[%add3A_202], %mul3A_203 {add = true} : memref<65536xf32, #tpu.memory_space<vmem>>[vector<16xi32>], vector<16xf32>,
        %mul3A_204 = arith.constant 16 : i32
        %mul3A_205 = arith.muli %scan3A_102, %mul3A_204 : i32
        %add3A_206 = arith.constant 3 : i32
        %add3A_207 = arith.addi %mul3A_205, %add3A_206 : i32
        %broadcast_in_dim3A_208 = arith.constant 3 : i32
        %broadcast_in_dim3A_209 = vector.broadcast %broadcast_in_dim3A_208 : i32 to vector<16x1xi32>
        %gather3A_210 = vector.shape_cast %broadcast_in_dim3A_209 : vector<16x1xi32> to vector<16xi32>
        %gather3A_211 = tpu.dynamic_gather %mul3A_109[%gather3A_210] in [0] : vector<16xi32>, vector<16xi32> -> vector<16xi32>
        %mul3A_212 = arith.constant 16 : i32
        %mul3A_213 = arith.muli %add3A_207, %mul3A_212 : i32
        %get3A_214 = arith.index_cast %mul3A_213 : i32 to index
        %get3A_215 = tpu.vector_load %arg10[%get3A_214] {strides = array<i32>} : memref<2048xf32, #tpu.memory_space<vmem>>, vector<16xf32>,
        %get3A_216 = arith.constant 0 : i32
        %get3A_217 = tpu.memref_slice %arg11[%add3A_207, %get3A_216] : memref<128x128xf32, #tpu.memory_space<vmem>> -> memref<1x128xf32, #tpu.memory_space<vmem>>
        %get3A_218 = tpu.memref_squeeze %get3A_217 : memref<1x128xf32, #tpu.memory_space<vmem>> -> memref<128xf32, #tpu.memory_space<vmem>>
        %get3A_219 = arith.constant 64 : index
        %get3A_220 = tpu.vector_load %get3A_218[%get3A_219] {strides = array<i32>} : memref<128xf32, #tpu.memory_space<vmem>>, vector<16xf32>,
        %add3A_221 = arith.constant 0 : i32
        %add3A_222 = vector.broadcast %add3A_221 : i32 to vector<16xi32>
        %add3A_223 = arith.addi %gather3A_211, %add3A_222 : vector<16xi32>
        %add3A_224 = arith.addi %add3A_223, %iota3A : vector<16xi32>
        %mul3A_225 = arith.mulf %get3A_220, %get3A_215 : vector<16xf32>
        tpu.vector_store_idx %arg12[%add3A_224], %mul3A_225 {add = true} : memref<65536xf32, #tpu.memory_space<vmem>>[vector<16xi32>], vector<16xf32>,
        %get3A_226 = arith.constant 0 : i32
        %get3A_227 = tpu.memref_slice %arg11[%add3A_207, %get3A_226] : memref<128x128xf32, #tpu.memory_space<vmem>> -> memref<1x128xf32, #tpu.memory_space<vmem>>
        %get3A_228 = tpu.memref_squeeze %get3A_227 : memref<1x128xf32, #tpu.memory_space<vmem>> -> memref<128xf32, #tpu.memory_space<vmem>>
        %get3A_229 = arith.constant 80 : index
        %get3A_230 = tpu.vector_load %get3A_228[%get3A_229] {strides = array<i32>} : memref<128xf32, #tpu.memory_space<vmem>>, vector<16xf32>,
        %add3A_231 = arith.constant 16 : i32
        %add3A_232 = vector.broadcast %add3A_231 : i32 to vector<16xi32>
        %add3A_233 = arith.addi %gather3A_211, %add3A_232 : vector<16xi32>
        %add3A_234 = arith.addi %add3A_233, %iota3A : vector<16xi32>
        %mul3A_235 = arith.mulf %get3A_230, %get3A_215 : vector<16xf32>
        tpu.vector_store_idx %arg12[%add3A_234], %mul3A_235 {add = true} : memref<65536xf32, #tpu.memory_space<vmem>>[vector<16xi32>], vector<16xf32>,
        %mul3A_236 = arith.constant 16 : i32
        %mul3A_237 = arith.muli %scan3A_102, %mul3A_236 : i32
        %add3A_238 = arith.constant 4 : i32
        %add3A_239 = arith.addi %mul3A_237, %add3A_238 : i32
        %broadcast_in_dim3A_240 = arith.constant 4 : i32
        %broadcast_in_dim3A_241 = vector.broadcast %broadcast_in_dim3A_240 : i32 to vector<16x1xi32>
        %gather3A_242 = vector.shape_cast %broadcast_in_dim3A_241 : vector<16x1xi32> to vector<16xi32>
        %gather3A_243 = tpu.dynamic_gather %mul3A_109[%gather3A_242] in [0] : vector<16xi32>, vector<16xi32> -> vector<16xi32>
        %mul3A_244 = arith.constant 16 : i32
        %mul3A_245 = arith.muli %add3A_239, %mul3A_244 : i32
        %get3A_246 = arith.index_cast %mul3A_245 : i32 to index
        %get3A_247 = tpu.vector_load %arg10[%get3A_246] {strides = array<i32>} : memref<2048xf32, #tpu.memory_space<vmem>>, vector<16xf32>,
        %get3A_248 = arith.constant 0 : i32
        %get3A_249 = tpu.memref_slice %arg11[%add3A_239, %get3A_248] : memref<128x128xf32, #tpu.memory_space<vmem>> -> memref<1x128xf32, #tpu.memory_space<vmem>>
        %get3A_250 = tpu.memref_squeeze %get3A_249 : memref<1x128xf32, #tpu.memory_space<vmem>> -> memref<128xf32, #tpu.memory_space<vmem>>
        %get3A_251 = arith.constant 64 : index
        %get3A_252 = tpu.vector_load %get3A_250[%get3A_251] {strides = array<i32>} : memref<128xf32, #tpu.memory_space<vmem>>, vector<16xf32>,
        %add3A_253 = arith.constant 0 : i32
        %add3A_254 = vector.broadcast %add3A_253 : i32 to vector<16xi32>
        %add3A_255 = arith.addi %gather3A_243, %add3A_254 : vector<16xi32>
        %add3A_256 = arith.addi %add3A_255, %iota3A : vector<16xi32>
        %mul3A_257 = arith.mulf %get3A_252, %get3A_247 : vector<16xf32>
        tpu.vector_store_idx %arg12[%add3A_256], %mul3A_257 {add = true} : memref<65536xf32, #tpu.memory_space<vmem>>[vector<16xi32>], vector<16xf32>,
        %get3A_258 = arith.constant 0 : i32
        %get3A_259 = tpu.memref_slice %arg11[%add3A_239, %get3A_258] : memref<128x128xf32, #tpu.memory_space<vmem>> -> memref<1x128xf32, #tpu.memory_space<vmem>>
        %get3A_260 = tpu.memref_squeeze %get3A_259 : memref<1x128xf32, #tpu.memory_space<vmem>> -> memref<128xf32, #tpu.memory_space<vmem>>
        %get3A_261 = arith.constant 80 : index
        %get3A_262 = tpu.vector_load %get3A_260[%get3A_261] {strides = array<i32>} : memref<128xf32, #tpu.memory_space<vmem>>, vector<16xf32>,
        %add3A_263 = arith.constant 16 : i32
        %add3A_264 = vector.broadcast %add3A_263 : i32 to vector<16xi32>
        %add3A_265 = arith.addi %gather3A_243, %add3A_264 : vector<16xi32>
        %add3A_266 = arith.addi %add3A_265, %iota3A : vector<16xi32>
        %mul3A_267 = arith.mulf %get3A_262, %get3A_247 : vector<16xf32>
        tpu.vector_store_idx %arg12[%add3A_266], %mul3A_267 {add = true} : memref<65536xf32, #tpu.memory_space<vmem>>[vector<16xi32>], vector<16xf32>,
        %mul3A_268 = arith.constant 16 : i32
        %mul3A_269 = arith.muli %scan3A_102, %mul3A_268 : i32
        %add3A_270 = arith.constant 5 : i32
        %add3A_271 = arith.addi %mul3A_269, %add3A_270 : i32
        %broadcast_in_dim3A_272 = arith.constant 5 : i32
        %broadcast_in_dim3A_273 = vector.broadcast %broadcast_in_dim3A_272 : i32 to vector<16x1xi32>
        %gather3A_274 = vector.shape_cast %broadcast_in_dim3A_273 : vector<16x1xi32> to vector<16xi32>
        %gather3A_275 = tpu.dynamic_gather %mul3A_109[%gather3A_274] in [0] : vector<16xi32>, vector<16xi32> -> vector<16xi32>
        %mul3A_276 = arith.constant 16 : i32
        %mul3A_277 = arith.muli %add3A_271, %mul3A_276 : i32
        %get3A_278 = arith.index_cast %mul3A_277 : i32 to index
        %get3A_279 = tpu.vector_load %arg10[%get3A_278] {strides = array<i32>} : memref<2048xf32, #tpu.memory_space<vmem>>, vector<16xf32>,
        %get3A_280 = arith.constant 0 : i32
        %get3A_281 = tpu.memref_slice %arg11[%add3A_271, %get3A_280] : memref<128x128xf32, #tpu.memory_space<vmem>> -> memref<1x128xf32, #tpu.memory_space<vmem>>
        %get3A_282 = tpu.memref_squeeze %get3A_281 : memref<1x128xf32, #tpu.memory_space<vmem>> -> memref<128xf32, #tpu.memory_space<vmem>>
        %get3A_283 = arith.constant 64 : index
        %get3A_284 = tpu.vector_load %get3A_282[%get3A_283] {strides = array<i32>} : memref<128xf32, #tpu.memory_space<vmem>>, vector<16xf32>,
        %add3A_285 = arith.constant 0 : i32
        %add3A_286 = vector.broadcast %add3A_285 : i32 to vector<16xi32>
        %add3A_287 = arith.addi %gather3A_275, %add3A_286 : vector<16xi32>
        %add3A_288 = arith.addi %add3A_287, %iota3A : vector<16xi32>
        %mul3A_289 = arith.mulf %get3A_284, %get3A_279 : vector<16xf32>
        tpu.vector_store_idx %arg12[%add3A_288], %mul3A_289 {add = true} : memref<65536xf32, #tpu.memory_space<vmem>>[vector<16xi32>], vector<16xf32>,
        %get3A_290 = arith.constant 0 : i32
        %get3A_291 = tpu.memref_slice %arg11[%add3A_271, %get3A_290] : memref<128x128xf32, #tpu.memory_space<vmem>> -> memref<1x128xf32, #tpu.memory_space<vmem>>
        %get3A_292 = tpu.memref_squeeze %get3A_291 : memref<1x128xf32, #tpu.memory_space<vmem>> -> memref<128xf32, #tpu.memory_space<vmem>>
        %get3A_293 = arith.constant 80 : index
        %get3A_294 = tpu.vector_load %get3A_292[%get3A_293] {strides = array<i32>} : memref<128xf32, #tpu.memory_space<vmem>>, vector<16xf32>,
        %add3A_295 = arith.constant 16 : i32
        %add3A_296 = vector.broadcast %add3A_295 : i32 to vector<16xi32>
        %add3A_297 = arith.addi %gather3A_275, %add3A_296 : vector<16xi32>
        %add3A_298 = arith.addi %add3A_297, %iota3A : vector<16xi32>
        %mul3A_299 = arith.mulf %get3A_294, %get3A_279 : vector<16xf32>
        tpu.vector_store_idx %arg12[%add3A_298], %mul3A_299 {add = true} : memref<65536xf32, #tpu.memory_space<vmem>>[vector<16xi32>], vector<16xf32>,
        %mul3A_300 = arith.constant 16 : i32
        %mul3A_301 = arith.muli %scan3A_102, %mul3A_300 : i32
        %add3A_302 = arith.constant 6 : i32
        %add3A_303 = arith.addi %mul3A_301, %add3A_302 : i32
        %broadcast_in_dim3A_304 = arith.constant 6 : i32
        %broadcast_in_dim3A_305 = vector.broadcast %broadcast_in_dim3A_304 : i32 to vector<16x1xi32>
        %gather3A_306 = vector.shape_cast %broadcast_in_dim3A_305 : vector<16x1xi32> to vector<16xi32>
        %gather3A_307 = tpu.dynamic_gather %mul3A_109[%gather3A_306] in [0] : vector<16xi32>, vector<16xi32> -> vector<16xi32>
        %mul3A_308 = arith.constant 16 : i32
        %mul3A_309 = arith.muli %add3A_303, %mul3A_308 : i32
        %get3A_310 = arith.index_cast %mul3A_309 : i32 to index
        %get3A_311 = tpu.vector_load %arg10[%get3A_310] {strides = array<i32>} : memref<2048xf32, #tpu.memory_space<vmem>>, vector<16xf32>,
        %get3A_312 = arith.constant 0 : i32
        %get3A_313 = tpu.memref_slice %arg11[%add3A_303, %get3A_312] : memref<128x128xf32, #tpu.memory_space<vmem>> -> memref<1x128xf32, #tpu.memory_space<vmem>>
        %get3A_314 = tpu.memref_squeeze %get3A_313 : memref<1x128xf32, #tpu.memory_space<vmem>> -> memref<128xf32, #tpu.memory_space<vmem>>
        %get3A_315 = arith.constant 64 : index
        %get3A_316 = tpu.vector_load %get3A_314[%get3A_315] {strides = array<i32>} : memref<128xf32, #tpu.memory_space<vmem>>, vector<16xf32>,
        %add3A_317 = arith.constant 0 : i32
        %add3A_318 = vector.broadcast %add3A_317 : i32 to vector<16xi32>
        %add3A_319 = arith.addi %gather3A_307, %add3A_318 : vector<16xi32>
        %add3A_320 = arith.addi %add3A_319, %iota3A : vector<16xi32>
        %mul3A_321 = arith.mulf %get3A_316, %get3A_311 : vector<16xf32>
        tpu.vector_store_idx %arg12[%add3A_320], %mul3A_321 {add = true} : memref<65536xf32, #tpu.memory_space<vmem>>[vector<16xi32>], vector<16xf32>,
        %get3A_322 = arith.constant 0 : i32
        %get3A_323 = tpu.memref_slice %arg11[%add3A_303, %get3A_322] : memref<128x128xf32, #tpu.memory_space<vmem>> -> memref<1x128xf32, #tpu.memory_space<vmem>>
        %get3A_324 = tpu.memref_squeeze %get3A_323 : memref<1x128xf32, #tpu.memory_space<vmem>> -> memref<128xf32, #tpu.memory_space<vmem>>
        %get3A_325 = arith.constant 80 : index
        %get3A_326 = tpu.vector_load %get3A_324[%get3A_325] {strides = array<i32>} : memref<128xf32, #tpu.memory_space<vmem>>, vector<16xf32>,
        %add3A_327 = arith.constant 16 : i32
        %add3A_328 = vector.broadcast %add3A_327 : i32 to vector<16xi32>
        %add3A_329 = arith.addi %gather3A_307, %add3A_328 : vector<16xi32>
        %add3A_330 = arith.addi %add3A_329, %iota3A : vector<16xi32>
        %mul3A_331 = arith.mulf %get3A_326, %get3A_311 : vector<16xf32>
        tpu.vector_store_idx %arg12[%add3A_330], %mul3A_331 {add = true} : memref<65536xf32, #tpu.memory_space<vmem>>[vector<16xi32>], vector<16xf32>,
        %mul3A_332 = arith.constant 16 : i32
        %mul3A_333 = arith.muli %scan3A_102, %mul3A_332 : i32
        %add3A_334 = arith.constant 7 : i32
        %add3A_335 = arith.addi %mul3A_333, %add3A_334 : i32
        %broadcast_in_dim3A_336 = arith.constant 7 : i32
        %broadcast_in_dim3A_337 = vector.broadcast %broadcast_in_dim3A_336 : i32 to vector<16x1xi32>
        %gather3A_338 = vector.shape_cast %broadcast_in_dim3A_337 : vector<16x1xi32> to vector<16xi32>
        %gather3A_339 = tpu.dynamic_gather %mul3A_109[%gather3A_338] in [0] : vector<16xi32>, vector<16xi32> -> vector<16xi32>
        %mul3A_340 = arith.constant 16 : i32
        %mul3A_341 = arith.muli %add3A_335, %mul3A_340 : i32
        %get3A_342 = arith.index_cast %mul3A_341 : i32 to index
        %get3A_343 = tpu.vector_load %arg10[%get3A_342] {strides = array<i32>} : memref<2048xf32, #tpu.memory_space<vmem>>, vector<16xf32>,
        %get3A_344 = arith.constant 0 : i32
        %get3A_345 = tpu.memref_slice %arg11[%add3A_335, %get3A_344] : memref<128x128xf32, #tpu.memory_space<vmem>> -> memref<1x128xf32, #tpu.memory_space<vmem>>
        %get3A_346 = tpu.memref_squeeze %get3A_345 : memref<1x128xf32, #tpu.memory_space<vmem>> -> memref<128xf32, #tpu.memory_space<vmem>>
        %get3A_347 = arith.constant 64 : index
        %get3A_348 = tpu.vector_load %get3A_346[%get3A_347] {strides = array<i32>} : memref<128xf32, #tpu.memory_space<vmem>>, vector<16xf32>,
        %add3A_349 = arith.constant 0 : i32
        %add3A_350 = vector.broadcast %add3A_349 : i32 to vector<16xi32>
        %add3A_351 = arith.addi %gather3A_339, %add3A_350 : vector<16xi32>
        %add3A_352 = arith.addi %add3A_351, %iota3A : vector<16xi32>
        %mul3A_353 = arith.mulf %get3A_348, %get3A_343 : vector<16xf32>
        tpu.vector_store_idx %arg12[%add3A_352], %mul3A_353 {add = true} : memref<65536xf32, #tpu.memory_space<vmem>>[vector<16xi32>], vector<16xf32>,
        %get3A_354 = arith.constant 0 : i32
        %get3A_355 = tpu.memref_slice %arg11[%add3A_335, %get3A_354] : memref<128x128xf32, #tpu.memory_space<vmem>> -> memref<1x128xf32, #tpu.memory_space<vmem>>
        %get3A_356 = tpu.memref_squeeze %get3A_355 : memref<1x128xf32, #tpu.memory_space<vmem>> -> memref<128xf32, #tpu.memory_space<vmem>>
        %get3A_357 = arith.constant 80 : index
        %get3A_358 = tpu.vector_load %get3A_356[%get3A_357] {strides = array<i32>} : memref<128xf32, #tpu.memory_space<vmem>>, vector<16xf32>,
        %add3A_359 = arith.constant 16 : i32
        %add3A_360 = vector.broadcast %add3A_359 : i32 to vector<16xi32>
        %add3A_361 = arith.addi %gather3A_339, %add3A_360 : vector<16xi32>
        %add3A_362 = arith.addi %add3A_361, %iota3A : vector<16xi32>
        %mul3A_363 = arith.mulf %get3A_358, %get3A_343 : vector<16xf32>
        tpu.vector_store_idx %arg12[%add3A_362], %mul3A_363 {add = true} : memref<65536xf32, #tpu.memory_space<vmem>>[vector<16xi32>], vector<16xf32>,
        %mul3A_364 = arith.constant 16 : i32
        %mul3A_365 = arith.muli %scan3A_102, %mul3A_364 : i32
        %add3A_366 = arith.constant 8 : i32
        %add3A_367 = arith.addi %mul3A_365, %add3A_366 : i32
        %broadcast_in_dim3A_368 = arith.constant 8 : i32
        %broadcast_in_dim3A_369 = vector.broadcast %broadcast_in_dim3A_368 : i32 to vector<16x1xi32>
        %gather3A_370 = vector.shape_cast %broadcast_in_dim3A_369 : vector<16x1xi32> to vector<16xi32>
        %gather3A_371 = tpu.dynamic_gather %mul3A_109[%gather3A_370] in [0] : vector<16xi32>, vector<16xi32> -> vector<16xi32>
        %mul3A_372 = arith.constant 16 : i32
        %mul3A_373 = arith.muli %add3A_367, %mul3A_372 : i32
        %get3A_374 = arith.index_cast %mul3A_373 : i32 to index
        %get3A_375 = tpu.vector_load %arg10[%get3A_374] {strides = array<i32>} : memref<2048xf32, #tpu.memory_space<vmem>>, vector<16xf32>,
        %get3A_376 = arith.constant 0 : i32
        %get3A_377 = tpu.memref_slice %arg11[%add3A_367, %get3A_376] : memref<128x128xf32, #tpu.memory_space<vmem>> -> memref<1x128xf32, #tpu.memory_space<vmem>>
        %get3A_378 = tpu.memref_squeeze %get3A_377 : memref<1x128xf32, #tpu.memory_space<vmem>> -> memref<128xf32, #tpu.memory_space<vmem>>
        %get3A_379 = arith.constant 64 : index
        %get3A_380 = tpu.vector_load %get3A_378[%get3A_379] {strides = array<i32>} : memref<128xf32, #tpu.memory_space<vmem>>, vector<16xf32>,
        %add3A_381 = arith.constant 0 : i32
        %add3A_382 = vector.broadcast %add3A_381 : i32 to vector<16xi32>
        %add3A_383 = arith.addi %gather3A_371, %add3A_382 : vector<16xi32>
        %add3A_384 = arith.addi %add3A_383, %iota3A : vector<16xi32>
        %mul3A_385 = arith.mulf %get3A_380, %get3A_375 : vector<16xf32>
        tpu.vector_store_idx %arg12[%add3A_384], %mul3A_385 {add = true} : memref<65536xf32, #tpu.memory_space<vmem>>[vector<16xi32>], vector<16xf32>,
        %get3A_386 = arith.constant 0 : i32
        %get3A_387 = tpu.memref_slice %arg11[%add3A_367, %get3A_386] : memref<128x128xf32, #tpu.memory_space<vmem>> -> memref<1x128xf32, #tpu.memory_space<vmem>>
        %get3A_388 = tpu.memref_squeeze %get3A_387 : memref<1x128xf32, #tpu.memory_space<vmem>> -> memref<128xf32, #tpu.memory_space<vmem>>
        %get3A_389 = arith.constant 80 : index
        %get3A_390 = tpu.vector_load %get3A_388[%get3A_389] {strides = array<i32>} : memref<128xf32, #tpu.memory_space<vmem>>, vector<16xf32>,
        %add3A_391 = arith.constant 16 : i32
        %add3A_392 = vector.broadcast %add3A_391 : i32 to vector<16xi32>
        %add3A_393 = arith.addi %gather3A_371, %add3A_392 : vector<16xi32>
        %add3A_394 = arith.addi %add3A_393, %iota3A : vector<16xi32>
        %mul3A_395 = arith.mulf %get3A_390, %get3A_375 : vector<16xf32>
        tpu.vector_store_idx %arg12[%add3A_394], %mul3A_395 {add = true} : memref<65536xf32, #tpu.memory_space<vmem>>[vector<16xi32>], vector<16xf32>,
        %mul3A_396 = arith.constant 16 : i32
        %mul3A_397 = arith.muli %scan3A_102, %mul3A_396 : i32
        %add3A_398 = arith.constant 9 : i32
        %add3A_399 = arith.addi %mul3A_397, %add3A_398 : i32
        %broadcast_in_dim3A_400 = arith.constant 9 : i32
        %broadcast_in_dim3A_401 = vector.broadcast %broadcast_in_dim3A_400 : i32 to vector<16x1xi32>
        %gather3A_402 = vector.shape_cast %broadcast_in_dim3A_401 : vector<16x1xi32> to vector<16xi32>
        %gather3A_403 = tpu.dynamic_gather %mul3A_109[%gather3A_402] in [0] : vector<16xi32>, vector<16xi32> -> vector<16xi32>
        %mul3A_404 = arith.constant 16 : i32
        %mul3A_405 = arith.muli %add3A_399, %mul3A_404 : i32
        %get3A_406 = arith.index_cast %mul3A_405 : i32 to index
        %get3A_407 = tpu.vector_load %arg10[%get3A_406] {strides = array<i32>} : memref<2048xf32, #tpu.memory_space<vmem>>, vector<16xf32>,
        %get3A_408 = arith.constant 0 : i32
        %get3A_409 = tpu.memref_slice %arg11[%add3A_399, %get3A_408] : memref<128x128xf32, #tpu.memory_space<vmem>> -> memref<1x128xf32, #tpu.memory_space<vmem>>
        %get3A_410 = tpu.memref_squeeze %get3A_409 : memref<1x128xf32, #tpu.memory_space<vmem>> -> memref<128xf32, #tpu.memory_space<vmem>>
        %get3A_411 = arith.constant 64 : index
        %get3A_412 = tpu.vector_load %get3A_410[%get3A_411] {strides = array<i32>} : memref<128xf32, #tpu.memory_space<vmem>>, vector<16xf32>,
        %add3A_413 = arith.constant 0 : i32
        %add3A_414 = vector.broadcast %add3A_413 : i32 to vector<16xi32>
        %add3A_415 = arith.addi %gather3A_403, %add3A_414 : vector<16xi32>
        %add3A_416 = arith.addi %add3A_415, %iota3A : vector<16xi32>
        %mul3A_417 = arith.mulf %get3A_412, %get3A_407 : vector<16xf32>
        tpu.vector_store_idx %arg12[%add3A_416], %mul3A_417 {add = true} : memref<65536xf32, #tpu.memory_space<vmem>>[vector<16xi32>], vector<16xf32>,
        %get3A_418 = arith.constant 0 : i32
        %get3A_419 = tpu.memref_slice %arg11[%add3A_399, %get3A_418] : memref<128x128xf32, #tpu.memory_space<vmem>> -> memref<1x128xf32, #tpu.memory_space<vmem>>
        %get3A_420 = tpu.memref_squeeze %get3A_419 : memref<1x128xf32, #tpu.memory_space<vmem>> -> memref<128xf32, #tpu.memory_space<vmem>>
        %get3A_421 = arith.constant 80 : index
        %get3A_422 = tpu.vector_load %get3A_420[%get3A_421] {strides = array<i32>} : memref<128xf32, #tpu.memory_space<vmem>>, vector<16xf32>,
        %add3A_423 = arith.constant 16 : i32
        %add3A_424 = vector.broadcast %add3A_423 : i32 to vector<16xi32>
        %add3A_425 = arith.addi %gather3A_403, %add3A_424 : vector<16xi32>
        %add3A_426 = arith.addi %add3A_425, %iota3A : vector<16xi32>
        %mul3A_427 = arith.mulf %get3A_422, %get3A_407 : vector<16xf32>
        tpu.vector_store_idx %arg12[%add3A_426], %mul3A_427 {add = true} : memref<65536xf32, #tpu.memory_space<vmem>>[vector<16xi32>], vector<16xf32>,
        %mul3A_428 = arith.constant 16 : i32
        %mul3A_429 = arith.muli %scan3A_102, %mul3A_428 : i32
        %add3A_430 = arith.constant 10 : i32
        %add3A_431 = arith.addi %mul3A_429, %add3A_430 : i32
        %broadcast_in_dim3A_432 = arith.constant 10 : i32
        %broadcast_in_dim3A_433 = vector.broadcast %broadcast_in_dim3A_432 : i32 to vector<16x1xi32>
        %gather3A_434 = vector.shape_cast %broadcast_in_dim3A_433 : vector<16x1xi32> to vector<16xi32>
        %gather3A_435 = tpu.dynamic_gather %mul3A_109[%gather3A_434] in [0] : vector<16xi32>, vector<16xi32> -> vector<16xi32>
        %mul3A_436 = arith.constant 16 : i32
        %mul3A_437 = arith.muli %add3A_431, %mul3A_436 : i32
        %get3A_438 = arith.index_cast %mul3A_437 : i32 to index
        %get3A_439 = tpu.vector_load %arg10[%get3A_438] {strides = array<i32>} : memref<2048xf32, #tpu.memory_space<vmem>>, vector<16xf32>,
        %get3A_440 = arith.constant 0 : i32
        %get3A_441 = tpu.memref_slice %arg11[%add3A_431, %get3A_440] : memref<128x128xf32, #tpu.memory_space<vmem>> -> memref<1x128xf32, #tpu.memory_space<vmem>>
        %get3A_442 = tpu.memref_squeeze %get3A_441 : memref<1x128xf32, #tpu.memory_space<vmem>> -> memref<128xf32, #tpu.memory_space<vmem>>
        %get3A_443 = arith.constant 64 : index
        %get3A_444 = tpu.vector_load %get3A_442[%get3A_443] {strides = array<i32>} : memref<128xf32, #tpu.memory_space<vmem>>, vector<16xf32>,
        %add3A_445 = arith.constant 0 : i32
        %add3A_446 = vector.broadcast %add3A_445 : i32 to vector<16xi32>
        %add3A_447 = arith.addi %gather3A_435, %add3A_446 : vector<16xi32>
        %add3A_448 = arith.addi %add3A_447, %iota3A : vector<16xi32>
        %mul3A_449 = arith.mulf %get3A_444, %get3A_439 : vector<16xf32>
        tpu.vector_store_idx %arg12[%add3A_448], %mul3A_449 {add = true} : memref<65536xf32, #tpu.memory_space<vmem>>[vector<16xi32>], vector<16xf32>,
        %get3A_450 = arith.constant 0 : i32
        %get3A_451 = tpu.memref_slice %arg11[%add3A_431, %get3A_450] : memref<128x128xf32, #tpu.memory_space<vmem>> -> memref<1x128xf32, #tpu.memory_space<vmem>>
        %get3A_452 = tpu.memref_squeeze %get3A_451 : memref<1x128xf32, #tpu.memory_space<vmem>> -> memref<128xf32, #tpu.memory_space<vmem>>
        %get3A_453 = arith.constant 80 : index
        %get3A_454 = tpu.vector_load %get3A_452[%get3A_453] {strides = array<i32>} : memref<128xf32, #tpu.memory_space<vmem>>, vector<16xf32>,
        %add3A_455 = arith.constant 16 : i32
        %add3A_456 = vector.broadcast %add3A_455 : i32 to vector<16xi32>
        %add3A_457 = arith.addi %gather3A_435, %add3A_456 : vector<16xi32>
        %add3A_458 = arith.addi %add3A_457, %iota3A : vector<16xi32>
        %mul3A_459 = arith.mulf %get3A_454, %get3A_439 : vector<16xf32>
        tpu.vector_store_idx %arg12[%add3A_458], %mul3A_459 {add = true} : memref<65536xf32, #tpu.memory_space<vmem>>[vector<16xi32>], vector<16xf32>,
        %mul3A_460 = arith.constant 16 : i32
        %mul3A_461 = arith.muli %scan3A_102, %mul3A_460 : i32
        %add3A_462 = arith.constant 11 : i32
        %add3A_463 = arith.addi %mul3A_461, %add3A_462 : i32
        %broadcast_in_dim3A_464 = arith.constant 11 : i32
        %broadcast_in_dim3A_465 = vector.broadcast %broadcast_in_dim3A_464 : i32 to vector<16x1xi32>
        %gather3A_466 = vector.shape_cast %broadcast_in_dim3A_465 : vector<16x1xi32> to vector<16xi32>
        %gather3A_467 = tpu.dynamic_gather %mul3A_109[%gather3A_466] in [0] : vector<16xi32>, vector<16xi32> -> vector<16xi32>
        %mul3A_468 = arith.constant 16 : i32
        %mul3A_469 = arith.muli %add3A_463, %mul3A_468 : i32
        %get3A_470 = arith.index_cast %mul3A_469 : i32 to index
        %get3A_471 = tpu.vector_load %arg10[%get3A_470] {strides = array<i32>} : memref<2048xf32, #tpu.memory_space<vmem>>, vector<16xf32>,
        %get3A_472 = arith.constant 0 : i32
        %get3A_473 = tpu.memref_slice %arg11[%add3A_463, %get3A_472] : memref<128x128xf32, #tpu.memory_space<vmem>> -> memref<1x128xf32, #tpu.memory_space<vmem>>
        %get3A_474 = tpu.memref_squeeze %get3A_473 : memref<1x128xf32, #tpu.memory_space<vmem>> -> memref<128xf32, #tpu.memory_space<vmem>>
        %get3A_475 = arith.constant 64 : index
        %get3A_476 = tpu.vector_load %get3A_474[%get3A_475] {strides = array<i32>} : memref<128xf32, #tpu.memory_space<vmem>>, vector<16xf32>,
        %add3A_477 = arith.constant 0 : i32
        %add3A_478 = vector.broadcast %add3A_477 : i32 to vector<16xi32>
        %add3A_479 = arith.addi %gather3A_467, %add3A_478 : vector<16xi32>
        %add3A_480 = arith.addi %add3A_479, %iota3A : vector<16xi32>
        %mul3A_481 = arith.mulf %get3A_476, %get3A_471 : vector<16xf32>
        tpu.vector_store_idx %arg12[%add3A_480], %mul3A_481 {add = true} : memref<65536xf32, #tpu.memory_space<vmem>>[vector<16xi32>], vector<16xf32>,
        %get3A_482 = arith.constant 0 : i32
        %get3A_483 = tpu.memref_slice %arg11[%add3A_463, %get3A_482] : memref<128x128xf32, #tpu.memory_space<vmem>> -> memref<1x128xf32, #tpu.memory_space<vmem>>
        %get3A_484 = tpu.memref_squeeze %get3A_483 : memref<1x128xf32, #tpu.memory_space<vmem>> -> memref<128xf32, #tpu.memory_space<vmem>>
        %get3A_485 = arith.constant 80 : index
        %get3A_486 = tpu.vector_load %get3A_484[%get3A_485] {strides = array<i32>} : memref<128xf32, #tpu.memory_space<vmem>>, vector<16xf32>,
        %add3A_487 = arith.constant 16 : i32
        %add3A_488 = vector.broadcast %add3A_487 : i32 to vector<16xi32>
        %add3A_489 = arith.addi %gather3A_467, %add3A_488 : vector<16xi32>
        %add3A_490 = arith.addi %add3A_489, %iota3A : vector<16xi32>
        %mul3A_491 = arith.mulf %get3A_486, %get3A_471 : vector<16xf32>
        tpu.vector_store_idx %arg12[%add3A_490], %mul3A_491 {add = true} : memref<65536xf32, #tpu.memory_space<vmem>>[vector<16xi32>], vector<16xf32>,
        %mul3A_492 = arith.constant 16 : i32
        %mul3A_493 = arith.muli %scan3A_102, %mul3A_492 : i32
        %add3A_494 = arith.constant 12 : i32
        %add3A_495 = arith.addi %mul3A_493, %add3A_494 : i32
        %broadcast_in_dim3A_496 = arith.constant 12 : i32
        %broadcast_in_dim3A_497 = vector.broadcast %broadcast_in_dim3A_496 : i32 to vector<16x1xi32>
        %gather3A_498 = vector.shape_cast %broadcast_in_dim3A_497 : vector<16x1xi32> to vector<16xi32>
        %gather3A_499 = tpu.dynamic_gather %mul3A_109[%gather3A_498] in [0] : vector<16xi32>, vector<16xi32> -> vector<16xi32>
        %mul3A_500 = arith.constant 16 : i32
        %mul3A_501 = arith.muli %add3A_495, %mul3A_500 : i32
        %get3A_502 = arith.index_cast %mul3A_501 : i32 to index
        %get3A_503 = tpu.vector_load %arg10[%get3A_502] {strides = array<i32>} : memref<2048xf32, #tpu.memory_space<vmem>>, vector<16xf32>,
        %get3A_504 = arith.constant 0 : i32
        %get3A_505 = tpu.memref_slice %arg11[%add3A_495, %get3A_504] : memref<128x128xf32, #tpu.memory_space<vmem>> -> memref<1x128xf32, #tpu.memory_space<vmem>>
        %get3A_506 = tpu.memref_squeeze %get3A_505 : memref<1x128xf32, #tpu.memory_space<vmem>> -> memref<128xf32, #tpu.memory_space<vmem>>
        %get3A_507 = arith.constant 64 : index
        %get3A_508 = tpu.vector_load %get3A_506[%get3A_507] {strides = array<i32>} : memref<128xf32, #tpu.memory_space<vmem>>, vector<16xf32>,
        %add3A_509 = arith.constant 0 : i32
        %add3A_510 = vector.broadcast %add3A_509 : i32 to vector<16xi32>
        %add3A_511 = arith.addi %gather3A_499, %add3A_510 : vector<16xi32>
        %add3A_512 = arith.addi %add3A_511, %iota3A : vector<16xi32>
        %mul3A_513 = arith.mulf %get3A_508, %get3A_503 : vector<16xf32>
        tpu.vector_store_idx %arg12[%add3A_512], %mul3A_513 {add = true} : memref<65536xf32, #tpu.memory_space<vmem>>[vector<16xi32>], vector<16xf32>,
        %get3A_514 = arith.constant 0 : i32
        %get3A_515 = tpu.memref_slice %arg11[%add3A_495, %get3A_514] : memref<128x128xf32, #tpu.memory_space<vmem>> -> memref<1x128xf32, #tpu.memory_space<vmem>>
        %get3A_516 = tpu.memref_squeeze %get3A_515 : memref<1x128xf32, #tpu.memory_space<vmem>> -> memref<128xf32, #tpu.memory_space<vmem>>
        %get3A_517 = arith.constant 80 : index
        %get3A_518 = tpu.vector_load %get3A_516[%get3A_517] {strides = array<i32>} : memref<128xf32, #tpu.memory_space<vmem>>, vector<16xf32>,
        %add3A_519 = arith.constant 16 : i32
        %add3A_520 = vector.broadcast %add3A_519 : i32 to vector<16xi32>
        %add3A_521 = arith.addi %gather3A_499, %add3A_520 : vector<16xi32>
        %add3A_522 = arith.addi %add3A_521, %iota3A : vector<16xi32>
        %mul3A_523 = arith.mulf %get3A_518, %get3A_503 : vector<16xf32>
        tpu.vector_store_idx %arg12[%add3A_522], %mul3A_523 {add = true} : memref<65536xf32, #tpu.memory_space<vmem>>[vector<16xi32>], vector<16xf32>,
        %mul3A_524 = arith.constant 16 : i32
        %mul3A_525 = arith.muli %scan3A_102, %mul3A_524 : i32
        %add3A_526 = arith.constant 13 : i32
        %add3A_527 = arith.addi %mul3A_525, %add3A_526 : i32
        %broadcast_in_dim3A_528 = arith.constant 13 : i32
        %broadcast_in_dim3A_529 = vector.broadcast %broadcast_in_dim3A_528 : i32 to vector<16x1xi32>
        %gather3A_530 = vector.shape_cast %broadcast_in_dim3A_529 : vector<16x1xi32> to vector<16xi32>
        %gather3A_531 = tpu.dynamic_gather %mul3A_109[%gather3A_530] in [0] : vector<16xi32>, vector<16xi32> -> vector<16xi32>
        %mul3A_532 = arith.constant 16 : i32
        %mul3A_533 = arith.muli %add3A_527, %mul3A_532 : i32
        %get3A_534 = arith.index_cast %mul3A_533 : i32 to index
        %get3A_535 = tpu.vector_load %arg10[%get3A_534] {strides = array<i32>} : memref<2048xf32, #tpu.memory_space<vmem>>, vector<16xf32>,
        %get3A_536 = arith.constant 0 : i32
        %get3A_537 = tpu.memref_slice %arg11[%add3A_527, %get3A_536] : memref<128x128xf32, #tpu.memory_space<vmem>> -> memref<1x128xf32, #tpu.memory_space<vmem>>
        %get3A_538 = tpu.memref_squeeze %get3A_537 : memref<1x128xf32, #tpu.memory_space<vmem>> -> memref<128xf32, #tpu.memory_space<vmem>>
        %get3A_539 = arith.constant 64 : index
        %get3A_540 = tpu.vector_load %get3A_538[%get3A_539] {strides = array<i32>} : memref<128xf32, #tpu.memory_space<vmem>>, vector<16xf32>,
        %add3A_541 = arith.constant 0 : i32
        %add3A_542 = vector.broadcast %add3A_541 : i32 to vector<16xi32>
        %add3A_543 = arith.addi %gather3A_531, %add3A_542 : vector<16xi32>
        %add3A_544 = arith.addi %add3A_543, %iota3A : vector<16xi32>
        %mul3A_545 = arith.mulf %get3A_540, %get3A_535 : vector<16xf32>
        tpu.vector_store_idx %arg12[%add3A_544], %mul3A_545 {add = true} : memref<65536xf32, #tpu.memory_space<vmem>>[vector<16xi32>], vector<16xf32>,
        %get3A_546 = arith.constant 0 : i32
        %get3A_547 = tpu.memref_slice %arg11[%add3A_527, %get3A_546] : memref<128x128xf32, #tpu.memory_space<vmem>> -> memref<1x128xf32, #tpu.memory_space<vmem>>
        %get3A_548 = tpu.memref_squeeze %get3A_547 : memref<1x128xf32, #tpu.memory_space<vmem>> -> memref<128xf32, #tpu.memory_space<vmem>>
        %get3A_549 = arith.constant 80 : index
        %get3A_550 = tpu.vector_load %get3A_548[%get3A_549] {strides = array<i32>} : memref<128xf32, #tpu.memory_space<vmem>>, vector<16xf32>,
        %add3A_551 = arith.constant 16 : i32
        %add3A_552 = vector.broadcast %add3A_551 : i32 to vector<16xi32>
        %add3A_553 = arith.addi %gather3A_531, %add3A_552 : vector<16xi32>
        %add3A_554 = arith.addi %add3A_553, %iota3A : vector<16xi32>
        %mul3A_555 = arith.mulf %get3A_550, %get3A_535 : vector<16xf32>
        tpu.vector_store_idx %arg12[%add3A_554], %mul3A_555 {add = true} : memref<65536xf32, #tpu.memory_space<vmem>>[vector<16xi32>], vector<16xf32>,
        %mul3A_556 = arith.constant 16 : i32
        %mul3A_557 = arith.muli %scan3A_102, %mul3A_556 : i32
        %add3A_558 = arith.constant 14 : i32
        %add3A_559 = arith.addi %mul3A_557, %add3A_558 : i32
        %broadcast_in_dim3A_560 = arith.constant 14 : i32
        %broadcast_in_dim3A_561 = vector.broadcast %broadcast_in_dim3A_560 : i32 to vector<16x1xi32>
        %gather3A_562 = vector.shape_cast %broadcast_in_dim3A_561 : vector<16x1xi32> to vector<16xi32>
        %gather3A_563 = tpu.dynamic_gather %mul3A_109[%gather3A_562] in [0] : vector<16xi32>, vector<16xi32> -> vector<16xi32>
        %mul3A_564 = arith.constant 16 : i32
        %mul3A_565 = arith.muli %add3A_559, %mul3A_564 : i32
        %get3A_566 = arith.index_cast %mul3A_565 : i32 to index
        %get3A_567 = tpu.vector_load %arg10[%get3A_566] {strides = array<i32>} : memref<2048xf32, #tpu.memory_space<vmem>>, vector<16xf32>,
        %get3A_568 = arith.constant 0 : i32
        %get3A_569 = tpu.memref_slice %arg11[%add3A_559, %get3A_568] : memref<128x128xf32, #tpu.memory_space<vmem>> -> memref<1x128xf32, #tpu.memory_space<vmem>>
        %get3A_570 = tpu.memref_squeeze %get3A_569 : memref<1x128xf32, #tpu.memory_space<vmem>> -> memref<128xf32, #tpu.memory_space<vmem>>
        %get3A_571 = arith.constant 64 : index
        %get3A_572 = tpu.vector_load %get3A_570[%get3A_571] {strides = array<i32>} : memref<128xf32, #tpu.memory_space<vmem>>, vector<16xf32>,
        %add3A_573 = arith.constant 0 : i32
        %add3A_574 = vector.broadcast %add3A_573 : i32 to vector<16xi32>
        %add3A_575 = arith.addi %gather3A_563, %add3A_574 : vector<16xi32>
        %add3A_576 = arith.addi %add3A_575, %iota3A : vector<16xi32>
        %mul3A_577 = arith.mulf %get3A_572, %get3A_567 : vector<16xf32>
        tpu.vector_store_idx %arg12[%add3A_576], %mul3A_577 {add = true} : memref<65536xf32, #tpu.memory_space<vmem>>[vector<16xi32>], vector<16xf32>,
        %get3A_578 = arith.constant 0 : i32
        %get3A_579 = tpu.memref_slice %arg11[%add3A_559, %get3A_578] : memref<128x128xf32, #tpu.memory_space<vmem>> -> memref<1x128xf32, #tpu.memory_space<vmem>>
        %get3A_580 = tpu.memref_squeeze %get3A_579 : memref<1x128xf32, #tpu.memory_space<vmem>> -> memref<128xf32, #tpu.memory_space<vmem>>
        %get3A_581 = arith.constant 80 : index
        %get3A_582 = tpu.vector_load %get3A_580[%get3A_581] {strides = array<i32>} : memref<128xf32, #tpu.memory_space<vmem>>, vector<16xf32>,
        %add3A_583 = arith.constant 16 : i32
        %add3A_584 = vector.broadcast %add3A_583 : i32 to vector<16xi32>
        %add3A_585 = arith.addi %gather3A_563, %add3A_584 : vector<16xi32>
        %add3A_586 = arith.addi %add3A_585, %iota3A : vector<16xi32>
        %mul3A_587 = arith.mulf %get3A_582, %get3A_567 : vector<16xf32>
        tpu.vector_store_idx %arg12[%add3A_586], %mul3A_587 {add = true} : memref<65536xf32, #tpu.memory_space<vmem>>[vector<16xi32>], vector<16xf32>,
        %mul3A_588 = arith.constant 16 : i32
        %mul3A_589 = arith.muli %scan3A_102, %mul3A_588 : i32
        %add3A_590 = arith.constant 15 : i32
        %add3A_591 = arith.addi %mul3A_589, %add3A_590 : i32
        %broadcast_in_dim3A_592 = arith.constant 15 : i32
        %broadcast_in_dim3A_593 = vector.broadcast %broadcast_in_dim3A_592 : i32 to vector<16x1xi32>
        %gather3A_594 = vector.shape_cast %broadcast_in_dim3A_593 : vector<16x1xi32> to vector<16xi32>
        %gather3A_595 = tpu.dynamic_gather %mul3A_109[%gather3A_594] in [0] : vector<16xi32>, vector<16xi32> -> vector<16xi32>
        %mul3A_596 = arith.constant 16 : i32
        %mul3A_597 = arith.muli %add3A_591, %mul3A_596 : i32
        %get3A_598 = arith.index_cast %mul3A_597 : i32 to index
        %get3A_599 = tpu.vector_load %arg10[%get3A_598] {strides = array<i32>} : memref<2048xf32, #tpu.memory_space<vmem>>, vector<16xf32>,
        %get3A_600 = arith.constant 0 : i32
        %get3A_601 = tpu.memref_slice %arg11[%add3A_591, %get3A_600] : memref<128x128xf32, #tpu.memory_space<vmem>> -> memref<1x128xf32, #tpu.memory_space<vmem>>
        %get3A_602 = tpu.memref_squeeze %get3A_601 : memref<1x128xf32, #tpu.memory_space<vmem>> -> memref<128xf32, #tpu.memory_space<vmem>>
        %get3A_603 = arith.constant 64 : index
        %get3A_604 = tpu.vector_load %get3A_602[%get3A_603] {strides = array<i32>} : memref<128xf32, #tpu.memory_space<vmem>>, vector<16xf32>,
        %add3A_605 = arith.constant 0 : i32
        %add3A_606 = vector.broadcast %add3A_605 : i32 to vector<16xi32>
        %add3A_607 = arith.addi %gather3A_595, %add3A_606 : vector<16xi32>
        %add3A_608 = arith.addi %add3A_607, %iota3A : vector<16xi32>
        %mul3A_609 = arith.mulf %get3A_604, %get3A_599 : vector<16xf32>
        tpu.vector_store_idx %arg12[%add3A_608], %mul3A_609 {add = true} : memref<65536xf32, #tpu.memory_space<vmem>>[vector<16xi32>], vector<16xf32>,
        %get3A_610 = arith.constant 0 : i32
        %get3A_611 = tpu.memref_slice %arg11[%add3A_591, %get3A_610] : memref<128x128xf32, #tpu.memory_space<vmem>> -> memref<1x128xf32, #tpu.memory_space<vmem>>
        %get3A_612 = tpu.memref_squeeze %get3A_611 : memref<1x128xf32, #tpu.memory_space<vmem>> -> memref<128xf32, #tpu.memory_space<vmem>>
        %get3A_613 = arith.constant 80 : index
        %get3A_614 = tpu.vector_load %get3A_612[%get3A_613] {strides = array<i32>} : memref<128xf32, #tpu.memory_space<vmem>>, vector<16xf32>,
        %add3A_615 = arith.constant 16 : i32
        %add3A_616 = vector.broadcast %add3A_615 : i32 to vector<16xi32>
        %add3A_617 = arith.addi %gather3A_595, %add3A_616 : vector<16xi32>
        %add3A_618 = arith.addi %add3A_617, %iota3A : vector<16xi32>
        %mul3A_619 = arith.mulf %get3A_614, %get3A_599 : vector<16xf32>
        tpu.vector_store_idx %arg12[%add3A_618], %mul3A_619 {add = true} : memref<65536xf32, #tpu.memory_space<vmem>>[vector<16xi32>], vector<16xf32>,
        %scan3A_620 = arith.constant 0 : i32
        scf.yield %scan3A_620 : i32
      }
      %scan3A_100 = arith.constant 8 : i32
      %scan3A_101 = arith.constant 0 : i32
      scf.yield %scan3A_101 : i32
    }
    %scan3A_58 = arith.constant 16 : i32
    %add3A_59 = arith.constant 64 : i32
    %add3A_60 = arith.addi %add3A_59, %add3A : i32
    %mul3A_61 = arith.constant 65536 : i32
    %mul3A_62 = arith.muli %add3A_60, %mul3A_61 : i32
    "tpu.region"() ({
      %run_scoped3A = tpu.sem_alloc : memref<!tpu.dma_semaphore, #tpu.memory_space<semaphore_mem>>
      %dma_start3A = tpu.memref_slice %arg6[%mul3A_62] : memref<8388608xf32, #tpu.memory_space<hbm>> -> memref<65536xf32, #tpu.memory_space<hbm>>
      %dma_start3A_83 = tpu.memref_slice %arg6[%mul3A_62] : memref<8388608xf32, #tpu.memory_space<hbm>> -> memref<65536xf32, #tpu.memory_space<hbm>>
      tpu.enqueue_dma source(%arg12 : memref<65536xf32, #tpu.memory_space<vmem>>) target(%dma_start3A_83 : memref<65536xf32, #tpu.memory_space<hbm>>) target_semaphore(%run_scoped3A : memref<!tpu.dma_semaphore, #tpu.memory_space<semaphore_mem>>)
      %dma_wait3A = tpu.memref_slice %arg6[%mul3A_62] : memref<8388608xf32, #tpu.memory_space<hbm>> -> memref<65536xf32, #tpu.memory_space<hbm>>
      %dma_wait3A_84 = tpu.memref_slice %arg6[%mul3A_62] : memref<8388608xf32, #tpu.memory_space<hbm>> -> memref<65536xf32, #tpu.memory_space<hbm>>
      tpu.wait_dma2 semaphore(%run_scoped3A : memref<!tpu.dma_semaphore, #tpu.memory_space<semaphore_mem>>) src(%arg12 : memref<65536xf32, #tpu.memory_space<vmem>>) dst(%dma_wait3A_84 : memref<65536xf32, #tpu.memory_space<hbm>>)
      tpu.yield
    }) : () -> ()
    %scan3A_63 = arith.constant 0 : i32
    %scan3A_64 = arith.constant 0 : i32
    %scan3A_65 = arith.constant 4096 : i32
    %scan3A_66 = arith.addi %scan3A_64, %scan3A_65 : i32
    %scan3A_67 = arith.constant 1 : i32
    %scan3A_68 = scf.for %scan3A_83 = %scan3A_64 to %scan3A_66 step %scan3A_67 iter_args(%scan3A_84 = %scan3A_63) -> (i32)  : i32 {
      %broadcast_in_dim3A = arith.constant 0.000000e+00 : f32
      %broadcast_in_dim3A_85 = vector.broadcast %broadcast_in_dim3A : f32 to vector<16xf32>
      %mul3A_86 = arith.constant 16 : i32
      %mul3A_87 = arith.muli %scan3A_83, %mul3A_86 : i32
      %swap3A = arith.index_cast %mul3A_87 : i32 to index
      %swap3A_88 = tpu.vector_load %arg12[%swap3A] {strides = array<i32>} : memref<65536xf32, #tpu.memory_space<vmem>>, vector<16xf32>,
      tpu.vector_store %arg12[%swap3A], %broadcast_in_dim3A_85 {strides = array<i32>} : memref<65536xf32, #tpu.memory_space<vmem>>, vector<16xf32>,
      %scan3A_89 = arith.constant 0 : i32
      scf.yield %scan3A_89 : i32
    }
    %scan3A_69 = arith.constant 4096 : i32
    %scan3A_70 = arith.constant 0 : i32
    %scan3A_71 = arith.constant 0 : i32
    %scan3A_72 = arith.constant 16 : i32
    %scan3A_73 = arith.addi %scan3A_71, %scan3A_72 : i32
    %scan3A_74 = arith.constant 1 : i32
    %scan3A_75 = scf.for %scan3A_83 = %scan3A_71 to %scan3A_73 step %scan3A_74 iter_args(%scan3A_84 = %scan3A_70) -> (i32)  : i32 {
      %mul3A_85 = arith.constant 128 : i32
      %mul3A_86 = arith.muli %scan3A_83, %mul3A_85 : i32
      %add3A_87 = arith.addi %mul3A_2, %mul3A_86 : i32
      "tpu.region"() ({
        %run_scoped3A = tpu.sem_alloc : memref<!tpu.dma_semaphore, #tpu.memory_space<semaphore_mem>>
        %dma_start3A_102 = tpu.memref_slice %arg3[%add3A_87] : memref<65536xi32, #tpu.memory_space<hbm>> -> memref<128xi32, #tpu.memory_space<hbm>>
        %dma_start3A_103 = tpu.memref_slice %arg3[%add3A_87] : memref<65536xi32, #tpu.memory_space<hbm>> -> memref<128xi32, #tpu.memory_space<hbm>>
        tpu.enqueue_dma source(%dma_start3A_103 : memref<128xi32, #tpu.memory_space<hbm>>) target(%arg8 : memref<128xi32, #tpu.memory_space<vmem>>) target_semaphore(%run_scoped3A : memref<!tpu.dma_semaphore, #tpu.memory_space<semaphore_mem>>)
        %dma_wait3A_104 = tpu.memref_slice %arg3[%add3A_87] : memref<65536xi32, #tpu.memory_space<hbm>> -> memref<128xi32, #tpu.memory_space<hbm>>
        %dma_wait3A_105 = tpu.memref_slice %arg3[%add3A_87] : memref<65536xi32, #tpu.memory_space<hbm>> -> memref<128xi32, #tpu.memory_space<hbm>>
        tpu.wait_dma2 semaphore(%run_scoped3A : memref<!tpu.dma_semaphore, #tpu.memory_space<semaphore_mem>>) src(%dma_wait3A_105 : memref<128xi32, #tpu.memory_space<hbm>>) dst(%arg8 : memref<128xi32, #tpu.memory_space<vmem>>)
        tpu.yield
      }) : () -> ()
      "tpu.region"() ({
        %run_scoped3A = tpu.sem_alloc : memref<!tpu.dma_semaphore, #tpu.memory_space<semaphore_mem>>
        %dma_start3A_102 = tpu.memref_slice %arg4[%add3A_87] : memref<65536xi32, #tpu.memory_space<hbm>> -> memref<128xi32, #tpu.memory_space<hbm>>
        %dma_start3A_103 = tpu.memref_slice %arg4[%add3A_87] : memref<65536xi32, #tpu.memory_space<hbm>> -> memref<128xi32, #tpu.memory_space<hbm>>
        tpu.enqueue_dma source(%dma_start3A_103 : memref<128xi32, #tpu.memory_space<hbm>>) target(%arg9 : memref<128xi32, #tpu.memory_space<vmem>>) target_semaphore(%run_scoped3A : memref<!tpu.dma_semaphore, #tpu.memory_space<semaphore_mem>>)
        %dma_wait3A_104 = tpu.memref_slice %arg4[%add3A_87] : memref<65536xi32, #tpu.memory_space<hbm>> -> memref<128xi32, #tpu.memory_space<hbm>>
        %dma_wait3A_105 = tpu.memref_slice %arg4[%add3A_87] : memref<65536xi32, #tpu.memory_space<hbm>> -> memref<128xi32, #tpu.memory_space<hbm>>
        tpu.wait_dma2 semaphore(%run_scoped3A : memref<!tpu.dma_semaphore, #tpu.memory_space<semaphore_mem>>) src(%dma_wait3A_105 : memref<128xi32, #tpu.memory_space<hbm>>) dst(%arg9 : memref<128xi32, #tpu.memory_space<vmem>>)
        tpu.yield
      }) : () -> ()
      %mul3A_88 = arith.constant 16 : i32
      %mul3A_89 = arith.muli %add3A_87, %mul3A_88 : i32
      "tpu.region"() ({
        %run_scoped3A = tpu.sem_alloc : memref<!tpu.dma_semaphore, #tpu.memory_space<semaphore_mem>>
        %dma_start3A_102 = tpu.memref_slice %arg5[%mul3A_89] : memref<1048576xf32, #tpu.memory_space<hbm>> -> memref<2048xf32, #tpu.memory_space<hbm>>
        %dma_start3A_103 = tpu.memref_slice %arg5[%mul3A_89] : memref<1048576xf32, #tpu.memory_space<hbm>> -> memref<2048xf32, #tpu.memory_space<hbm>>
        tpu.enqueue_dma source(%dma_start3A_103 : memref<2048xf32, #tpu.memory_space<hbm>>) target(%arg10 : memref<2048xf32, #tpu.memory_space<vmem>>) target_semaphore(%run_scoped3A : memref<!tpu.dma_semaphore, #tpu.memory_space<semaphore_mem>>)
        %dma_wait3A_104 = tpu.memref_slice %arg5[%mul3A_89] : memref<1048576xf32, #tpu.memory_space<hbm>> -> memref<2048xf32, #tpu.memory_space<hbm>>
        %dma_wait3A_105 = tpu.memref_slice %arg5[%mul3A_89] : memref<1048576xf32, #tpu.memory_space<hbm>> -> memref<2048xf32, #tpu.memory_space<hbm>>
        tpu.wait_dma2 semaphore(%run_scoped3A : memref<!tpu.dma_semaphore, #tpu.memory_space<semaphore_mem>>) src(%dma_wait3A_105 : memref<2048xf32, #tpu.memory_space<hbm>>) dst(%arg10 : memref<2048xf32, #tpu.memory_space<vmem>>)
        tpu.yield
      }) : () -> ()
      %dma_start3A = arith.constant 0 : i32
      %dma_start3A_90 = arith.constant 0 : i32
      %dma_start3A_91 = tpu.memref_slice %arg2[%dma_start3A, %dma_start3A_90] : memref<2048x128xf32, #tpu.memory_space<hbm>> -> memref<2048x128xf32, #tpu.memory_space<hbm>>
      tpu.enqueue_indirect_dma source(%dma_start3A_91 : memref<2048x128xf32, #tpu.memory_space<hbm>>) target(%arg11 : memref<128x128xf32, #tpu.memory_space<vmem>>) offsets(%arg8 : memref<128xi32, #tpu.memory_space<vmem>>) semaphore(%arg14 : memref<!tpu.dma_semaphore, #tpu.memory_space<semaphore_mem>>)
      %dma_wait3A = arith.constant 0 : i32
      %dma_wait3A_92 = arith.constant 0 : i32
      %dma_wait3A_93 = tpu.memref_slice %arg2[%dma_wait3A, %dma_wait3A_92] : memref<2048x128xf32, #tpu.memory_space<hbm>> -> memref<2048x128xf32, #tpu.memory_space<hbm>>
      tpu.wait_indirect_dma semaphore(%arg14 : memref<!tpu.dma_semaphore, #tpu.memory_space<semaphore_mem>>) src(%dma_wait3A_93 : memref<2048x128xf32, #tpu.memory_space<hbm>>) dst(%arg11 : memref<128x128xf32, #tpu.memory_space<vmem>>)
      %scan3A_94 = arith.constant 0 : i32
      %scan3A_95 = arith.constant 0 : i32
      %scan3A_96 = arith.constant 8 : i32
      %scan3A_97 = arith.addi %scan3A_95, %scan3A_96 : i32
      %scan3A_98 = arith.constant 1 : i32
      %scan3A_99 = scf.for %scan3A_102 = %scan3A_95 to %scan3A_97 step %scan3A_98 iter_args(%scan3A_103 = %scan3A_94) -> (i32)  : i32 {
        %mul3A_104 = arith.constant 16 : i32
        %mul3A_105 = arith.muli %scan3A_102, %mul3A_104 : i32
        %get3A = arith.index_cast %mul3A_105 : i32 to index
        %get3A_106 = tpu.vector_load %arg9[%get3A] {strides = array<i32>} : memref<128xi32, #tpu.memory_space<vmem>>, vector<16xi32>,
        %mul3A_107 = arith.constant 32 : i32
        %mul3A_108 = vector.broadcast %mul3A_107 : i32 to vector<16xi32>
        %mul3A_109 = arith.muli %get3A_106, %mul3A_108 : vector<16xi32>
        %mul3A_110 = arith.constant 16 : i32
        %mul3A_111 = arith.muli %scan3A_102, %mul3A_110 : i32
        %add3A_112 = arith.constant 0 : i32
        %add3A_113 = arith.addi %mul3A_111, %add3A_112 : i32
        %broadcast_in_dim3A = arith.constant 0 : i32
        %broadcast_in_dim3A_114 = vector.broadcast %broadcast_in_dim3A : i32 to vector<16x1xi32>
        %gather3A = vector.shape_cast %broadcast_in_dim3A_114 : vector<16x1xi32> to vector<16xi32>
        %gather3A_115 = tpu.dynamic_gather %mul3A_109[%gather3A] in [0] : vector<16xi32>, vector<16xi32> -> vector<16xi32>
        %mul3A_116 = arith.constant 16 : i32
        %mul3A_117 = arith.muli %add3A_113, %mul3A_116 : i32
        %get3A_118 = arith.index_cast %mul3A_117 : i32 to index
        %get3A_119 = tpu.vector_load %arg10[%get3A_118] {strides = array<i32>} : memref<2048xf32, #tpu.memory_space<vmem>>, vector<16xf32>,
        %get3A_120 = arith.constant 0 : i32
        %get3A_121 = tpu.memref_slice %arg11[%add3A_113, %get3A_120] : memref<128x128xf32, #tpu.memory_space<vmem>> -> memref<1x128xf32, #tpu.memory_space<vmem>>
        %get3A_122 = tpu.memref_squeeze %get3A_121 : memref<1x128xf32, #tpu.memory_space<vmem>> -> memref<128xf32, #tpu.memory_space<vmem>>
        %get3A_123 = arith.constant 96 : index
        %get3A_124 = tpu.vector_load %get3A_122[%get3A_123] {strides = array<i32>} : memref<128xf32, #tpu.memory_space<vmem>>, vector<16xf32>,
        %add3A_125 = arith.constant 0 : i32
        %add3A_126 = vector.broadcast %add3A_125 : i32 to vector<16xi32>
        %add3A_127 = arith.addi %gather3A_115, %add3A_126 : vector<16xi32>
        %add3A_128 = arith.addi %add3A_127, %iota3A : vector<16xi32>
        %mul3A_129 = arith.mulf %get3A_124, %get3A_119 : vector<16xf32>
        tpu.vector_store_idx %arg12[%add3A_128], %mul3A_129 {add = true} : memref<65536xf32, #tpu.memory_space<vmem>>[vector<16xi32>], vector<16xf32>,
        %get3A_130 = arith.constant 0 : i32
        %get3A_131 = tpu.memref_slice %arg11[%add3A_113, %get3A_130] : memref<128x128xf32, #tpu.memory_space<vmem>> -> memref<1x128xf32, #tpu.memory_space<vmem>>
        %get3A_132 = tpu.memref_squeeze %get3A_131 : memref<1x128xf32, #tpu.memory_space<vmem>> -> memref<128xf32, #tpu.memory_space<vmem>>
        %get3A_133 = arith.constant 112 : index
        %get3A_134 = tpu.vector_load %get3A_132[%get3A_133] {strides = array<i32>} : memref<128xf32, #tpu.memory_space<vmem>>, vector<16xf32>,
        %add3A_135 = arith.constant 16 : i32
        %add3A_136 = vector.broadcast %add3A_135 : i32 to vector<16xi32>
        %add3A_137 = arith.addi %gather3A_115, %add3A_136 : vector<16xi32>
        %add3A_138 = arith.addi %add3A_137, %iota3A : vector<16xi32>
        %mul3A_139 = arith.mulf %get3A_134, %get3A_119 : vector<16xf32>
        tpu.vector_store_idx %arg12[%add3A_138], %mul3A_139 {add = true} : memref<65536xf32, #tpu.memory_space<vmem>>[vector<16xi32>], vector<16xf32>,
        %mul3A_140 = arith.constant 16 : i32
        %mul3A_141 = arith.muli %scan3A_102, %mul3A_140 : i32
        %add3A_142 = arith.constant 1 : i32
        %add3A_143 = arith.addi %mul3A_141, %add3A_142 : i32
        %broadcast_in_dim3A_144 = arith.constant 1 : i32
        %broadcast_in_dim3A_145 = vector.broadcast %broadcast_in_dim3A_144 : i32 to vector<16x1xi32>
        %gather3A_146 = vector.shape_cast %broadcast_in_dim3A_145 : vector<16x1xi32> to vector<16xi32>
        %gather3A_147 = tpu.dynamic_gather %mul3A_109[%gather3A_146] in [0] : vector<16xi32>, vector<16xi32> -> vector<16xi32>
        %mul3A_148 = arith.constant 16 : i32
        %mul3A_149 = arith.muli %add3A_143, %mul3A_148 : i32
        %get3A_150 = arith.index_cast %mul3A_149 : i32 to index
        %get3A_151 = tpu.vector_load %arg10[%get3A_150] {strides = array<i32>} : memref<2048xf32, #tpu.memory_space<vmem>>, vector<16xf32>,
        %get3A_152 = arith.constant 0 : i32
        %get3A_153 = tpu.memref_slice %arg11[%add3A_143, %get3A_152] : memref<128x128xf32, #tpu.memory_space<vmem>> -> memref<1x128xf32, #tpu.memory_space<vmem>>
        %get3A_154 = tpu.memref_squeeze %get3A_153 : memref<1x128xf32, #tpu.memory_space<vmem>> -> memref<128xf32, #tpu.memory_space<vmem>>
        %get3A_155 = arith.constant 96 : index
        %get3A_156 = tpu.vector_load %get3A_154[%get3A_155] {strides = array<i32>} : memref<128xf32, #tpu.memory_space<vmem>>, vector<16xf32>,
        %add3A_157 = arith.constant 0 : i32
        %add3A_158 = vector.broadcast %add3A_157 : i32 to vector<16xi32>
        %add3A_159 = arith.addi %gather3A_147, %add3A_158 : vector<16xi32>
        %add3A_160 = arith.addi %add3A_159, %iota3A : vector<16xi32>
        %mul3A_161 = arith.mulf %get3A_156, %get3A_151 : vector<16xf32>
        tpu.vector_store_idx %arg12[%add3A_160], %mul3A_161 {add = true} : memref<65536xf32, #tpu.memory_space<vmem>>[vector<16xi32>], vector<16xf32>,
        %get3A_162 = arith.constant 0 : i32
        %get3A_163 = tpu.memref_slice %arg11[%add3A_143, %get3A_162] : memref<128x128xf32, #tpu.memory_space<vmem>> -> memref<1x128xf32, #tpu.memory_space<vmem>>
        %get3A_164 = tpu.memref_squeeze %get3A_163 : memref<1x128xf32, #tpu.memory_space<vmem>> -> memref<128xf32, #tpu.memory_space<vmem>>
        %get3A_165 = arith.constant 112 : index
        %get3A_166 = tpu.vector_load %get3A_164[%get3A_165] {strides = array<i32>} : memref<128xf32, #tpu.memory_space<vmem>>, vector<16xf32>,
        %add3A_167 = arith.constant 16 : i32
        %add3A_168 = vector.broadcast %add3A_167 : i32 to vector<16xi32>
        %add3A_169 = arith.addi %gather3A_147, %add3A_168 : vector<16xi32>
        %add3A_170 = arith.addi %add3A_169, %iota3A : vector<16xi32>
        %mul3A_171 = arith.mulf %get3A_166, %get3A_151 : vector<16xf32>
        tpu.vector_store_idx %arg12[%add3A_170], %mul3A_171 {add = true} : memref<65536xf32, #tpu.memory_space<vmem>>[vector<16xi32>], vector<16xf32>,
        %mul3A_172 = arith.constant 16 : i32
        %mul3A_173 = arith.muli %scan3A_102, %mul3A_172 : i32
        %add3A_174 = arith.constant 2 : i32
        %add3A_175 = arith.addi %mul3A_173, %add3A_174 : i32
        %broadcast_in_dim3A_176 = arith.constant 2 : i32
        %broadcast_in_dim3A_177 = vector.broadcast %broadcast_in_dim3A_176 : i32 to vector<16x1xi32>
        %gather3A_178 = vector.shape_cast %broadcast_in_dim3A_177 : vector<16x1xi32> to vector<16xi32>
        %gather3A_179 = tpu.dynamic_gather %mul3A_109[%gather3A_178] in [0] : vector<16xi32>, vector<16xi32> -> vector<16xi32>
        %mul3A_180 = arith.constant 16 : i32
        %mul3A_181 = arith.muli %add3A_175, %mul3A_180 : i32
        %get3A_182 = arith.index_cast %mul3A_181 : i32 to index
        %get3A_183 = tpu.vector_load %arg10[%get3A_182] {strides = array<i32>} : memref<2048xf32, #tpu.memory_space<vmem>>, vector<16xf32>,
        %get3A_184 = arith.constant 0 : i32
        %get3A_185 = tpu.memref_slice %arg11[%add3A_175, %get3A_184] : memref<128x128xf32, #tpu.memory_space<vmem>> -> memref<1x128xf32, #tpu.memory_space<vmem>>
        %get3A_186 = tpu.memref_squeeze %get3A_185 : memref<1x128xf32, #tpu.memory_space<vmem>> -> memref<128xf32, #tpu.memory_space<vmem>>
        %get3A_187 = arith.constant 96 : index
        %get3A_188 = tpu.vector_load %get3A_186[%get3A_187] {strides = array<i32>} : memref<128xf32, #tpu.memory_space<vmem>>, vector<16xf32>,
        %add3A_189 = arith.constant 0 : i32
        %add3A_190 = vector.broadcast %add3A_189 : i32 to vector<16xi32>
        %add3A_191 = arith.addi %gather3A_179, %add3A_190 : vector<16xi32>
        %add3A_192 = arith.addi %add3A_191, %iota3A : vector<16xi32>
        %mul3A_193 = arith.mulf %get3A_188, %get3A_183 : vector<16xf32>
        tpu.vector_store_idx %arg12[%add3A_192], %mul3A_193 {add = true} : memref<65536xf32, #tpu.memory_space<vmem>>[vector<16xi32>], vector<16xf32>,
        %get3A_194 = arith.constant 0 : i32
        %get3A_195 = tpu.memref_slice %arg11[%add3A_175, %get3A_194] : memref<128x128xf32, #tpu.memory_space<vmem>> -> memref<1x128xf32, #tpu.memory_space<vmem>>
        %get3A_196 = tpu.memref_squeeze %get3A_195 : memref<1x128xf32, #tpu.memory_space<vmem>> -> memref<128xf32, #tpu.memory_space<vmem>>
        %get3A_197 = arith.constant 112 : index
        %get3A_198 = tpu.vector_load %get3A_196[%get3A_197] {strides = array<i32>} : memref<128xf32, #tpu.memory_space<vmem>>, vector<16xf32>,
        %add3A_199 = arith.constant 16 : i32
        %add3A_200 = vector.broadcast %add3A_199 : i32 to vector<16xi32>
        %add3A_201 = arith.addi %gather3A_179, %add3A_200 : vector<16xi32>
        %add3A_202 = arith.addi %add3A_201, %iota3A : vector<16xi32>
        %mul3A_203 = arith.mulf %get3A_198, %get3A_183 : vector<16xf32>
        tpu.vector_store_idx %arg12[%add3A_202], %mul3A_203 {add = true} : memref<65536xf32, #tpu.memory_space<vmem>>[vector<16xi32>], vector<16xf32>,
        %mul3A_204 = arith.constant 16 : i32
        %mul3A_205 = arith.muli %scan3A_102, %mul3A_204 : i32
        %add3A_206 = arith.constant 3 : i32
        %add3A_207 = arith.addi %mul3A_205, %add3A_206 : i32
        %broadcast_in_dim3A_208 = arith.constant 3 : i32
        %broadcast_in_dim3A_209 = vector.broadcast %broadcast_in_dim3A_208 : i32 to vector<16x1xi32>
        %gather3A_210 = vector.shape_cast %broadcast_in_dim3A_209 : vector<16x1xi32> to vector<16xi32>
        %gather3A_211 = tpu.dynamic_gather %mul3A_109[%gather3A_210] in [0] : vector<16xi32>, vector<16xi32> -> vector<16xi32>
        %mul3A_212 = arith.constant 16 : i32
        %mul3A_213 = arith.muli %add3A_207, %mul3A_212 : i32
        %get3A_214 = arith.index_cast %mul3A_213 : i32 to index
        %get3A_215 = tpu.vector_load %arg10[%get3A_214] {strides = array<i32>} : memref<2048xf32, #tpu.memory_space<vmem>>, vector<16xf32>,
        %get3A_216 = arith.constant 0 : i32
        %get3A_217 = tpu.memref_slice %arg11[%add3A_207, %get3A_216] : memref<128x128xf32, #tpu.memory_space<vmem>> -> memref<1x128xf32, #tpu.memory_space<vmem>>
        %get3A_218 = tpu.memref_squeeze %get3A_217 : memref<1x128xf32, #tpu.memory_space<vmem>> -> memref<128xf32, #tpu.memory_space<vmem>>
        %get3A_219 = arith.constant 96 : index
        %get3A_220 = tpu.vector_load %get3A_218[%get3A_219] {strides = array<i32>} : memref<128xf32, #tpu.memory_space<vmem>>, vector<16xf32>,
        %add3A_221 = arith.constant 0 : i32
        %add3A_222 = vector.broadcast %add3A_221 : i32 to vector<16xi32>
        %add3A_223 = arith.addi %gather3A_211, %add3A_222 : vector<16xi32>
        %add3A_224 = arith.addi %add3A_223, %iota3A : vector<16xi32>
        %mul3A_225 = arith.mulf %get3A_220, %get3A_215 : vector<16xf32>
        tpu.vector_store_idx %arg12[%add3A_224], %mul3A_225 {add = true} : memref<65536xf32, #tpu.memory_space<vmem>>[vector<16xi32>], vector<16xf32>,
        %get3A_226 = arith.constant 0 : i32
        %get3A_227 = tpu.memref_slice %arg11[%add3A_207, %get3A_226] : memref<128x128xf32, #tpu.memory_space<vmem>> -> memref<1x128xf32, #tpu.memory_space<vmem>>
        %get3A_228 = tpu.memref_squeeze %get3A_227 : memref<1x128xf32, #tpu.memory_space<vmem>> -> memref<128xf32, #tpu.memory_space<vmem>>
        %get3A_229 = arith.constant 112 : index
        %get3A_230 = tpu.vector_load %get3A_228[%get3A_229] {strides = array<i32>} : memref<128xf32, #tpu.memory_space<vmem>>, vector<16xf32>,
        %add3A_231 = arith.constant 16 : i32
        %add3A_232 = vector.broadcast %add3A_231 : i32 to vector<16xi32>
        %add3A_233 = arith.addi %gather3A_211, %add3A_232 : vector<16xi32>
        %add3A_234 = arith.addi %add3A_233, %iota3A : vector<16xi32>
        %mul3A_235 = arith.mulf %get3A_230, %get3A_215 : vector<16xf32>
        tpu.vector_store_idx %arg12[%add3A_234], %mul3A_235 {add = true} : memref<65536xf32, #tpu.memory_space<vmem>>[vector<16xi32>], vector<16xf32>,
        %mul3A_236 = arith.constant 16 : i32
        %mul3A_237 = arith.muli %scan3A_102, %mul3A_236 : i32
        %add3A_238 = arith.constant 4 : i32
        %add3A_239 = arith.addi %mul3A_237, %add3A_238 : i32
        %broadcast_in_dim3A_240 = arith.constant 4 : i32
        %broadcast_in_dim3A_241 = vector.broadcast %broadcast_in_dim3A_240 : i32 to vector<16x1xi32>
        %gather3A_242 = vector.shape_cast %broadcast_in_dim3A_241 : vector<16x1xi32> to vector<16xi32>
        %gather3A_243 = tpu.dynamic_gather %mul3A_109[%gather3A_242] in [0] : vector<16xi32>, vector<16xi32> -> vector<16xi32>
        %mul3A_244 = arith.constant 16 : i32
        %mul3A_245 = arith.muli %add3A_239, %mul3A_244 : i32
        %get3A_246 = arith.index_cast %mul3A_245 : i32 to index
        %get3A_247 = tpu.vector_load %arg10[%get3A_246] {strides = array<i32>} : memref<2048xf32, #tpu.memory_space<vmem>>, vector<16xf32>,
        %get3A_248 = arith.constant 0 : i32
        %get3A_249 = tpu.memref_slice %arg11[%add3A_239, %get3A_248] : memref<128x128xf32, #tpu.memory_space<vmem>> -> memref<1x128xf32, #tpu.memory_space<vmem>>
        %get3A_250 = tpu.memref_squeeze %get3A_249 : memref<1x128xf32, #tpu.memory_space<vmem>> -> memref<128xf32, #tpu.memory_space<vmem>>
        %get3A_251 = arith.constant 96 : index
        %get3A_252 = tpu.vector_load %get3A_250[%get3A_251] {strides = array<i32>} : memref<128xf32, #tpu.memory_space<vmem>>, vector<16xf32>,
        %add3A_253 = arith.constant 0 : i32
        %add3A_254 = vector.broadcast %add3A_253 : i32 to vector<16xi32>
        %add3A_255 = arith.addi %gather3A_243, %add3A_254 : vector<16xi32>
        %add3A_256 = arith.addi %add3A_255, %iota3A : vector<16xi32>
        %mul3A_257 = arith.mulf %get3A_252, %get3A_247 : vector<16xf32>
        tpu.vector_store_idx %arg12[%add3A_256], %mul3A_257 {add = true} : memref<65536xf32, #tpu.memory_space<vmem>>[vector<16xi32>], vector<16xf32>,
        %get3A_258 = arith.constant 0 : i32
        %get3A_259 = tpu.memref_slice %arg11[%add3A_239, %get3A_258] : memref<128x128xf32, #tpu.memory_space<vmem>> -> memref<1x128xf32, #tpu.memory_space<vmem>>
        %get3A_260 = tpu.memref_squeeze %get3A_259 : memref<1x128xf32, #tpu.memory_space<vmem>> -> memref<128xf32, #tpu.memory_space<vmem>>
        %get3A_261 = arith.constant 112 : index
        %get3A_262 = tpu.vector_load %get3A_260[%get3A_261] {strides = array<i32>} : memref<128xf32, #tpu.memory_space<vmem>>, vector<16xf32>,
        %add3A_263 = arith.constant 16 : i32
        %add3A_264 = vector.broadcast %add3A_263 : i32 to vector<16xi32>
        %add3A_265 = arith.addi %gather3A_243, %add3A_264 : vector<16xi32>
        %add3A_266 = arith.addi %add3A_265, %iota3A : vector<16xi32>
        %mul3A_267 = arith.mulf %get3A_262, %get3A_247 : vector<16xf32>
        tpu.vector_store_idx %arg12[%add3A_266], %mul3A_267 {add = true} : memref<65536xf32, #tpu.memory_space<vmem>>[vector<16xi32>], vector<16xf32>,
        %mul3A_268 = arith.constant 16 : i32
        %mul3A_269 = arith.muli %scan3A_102, %mul3A_268 : i32
        %add3A_270 = arith.constant 5 : i32
        %add3A_271 = arith.addi %mul3A_269, %add3A_270 : i32
        %broadcast_in_dim3A_272 = arith.constant 5 : i32
        %broadcast_in_dim3A_273 = vector.broadcast %broadcast_in_dim3A_272 : i32 to vector<16x1xi32>
        %gather3A_274 = vector.shape_cast %broadcast_in_dim3A_273 : vector<16x1xi32> to vector<16xi32>
        %gather3A_275 = tpu.dynamic_gather %mul3A_109[%gather3A_274] in [0] : vector<16xi32>, vector<16xi32> -> vector<16xi32>
        %mul3A_276 = arith.constant 16 : i32
        %mul3A_277 = arith.muli %add3A_271, %mul3A_276 : i32
        %get3A_278 = arith.index_cast %mul3A_277 : i32 to index
        %get3A_279 = tpu.vector_load %arg10[%get3A_278] {strides = array<i32>} : memref<2048xf32, #tpu.memory_space<vmem>>, vector<16xf32>,
        %get3A_280 = arith.constant 0 : i32
        %get3A_281 = tpu.memref_slice %arg11[%add3A_271, %get3A_280] : memref<128x128xf32, #tpu.memory_space<vmem>> -> memref<1x128xf32, #tpu.memory_space<vmem>>
        %get3A_282 = tpu.memref_squeeze %get3A_281 : memref<1x128xf32, #tpu.memory_space<vmem>> -> memref<128xf32, #tpu.memory_space<vmem>>
        %get3A_283 = arith.constant 96 : index
        %get3A_284 = tpu.vector_load %get3A_282[%get3A_283] {strides = array<i32>} : memref<128xf32, #tpu.memory_space<vmem>>, vector<16xf32>,
        %add3A_285 = arith.constant 0 : i32
        %add3A_286 = vector.broadcast %add3A_285 : i32 to vector<16xi32>
        %add3A_287 = arith.addi %gather3A_275, %add3A_286 : vector<16xi32>
        %add3A_288 = arith.addi %add3A_287, %iota3A : vector<16xi32>
        %mul3A_289 = arith.mulf %get3A_284, %get3A_279 : vector<16xf32>
        tpu.vector_store_idx %arg12[%add3A_288], %mul3A_289 {add = true} : memref<65536xf32, #tpu.memory_space<vmem>>[vector<16xi32>], vector<16xf32>,
        %get3A_290 = arith.constant 0 : i32
        %get3A_291 = tpu.memref_slice %arg11[%add3A_271, %get3A_290] : memref<128x128xf32, #tpu.memory_space<vmem>> -> memref<1x128xf32, #tpu.memory_space<vmem>>
        %get3A_292 = tpu.memref_squeeze %get3A_291 : memref<1x128xf32, #tpu.memory_space<vmem>> -> memref<128xf32, #tpu.memory_space<vmem>>
        %get3A_293 = arith.constant 112 : index
        %get3A_294 = tpu.vector_load %get3A_292[%get3A_293] {strides = array<i32>} : memref<128xf32, #tpu.memory_space<vmem>>, vector<16xf32>,
        %add3A_295 = arith.constant 16 : i32
        %add3A_296 = vector.broadcast %add3A_295 : i32 to vector<16xi32>
        %add3A_297 = arith.addi %gather3A_275, %add3A_296 : vector<16xi32>
        %add3A_298 = arith.addi %add3A_297, %iota3A : vector<16xi32>
        %mul3A_299 = arith.mulf %get3A_294, %get3A_279 : vector<16xf32>
        tpu.vector_store_idx %arg12[%add3A_298], %mul3A_299 {add = true} : memref<65536xf32, #tpu.memory_space<vmem>>[vector<16xi32>], vector<16xf32>,
        %mul3A_300 = arith.constant 16 : i32
        %mul3A_301 = arith.muli %scan3A_102, %mul3A_300 : i32
        %add3A_302 = arith.constant 6 : i32
        %add3A_303 = arith.addi %mul3A_301, %add3A_302 : i32
        %broadcast_in_dim3A_304 = arith.constant 6 : i32
        %broadcast_in_dim3A_305 = vector.broadcast %broadcast_in_dim3A_304 : i32 to vector<16x1xi32>
        %gather3A_306 = vector.shape_cast %broadcast_in_dim3A_305 : vector<16x1xi32> to vector<16xi32>
        %gather3A_307 = tpu.dynamic_gather %mul3A_109[%gather3A_306] in [0] : vector<16xi32>, vector<16xi32> -> vector<16xi32>
        %mul3A_308 = arith.constant 16 : i32
        %mul3A_309 = arith.muli %add3A_303, %mul3A_308 : i32
        %get3A_310 = arith.index_cast %mul3A_309 : i32 to index
        %get3A_311 = tpu.vector_load %arg10[%get3A_310] {strides = array<i32>} : memref<2048xf32, #tpu.memory_space<vmem>>, vector<16xf32>,
        %get3A_312 = arith.constant 0 : i32
        %get3A_313 = tpu.memref_slice %arg11[%add3A_303, %get3A_312] : memref<128x128xf32, #tpu.memory_space<vmem>> -> memref<1x128xf32, #tpu.memory_space<vmem>>
        %get3A_314 = tpu.memref_squeeze %get3A_313 : memref<1x128xf32, #tpu.memory_space<vmem>> -> memref<128xf32, #tpu.memory_space<vmem>>
        %get3A_315 = arith.constant 96 : index
        %get3A_316 = tpu.vector_load %get3A_314[%get3A_315] {strides = array<i32>} : memref<128xf32, #tpu.memory_space<vmem>>, vector<16xf32>,
        %add3A_317 = arith.constant 0 : i32
        %add3A_318 = vector.broadcast %add3A_317 : i32 to vector<16xi32>
        %add3A_319 = arith.addi %gather3A_307, %add3A_318 : vector<16xi32>
        %add3A_320 = arith.addi %add3A_319, %iota3A : vector<16xi32>
        %mul3A_321 = arith.mulf %get3A_316, %get3A_311 : vector<16xf32>
        tpu.vector_store_idx %arg12[%add3A_320], %mul3A_321 {add = true} : memref<65536xf32, #tpu.memory_space<vmem>>[vector<16xi32>], vector<16xf32>,
        %get3A_322 = arith.constant 0 : i32
        %get3A_323 = tpu.memref_slice %arg11[%add3A_303, %get3A_322] : memref<128x128xf32, #tpu.memory_space<vmem>> -> memref<1x128xf32, #tpu.memory_space<vmem>>
        %get3A_324 = tpu.memref_squeeze %get3A_323 : memref<1x128xf32, #tpu.memory_space<vmem>> -> memref<128xf32, #tpu.memory_space<vmem>>
        %get3A_325 = arith.constant 112 : index
        %get3A_326 = tpu.vector_load %get3A_324[%get3A_325] {strides = array<i32>} : memref<128xf32, #tpu.memory_space<vmem>>, vector<16xf32>,
        %add3A_327 = arith.constant 16 : i32
        %add3A_328 = vector.broadcast %add3A_327 : i32 to vector<16xi32>
        %add3A_329 = arith.addi %gather3A_307, %add3A_328 : vector<16xi32>
        %add3A_330 = arith.addi %add3A_329, %iota3A : vector<16xi32>
        %mul3A_331 = arith.mulf %get3A_326, %get3A_311 : vector<16xf32>
        tpu.vector_store_idx %arg12[%add3A_330], %mul3A_331 {add = true} : memref<65536xf32, #tpu.memory_space<vmem>>[vector<16xi32>], vector<16xf32>,
        %mul3A_332 = arith.constant 16 : i32
        %mul3A_333 = arith.muli %scan3A_102, %mul3A_332 : i32
        %add3A_334 = arith.constant 7 : i32
        %add3A_335 = arith.addi %mul3A_333, %add3A_334 : i32
        %broadcast_in_dim3A_336 = arith.constant 7 : i32
        %broadcast_in_dim3A_337 = vector.broadcast %broadcast_in_dim3A_336 : i32 to vector<16x1xi32>
        %gather3A_338 = vector.shape_cast %broadcast_in_dim3A_337 : vector<16x1xi32> to vector<16xi32>
        %gather3A_339 = tpu.dynamic_gather %mul3A_109[%gather3A_338] in [0] : vector<16xi32>, vector<16xi32> -> vector<16xi32>
        %mul3A_340 = arith.constant 16 : i32
        %mul3A_341 = arith.muli %add3A_335, %mul3A_340 : i32
        %get3A_342 = arith.index_cast %mul3A_341 : i32 to index
        %get3A_343 = tpu.vector_load %arg10[%get3A_342] {strides = array<i32>} : memref<2048xf32, #tpu.memory_space<vmem>>, vector<16xf32>,
        %get3A_344 = arith.constant 0 : i32
        %get3A_345 = tpu.memref_slice %arg11[%add3A_335, %get3A_344] : memref<128x128xf32, #tpu.memory_space<vmem>> -> memref<1x128xf32, #tpu.memory_space<vmem>>
        %get3A_346 = tpu.memref_squeeze %get3A_345 : memref<1x128xf32, #tpu.memory_space<vmem>> -> memref<128xf32, #tpu.memory_space<vmem>>
        %get3A_347 = arith.constant 96 : index
        %get3A_348 = tpu.vector_load %get3A_346[%get3A_347] {strides = array<i32>} : memref<128xf32, #tpu.memory_space<vmem>>, vector<16xf32>,
        %add3A_349 = arith.constant 0 : i32
        %add3A_350 = vector.broadcast %add3A_349 : i32 to vector<16xi32>
        %add3A_351 = arith.addi %gather3A_339, %add3A_350 : vector<16xi32>
        %add3A_352 = arith.addi %add3A_351, %iota3A : vector<16xi32>
        %mul3A_353 = arith.mulf %get3A_348, %get3A_343 : vector<16xf32>
        tpu.vector_store_idx %arg12[%add3A_352], %mul3A_353 {add = true} : memref<65536xf32, #tpu.memory_space<vmem>>[vector<16xi32>], vector<16xf32>,
        %get3A_354 = arith.constant 0 : i32
        %get3A_355 = tpu.memref_slice %arg11[%add3A_335, %get3A_354] : memref<128x128xf32, #tpu.memory_space<vmem>> -> memref<1x128xf32, #tpu.memory_space<vmem>>
        %get3A_356 = tpu.memref_squeeze %get3A_355 : memref<1x128xf32, #tpu.memory_space<vmem>> -> memref<128xf32, #tpu.memory_space<vmem>>
        %get3A_357 = arith.constant 112 : index
        %get3A_358 = tpu.vector_load %get3A_356[%get3A_357] {strides = array<i32>} : memref<128xf32, #tpu.memory_space<vmem>>, vector<16xf32>,
        %add3A_359 = arith.constant 16 : i32
        %add3A_360 = vector.broadcast %add3A_359 : i32 to vector<16xi32>
        %add3A_361 = arith.addi %gather3A_339, %add3A_360 : vector<16xi32>
        %add3A_362 = arith.addi %add3A_361, %iota3A : vector<16xi32>
        %mul3A_363 = arith.mulf %get3A_358, %get3A_343 : vector<16xf32>
        tpu.vector_store_idx %arg12[%add3A_362], %mul3A_363 {add = true} : memref<65536xf32, #tpu.memory_space<vmem>>[vector<16xi32>], vector<16xf32>,
        %mul3A_364 = arith.constant 16 : i32
        %mul3A_365 = arith.muli %scan3A_102, %mul3A_364 : i32
        %add3A_366 = arith.constant 8 : i32
        %add3A_367 = arith.addi %mul3A_365, %add3A_366 : i32
        %broadcast_in_dim3A_368 = arith.constant 8 : i32
        %broadcast_in_dim3A_369 = vector.broadcast %broadcast_in_dim3A_368 : i32 to vector<16x1xi32>
        %gather3A_370 = vector.shape_cast %broadcast_in_dim3A_369 : vector<16x1xi32> to vector<16xi32>
        %gather3A_371 = tpu.dynamic_gather %mul3A_109[%gather3A_370] in [0] : vector<16xi32>, vector<16xi32> -> vector<16xi32>
        %mul3A_372 = arith.constant 16 : i32
        %mul3A_373 = arith.muli %add3A_367, %mul3A_372 : i32
        %get3A_374 = arith.index_cast %mul3A_373 : i32 to index
        %get3A_375 = tpu.vector_load %arg10[%get3A_374] {strides = array<i32>} : memref<2048xf32, #tpu.memory_space<vmem>>, vector<16xf32>,
        %get3A_376 = arith.constant 0 : i32
        %get3A_377 = tpu.memref_slice %arg11[%add3A_367, %get3A_376] : memref<128x128xf32, #tpu.memory_space<vmem>> -> memref<1x128xf32, #tpu.memory_space<vmem>>
        %get3A_378 = tpu.memref_squeeze %get3A_377 : memref<1x128xf32, #tpu.memory_space<vmem>> -> memref<128xf32, #tpu.memory_space<vmem>>
        %get3A_379 = arith.constant 96 : index
        %get3A_380 = tpu.vector_load %get3A_378[%get3A_379] {strides = array<i32>} : memref<128xf32, #tpu.memory_space<vmem>>, vector<16xf32>,
        %add3A_381 = arith.constant 0 : i32
        %add3A_382 = vector.broadcast %add3A_381 : i32 to vector<16xi32>
        %add3A_383 = arith.addi %gather3A_371, %add3A_382 : vector<16xi32>
        %add3A_384 = arith.addi %add3A_383, %iota3A : vector<16xi32>
        %mul3A_385 = arith.mulf %get3A_380, %get3A_375 : vector<16xf32>
        tpu.vector_store_idx %arg12[%add3A_384], %mul3A_385 {add = true} : memref<65536xf32, #tpu.memory_space<vmem>>[vector<16xi32>], vector<16xf32>,
        %get3A_386 = arith.constant 0 : i32
        %get3A_387 = tpu.memref_slice %arg11[%add3A_367, %get3A_386] : memref<128x128xf32, #tpu.memory_space<vmem>> -> memref<1x128xf32, #tpu.memory_space<vmem>>
        %get3A_388 = tpu.memref_squeeze %get3A_387 : memref<1x128xf32, #tpu.memory_space<vmem>> -> memref<128xf32, #tpu.memory_space<vmem>>
        %get3A_389 = arith.constant 112 : index
        %get3A_390 = tpu.vector_load %get3A_388[%get3A_389] {strides = array<i32>} : memref<128xf32, #tpu.memory_space<vmem>>, vector<16xf32>,
        %add3A_391 = arith.constant 16 : i32
        %add3A_392 = vector.broadcast %add3A_391 : i32 to vector<16xi32>
        %add3A_393 = arith.addi %gather3A_371, %add3A_392 : vector<16xi32>
        %add3A_394 = arith.addi %add3A_393, %iota3A : vector<16xi32>
        %mul3A_395 = arith.mulf %get3A_390, %get3A_375 : vector<16xf32>
        tpu.vector_store_idx %arg12[%add3A_394], %mul3A_395 {add = true} : memref<65536xf32, #tpu.memory_space<vmem>>[vector<16xi32>], vector<16xf32>,
        %mul3A_396 = arith.constant 16 : i32
        %mul3A_397 = arith.muli %scan3A_102, %mul3A_396 : i32
        %add3A_398 = arith.constant 9 : i32
        %add3A_399 = arith.addi %mul3A_397, %add3A_398 : i32
        %broadcast_in_dim3A_400 = arith.constant 9 : i32
        %broadcast_in_dim3A_401 = vector.broadcast %broadcast_in_dim3A_400 : i32 to vector<16x1xi32>
        %gather3A_402 = vector.shape_cast %broadcast_in_dim3A_401 : vector<16x1xi32> to vector<16xi32>
        %gather3A_403 = tpu.dynamic_gather %mul3A_109[%gather3A_402] in [0] : vector<16xi32>, vector<16xi32> -> vector<16xi32>
        %mul3A_404 = arith.constant 16 : i32
        %mul3A_405 = arith.muli %add3A_399, %mul3A_404 : i32
        %get3A_406 = arith.index_cast %mul3A_405 : i32 to index
        %get3A_407 = tpu.vector_load %arg10[%get3A_406] {strides = array<i32>} : memref<2048xf32, #tpu.memory_space<vmem>>, vector<16xf32>,
        %get3A_408 = arith.constant 0 : i32
        %get3A_409 = tpu.memref_slice %arg11[%add3A_399, %get3A_408] : memref<128x128xf32, #tpu.memory_space<vmem>> -> memref<1x128xf32, #tpu.memory_space<vmem>>
        %get3A_410 = tpu.memref_squeeze %get3A_409 : memref<1x128xf32, #tpu.memory_space<vmem>> -> memref<128xf32, #tpu.memory_space<vmem>>
        %get3A_411 = arith.constant 96 : index
        %get3A_412 = tpu.vector_load %get3A_410[%get3A_411] {strides = array<i32>} : memref<128xf32, #tpu.memory_space<vmem>>, vector<16xf32>,
        %add3A_413 = arith.constant 0 : i32
        %add3A_414 = vector.broadcast %add3A_413 : i32 to vector<16xi32>
        %add3A_415 = arith.addi %gather3A_403, %add3A_414 : vector<16xi32>
        %add3A_416 = arith.addi %add3A_415, %iota3A : vector<16xi32>
        %mul3A_417 = arith.mulf %get3A_412, %get3A_407 : vector<16xf32>
        tpu.vector_store_idx %arg12[%add3A_416], %mul3A_417 {add = true} : memref<65536xf32, #tpu.memory_space<vmem>>[vector<16xi32>], vector<16xf32>,
        %get3A_418 = arith.constant 0 : i32
        %get3A_419 = tpu.memref_slice %arg11[%add3A_399, %get3A_418] : memref<128x128xf32, #tpu.memory_space<vmem>> -> memref<1x128xf32, #tpu.memory_space<vmem>>
        %get3A_420 = tpu.memref_squeeze %get3A_419 : memref<1x128xf32, #tpu.memory_space<vmem>> -> memref<128xf32, #tpu.memory_space<vmem>>
        %get3A_421 = arith.constant 112 : index
        %get3A_422 = tpu.vector_load %get3A_420[%get3A_421] {strides = array<i32>} : memref<128xf32, #tpu.memory_space<vmem>>, vector<16xf32>,
        %add3A_423 = arith.constant 16 : i32
        %add3A_424 = vector.broadcast %add3A_423 : i32 to vector<16xi32>
        %add3A_425 = arith.addi %gather3A_403, %add3A_424 : vector<16xi32>
        %add3A_426 = arith.addi %add3A_425, %iota3A : vector<16xi32>
        %mul3A_427 = arith.mulf %get3A_422, %get3A_407 : vector<16xf32>
        tpu.vector_store_idx %arg12[%add3A_426], %mul3A_427 {add = true} : memref<65536xf32, #tpu.memory_space<vmem>>[vector<16xi32>], vector<16xf32>,
        %mul3A_428 = arith.constant 16 : i32
        %mul3A_429 = arith.muli %scan3A_102, %mul3A_428 : i32
        %add3A_430 = arith.constant 10 : i32
        %add3A_431 = arith.addi %mul3A_429, %add3A_430 : i32
        %broadcast_in_dim3A_432 = arith.constant 10 : i32
        %broadcast_in_dim3A_433 = vector.broadcast %broadcast_in_dim3A_432 : i32 to vector<16x1xi32>
        %gather3A_434 = vector.shape_cast %broadcast_in_dim3A_433 : vector<16x1xi32> to vector<16xi32>
        %gather3A_435 = tpu.dynamic_gather %mul3A_109[%gather3A_434] in [0] : vector<16xi32>, vector<16xi32> -> vector<16xi32>
        %mul3A_436 = arith.constant 16 : i32
        %mul3A_437 = arith.muli %add3A_431, %mul3A_436 : i32
        %get3A_438 = arith.index_cast %mul3A_437 : i32 to index
        %get3A_439 = tpu.vector_load %arg10[%get3A_438] {strides = array<i32>} : memref<2048xf32, #tpu.memory_space<vmem>>, vector<16xf32>,
        %get3A_440 = arith.constant 0 : i32
        %get3A_441 = tpu.memref_slice %arg11[%add3A_431, %get3A_440] : memref<128x128xf32, #tpu.memory_space<vmem>> -> memref<1x128xf32, #tpu.memory_space<vmem>>
        %get3A_442 = tpu.memref_squeeze %get3A_441 : memref<1x128xf32, #tpu.memory_space<vmem>> -> memref<128xf32, #tpu.memory_space<vmem>>
        %get3A_443 = arith.constant 96 : index
        %get3A_444 = tpu.vector_load %get3A_442[%get3A_443] {strides = array<i32>} : memref<128xf32, #tpu.memory_space<vmem>>, vector<16xf32>,
        %add3A_445 = arith.constant 0 : i32
        %add3A_446 = vector.broadcast %add3A_445 : i32 to vector<16xi32>
        %add3A_447 = arith.addi %gather3A_435, %add3A_446 : vector<16xi32>
        %add3A_448 = arith.addi %add3A_447, %iota3A : vector<16xi32>
        %mul3A_449 = arith.mulf %get3A_444, %get3A_439 : vector<16xf32>
        tpu.vector_store_idx %arg12[%add3A_448], %mul3A_449 {add = true} : memref<65536xf32, #tpu.memory_space<vmem>>[vector<16xi32>], vector<16xf32>,
        %get3A_450 = arith.constant 0 : i32
        %get3A_451 = tpu.memref_slice %arg11[%add3A_431, %get3A_450] : memref<128x128xf32, #tpu.memory_space<vmem>> -> memref<1x128xf32, #tpu.memory_space<vmem>>
        %get3A_452 = tpu.memref_squeeze %get3A_451 : memref<1x128xf32, #tpu.memory_space<vmem>> -> memref<128xf32, #tpu.memory_space<vmem>>
        %get3A_453 = arith.constant 112 : index
        %get3A_454 = tpu.vector_load %get3A_452[%get3A_453] {strides = array<i32>} : memref<128xf32, #tpu.memory_space<vmem>>, vector<16xf32>,
        %add3A_455 = arith.constant 16 : i32
        %add3A_456 = vector.broadcast %add3A_455 : i32 to vector<16xi32>
        %add3A_457 = arith.addi %gather3A_435, %add3A_456 : vector<16xi32>
        %add3A_458 = arith.addi %add3A_457, %iota3A : vector<16xi32>
        %mul3A_459 = arith.mulf %get3A_454, %get3A_439 : vector<16xf32>
        tpu.vector_store_idx %arg12[%add3A_458], %mul3A_459 {add = true} : memref<65536xf32, #tpu.memory_space<vmem>>[vector<16xi32>], vector<16xf32>,
        %mul3A_460 = arith.constant 16 : i32
        %mul3A_461 = arith.muli %scan3A_102, %mul3A_460 : i32
        %add3A_462 = arith.constant 11 : i32
        %add3A_463 = arith.addi %mul3A_461, %add3A_462 : i32
        %broadcast_in_dim3A_464 = arith.constant 11 : i32
        %broadcast_in_dim3A_465 = vector.broadcast %broadcast_in_dim3A_464 : i32 to vector<16x1xi32>
        %gather3A_466 = vector.shape_cast %broadcast_in_dim3A_465 : vector<16x1xi32> to vector<16xi32>
        %gather3A_467 = tpu.dynamic_gather %mul3A_109[%gather3A_466] in [0] : vector<16xi32>, vector<16xi32> -> vector<16xi32>
        %mul3A_468 = arith.constant 16 : i32
        %mul3A_469 = arith.muli %add3A_463, %mul3A_468 : i32
        %get3A_470 = arith.index_cast %mul3A_469 : i32 to index
        %get3A_471 = tpu.vector_load %arg10[%get3A_470] {strides = array<i32>} : memref<2048xf32, #tpu.memory_space<vmem>>, vector<16xf32>,
        %get3A_472 = arith.constant 0 : i32
        %get3A_473 = tpu.memref_slice %arg11[%add3A_463, %get3A_472] : memref<128x128xf32, #tpu.memory_space<vmem>> -> memref<1x128xf32, #tpu.memory_space<vmem>>
        %get3A_474 = tpu.memref_squeeze %get3A_473 : memref<1x128xf32, #tpu.memory_space<vmem>> -> memref<128xf32, #tpu.memory_space<vmem>>
        %get3A_475 = arith.constant 96 : index
        %get3A_476 = tpu.vector_load %get3A_474[%get3A_475] {strides = array<i32>} : memref<128xf32, #tpu.memory_space<vmem>>, vector<16xf32>,
        %add3A_477 = arith.constant 0 : i32
        %add3A_478 = vector.broadcast %add3A_477 : i32 to vector<16xi32>
        %add3A_479 = arith.addi %gather3A_467, %add3A_478 : vector<16xi32>
        %add3A_480 = arith.addi %add3A_479, %iota3A : vector<16xi32>
        %mul3A_481 = arith.mulf %get3A_476, %get3A_471 : vector<16xf32>
        tpu.vector_store_idx %arg12[%add3A_480], %mul3A_481 {add = true} : memref<65536xf32, #tpu.memory_space<vmem>>[vector<16xi32>], vector<16xf32>,
        %get3A_482 = arith.constant 0 : i32
        %get3A_483 = tpu.memref_slice %arg11[%add3A_463, %get3A_482] : memref<128x128xf32, #tpu.memory_space<vmem>> -> memref<1x128xf32, #tpu.memory_space<vmem>>
        %get3A_484 = tpu.memref_squeeze %get3A_483 : memref<1x128xf32, #tpu.memory_space<vmem>> -> memref<128xf32, #tpu.memory_space<vmem>>
        %get3A_485 = arith.constant 112 : index
        %get3A_486 = tpu.vector_load %get3A_484[%get3A_485] {strides = array<i32>} : memref<128xf32, #tpu.memory_space<vmem>>, vector<16xf32>,
        %add3A_487 = arith.constant 16 : i32
        %add3A_488 = vector.broadcast %add3A_487 : i32 to vector<16xi32>
        %add3A_489 = arith.addi %gather3A_467, %add3A_488 : vector<16xi32>
        %add3A_490 = arith.addi %add3A_489, %iota3A : vector<16xi32>
        %mul3A_491 = arith.mulf %get3A_486, %get3A_471 : vector<16xf32>
        tpu.vector_store_idx %arg12[%add3A_490], %mul3A_491 {add = true} : memref<65536xf32, #tpu.memory_space<vmem>>[vector<16xi32>], vector<16xf32>,
        %mul3A_492 = arith.constant 16 : i32
        %mul3A_493 = arith.muli %scan3A_102, %mul3A_492 : i32
        %add3A_494 = arith.constant 12 : i32
        %add3A_495 = arith.addi %mul3A_493, %add3A_494 : i32
        %broadcast_in_dim3A_496 = arith.constant 12 : i32
        %broadcast_in_dim3A_497 = vector.broadcast %broadcast_in_dim3A_496 : i32 to vector<16x1xi32>
        %gather3A_498 = vector.shape_cast %broadcast_in_dim3A_497 : vector<16x1xi32> to vector<16xi32>
        %gather3A_499 = tpu.dynamic_gather %mul3A_109[%gather3A_498] in [0] : vector<16xi32>, vector<16xi32> -> vector<16xi32>
        %mul3A_500 = arith.constant 16 : i32
        %mul3A_501 = arith.muli %add3A_495, %mul3A_500 : i32
        %get3A_502 = arith.index_cast %mul3A_501 : i32 to index
        %get3A_503 = tpu.vector_load %arg10[%get3A_502] {strides = array<i32>} : memref<2048xf32, #tpu.memory_space<vmem>>, vector<16xf32>,
        %get3A_504 = arith.constant 0 : i32
        %get3A_505 = tpu.memref_slice %arg11[%add3A_495, %get3A_504] : memref<128x128xf32, #tpu.memory_space<vmem>> -> memref<1x128xf32, #tpu.memory_space<vmem>>
        %get3A_506 = tpu.memref_squeeze %get3A_505 : memref<1x128xf32, #tpu.memory_space<vmem>> -> memref<128xf32, #tpu.memory_space<vmem>>
        %get3A_507 = arith.constant 96 : index
        %get3A_508 = tpu.vector_load %get3A_506[%get3A_507] {strides = array<i32>} : memref<128xf32, #tpu.memory_space<vmem>>, vector<16xf32>,
        %add3A_509 = arith.constant 0 : i32
        %add3A_510 = vector.broadcast %add3A_509 : i32 to vector<16xi32>
        %add3A_511 = arith.addi %gather3A_499, %add3A_510 : vector<16xi32>
        %add3A_512 = arith.addi %add3A_511, %iota3A : vector<16xi32>
        %mul3A_513 = arith.mulf %get3A_508, %get3A_503 : vector<16xf32>
        tpu.vector_store_idx %arg12[%add3A_512], %mul3A_513 {add = true} : memref<65536xf32, #tpu.memory_space<vmem>>[vector<16xi32>], vector<16xf32>,
        %get3A_514 = arith.constant 0 : i32
        %get3A_515 = tpu.memref_slice %arg11[%add3A_495, %get3A_514] : memref<128x128xf32, #tpu.memory_space<vmem>> -> memref<1x128xf32, #tpu.memory_space<vmem>>
        %get3A_516 = tpu.memref_squeeze %get3A_515 : memref<1x128xf32, #tpu.memory_space<vmem>> -> memref<128xf32, #tpu.memory_space<vmem>>
        %get3A_517 = arith.constant 112 : index
        %get3A_518 = tpu.vector_load %get3A_516[%get3A_517] {strides = array<i32>} : memref<128xf32, #tpu.memory_space<vmem>>, vector<16xf32>,
        %add3A_519 = arith.constant 16 : i32
        %add3A_520 = vector.broadcast %add3A_519 : i32 to vector<16xi32>
        %add3A_521 = arith.addi %gather3A_499, %add3A_520 : vector<16xi32>
        %add3A_522 = arith.addi %add3A_521, %iota3A : vector<16xi32>
        %mul3A_523 = arith.mulf %get3A_518, %get3A_503 : vector<16xf32>
        tpu.vector_store_idx %arg12[%add3A_522], %mul3A_523 {add = true} : memref<65536xf32, #tpu.memory_space<vmem>>[vector<16xi32>], vector<16xf32>,
        %mul3A_524 = arith.constant 16 : i32
        %mul3A_525 = arith.muli %scan3A_102, %mul3A_524 : i32
        %add3A_526 = arith.constant 13 : i32
        %add3A_527 = arith.addi %mul3A_525, %add3A_526 : i32
        %broadcast_in_dim3A_528 = arith.constant 13 : i32
        %broadcast_in_dim3A_529 = vector.broadcast %broadcast_in_dim3A_528 : i32 to vector<16x1xi32>
        %gather3A_530 = vector.shape_cast %broadcast_in_dim3A_529 : vector<16x1xi32> to vector<16xi32>
        %gather3A_531 = tpu.dynamic_gather %mul3A_109[%gather3A_530] in [0] : vector<16xi32>, vector<16xi32> -> vector<16xi32>
        %mul3A_532 = arith.constant 16 : i32
        %mul3A_533 = arith.muli %add3A_527, %mul3A_532 : i32
        %get3A_534 = arith.index_cast %mul3A_533 : i32 to index
        %get3A_535 = tpu.vector_load %arg10[%get3A_534] {strides = array<i32>} : memref<2048xf32, #tpu.memory_space<vmem>>, vector<16xf32>,
        %get3A_536 = arith.constant 0 : i32
        %get3A_537 = tpu.memref_slice %arg11[%add3A_527, %get3A_536] : memref<128x128xf32, #tpu.memory_space<vmem>> -> memref<1x128xf32, #tpu.memory_space<vmem>>
        %get3A_538 = tpu.memref_squeeze %get3A_537 : memref<1x128xf32, #tpu.memory_space<vmem>> -> memref<128xf32, #tpu.memory_space<vmem>>
        %get3A_539 = arith.constant 96 : index
        %get3A_540 = tpu.vector_load %get3A_538[%get3A_539] {strides = array<i32>} : memref<128xf32, #tpu.memory_space<vmem>>, vector<16xf32>,
        %add3A_541 = arith.constant 0 : i32
        %add3A_542 = vector.broadcast %add3A_541 : i32 to vector<16xi32>
        %add3A_543 = arith.addi %gather3A_531, %add3A_542 : vector<16xi32>
        %add3A_544 = arith.addi %add3A_543, %iota3A : vector<16xi32>
        %mul3A_545 = arith.mulf %get3A_540, %get3A_535 : vector<16xf32>
        tpu.vector_store_idx %arg12[%add3A_544], %mul3A_545 {add = true} : memref<65536xf32, #tpu.memory_space<vmem>>[vector<16xi32>], vector<16xf32>,
        %get3A_546 = arith.constant 0 : i32
        %get3A_547 = tpu.memref_slice %arg11[%add3A_527, %get3A_546] : memref<128x128xf32, #tpu.memory_space<vmem>> -> memref<1x128xf32, #tpu.memory_space<vmem>>
        %get3A_548 = tpu.memref_squeeze %get3A_547 : memref<1x128xf32, #tpu.memory_space<vmem>> -> memref<128xf32, #tpu.memory_space<vmem>>
        %get3A_549 = arith.constant 112 : index
        %get3A_550 = tpu.vector_load %get3A_548[%get3A_549] {strides = array<i32>} : memref<128xf32, #tpu.memory_space<vmem>>, vector<16xf32>,
        %add3A_551 = arith.constant 16 : i32
        %add3A_552 = vector.broadcast %add3A_551 : i32 to vector<16xi32>
        %add3A_553 = arith.addi %gather3A_531, %add3A_552 : vector<16xi32>
        %add3A_554 = arith.addi %add3A_553, %iota3A : vector<16xi32>
        %mul3A_555 = arith.mulf %get3A_550, %get3A_535 : vector<16xf32>
        tpu.vector_store_idx %arg12[%add3A_554], %mul3A_555 {add = true} : memref<65536xf32, #tpu.memory_space<vmem>>[vector<16xi32>], vector<16xf32>,
        %mul3A_556 = arith.constant 16 : i32
        %mul3A_557 = arith.muli %scan3A_102, %mul3A_556 : i32
        %add3A_558 = arith.constant 14 : i32
        %add3A_559 = arith.addi %mul3A_557, %add3A_558 : i32
        %broadcast_in_dim3A_560 = arith.constant 14 : i32
        %broadcast_in_dim3A_561 = vector.broadcast %broadcast_in_dim3A_560 : i32 to vector<16x1xi32>
        %gather3A_562 = vector.shape_cast %broadcast_in_dim3A_561 : vector<16x1xi32> to vector<16xi32>
        %gather3A_563 = tpu.dynamic_gather %mul3A_109[%gather3A_562] in [0] : vector<16xi32>, vector<16xi32> -> vector<16xi32>
        %mul3A_564 = arith.constant 16 : i32
        %mul3A_565 = arith.muli %add3A_559, %mul3A_564 : i32
        %get3A_566 = arith.index_cast %mul3A_565 : i32 to index
        %get3A_567 = tpu.vector_load %arg10[%get3A_566] {strides = array<i32>} : memref<2048xf32, #tpu.memory_space<vmem>>, vector<16xf32>,
        %get3A_568 = arith.constant 0 : i32
        %get3A_569 = tpu.memref_slice %arg11[%add3A_559, %get3A_568] : memref<128x128xf32, #tpu.memory_space<vmem>> -> memref<1x128xf32, #tpu.memory_space<vmem>>
        %get3A_570 = tpu.memref_squeeze %get3A_569 : memref<1x128xf32, #tpu.memory_space<vmem>> -> memref<128xf32, #tpu.memory_space<vmem>>
        %get3A_571 = arith.constant 96 : index
        %get3A_572 = tpu.vector_load %get3A_570[%get3A_571] {strides = array<i32>} : memref<128xf32, #tpu.memory_space<vmem>>, vector<16xf32>,
        %add3A_573 = arith.constant 0 : i32
        %add3A_574 = vector.broadcast %add3A_573 : i32 to vector<16xi32>
        %add3A_575 = arith.addi %gather3A_563, %add3A_574 : vector<16xi32>
        %add3A_576 = arith.addi %add3A_575, %iota3A : vector<16xi32>
        %mul3A_577 = arith.mulf %get3A_572, %get3A_567 : vector<16xf32>
        tpu.vector_store_idx %arg12[%add3A_576], %mul3A_577 {add = true} : memref<65536xf32, #tpu.memory_space<vmem>>[vector<16xi32>], vector<16xf32>,
        %get3A_578 = arith.constant 0 : i32
        %get3A_579 = tpu.memref_slice %arg11[%add3A_559, %get3A_578] : memref<128x128xf32, #tpu.memory_space<vmem>> -> memref<1x128xf32, #tpu.memory_space<vmem>>
        %get3A_580 = tpu.memref_squeeze %get3A_579 : memref<1x128xf32, #tpu.memory_space<vmem>> -> memref<128xf32, #tpu.memory_space<vmem>>
        %get3A_581 = arith.constant 112 : index
        %get3A_582 = tpu.vector_load %get3A_580[%get3A_581] {strides = array<i32>} : memref<128xf32, #tpu.memory_space<vmem>>, vector<16xf32>,
        %add3A_583 = arith.constant 16 : i32
        %add3A_584 = vector.broadcast %add3A_583 : i32 to vector<16xi32>
        %add3A_585 = arith.addi %gather3A_563, %add3A_584 : vector<16xi32>
        %add3A_586 = arith.addi %add3A_585, %iota3A : vector<16xi32>
        %mul3A_587 = arith.mulf %get3A_582, %get3A_567 : vector<16xf32>
        tpu.vector_store_idx %arg12[%add3A_586], %mul3A_587 {add = true} : memref<65536xf32, #tpu.memory_space<vmem>>[vector<16xi32>], vector<16xf32>,
        %mul3A_588 = arith.constant 16 : i32
        %mul3A_589 = arith.muli %scan3A_102, %mul3A_588 : i32
        %add3A_590 = arith.constant 15 : i32
        %add3A_591 = arith.addi %mul3A_589, %add3A_590 : i32
        %broadcast_in_dim3A_592 = arith.constant 15 : i32
        %broadcast_in_dim3A_593 = vector.broadcast %broadcast_in_dim3A_592 : i32 to vector<16x1xi32>
        %gather3A_594 = vector.shape_cast %broadcast_in_dim3A_593 : vector<16x1xi32> to vector<16xi32>
        %gather3A_595 = tpu.dynamic_gather %mul3A_109[%gather3A_594] in [0] : vector<16xi32>, vector<16xi32> -> vector<16xi32>
        %mul3A_596 = arith.constant 16 : i32
        %mul3A_597 = arith.muli %add3A_591, %mul3A_596 : i32
        %get3A_598 = arith.index_cast %mul3A_597 : i32 to index
        %get3A_599 = tpu.vector_load %arg10[%get3A_598] {strides = array<i32>} : memref<2048xf32, #tpu.memory_space<vmem>>, vector<16xf32>,
        %get3A_600 = arith.constant 0 : i32
        %get3A_601 = tpu.memref_slice %arg11[%add3A_591, %get3A_600] : memref<128x128xf32, #tpu.memory_space<vmem>> -> memref<1x128xf32, #tpu.memory_space<vmem>>
        %get3A_602 = tpu.memref_squeeze %get3A_601 : memref<1x128xf32, #tpu.memory_space<vmem>> -> memref<128xf32, #tpu.memory_space<vmem>>
        %get3A_603 = arith.constant 96 : index
        %get3A_604 = tpu.vector_load %get3A_602[%get3A_603] {strides = array<i32>} : memref<128xf32, #tpu.memory_space<vmem>>, vector<16xf32>,
        %add3A_605 = arith.constant 0 : i32
        %add3A_606 = vector.broadcast %add3A_605 : i32 to vector<16xi32>
        %add3A_607 = arith.addi %gather3A_595, %add3A_606 : vector<16xi32>
        %add3A_608 = arith.addi %add3A_607, %iota3A : vector<16xi32>
        %mul3A_609 = arith.mulf %get3A_604, %get3A_599 : vector<16xf32>
        tpu.vector_store_idx %arg12[%add3A_608], %mul3A_609 {add = true} : memref<65536xf32, #tpu.memory_space<vmem>>[vector<16xi32>], vector<16xf32>,
        %get3A_610 = arith.constant 0 : i32
        %get3A_611 = tpu.memref_slice %arg11[%add3A_591, %get3A_610] : memref<128x128xf32, #tpu.memory_space<vmem>> -> memref<1x128xf32, #tpu.memory_space<vmem>>
        %get3A_612 = tpu.memref_squeeze %get3A_611 : memref<1x128xf32, #tpu.memory_space<vmem>> -> memref<128xf32, #tpu.memory_space<vmem>>
        %get3A_613 = arith.constant 112 : index
        %get3A_614 = tpu.vector_load %get3A_612[%get3A_613] {strides = array<i32>} : memref<128xf32, #tpu.memory_space<vmem>>, vector<16xf32>,
        %add3A_615 = arith.constant 16 : i32
        %add3A_616 = vector.broadcast %add3A_615 : i32 to vector<16xi32>
        %add3A_617 = arith.addi %gather3A_595, %add3A_616 : vector<16xi32>
        %add3A_618 = arith.addi %add3A_617, %iota3A : vector<16xi32>
        %mul3A_619 = arith.mulf %get3A_614, %get3A_599 : vector<16xf32>
        tpu.vector_store_idx %arg12[%add3A_618], %mul3A_619 {add = true} : memref<65536xf32, #tpu.memory_space<vmem>>[vector<16xi32>], vector<16xf32>,
        %scan3A_620 = arith.constant 0 : i32
        scf.yield %scan3A_620 : i32
      }
      %scan3A_100 = arith.constant 8 : i32
      %scan3A_101 = arith.constant 0 : i32
      scf.yield %scan3A_101 : i32
    }
    %scan3A_76 = arith.constant 16 : i32
    %add3A_77 = arith.constant 96 : i32
    %add3A_78 = arith.addi %add3A_77, %add3A : i32
    %mul3A_79 = arith.constant 65536 : i32
    %mul3A_80 = arith.muli %add3A_78, %mul3A_79 : i32
    "tpu.region"() ({
      %run_scoped3A = tpu.sem_alloc : memref<!tpu.dma_semaphore, #tpu.memory_space<semaphore_mem>>
      %dma_start3A = tpu.memref_slice %arg6[%mul3A_80] : memref<8388608xf32, #tpu.memory_space<hbm>> -> memref<65536xf32, #tpu.memory_space<hbm>>
      %dma_start3A_83 = tpu.memref_slice %arg6[%mul3A_80] : memref<8388608xf32, #tpu.memory_space<hbm>> -> memref<65536xf32, #tpu.memory_space<hbm>>
      tpu.enqueue_dma source(%arg12 : memref<65536xf32, #tpu.memory_space<vmem>>) target(%dma_start3A_83 : memref<65536xf32, #tpu.memory_space<hbm>>) target_semaphore(%run_scoped3A : memref<!tpu.dma_semaphore, #tpu.memory_space<semaphore_mem>>)
      %dma_wait3A = tpu.memref_slice %arg6[%mul3A_80] : memref<8388608xf32, #tpu.memory_space<hbm>> -> memref<65536xf32, #tpu.memory_space<hbm>>
      %dma_wait3A_84 = tpu.memref_slice %arg6[%mul3A_80] : memref<8388608xf32, #tpu.memory_space<hbm>> -> memref<65536xf32, #tpu.memory_space<hbm>>
      tpu.wait_dma2 semaphore(%run_scoped3A : memref<!tpu.dma_semaphore, #tpu.memory_space<semaphore_mem>>) src(%arg12 : memref<65536xf32, #tpu.memory_space<vmem>>) dst(%dma_wait3A_84 : memref<65536xf32, #tpu.memory_space<hbm>>)
      tpu.yield
    }) : () -> ()
    %mul3A_81 = arith.constant 32768 : i32
    %mul3A_82 = arith.muli %add3A, %mul3A_81 : i32
    "tpu.region"() ({
      %run_scoped3A = tpu.sem_alloc : memref<!tpu.dma_semaphore, #tpu.memory_space<semaphore_mem>>
      %dma_start3A = tpu.memref_slice %arg7[%mul3A_82] : memref<1048576xf32, #tpu.memory_space<hbm>> -> memref<32768xf32, #tpu.memory_space<hbm>>
      %dma_start3A_83 = tpu.memref_slice %arg7[%mul3A_82] : memref<1048576xf32, #tpu.memory_space<hbm>> -> memref<32768xf32, #tpu.memory_space<hbm>>
      tpu.enqueue_dma source(%arg13 : memref<32768xf32, #tpu.memory_space<vmem>>) target(%dma_start3A_83 : memref<32768xf32, #tpu.memory_space<hbm>>) target_semaphore(%run_scoped3A : memref<!tpu.dma_semaphore, #tpu.memory_space<semaphore_mem>>)
      %dma_wait3A = tpu.memref_slice %arg7[%mul3A_82] : memref<1048576xf32, #tpu.memory_space<hbm>> -> memref<32768xf32, #tpu.memory_space<hbm>>
      %dma_wait3A_84 = tpu.memref_slice %arg7[%mul3A_82] : memref<1048576xf32, #tpu.memory_space<hbm>> -> memref<32768xf32, #tpu.memory_space<hbm>>
      tpu.wait_dma2 semaphore(%run_scoped3A : memref<!tpu.dma_semaphore, #tpu.memory_space<semaphore_mem>>) src(%arg13 : memref<32768xf32, #tpu.memory_space<vmem>>) dst(%dma_wait3A_84 : memref<32768xf32, #tpu.memory_space<hbm>>)
      tpu.yield
    }) : () -> ()
    return
  }
}

#map = affine_map<(d0, d1) -> (0, 0)>
#map1 = affine_map<(d0, d1) -> (0)>
module attributes {stable_mosaic.version = 14 : i64} {
  func.func @_passA_body(%arg0: i32, %arg1: i32, %arg2: memref<2048x128xf32, #tpu.memory_space<hbm>>, %arg3: memref<2048x128xf32, #tpu.memory_space<hbm>>, %arg4: memref<8x128xf32, #tpu.memory_space<hbm>>, %arg5: memref<128xf32, #tpu.memory_space<hbm>>, %arg6: memref<65536xi32, #tpu.memory_space<hbm>>, %arg7: memref<65536xi32, #tpu.memory_space<hbm>>, %arg8: memref<65536xi32, #tpu.memory_space<hbm>>, %arg9: memref<1048576xf32, #tpu.memory_space<hbm>>, %arg10: memref<128xi32, #tpu.memory_space<vmem>>, %arg11: memref<128xi32, #tpu.memory_space<vmem>>, %arg12: memref<128xi32, #tpu.memory_space<vmem>>, %arg13: memref<128x128xf32, #tpu.memory_space<vmem>>, %arg14: memref<128x128xf32, #tpu.memory_space<vmem>>, %arg15: memref<128x128xf32, #tpu.memory_space<vmem>>, %arg16: memref<128xf32, #tpu.memory_space<vmem>>, %arg17: memref<2048xf32, #tpu.memory_space<vmem>>, %arg18: memref<!tpu.dma_semaphore, #tpu.memory_space<semaphore_mem>>) attributes {dimension_semantics = [#tpu.dimension_semantics<core_parallel>, #tpu.dimension_semantics<subcore_parallel>], iteration_bounds = array<i64: 2, 16>, scalar_prefetch = 0 : i64, scratch_operands = 9 : i64, tpu.core_type = #tpu.core_type<sc_vector_subcore>, window_params = [{transform_indices = #map}, {transform_indices = #map}, {transform_indices = #map}, {transform_indices = #map1}, {transform_indices = #map1}, {transform_indices = #map1}, {transform_indices = #map1}, {transform_indices = #map1}]} {
    %mul3A = arith.constant 16 : i32
    %mul3A_0 = arith.muli %arg0, %mul3A : i32
    %add3A = arith.addi %mul3A_0, %arg1 : i32
    %mul3A_1 = arith.constant 2048 : i32
    %mul3A_2 = arith.muli %add3A, %mul3A_1 : i32
    "tpu.region"() ({
      %run_scoped3A = tpu.sem_alloc : memref<!tpu.dma_semaphore, #tpu.memory_space<semaphore_mem>>
      tpu.enqueue_dma source(%arg5 : memref<128xf32, #tpu.memory_space<hbm>>) target(%arg16 : memref<128xf32, #tpu.memory_space<vmem>>) target_semaphore(%run_scoped3A : memref<!tpu.dma_semaphore, #tpu.memory_space<semaphore_mem>>)
      tpu.wait_dma2 semaphore(%run_scoped3A : memref<!tpu.dma_semaphore, #tpu.memory_space<semaphore_mem>>) src(%arg5 : memref<128xf32, #tpu.memory_space<hbm>>) dst(%arg16 : memref<128xf32, #tpu.memory_space<vmem>>)
      tpu.yield
    }) : () -> ()
    %scan3A = arith.constant 0 : i32
    %scan3A_3 = arith.constant 0 : i32
    %scan3A_4 = arith.constant 16 : i32
    %scan3A_5 = arith.addi %scan3A_3, %scan3A_4 : i32
    %scan3A_6 = arith.constant 1 : i32
    %scan3A_7 = scf.for %scan3A_9 = %scan3A_3 to %scan3A_5 step %scan3A_6 iter_args(%scan3A_10 = %scan3A) -> (i32)  : i32 {
      %mul3A_11 = arith.constant 128 : i32
      %mul3A_12 = arith.muli %scan3A_9, %mul3A_11 : i32
      %add3A_13 = arith.addi %mul3A_2, %mul3A_12 : i32
      "tpu.region"() ({
        %run_scoped3A = tpu.sem_alloc : memref<!tpu.dma_semaphore, #tpu.memory_space<semaphore_mem>>
        %dma_start3A_40 = tpu.memref_slice %arg6[%add3A_13] : memref<65536xi32, #tpu.memory_space<hbm>> -> memref<128xi32, #tpu.memory_space<hbm>>
        %dma_start3A_41 = tpu.memref_slice %arg6[%add3A_13] : memref<65536xi32, #tpu.memory_space<hbm>> -> memref<128xi32, #tpu.memory_space<hbm>>
        tpu.enqueue_dma source(%dma_start3A_41 : memref<128xi32, #tpu.memory_space<hbm>>) target(%arg10 : memref<128xi32, #tpu.memory_space<vmem>>) target_semaphore(%run_scoped3A : memref<!tpu.dma_semaphore, #tpu.memory_space<semaphore_mem>>)
        %dma_wait3A_42 = tpu.memref_slice %arg6[%add3A_13] : memref<65536xi32, #tpu.memory_space<hbm>> -> memref<128xi32, #tpu.memory_space<hbm>>
        %dma_wait3A_43 = tpu.memref_slice %arg6[%add3A_13] : memref<65536xi32, #tpu.memory_space<hbm>> -> memref<128xi32, #tpu.memory_space<hbm>>
        tpu.wait_dma2 semaphore(%run_scoped3A : memref<!tpu.dma_semaphore, #tpu.memory_space<semaphore_mem>>) src(%dma_wait3A_43 : memref<128xi32, #tpu.memory_space<hbm>>) dst(%arg10 : memref<128xi32, #tpu.memory_space<vmem>>)
        tpu.yield
      }) : () -> ()
      "tpu.region"() ({
        %run_scoped3A = tpu.sem_alloc : memref<!tpu.dma_semaphore, #tpu.memory_space<semaphore_mem>>
        %dma_start3A_40 = tpu.memref_slice %arg7[%add3A_13] : memref<65536xi32, #tpu.memory_space<hbm>> -> memref<128xi32, #tpu.memory_space<hbm>>
        %dma_start3A_41 = tpu.memref_slice %arg7[%add3A_13] : memref<65536xi32, #tpu.memory_space<hbm>> -> memref<128xi32, #tpu.memory_space<hbm>>
        tpu.enqueue_dma source(%dma_start3A_41 : memref<128xi32, #tpu.memory_space<hbm>>) target(%arg11 : memref<128xi32, #tpu.memory_space<vmem>>) target_semaphore(%run_scoped3A : memref<!tpu.dma_semaphore, #tpu.memory_space<semaphore_mem>>)
        %dma_wait3A_42 = tpu.memref_slice %arg7[%add3A_13] : memref<65536xi32, #tpu.memory_space<hbm>> -> memref<128xi32, #tpu.memory_space<hbm>>
        %dma_wait3A_43 = tpu.memref_slice %arg7[%add3A_13] : memref<65536xi32, #tpu.memory_space<hbm>> -> memref<128xi32, #tpu.memory_space<hbm>>
        tpu.wait_dma2 semaphore(%run_scoped3A : memref<!tpu.dma_semaphore, #tpu.memory_space<semaphore_mem>>) src(%dma_wait3A_43 : memref<128xi32, #tpu.memory_space<hbm>>) dst(%arg11 : memref<128xi32, #tpu.memory_space<vmem>>)
        tpu.yield
      }) : () -> ()
      "tpu.region"() ({
        %run_scoped3A = tpu.sem_alloc : memref<!tpu.dma_semaphore, #tpu.memory_space<semaphore_mem>>
        %dma_start3A_40 = tpu.memref_slice %arg8[%add3A_13] : memref<65536xi32, #tpu.memory_space<hbm>> -> memref<128xi32, #tpu.memory_space<hbm>>
        %dma_start3A_41 = tpu.memref_slice %arg8[%add3A_13] : memref<65536xi32, #tpu.memory_space<hbm>> -> memref<128xi32, #tpu.memory_space<hbm>>
        tpu.enqueue_dma source(%dma_start3A_41 : memref<128xi32, #tpu.memory_space<hbm>>) target(%arg12 : memref<128xi32, #tpu.memory_space<vmem>>) target_semaphore(%run_scoped3A : memref<!tpu.dma_semaphore, #tpu.memory_space<semaphore_mem>>)
        %dma_wait3A_42 = tpu.memref_slice %arg8[%add3A_13] : memref<65536xi32, #tpu.memory_space<hbm>> -> memref<128xi32, #tpu.memory_space<hbm>>
        %dma_wait3A_43 = tpu.memref_slice %arg8[%add3A_13] : memref<65536xi32, #tpu.memory_space<hbm>> -> memref<128xi32, #tpu.memory_space<hbm>>
        tpu.wait_dma2 semaphore(%run_scoped3A : memref<!tpu.dma_semaphore, #tpu.memory_space<semaphore_mem>>) src(%dma_wait3A_43 : memref<128xi32, #tpu.memory_space<hbm>>) dst(%arg12 : memref<128xi32, #tpu.memory_space<vmem>>)
        tpu.yield
      }) : () -> ()
      %dma_start3A = arith.constant 0 : i32
      %dma_start3A_14 = arith.constant 0 : i32
      %dma_start3A_15 = tpu.memref_slice %arg2[%dma_start3A, %dma_start3A_14] : memref<2048x128xf32, #tpu.memory_space<hbm>> -> memref<2048x128xf32, #tpu.memory_space<hbm>>
      tpu.enqueue_indirect_dma source(%dma_start3A_15 : memref<2048x128xf32, #tpu.memory_space<hbm>>) target(%arg13 : memref<128x128xf32, #tpu.memory_space<vmem>>) offsets(%arg10 : memref<128xi32, #tpu.memory_space<vmem>>) semaphore(%arg18 : memref<!tpu.dma_semaphore, #tpu.memory_space<semaphore_mem>>)
      %dma_wait3A = arith.constant 0 : i32
      %dma_wait3A_16 = arith.constant 0 : i32
      %dma_wait3A_17 = tpu.memref_slice %arg2[%dma_wait3A, %dma_wait3A_16] : memref<2048x128xf32, #tpu.memory_space<hbm>> -> memref<2048x128xf32, #tpu.memory_space<hbm>>
      tpu.wait_indirect_dma semaphore(%arg18 : memref<!tpu.dma_semaphore, #tpu.memory_space<semaphore_mem>>) src(%dma_wait3A_17 : memref<2048x128xf32, #tpu.memory_space<hbm>>) dst(%arg13 : memref<128x128xf32, #tpu.memory_space<vmem>>)
      %dma_start3A_18 = arith.constant 0 : i32
      %dma_start3A_19 = arith.constant 0 : i32
      %dma_start3A_20 = tpu.memref_slice %arg3[%dma_start3A_18, %dma_start3A_19] : memref<2048x128xf32, #tpu.memory_space<hbm>> -> memref<2048x128xf32, #tpu.memory_space<hbm>>
      tpu.enqueue_indirect_dma source(%dma_start3A_20 : memref<2048x128xf32, #tpu.memory_space<hbm>>) target(%arg14 : memref<128x128xf32, #tpu.memory_space<vmem>>) offsets(%arg11 : memref<128xi32, #tpu.memory_space<vmem>>) semaphore(%arg18 : memref<!tpu.dma_semaphore, #tpu.memory_space<semaphore_mem>>)
      %dma_wait3A_21 = arith.constant 0 : i32
      %dma_wait3A_22 = arith.constant 0 : i32
      %dma_wait3A_23 = tpu.memref_slice %arg3[%dma_wait3A_21, %dma_wait3A_22] : memref<2048x128xf32, #tpu.memory_space<hbm>> -> memref<2048x128xf32, #tpu.memory_space<hbm>>
      tpu.wait_indirect_dma semaphore(%arg18 : memref<!tpu.dma_semaphore, #tpu.memory_space<semaphore_mem>>) src(%dma_wait3A_23 : memref<2048x128xf32, #tpu.memory_space<hbm>>) dst(%arg14 : memref<128x128xf32, #tpu.memory_space<vmem>>)
      %dma_start3A_24 = arith.constant 0 : i32
      %dma_start3A_25 = arith.constant 0 : i32
      %dma_start3A_26 = tpu.memref_slice %arg4[%dma_start3A_24, %dma_start3A_25] : memref<8x128xf32, #tpu.memory_space<hbm>> -> memref<8x128xf32, #tpu.memory_space<hbm>>
      tpu.enqueue_indirect_dma source(%dma_start3A_26 : memref<8x128xf32, #tpu.memory_space<hbm>>) target(%arg15 : memref<128x128xf32, #tpu.memory_space<vmem>>) offsets(%arg12 : memref<128xi32, #tpu.memory_space<vmem>>) semaphore(%arg18 : memref<!tpu.dma_semaphore, #tpu.memory_space<semaphore_mem>>)
      %dma_wait3A_27 = arith.constant 0 : i32
      %dma_wait3A_28 = arith.constant 0 : i32
      %dma_wait3A_29 = tpu.memref_slice %arg4[%dma_wait3A_27, %dma_wait3A_28] : memref<8x128xf32, #tpu.memory_space<hbm>> -> memref<8x128xf32, #tpu.memory_space<hbm>>
      tpu.wait_indirect_dma semaphore(%arg18 : memref<!tpu.dma_semaphore, #tpu.memory_space<semaphore_mem>>) src(%dma_wait3A_29 : memref<8x128xf32, #tpu.memory_space<hbm>>) dst(%arg15 : memref<128x128xf32, #tpu.memory_space<vmem>>)
      %scan3A_30 = arith.constant 0 : i32
      %scan3A_31 = arith.constant 0 : i32
      %scan3A_32 = arith.constant 128 : i32
      %scan3A_33 = arith.addi %scan3A_31, %scan3A_32 : i32
      %scan3A_34 = arith.constant 1 : i32
      %scan3A_35 = scf.for %scan3A_40 = %scan3A_31 to %scan3A_33 step %scan3A_34 iter_args(%scan3A_41 = %scan3A_30) -> (i32)  : i32 {
        %broadcast_in_dim3A = arith.constant 0.000000e+00 : f32
        %broadcast_in_dim3A_42 = vector.broadcast %broadcast_in_dim3A : f32 to vector<16xf32>
        %get3A = arith.index_cast %scan3A_40 : i32 to index
        %get3A_43 = arith.constant 0 : index
        %get3A_44 = tpu.vector_load %arg13[%get3A, %get3A_43] {strides = array<i32>} : memref<128x128xf32, #tpu.memory_space<vmem>>, vector<1x16xf32>,
        %get3A_45 = vector.shape_cast %get3A_44 : vector<1x16xf32> to vector<16xf32>
        %get3A_46 = arith.index_cast %scan3A_40 : i32 to index
        %get3A_47 = arith.constant 0 : index
        %get3A_48 = tpu.vector_load %arg14[%get3A_46, %get3A_47] {strides = array<i32>} : memref<128x128xf32, #tpu.memory_space<vmem>>, vector<1x16xf32>,
        %get3A_49 = vector.shape_cast %get3A_48 : vector<1x16xf32> to vector<16xf32>
        %get3A_50 = arith.index_cast %scan3A_40 : i32 to index
        %get3A_51 = arith.constant 0 : index
        %get3A_52 = tpu.vector_load %arg15[%get3A_50, %get3A_51] {strides = array<i32>} : memref<128x128xf32, #tpu.memory_space<vmem>>, vector<1x16xf32>,
        %get3A_53 = vector.shape_cast %get3A_52 : vector<1x16xf32> to vector<16xf32>
        %add3A_54 = arith.addf %get3A_45, %get3A_49 : vector<16xf32>
        %add3A_55 = arith.addf %add3A_54, %get3A_53 : vector<16xf32>
        %mul3A_56 = arith.constant 2.000000e-01 : f32
        %mul3A_57 = vector.broadcast %mul3A_56 : f32 to vector<16xf32>
        %mul3A_58 = arith.mulf %mul3A_57, %add3A_55 : vector<16xf32>
        %max3A = arith.maximumf %add3A_55, %mul3A_58 : vector<16xf32>
        %get3A_59 = arith.constant 0 : index
        %get3A_60 = tpu.vector_load %arg16[%get3A_59] {strides = array<i32>} : memref<128xf32, #tpu.memory_space<vmem>>, vector<16xf32>,
        %get3A_61 = vector.shape_cast %get3A_60 : vector<16xf32> to vector<16xf32>
        %mul3A_62 = arith.mulf %max3A, %get3A_61 : vector<16xf32>
        %add3A_63 = arith.addf %broadcast_in_dim3A_42, %mul3A_62 : vector<16xf32>
        %get3A_64 = arith.index_cast %scan3A_40 : i32 to index
        %get3A_65 = arith.constant 16 : index
        %get3A_66 = tpu.vector_load %arg13[%get3A_64, %get3A_65] {strides = array<i32>} : memref<128x128xf32, #tpu.memory_space<vmem>>, vector<1x16xf32>,
        %get3A_67 = vector.shape_cast %get3A_66 : vector<1x16xf32> to vector<16xf32>
        %get3A_68 = arith.index_cast %scan3A_40 : i32 to index
        %get3A_69 = arith.constant 16 : index
        %get3A_70 = tpu.vector_load %arg14[%get3A_68, %get3A_69] {strides = array<i32>} : memref<128x128xf32, #tpu.memory_space<vmem>>, vector<1x16xf32>,
        %get3A_71 = vector.shape_cast %get3A_70 : vector<1x16xf32> to vector<16xf32>
        %get3A_72 = arith.index_cast %scan3A_40 : i32 to index
        %get3A_73 = arith.constant 16 : index
        %get3A_74 = tpu.vector_load %arg15[%get3A_72, %get3A_73] {strides = array<i32>} : memref<128x128xf32, #tpu.memory_space<vmem>>, vector<1x16xf32>,
        %get3A_75 = vector.shape_cast %get3A_74 : vector<1x16xf32> to vector<16xf32>
        %add3A_76 = arith.addf %get3A_67, %get3A_71 : vector<16xf32>
        %add3A_77 = arith.addf %add3A_76, %get3A_75 : vector<16xf32>
        %mul3A_78 = arith.constant 2.000000e-01 : f32
        %mul3A_79 = vector.broadcast %mul3A_78 : f32 to vector<16xf32>
        %mul3A_80 = arith.mulf %mul3A_79, %add3A_77 : vector<16xf32>
        %max3A_81 = arith.maximumf %add3A_77, %mul3A_80 : vector<16xf32>
        %get3A_82 = arith.constant 16 : index
        %get3A_83 = tpu.vector_load %arg16[%get3A_82] {strides = array<i32>} : memref<128xf32, #tpu.memory_space<vmem>>, vector<16xf32>,
        %get3A_84 = vector.shape_cast %get3A_83 : vector<16xf32> to vector<16xf32>
        %mul3A_85 = arith.mulf %max3A_81, %get3A_84 : vector<16xf32>
        %add3A_86 = arith.addf %add3A_63, %mul3A_85 : vector<16xf32>
        %get3A_87 = arith.index_cast %scan3A_40 : i32 to index
        %get3A_88 = arith.constant 32 : index
        %get3A_89 = tpu.vector_load %arg13[%get3A_87, %get3A_88] {strides = array<i32>} : memref<128x128xf32, #tpu.memory_space<vmem>>, vector<1x16xf32>,
        %get3A_90 = vector.shape_cast %get3A_89 : vector<1x16xf32> to vector<16xf32>
        %get3A_91 = arith.index_cast %scan3A_40 : i32 to index
        %get3A_92 = arith.constant 32 : index
        %get3A_93 = tpu.vector_load %arg14[%get3A_91, %get3A_92] {strides = array<i32>} : memref<128x128xf32, #tpu.memory_space<vmem>>, vector<1x16xf32>,
        %get3A_94 = vector.shape_cast %get3A_93 : vector<1x16xf32> to vector<16xf32>
        %get3A_95 = arith.index_cast %scan3A_40 : i32 to index
        %get3A_96 = arith.constant 32 : index
        %get3A_97 = tpu.vector_load %arg15[%get3A_95, %get3A_96] {strides = array<i32>} : memref<128x128xf32, #tpu.memory_space<vmem>>, vector<1x16xf32>,
        %get3A_98 = vector.shape_cast %get3A_97 : vector<1x16xf32> to vector<16xf32>
        %add3A_99 = arith.addf %get3A_90, %get3A_94 : vector<16xf32>
        %add3A_100 = arith.addf %add3A_99, %get3A_98 : vector<16xf32>
        %mul3A_101 = arith.constant 2.000000e-01 : f32
        %mul3A_102 = vector.broadcast %mul3A_101 : f32 to vector<16xf32>
        %mul3A_103 = arith.mulf %mul3A_102, %add3A_100 : vector<16xf32>
        %max3A_104 = arith.maximumf %add3A_100, %mul3A_103 : vector<16xf32>
        %get3A_105 = arith.constant 32 : index
        %get3A_106 = tpu.vector_load %arg16[%get3A_105] {strides = array<i32>} : memref<128xf32, #tpu.memory_space<vmem>>, vector<16xf32>,
        %get3A_107 = vector.shape_cast %get3A_106 : vector<16xf32> to vector<16xf32>
        %mul3A_108 = arith.mulf %max3A_104, %get3A_107 : vector<16xf32>
        %add3A_109 = arith.addf %add3A_86, %mul3A_108 : vector<16xf32>
        %get3A_110 = arith.index_cast %scan3A_40 : i32 to index
        %get3A_111 = arith.constant 48 : index
        %get3A_112 = tpu.vector_load %arg13[%get3A_110, %get3A_111] {strides = array<i32>} : memref<128x128xf32, #tpu.memory_space<vmem>>, vector<1x16xf32>,
        %get3A_113 = vector.shape_cast %get3A_112 : vector<1x16xf32> to vector<16xf32>
        %get3A_114 = arith.index_cast %scan3A_40 : i32 to index
        %get3A_115 = arith.constant 48 : index
        %get3A_116 = tpu.vector_load %arg14[%get3A_114, %get3A_115] {strides = array<i32>} : memref<128x128xf32, #tpu.memory_space<vmem>>, vector<1x16xf32>,
        %get3A_117 = vector.shape_cast %get3A_116 : vector<1x16xf32> to vector<16xf32>
        %get3A_118 = arith.index_cast %scan3A_40 : i32 to index
        %get3A_119 = arith.constant 48 : index
        %get3A_120 = tpu.vector_load %arg15[%get3A_118, %get3A_119] {strides = array<i32>} : memref<128x128xf32, #tpu.memory_space<vmem>>, vector<1x16xf32>,
        %get3A_121 = vector.shape_cast %get3A_120 : vector<1x16xf32> to vector<16xf32>
        %add3A_122 = arith.addf %get3A_113, %get3A_117 : vector<16xf32>
        %add3A_123 = arith.addf %add3A_122, %get3A_121 : vector<16xf32>
        %mul3A_124 = arith.constant 2.000000e-01 : f32
        %mul3A_125 = vector.broadcast %mul3A_124 : f32 to vector<16xf32>
        %mul3A_126 = arith.mulf %mul3A_125, %add3A_123 : vector<16xf32>
        %max3A_127 = arith.maximumf %add3A_123, %mul3A_126 : vector<16xf32>
        %get3A_128 = arith.constant 48 : index
        %get3A_129 = tpu.vector_load %arg16[%get3A_128] {strides = array<i32>} : memref<128xf32, #tpu.memory_space<vmem>>, vector<16xf32>,
        %get3A_130 = vector.shape_cast %get3A_129 : vector<16xf32> to vector<16xf32>
        %mul3A_131 = arith.mulf %max3A_127, %get3A_130 : vector<16xf32>
        %add3A_132 = arith.addf %add3A_109, %mul3A_131 : vector<16xf32>
        %get3A_133 = arith.index_cast %scan3A_40 : i32 to index
        %get3A_134 = arith.constant 64 : index
        %get3A_135 = tpu.vector_load %arg13[%get3A_133, %get3A_134] {strides = array<i32>} : memref<128x128xf32, #tpu.memory_space<vmem>>, vector<1x16xf32>,
        %get3A_136 = vector.shape_cast %get3A_135 : vector<1x16xf32> to vector<16xf32>
        %get3A_137 = arith.index_cast %scan3A_40 : i32 to index
        %get3A_138 = arith.constant 64 : index
        %get3A_139 = tpu.vector_load %arg14[%get3A_137, %get3A_138] {strides = array<i32>} : memref<128x128xf32, #tpu.memory_space<vmem>>, vector<1x16xf32>,
        %get3A_140 = vector.shape_cast %get3A_139 : vector<1x16xf32> to vector<16xf32>
        %get3A_141 = arith.index_cast %scan3A_40 : i32 to index
        %get3A_142 = arith.constant 64 : index
        %get3A_143 = tpu.vector_load %arg15[%get3A_141, %get3A_142] {strides = array<i32>} : memref<128x128xf32, #tpu.memory_space<vmem>>, vector<1x16xf32>,
        %get3A_144 = vector.shape_cast %get3A_143 : vector<1x16xf32> to vector<16xf32>
        %add3A_145 = arith.addf %get3A_136, %get3A_140 : vector<16xf32>
        %add3A_146 = arith.addf %add3A_145, %get3A_144 : vector<16xf32>
        %mul3A_147 = arith.constant 2.000000e-01 : f32
        %mul3A_148 = vector.broadcast %mul3A_147 : f32 to vector<16xf32>
        %mul3A_149 = arith.mulf %mul3A_148, %add3A_146 : vector<16xf32>
        %max3A_150 = arith.maximumf %add3A_146, %mul3A_149 : vector<16xf32>
        %get3A_151 = arith.constant 64 : index
        %get3A_152 = tpu.vector_load %arg16[%get3A_151] {strides = array<i32>} : memref<128xf32, #tpu.memory_space<vmem>>, vector<16xf32>,
        %get3A_153 = vector.shape_cast %get3A_152 : vector<16xf32> to vector<16xf32>
        %mul3A_154 = arith.mulf %max3A_150, %get3A_153 : vector<16xf32>
        %add3A_155 = arith.addf %add3A_132, %mul3A_154 : vector<16xf32>
        %get3A_156 = arith.index_cast %scan3A_40 : i32 to index
        %get3A_157 = arith.constant 80 : index
        %get3A_158 = tpu.vector_load %arg13[%get3A_156, %get3A_157] {strides = array<i32>} : memref<128x128xf32, #tpu.memory_space<vmem>>, vector<1x16xf32>,
        %get3A_159 = vector.shape_cast %get3A_158 : vector<1x16xf32> to vector<16xf32>
        %get3A_160 = arith.index_cast %scan3A_40 : i32 to index
        %get3A_161 = arith.constant 80 : index
        %get3A_162 = tpu.vector_load %arg14[%get3A_160, %get3A_161] {strides = array<i32>} : memref<128x128xf32, #tpu.memory_space<vmem>>, vector<1x16xf32>,
        %get3A_163 = vector.shape_cast %get3A_162 : vector<1x16xf32> to vector<16xf32>
        %get3A_164 = arith.index_cast %scan3A_40 : i32 to index
        %get3A_165 = arith.constant 80 : index
        %get3A_166 = tpu.vector_load %arg15[%get3A_164, %get3A_165] {strides = array<i32>} : memref<128x128xf32, #tpu.memory_space<vmem>>, vector<1x16xf32>,
        %get3A_167 = vector.shape_cast %get3A_166 : vector<1x16xf32> to vector<16xf32>
        %add3A_168 = arith.addf %get3A_159, %get3A_163 : vector<16xf32>
        %add3A_169 = arith.addf %add3A_168, %get3A_167 : vector<16xf32>
        %mul3A_170 = arith.constant 2.000000e-01 : f32
        %mul3A_171 = vector.broadcast %mul3A_170 : f32 to vector<16xf32>
        %mul3A_172 = arith.mulf %mul3A_171, %add3A_169 : vector<16xf32>
        %max3A_173 = arith.maximumf %add3A_169, %mul3A_172 : vector<16xf32>
        %get3A_174 = arith.constant 80 : index
        %get3A_175 = tpu.vector_load %arg16[%get3A_174] {strides = array<i32>} : memref<128xf32, #tpu.memory_space<vmem>>, vector<16xf32>,
        %get3A_176 = vector.shape_cast %get3A_175 : vector<16xf32> to vector<16xf32>
        %mul3A_177 = arith.mulf %max3A_173, %get3A_176 : vector<16xf32>
        %add3A_178 = arith.addf %add3A_155, %mul3A_177 : vector<16xf32>
        %get3A_179 = arith.index_cast %scan3A_40 : i32 to index
        %get3A_180 = arith.constant 96 : index
        %get3A_181 = tpu.vector_load %arg13[%get3A_179, %get3A_180] {strides = array<i32>} : memref<128x128xf32, #tpu.memory_space<vmem>>, vector<1x16xf32>,
        %get3A_182 = vector.shape_cast %get3A_181 : vector<1x16xf32> to vector<16xf32>
        %get3A_183 = arith.index_cast %scan3A_40 : i32 to index
        %get3A_184 = arith.constant 96 : index
        %get3A_185 = tpu.vector_load %arg14[%get3A_183, %get3A_184] {strides = array<i32>} : memref<128x128xf32, #tpu.memory_space<vmem>>, vector<1x16xf32>,
        %get3A_186 = vector.shape_cast %get3A_185 : vector<1x16xf32> to vector<16xf32>
        %get3A_187 = arith.index_cast %scan3A_40 : i32 to index
        %get3A_188 = arith.constant 96 : index
        %get3A_189 = tpu.vector_load %arg15[%get3A_187, %get3A_188] {strides = array<i32>} : memref<128x128xf32, #tpu.memory_space<vmem>>, vector<1x16xf32>,
        %get3A_190 = vector.shape_cast %get3A_189 : vector<1x16xf32> to vector<16xf32>
        %add3A_191 = arith.addf %get3A_182, %get3A_186 : vector<16xf32>
        %add3A_192 = arith.addf %add3A_191, %get3A_190 : vector<16xf32>
        %mul3A_193 = arith.constant 2.000000e-01 : f32
        %mul3A_194 = vector.broadcast %mul3A_193 : f32 to vector<16xf32>
        %mul3A_195 = arith.mulf %mul3A_194, %add3A_192 : vector<16xf32>
        %max3A_196 = arith.maximumf %add3A_192, %mul3A_195 : vector<16xf32>
        %get3A_197 = arith.constant 96 : index
        %get3A_198 = tpu.vector_load %arg16[%get3A_197] {strides = array<i32>} : memref<128xf32, #tpu.memory_space<vmem>>, vector<16xf32>,
        %get3A_199 = vector.shape_cast %get3A_198 : vector<16xf32> to vector<16xf32>
        %mul3A_200 = arith.mulf %max3A_196, %get3A_199 : vector<16xf32>
        %add3A_201 = arith.addf %add3A_178, %mul3A_200 : vector<16xf32>
        %get3A_202 = arith.index_cast %scan3A_40 : i32 to index
        %get3A_203 = arith.constant 112 : index
        %get3A_204 = tpu.vector_load %arg13[%get3A_202, %get3A_203] {strides = array<i32>} : memref<128x128xf32, #tpu.memory_space<vmem>>, vector<1x16xf32>,
        %get3A_205 = vector.shape_cast %get3A_204 : vector<1x16xf32> to vector<16xf32>
        %get3A_206 = arith.index_cast %scan3A_40 : i32 to index
        %get3A_207 = arith.constant 112 : index
        %get3A_208 = tpu.vector_load %arg14[%get3A_206, %get3A_207] {strides = array<i32>} : memref<128x128xf32, #tpu.memory_space<vmem>>, vector<1x16xf32>,
        %get3A_209 = vector.shape_cast %get3A_208 : vector<1x16xf32> to vector<16xf32>
        %get3A_210 = arith.index_cast %scan3A_40 : i32 to index
        %get3A_211 = arith.constant 112 : index
        %get3A_212 = tpu.vector_load %arg15[%get3A_210, %get3A_211] {strides = array<i32>} : memref<128x128xf32, #tpu.memory_space<vmem>>, vector<1x16xf32>,
        %get3A_213 = vector.shape_cast %get3A_212 : vector<1x16xf32> to vector<16xf32>
        %add3A_214 = arith.addf %get3A_205, %get3A_209 : vector<16xf32>
        %add3A_215 = arith.addf %add3A_214, %get3A_213 : vector<16xf32>
        %mul3A_216 = arith.constant 2.000000e-01 : f32
        %mul3A_217 = vector.broadcast %mul3A_216 : f32 to vector<16xf32>
        %mul3A_218 = arith.mulf %mul3A_217, %add3A_215 : vector<16xf32>
        %max3A_219 = arith.maximumf %add3A_215, %mul3A_218 : vector<16xf32>
        %get3A_220 = arith.constant 112 : index
        %get3A_221 = tpu.vector_load %arg16[%get3A_220] {strides = array<i32>} : memref<128xf32, #tpu.memory_space<vmem>>, vector<16xf32>,
        %get3A_222 = vector.shape_cast %get3A_221 : vector<16xf32> to vector<16xf32>
        %mul3A_223 = arith.mulf %max3A_219, %get3A_222 : vector<16xf32>
        %add3A_224 = arith.addf %add3A_201, %mul3A_223 : vector<16xf32>
        %mul3A_225 = arith.constant 16 : i32
        %mul3A_226 = arith.muli %scan3A_40, %mul3A_225 : i32
        %swap3A = arith.index_cast %mul3A_226 : i32 to index
        %swap3A_227 = tpu.vector_load %arg17[%swap3A] {strides = array<i32>} : memref<2048xf32, #tpu.memory_space<vmem>>, vector<16xf32>,
        %swap3A_228 = vector.shape_cast %swap3A_227 : vector<16xf32> to vector<16xf32>
        %swap3A_229 = vector.shape_cast %add3A_224 : vector<16xf32> to vector<16xf32>
        tpu.vector_store %arg17[%swap3A], %swap3A_229 {strides = array<i32>} : memref<2048xf32, #tpu.memory_space<vmem>>, vector<16xf32>,
        %scan3A_230 = arith.constant 0 : i32
        scf.yield %scan3A_230 : i32
      }
      %scan3A_36 = arith.constant 128 : i32
      %mul3A_37 = arith.constant 16 : i32
      %mul3A_38 = arith.muli %add3A_13, %mul3A_37 : i32
      "tpu.region"() ({
        %run_scoped3A = tpu.sem_alloc : memref<!tpu.dma_semaphore, #tpu.memory_space<semaphore_mem>>
        %dma_start3A_40 = tpu.memref_slice %arg9[%mul3A_38] : memref<1048576xf32, #tpu.memory_space<hbm>> -> memref<2048xf32, #tpu.memory_space<hbm>>
        %dma_start3A_41 = tpu.memref_slice %arg9[%mul3A_38] : memref<1048576xf32, #tpu.memory_space<hbm>> -> memref<2048xf32, #tpu.memory_space<hbm>>
        tpu.enqueue_dma source(%arg17 : memref<2048xf32, #tpu.memory_space<vmem>>) target(%dma_start3A_41 : memref<2048xf32, #tpu.memory_space<hbm>>) target_semaphore(%run_scoped3A : memref<!tpu.dma_semaphore, #tpu.memory_space<semaphore_mem>>)
        %dma_wait3A_42 = tpu.memref_slice %arg9[%mul3A_38] : memref<1048576xf32, #tpu.memory_space<hbm>> -> memref<2048xf32, #tpu.memory_space<hbm>>
        %dma_wait3A_43 = tpu.memref_slice %arg9[%mul3A_38] : memref<1048576xf32, #tpu.memory_space<hbm>> -> memref<2048xf32, #tpu.memory_space<hbm>>
        tpu.wait_dma2 semaphore(%run_scoped3A : memref<!tpu.dma_semaphore, #tpu.memory_space<semaphore_mem>>) src(%arg17 : memref<2048xf32, #tpu.memory_space<vmem>>) dst(%dma_wait3A_43 : memref<2048xf32, #tpu.memory_space<hbm>>)
        tpu.yield
      }) : () -> ()
      %scan3A_39 = arith.constant 0 : i32
      scf.yield %scan3A_39 : i32
    }
    %scan3A_8 = arith.constant 16 : i32
    return
  }
}

module attributes {stable_mosaic.version = 14 : i64} {
  func.func @_pre_body(%arg0: memref<2048x128xf32, #tpu.memory_space<vmem>>, %arg1: memref<128x128xf32, #tpu.memory_space<vmem>>, %arg2: memref<128x128xf32, #tpu.memory_space<vmem>>, %arg3: memref<8x128xf32, #tpu.memory_space<vmem>>, %arg4: memref<128x128xf32, #tpu.memory_space<vmem>>, %arg5: memref<2048x128xf32, #tpu.memory_space<vmem>>, %arg6: memref<2048x128xf32, #tpu.memory_space<vmem>>, %arg7: memref<8x128xf32, #tpu.memory_space<vmem>>) attributes {dimension_semantics = [], scalar_prefetch = 0 : i64, scratch_operands = 0 : i64, tpu.core_type = #tpu.core_type<tc>} {
    %get3A = arith.constant 0 : index
    %get3A_0 = arith.constant 0 : index
    %get3A_1 = vector.load %arg0[%get3A, %get3A_0] : memref<2048x128xf32, #tpu.memory_space<vmem>>, vector<2048x128xf32>
    %get3A_2 = arith.constant 0 : index
    %get3A_3 = arith.constant 0 : index
    %get3A_4 = vector.load %arg1[%get3A_2, %get3A_3] : memref<128x128xf32, #tpu.memory_space<vmem>>, vector<128x128xf32>
    %dot_general3A = arith.constant dense<0.000000e+00> : vector<2048x128xf32>
    %dot_general3A_5 = tpu.matmul %get3A_1, %get3A_4, %dot_general3A {dimension_numbers = #tpu.dot_dimension_numbers<[1], [0], [0], [1], [0, 0, 1, 1], [], []>, transpose_lhs_hint = false} : vector<2048x128xf32>, vector<128x128xf32>, vector<2048x128xf32> -> vector<2048x128xf32>
    %swap3A = arith.constant 0 : index
    %swap3A_6 = arith.constant 0 : index
    %swap3A_7 = vector.load %arg5[%swap3A, %swap3A_6] : memref<2048x128xf32, #tpu.memory_space<vmem>>, vector<2048x128xf32>
    tpu.vector_store %arg5[%swap3A, %swap3A_6], %dot_general3A_5 {strides = array<i32>} : memref<2048x128xf32, #tpu.memory_space<vmem>>, vector<2048x128xf32>,
    %get3A_8 = arith.constant 0 : index
    %get3A_9 = arith.constant 0 : index
    %get3A_10 = vector.load %arg2[%get3A_8, %get3A_9] : memref<128x128xf32, #tpu.memory_space<vmem>>, vector<128x128xf32>
    %dot_general3A_11 = arith.constant dense<0.000000e+00> : vector<2048x128xf32>
    %dot_general3A_12 = tpu.matmul %get3A_1, %get3A_10, %dot_general3A_11 {dimension_numbers = #tpu.dot_dimension_numbers<[1], [0], [0], [1], [0, 0, 1, 1], [], []>, transpose_lhs_hint = false} : vector<2048x128xf32>, vector<128x128xf32>, vector<2048x128xf32> -> vector<2048x128xf32>
    %swap3A_13 = arith.constant 0 : index
    %swap3A_14 = arith.constant 0 : index
    %swap3A_15 = vector.load %arg6[%swap3A_13, %swap3A_14] : memref<2048x128xf32, #tpu.memory_space<vmem>>, vector<2048x128xf32>
    tpu.vector_store %arg6[%swap3A_13, %swap3A_14], %dot_general3A_12 {strides = array<i32>} : memref<2048x128xf32, #tpu.memory_space<vmem>>, vector<2048x128xf32>,
    %get3A_16 = arith.constant 0 : index
    %get3A_17 = arith.constant 0 : index
    %get3A_18 = vector.load %arg3[%get3A_16, %get3A_17] : memref<8x128xf32, #tpu.memory_space<vmem>>, vector<8x128xf32>
    %get3A_19 = arith.constant 0 : index
    %get3A_20 = arith.constant 0 : index
    %get3A_21 = vector.load %arg4[%get3A_19, %get3A_20] : memref<128x128xf32, #tpu.memory_space<vmem>>, vector<128x128xf32>
    %dot_general3A_22 = arith.constant dense<0.000000e+00> : vector<8x128xf32>
    %dot_general3A_23 = tpu.matmul %get3A_18, %get3A_21, %dot_general3A_22 {dimension_numbers = #tpu.dot_dimension_numbers<[1], [0], [0], [1], [0, 0, 1, 1], [], []>, transpose_lhs_hint = false} : vector<8x128xf32>, vector<128x128xf32>, vector<8x128xf32> -> vector<8x128xf32>
    %swap3A_24 = arith.constant 0 : index
    %swap3A_25 = arith.constant 0 : index
    %swap3A_26 = vector.load %arg7[%swap3A_24, %swap3A_25] : memref<8x128xf32, #tpu.memory_space<vmem>>, vector<8x128xf32>
    tpu.vector_store %arg7[%swap3A_24, %swap3A_25], %dot_general3A_23 {strides = array<i32>} : memref<8x128xf32, #tpu.memory_space<vmem>>, vector<8x128xf32>,
    return
  }
}

module attributes {stable_mosaic.version = 14 : i64} {
  func.func @_red_body(%arg0: memref<8192x128xf32, #tpu.memory_space<vmem>>, %arg1: memref<8192x128xf32, #tpu.memory_space<vmem>>) attributes {dimension_semantics = [], scalar_prefetch = 0 : i64, scratch_operands = 0 : i64, tpu.core_type = #tpu.core_type<tc>} {
    %get3A = arith.constant 0 : index
    %get3A_0 = arith.constant 0 : index
    %get3A_1 = vector.load %arg0[%get3A, %get3A_0] : memref<8192x128xf32, #tpu.memory_space<vmem>>, vector<8192x128xf32>
    %iota3A = tpu.iota {dimensions = array<i32: 0>} : vector<128x128xi32>
    %jit3A = arith.constant 16 : i32
    %div3A = vector.broadcast %jit3A : i32 to vector<128x128xi32>
    %div3A_2 = arith.divsi %iota3A, %div3A : vector<128x128xi32>
    %sign3A = arith.constant 0 : i32
    %sign3A_3 = vector.broadcast %sign3A : i32 to vector<128x128xi32>
    %sign3A_4 = arith.cmpi sgt, %iota3A, %sign3A_3 : vector<128x128xi32>
    %sign3A_5 = arith.extui %sign3A_4 : vector<128x128xi1> to vector<128x128xi32>
    %sign3A_6 = arith.constant 0 : i32
    %sign3A_7 = vector.broadcast %sign3A_6 : i32 to vector<128x128xi32>
    %sign3A_8 = arith.cmpi slt, %iota3A, %sign3A_7 : vector<128x128xi32>
    %sign3A_9 = arith.extui %sign3A_8 : vector<128x128xi1> to vector<128x128xi32>
    %sign3A_10 = arith.subi %sign3A_5, %sign3A_9 : vector<128x128xi32>
    %sign3A_11 = arith.constant 0 : i32
    %sign3A_12 = arith.cmpi sgt, %jit3A, %sign3A_11 : i32
    %sign3A_13 = arith.extui %sign3A_12 : i1 to i32
    %sign3A_14 = arith.constant 0 : i32
    %sign3A_15 = arith.cmpi slt, %jit3A, %sign3A_14 : i32
    %sign3A_16 = arith.extui %sign3A_15 : i1 to i32
    %sign3A_17 = arith.subi %sign3A_13, %sign3A_16 : i32
    %ne3A = vector.broadcast %sign3A_17 : i32 to vector<128x128xi32>
    %ne3A_18 = arith.cmpi ne, %sign3A_10, %ne3A : vector<128x128xi32>
    %rem3A = vector.broadcast %jit3A : i32 to vector<128x128xi32>
    %rem3A_19 = arith.remsi %iota3A, %rem3A : vector<128x128xi32>
    %ne3A_20 = arith.constant 0 : i32
    %ne3A_21 = vector.broadcast %ne3A_20 : i32 to vector<128x128xi32>
    %ne3A_22 = arith.cmpi ne, %rem3A_19, %ne3A_21 : vector<128x128xi32>
    %and3A = arith.andi %ne3A_18, %ne3A_22 : vector<128x128xi1>
    %sub3A = arith.constant 1 : i32
    %sub3A_23 = vector.broadcast %sub3A : i32 to vector<128x128xi32>
    %sub3A_24 = arith.subi %div3A_2, %sub3A_23 : vector<128x128xi32>
    %select_n3A = arith.select %and3A, %sub3A_24, %div3A_2 : vector<128x128xi1>, vector<128x128xi32>
    %iota3A_25 = tpu.iota {dimensions = array<i32: 1>} : vector<128x128xi32>
    %jit3A_26 = arith.constant 16 : i32
    %div3A_27 = vector.broadcast %jit3A_26 : i32 to vector<128x128xi32>
    %div3A_28 = arith.divsi %iota3A_25, %div3A_27 : vector<128x128xi32>
    %sign3A_29 = arith.constant 0 : i32
    %sign3A_30 = vector.broadcast %sign3A_29 : i32 to vector<128x128xi32>
    %sign3A_31 = arith.cmpi sgt, %iota3A_25, %sign3A_30 : vector<128x128xi32>
    %sign3A_32 = arith.extui %sign3A_31 : vector<128x128xi1> to vector<128x128xi32>
    %sign3A_33 = arith.constant 0 : i32
    %sign3A_34 = vector.broadcast %sign3A_33 : i32 to vector<128x128xi32>
    %sign3A_35 = arith.cmpi slt, %iota3A_25, %sign3A_34 : vector<128x128xi32>
    %sign3A_36 = arith.extui %sign3A_35 : vector<128x128xi1> to vector<128x128xi32>
    %sign3A_37 = arith.subi %sign3A_32, %sign3A_36 : vector<128x128xi32>
    %sign3A_38 = arith.constant 0 : i32
    %sign3A_39 = arith.cmpi sgt, %jit3A_26, %sign3A_38 : i32
    %sign3A_40 = arith.extui %sign3A_39 : i1 to i32
    %sign3A_41 = arith.constant 0 : i32
    %sign3A_42 = arith.cmpi slt, %jit3A_26, %sign3A_41 : i32
    %sign3A_43 = arith.extui %sign3A_42 : i1 to i32
    %sign3A_44 = arith.subi %sign3A_40, %sign3A_43 : i32
    %ne3A_45 = vector.broadcast %sign3A_44 : i32 to vector<128x128xi32>
    %ne3A_46 = arith.cmpi ne, %sign3A_37, %ne3A_45 : vector<128x128xi32>
    %rem3A_47 = vector.broadcast %jit3A_26 : i32 to vector<128x128xi32>
    %rem3A_48 = arith.remsi %iota3A_25, %rem3A_47 : vector<128x128xi32>
    %ne3A_49 = arith.constant 0 : i32
    %ne3A_50 = vector.broadcast %ne3A_49 : i32 to vector<128x128xi32>
    %ne3A_51 = arith.cmpi ne, %rem3A_48, %ne3A_50 : vector<128x128xi32>
    %and3A_52 = arith.andi %ne3A_46, %ne3A_51 : vector<128x128xi1>
    %sub3A_53 = arith.constant 1 : i32
    %sub3A_54 = vector.broadcast %sub3A_53 : i32 to vector<128x128xi32>
    %sub3A_55 = arith.subi %div3A_28, %sub3A_54 : vector<128x128xi32>
    %select_n3A_56 = arith.select %and3A_52, %sub3A_55, %div3A_28 : vector<128x128xi1>, vector<128x128xi32>
    %eq3A = arith.cmpi eq, %select_n3A, %select_n3A_56 : vector<128x128xi32>
    %convert_element_type3A = arith.extui %eq3A : vector<128x128xi1> to vector<128x128xi32>
    %convert_element_type3A_57 = arith.sitofp %convert_element_type3A : vector<128x128xi32> to vector<128x128xf32>
    %dot_general3A = arith.constant dense<0.000000e+00> : vector<8192x128xf32>
    %dot_general3A_58 = tpu.matmul %get3A_1, %convert_element_type3A_57, %dot_general3A {dimension_numbers = #tpu.dot_dimension_numbers<[1], [0], [0], [1], [0, 0, 1, 1], [], []>, precision = #tpu.contract_precision<fp32>, transpose_lhs_hint = false} : vector<8192x128xf32>, vector<128x128xf32>, vector<8192x128xf32> -> vector<8192x128xf32>
    %reduce_max3A = vector.shape_cast %dot_general3A_58 : vector<8192x128xf32> to vector<1x8192x128xf32>
    %reduce_max3A_59 = arith.constant dense<0xFF800000> : vector<1xf32>
    %reduce_max3A_60 = vector.multi_reduction <maximumf>, %reduce_max3A, %reduce_max3A_59 [1, 2] : vector<1x8192x128xf32> to vector<1xf32>
    %reduce_max3A_61 = vector.shape_cast %reduce_max3A_60 : vector<1xf32> to vector<1x1x1xf32>
    %reduce_max3A_62 = vector.extract %reduce_max3A_61[0, 0, 0] : f32 from vector<1x1x1xf32>
    %sub3A_63 = vector.broadcast %reduce_max3A_62 : f32 to vector<8192x128xf32>
    %sub3A_64 = arith.subf %dot_general3A_58, %sub3A_63 : vector<8192x128xf32>
    %exp3A = math.exp %sub3A_64 : vector<8192x128xf32>
    %swap3A = arith.constant 0 : index
    %swap3A_65 = arith.constant 0 : index
    %swap3A_66 = vector.load %arg1[%swap3A, %swap3A_65] : memref<8192x128xf32, #tpu.memory_space<vmem>>, vector<8192x128xf32>
    tpu.vector_store %arg1[%swap3A, %swap3A_65], %exp3A {strides = array<i32>} : memref<8192x128xf32, #tpu.memory_space<vmem>>, vector<8192x128xf32>,
    return
  }
}

module attributes {stable_mosaic.version = 14 : i64} {
  func.func @_merge_body(%arg0: i32, %arg1: i32, %arg2: memref<1x1x2048x32xf32, #tpu.memory_space<vmem>>, %arg3: memref<1x2048x32xf32, #tpu.memory_space<vmem>>) attributes {dimension_semantics = [#tpu.dimension_semantics<arbitrary>, #tpu.dimension_semantics<arbitrary>], iteration_bounds = array<i64: 4, 32>, scalar_prefetch = 0 : i64, scratch_operands = 0 : i64, tpu.core_type = #tpu.core_type<tc>, window_params = [{transform_indices = @transform_0, window_bounds = array<i64: 1, 1, 2048, 32>}, {transform_indices = @transform_1, window_bounds = array<i64: 1, 2048, 32>}]} {
    %eq3A = arith.constant 0 : i32
    %eq3A_0 = arith.cmpi eq, %arg1, %eq3A : i32
    %convert_element_type3A = arith.extui %eq3A_0 : i1 to i32
    %cond3A = arith.constant 0 : i32
    %cond3A_1 = arith.cmpi ne, %convert_element_type3A, %cond3A : i32
    scf.if %cond3A_1 {
      %broadcast_in_dim3A = arith.constant 0.000000e+00 : f32
      %broadcast_in_dim3A_14 = vector.broadcast %broadcast_in_dim3A : f32 to vector<1x2048x32xf32>
      %swap3A_15 = arith.constant 0 : index
      %swap3A_16 = arith.constant 0 : index
      %swap3A_17 = arith.constant 0 : index
      %swap3A_18 = vector.load %arg3[%swap3A_15, %swap3A_16, %swap3A_17] : memref<1x2048x32xf32, #tpu.memory_space<vmem>>, vector<1x2048x32xf32>
      tpu.vector_store %arg3[%swap3A_15, %swap3A_16, %swap3A_17], %broadcast_in_dim3A_14 {strides = array<i32>} : memref<1x2048x32xf32, #tpu.memory_space<vmem>>, vector<1x2048x32xf32>,
    } else {
    }
    %get3A = arith.constant 0 : index
    %get3A_2 = arith.constant 0 : index
    %get3A_3 = arith.constant 0 : index
    %get3A_4 = vector.load %arg3[%get3A, %get3A_2, %get3A_3] : memref<1x2048x32xf32, #tpu.memory_space<vmem>>, vector<1x2048x32xf32>
    %get3A_5 = arith.constant 0 : index
    %get3A_6 = arith.constant 0 : index
    %get3A_7 = arith.constant 0 : index
    %get3A_8 = arith.constant 0 : index
    %get3A_9 = vector.load %arg2[%get3A_5, %get3A_6, %get3A_7, %get3A_8] : memref<1x1x2048x32xf32, #tpu.memory_space<vmem>>, vector<1x1x2048x32xf32>
    %get3A_10 = vector.shape_cast %get3A_9 : vector<1x1x2048x32xf32> to vector<1x2048x32xf32>
    %add3A = arith.addf %get3A_4, %get3A_10 : vector<1x2048x32xf32>
    %swap3A = arith.constant 0 : index
    %swap3A_11 = arith.constant 0 : index
    %swap3A_12 = arith.constant 0 : index
    %swap3A_13 = vector.load %arg3[%swap3A, %swap3A_11, %swap3A_12] : memref<1x2048x32xf32, #tpu.memory_space<vmem>>, vector<1x2048x32xf32>
    tpu.vector_store %arg3[%swap3A, %swap3A_11, %swap3A_12], %add3A {strides = array<i32>} : memref<1x2048x32xf32, #tpu.memory_space<vmem>>, vector<1x2048x32xf32>,
    return
  }
  func.func @transform_0(%arg0: i32, %arg1: i32) -> (i32, i32, i32, i32) {
    %c0_i32 = arith.constant 0 : i32
    %c0_i32_0 = arith.constant 0 : i32
    %c0_i32_1 = arith.constant 0 : i32
    return %arg0, %arg1, %c0_i32, %c0_i32_0 : i32, i32, i32, i32
  }
  func.func @transform_1(%arg0: i32, %arg1: i32) -> (i32, i32, i32) {
    %c0_i32 = arith.constant 0 : i32
    %c0_i32_0 = arith.constant 0 : i32
    %c0_i32_1 = arith.constant 0 : i32
    return %arg0, %c0_i32, %c0_i32_0 : i32, i32, i32
  }
}

module attributes {stable_mosaic.version = 14 : i64} {
  func.func @_dmerge_body(%arg0: i32, %arg1: memref<1x2048x16xf32, #tpu.memory_space<vmem>>, %arg2: memref<2048x16xf32, #tpu.memory_space<vmem>>) attributes {dimension_semantics = [#tpu.dimension_semantics<arbitrary>], iteration_bounds = array<i64: 32>, scalar_prefetch = 0 : i64, scratch_operands = 0 : i64, tpu.core_type = #tpu.core_type<tc>, window_params = [{transform_indices = @transform_0, window_bounds = array<i64: 1, 2048, 16>}, {pipeline_mode = #tpu.pipeline_mode<synchronous>, transform_indices = @transform_1, window_bounds = array<i64: 2048, 16>}]} {
    %eq3A = arith.constant 0 : i32
    %eq3A_0 = arith.cmpi eq, %arg0, %eq3A : i32
    %convert_element_type3A = arith.extui %eq3A_0 : i1 to i32
    %cond3A = arith.constant 0 : i32
    %cond3A_1 = arith.cmpi ne, %convert_element_type3A, %cond3A : i32
    scf.if %cond3A_1 {
      %broadcast_in_dim3A = arith.constant 0.000000e+00 : f32
      %broadcast_in_dim3A_11 = vector.broadcast %broadcast_in_dim3A : f32 to vector<2048x16xf32>
      %swap3A_12 = arith.constant 0 : index
      %swap3A_13 = arith.constant 0 : index
      %swap3A_14 = vector.load %arg2[%swap3A_12, %swap3A_13] : memref<2048x16xf32, #tpu.memory_space<vmem>>, vector<2048x16xf32>
      tpu.vector_store %arg2[%swap3A_12, %swap3A_13], %broadcast_in_dim3A_11 {strides = array<i32>} : memref<2048x16xf32, #tpu.memory_space<vmem>>, vector<2048x16xf32>,
    } else {
    }
    %get3A = arith.constant 0 : index
    %get3A_2 = arith.constant 0 : index
    %get3A_3 = vector.load %arg2[%get3A, %get3A_2] : memref<2048x16xf32, #tpu.memory_space<vmem>>, vector<2048x16xf32>
    %get3A_4 = arith.constant 0 : index
    %get3A_5 = arith.constant 0 : index
    %get3A_6 = arith.constant 0 : index
    %get3A_7 = vector.load %arg1[%get3A_4, %get3A_5, %get3A_6] : memref<1x2048x16xf32, #tpu.memory_space<vmem>>, vector<1x2048x16xf32>
    %get3A_8 = vector.shape_cast %get3A_7 : vector<1x2048x16xf32> to vector<2048x16xf32>
    %add3A = arith.addf %get3A_3, %get3A_8 : vector<2048x16xf32>
    %swap3A = arith.constant 0 : index
    %swap3A_9 = arith.constant 0 : index
    %swap3A_10 = vector.load %arg2[%swap3A, %swap3A_9] : memref<2048x16xf32, #tpu.memory_space<vmem>>, vector<2048x16xf32>
    tpu.vector_store %arg2[%swap3A, %swap3A_9], %add3A {strides = array<i32>} : memref<2048x16xf32, #tpu.memory_space<vmem>>, vector<2048x16xf32>,
    return
  }
  func.func @transform_0(%arg0: i32) -> (i32, i32, i32) {
    %c0_i32 = arith.constant 0 : i32
    %c0_i32_0 = arith.constant 0 : i32
    %c0_i32_1 = arith.constant 0 : i32
    return %arg0, %c0_i32, %c0_i32_0 : i32, i32, i32
  }
  func.func @transform_1(%arg0: i32) -> (i32, i32) {
    %c0_i32 = arith.constant 0 : i32
    %c0_i32_0 = arith.constant 0 : i32
    %c0_i32_1 = arith.constant 0 : i32
    return %c0_i32, %c0_i32_0 : i32, i32
  }
}

module attributes {stable_mosaic.version = 14 : i64} {
  func.func @_mid_body(%arg0: memref<2048x128xf32, #tpu.memory_space<vmem>>, %arg1: memref<2048x16xf32, #tpu.memory_space<vmem>>, %arg2: memref<128x128xf32, #tpu.memory_space<vmem>>, %arg3: memref<8x128xf32, #tpu.memory_space<vmem>>, %arg4: memref<128x128xf32, #tpu.memory_space<vmem>>, %arg5: memref<2048x128xf32, #tpu.memory_space<vmem>>, %arg6: memref<8x128xf32, #tpu.memory_space<vmem>>) attributes {dimension_semantics = [], scalar_prefetch = 0 : i64, scratch_operands = 0 : i64, tpu.core_type = #tpu.core_type<tc>} {
    %get3A = arith.constant 0 : index
    %get3A_0 = arith.constant 0 : index
    %get3A_1 = vector.load %arg1[%get3A, %get3A_0] : memref<2048x16xf32, #tpu.memory_space<vmem>>, vector<2048x16xf32>
    %slice3A = vector.extract_strided_slice %get3A_1 {offsets = [0, 0], sizes = [2048, 1], strides = [1, 1]} : vector<2048x16xf32> to vector<2048x1xf32>
    %get3A_2 = arith.constant 0 : index
    %get3A_3 = arith.constant 0 : index
    %get3A_4 = vector.load %arg0[%get3A_2, %get3A_3] : memref<2048x128xf32, #tpu.memory_space<vmem>>, vector<2048x128xf32>
    %add3A = arith.constant 1.000000e-16 : f32
    %add3A_5 = vector.broadcast %add3A : f32 to vector<2048x1xf32>
    %add3A_6 = arith.addf %slice3A, %add3A_5 : vector<2048x1xf32>
    %div3A = vector.broadcast %add3A_6 : vector<2048x1xf32> to vector<2048x128xf32>
    %div3A_7 = arith.divf %get3A_4, %div3A : vector<2048x128xf32>
    %gt3A = arith.constant 0.000000e+00 : f32
    %gt3A_8 = vector.broadcast %gt3A : f32 to vector<2048x128xf32>
    %gt3A_9 = arith.cmpf ogt, %div3A_7, %gt3A_8 : vector<2048x128xf32>
    %min3A = arith.constant 0.000000e+00 : f32
    %min3A_10 = vector.broadcast %min3A : f32 to vector<2048x128xf32>
    %min3A_11 = arith.minimumf %div3A_7, %min3A_10 : vector<2048x128xf32>
    %exp3A = math.exp %min3A_11 : vector<2048x128xf32>
    %sub3A = arith.constant 1.000000e+00 : f32
    %sub3A_12 = vector.broadcast %sub3A : f32 to vector<2048x128xf32>
    %sub3A_13 = arith.subf %exp3A, %sub3A_12 : vector<2048x128xf32>
    %select_n3A = arith.select %gt3A_9, %div3A_7, %sub3A_13 : vector<2048x128xi1>, vector<2048x128xf32>
    %get3A_14 = arith.constant 0 : index
    %get3A_15 = arith.constant 0 : index
    %get3A_16 = vector.load %arg2[%get3A_14, %get3A_15] : memref<128x128xf32, #tpu.memory_space<vmem>>, vector<128x128xf32>
    %dot_general3A = arith.constant dense<0.000000e+00> : vector<2048x128xf32>
    %dot_general3A_17 = tpu.matmul %select_n3A, %get3A_16, %dot_general3A {dimension_numbers = #tpu.dot_dimension_numbers<[1], [0], [0], [1], [0, 0, 1, 1], [], []>, transpose_lhs_hint = false} : vector<2048x128xf32>, vector<128x128xf32>, vector<2048x128xf32> -> vector<2048x128xf32>
    %swap3A = arith.constant 0 : index
    %swap3A_18 = arith.constant 0 : index
    %swap3A_19 = vector.load %arg5[%swap3A, %swap3A_18] : memref<2048x128xf32, #tpu.memory_space<vmem>>, vector<2048x128xf32>
    tpu.vector_store %arg5[%swap3A, %swap3A_18], %dot_general3A_17 {strides = array<i32>} : memref<2048x128xf32, #tpu.memory_space<vmem>>, vector<2048x128xf32>,
    %get3A_20 = arith.constant 0 : index
    %get3A_21 = arith.constant 0 : index
    %get3A_22 = vector.load %arg3[%get3A_20, %get3A_21] : memref<8x128xf32, #tpu.memory_space<vmem>>, vector<8x128xf32>
    %get3A_23 = arith.constant 0 : index
    %get3A_24 = arith.constant 0 : index
    %get3A_25 = vector.load %arg4[%get3A_23, %get3A_24] : memref<128x128xf32, #tpu.memory_space<vmem>>, vector<128x128xf32>
    %dot_general3A_26 = arith.constant dense<0.000000e+00> : vector<8x128xf32>
    %dot_general3A_27 = tpu.matmul %get3A_22, %get3A_25, %dot_general3A_26 {dimension_numbers = #tpu.dot_dimension_numbers<[1], [0], [0], [1], [0, 0, 1, 1], [], []>, transpose_lhs_hint = false} : vector<8x128xf32>, vector<128x128xf32>, vector<8x128xf32> -> vector<8x128xf32>
    %swap3A_28 = arith.constant 0 : index
    %swap3A_29 = arith.constant 0 : index
    %swap3A_30 = vector.load %arg6[%swap3A_28, %swap3A_29] : memref<8x128xf32, #tpu.memory_space<vmem>>, vector<8x128xf32>
    tpu.vector_store %arg6[%swap3A_28, %swap3A_29], %dot_general3A_27 {strides = array<i32>} : memref<8x128xf32, #tpu.memory_space<vmem>>, vector<8x128xf32>,
    return
  }
}

module attributes {stable_mosaic.version = 14 : i64} {
  func.func @_decoder_body(%arg0: i32, %arg1: i32, %arg2: i32, %arg3: memref<512x128xf32, #tpu.memory_space<vmem>>, %arg4: memref<8x128xf32, #tpu.memory_space<vmem>>, %arg5: memref<512x128xf32, #tpu.memory_space<vmem>>, %arg6: memref<1x512x512xf32, #tpu.memory_space<vmem>>) attributes {dimension_semantics = [#tpu.dimension_semantics<arbitrary>, #tpu.dimension_semantics<arbitrary>, #tpu.dimension_semantics<arbitrary>], iteration_bounds = array<i64: 8, 4, 4>, scalar_prefetch = 0 : i64, scratch_operands = 0 : i64, tpu.core_type = #tpu.core_type<tc>, window_params = [{transform_indices = @transform_0, window_bounds = array<i64: 512, 128>}, {pipeline_mode = #tpu.pipeline_mode<synchronous>, transform_indices = @transform_1, window_bounds = array<i64: 8, 128>}, {transform_indices = @transform_2, window_bounds = array<i64: 512, 128>}, {transform_indices = @transform_3, window_bounds = array<i64: 1, 512, 512>}]} {
    %get3A = arith.index_cast %arg0 : i32 to index
    %get3A_0 = arith.constant 0 : index
    %get3A_1 = vector.load %arg4[%get3A, %get3A_0] : memref<8x128xf32, #tpu.memory_space<vmem>>, vector<1x128xf32>
    %get3A_2 = arith.constant 0 : index
    %get3A_3 = arith.constant 0 : index
    %get3A_4 = vector.load %arg3[%get3A_2, %get3A_3] : memref<512x128xf32, #tpu.memory_space<vmem>>, vector<512x128xf32>
    %mul3A = vector.broadcast %get3A_1 : vector<1x128xf32> to vector<512x128xf32>
    %mul3A_5 = arith.mulf %get3A_4, %mul3A : vector<512x128xf32>
    %get3A_6 = arith.constant 0 : index
    %get3A_7 = arith.constant 0 : index
    %get3A_8 = vector.load %arg5[%get3A_6, %get3A_7] : memref<512x128xf32, #tpu.memory_space<vmem>>, vector<512x128xf32>
    %dot_general3A = arith.constant dense<0.000000e+00> : vector<512x512xf32>
    %dot_general3A_9 = tpu.matmul %mul3A_5, %get3A_8, %dot_general3A {dimension_numbers = #tpu.dot_dimension_numbers<[1], [1], [0], [0], [0, 0, 1, 0], [], []>, transpose_lhs_hint = false} : vector<512x128xf32>, vector<512x128xf32>, vector<512x512xf32> -> vector<512x512xf32>
    %swap3A = arith.constant 0 : index
    %swap3A_10 = arith.constant 0 : index
    %swap3A_11 = arith.constant 0 : index
    %swap3A_12 = vector.load %arg6[%swap3A, %swap3A_10, %swap3A_11] : memref<1x512x512xf32, #tpu.memory_space<vmem>>, vector<1x512x512xf32>
    %swap3A_13 = vector.shape_cast %swap3A_12 : vector<1x512x512xf32> to vector<512x512xf32>
    %swap3A_14 = vector.shape_cast %dot_general3A_9 : vector<512x512xf32> to vector<1x512x512xf32>
    tpu.vector_store %arg6[%swap3A, %swap3A_10, %swap3A_11], %swap3A_14 {strides = array<i32>} : memref<1x512x512xf32, #tpu.memory_space<vmem>>, vector<1x512x512xf32>,
    return
  }
  func.func @transform_0(%arg0: i32, %arg1: i32, %arg2: i32) -> (i32, i32) {
    %c0_i32 = arith.constant 0 : i32
    %c0_i32_0 = arith.constant 0 : i32
    return %arg1, %c0_i32 : i32, i32
  }
  func.func @transform_1(%arg0: i32, %arg1: i32, %arg2: i32) -> (i32, i32) {
    %c0_i32 = arith.constant 0 : i32
    %c0_i32_0 = arith.constant 0 : i32
    %c0_i32_1 = arith.constant 0 : i32
    return %c0_i32, %c0_i32_0 : i32, i32
  }
  func.func @transform_2(%arg0: i32, %arg1: i32, %arg2: i32) -> (i32, i32) {
    %c0_i32 = arith.constant 0 : i32
    %c0_i32_0 = arith.constant 0 : i32
    return %arg2, %c0_i32 : i32, i32
  }
  func.func @transform_3(%arg0: i32, %arg1: i32, %arg2: i32) -> (i32, i32, i32) {
    %c0_i32 = arith.constant 0 : i32
    return %arg0, %arg1, %arg2 : i32, i32, i32
  }
}

</mosaic_0001>

<sc_bundles>
// kernel: kernel.10.cloned.1.call-start
scs
__scs_entry_jumppad:
0x0: {  	(pc) =	sbr.rel $0x88, $3  }
0x1: {  	(tag) =	ssettag $0x0;
	lr =	simm.s32 $0x1  }
0x2: {  	[smem:$0x3F98] =	sst lr;
	_ =	strace $0xD0000000  }
0x3: {  	_ = 	snop  }
0x4: {  	_ = 	snop  }
0x5: {  	_ = 	snop  }
0x6: {  	_ = 	snop  }
0x7: {  	_ = 	snop  }
__scs_overlays_trampoline_lowered:
0x8: {  	[smem:$0x3FA7] =	sst s0  }
0x9: {  	[smem:$0x3FA8] =	sst s1  }
0xa: {  	[smem:$0x3FA9] =	sst s2  }
0xb: {  	[smem:$0x3FAA] =	sst s3  }
0xc: {  	[smem:$0x3FAB] =	sst s4  }
0xd: {  	[smem:$0x3FAC] =	sst s5  }
0xe: {  	[smem:$0x3FAD] =	sst s6  }
0xf: {  	[smem:$0x3FAE] =	sst s7  }
0x10: {  	[smem:$0x3FAF] =	sst s8  }
0x11: {  	[smem:$0x3FB0] =	sst s9;
	s0 =	simm.s32 @!p0 $0x0  }
0x12: {  	s1 =	sld [smem:$0x3F96];
	s0 =	simm.s32 @p0 $0x1  }
0x13: {  	[smem:$0x3FB1] =	sst s0;
	s0 =	simm.s32 @!p1 $0x0  }
0x14: {  	s2 =	sld [smem:$0x3F95];
	s0 =	simm.s32 @p1 $0x1  }
0x15: {  	[smem:$0x3FB2] =	sst s0;
	s0 =	simm.s32 @!p2 $0x0  }
0x16: {  	s3 =	sld [smem:$0x3FDB];
	s0 =	simm.s32 @p2 $0x1  }
0x17: {  	s4 =	simm.s32 $0x1BF5;
	[smem:$0x3FB4] =	sst s0  }
0x18: {  	s0 =	sld [smem:$0x3F97];
	_ =	swait.ge [sflag:s4], $0x0  }
0x19: {  	s7 =	sld [smem:$0x3F98]  }
0x1a: {  	s8 =	sadd.s32 $0xFFFFE003, lr  }
0x1b: {  	s9 =	sadd.s32 $0xFFFFFEF7, lr;
	s5 =	simm.s32 $0xFFFFFFFF;
	p2 =	slt.u32 s8, $0xFFFFF086  }
0x1c: {  	p1 =	slt.u32 s9, $0xF7A;
	s5 =	simm.s32 @!p2 $0x0  }
0x1d: {  	s5 =	simm.s32 @p1 $0x1;
	p0 =	seq.s32 s7, s2  }
0x1e: {  	s7 =	smul.u32 @!p0 $0xF7A, s2;
	p2 =	seq.s32 @!p0 s5, $0x0  }
0x1f: {  	s9 =	smul.u32 $0xF7A, s1;
	s8 =	simm.s32 @!p0 $0x1BF5;
	p2 =	por !p2, p0  }
0x20: {  	[sflag:s8] =	ssyncset.s32 @!p0 $0xFFFFF086;
	s6 =	sadd.s32 @!p0 s3, s7;
	s7 =	simm.s32 @!p0 $0x108  }
0x21: {  	s3 =	sadd.s32 s3, s9;
	s6 =	sadd.s32 @!p0 $0x88, s6;
	s7 =	simm.s32 @p2 $0x1082  }
0x22: {  	[simem:s7], [sflag:s8] =	dma.local @!p0 [hbm:s6], $0xF7A  }
0x23: {  	s9 =	sor.u32 $0xD0000000, s2;
	s6 =	simm.s32 $0x108;
	_ =	swait.ge @!p0 [sflag:s8], $0x0  }
0x24: {  	s3 =	sadd.s32 $0x88, s3;
	s6 =	simm.s32 @!p1 $0x1082;
	[sflag:s4] =	ssyncset.s32 $0xFFFFF086  }
0x25: {  	[simem:s6], [sflag:s4] =	dma.local [hbm:s3], $0xF7A  }
0x26: {  	[smem:$0x3F98] =	sst s1;
	(tag) =	ssettag s2;
	_ =	strace s9  }
0x27: {  	s1 =	sld [smem:$0x3FA8]  }
0x28: {  	s2 =	sld [smem:$0x3FA9]  }
0x29: {  	s4 =	sld [smem:$0x3FAB]  }
0x2a: {  	p0 =	seq.s32 s5, $0x0;
	s5 =	sld [smem:$0x3FAC]  }
0x2b: {  	s6 =	sld [smem:$0x3FAD]  }
0x2c: {  	s7 =	sld [smem:$0x3FAE]  }
0x2d: {  	s3 =	simm.s32 $0x108;
	s8 =	sld [smem:$0x3FAF]  }
0x2e: {  	s3 =	simm.s32 @!p0 $0x1082;
	s9 =	sld [smem:$0x3FB0]  }
0x2f: {  	lr =	sadd.s32 s0, s3;
	s0 =	sld [smem:$0x3FA7]  }
0x30: {  	s3 =	sld [smem:$0x3FAA]  }
0x31: {  	[smem:$0x3FB3] =	sst s10  }
0x32: {  	s10 =	sld [smem:$0x3FB1];
	_ =	sdelay $0x3  }
0x33: {  	p0 =	seq.s32 s10, $0x1;
	s10 =	sld [smem:$0x3FB3];
	_ =	sdelay $0x3  }
0x34: {  	[smem:$0x3FB3] =	sst s10  }
0x35: {  	s10 =	sld [smem:$0x3FB2];
	_ =	sdelay $0x3  }
0x36: {  	p1 =	seq.s32 s10, $0x1;
	s10 =	sld [smem:$0x3FB3];
	_ =	sdelay $0x3  }
0x37: {  	[smem:$0x3FB3] =	sst s10  }
0x38: {  	s10 =	sld [smem:$0x3FB4]  }
0x39: {  	_ = 	snop;
	(pc) =	sbr.ind lr, $3  }
0x3a: {  	_ = 	snop  }
0x3b: {  	_ = 	snop  }
0x3c: {  	p2 =	seq.s32 s10, $0x1;
	s10 =	sld [smem:$0x3FB3]  }
0x3d: {  	_ =	shalt  }
0x3e: {  	_ =	shalt  }
0x3f: {  	_ =	shalt  }
0x40: {  	_ =	shalt  }
0x41: {  	_ =	shalt  }
0x42: {  	_ =	shalt  }
0x43: {  	_ =	shalt  }
0x44: {  	_ =	shalt  }
0x45: {  	_ =	shalt  }
0x46: {  	_ =	shalt  }
0x47: {  	_ =	shalt  }
0x48: {  	_ =	shalt  }
0x49: {  	_ =	shalt  }
0x4a: {  	_ =	shalt  }
0x4b: {  	_ =	shalt  }
0x4c: {  	_ =	shalt  }
0x4d: {  	_ =	shalt  }
0x4e: {  	_ =	shalt  }
0x4f: {  	_ =	shalt  }
0x50: {  	_ =	shalt  }
0x51: {  	_ =	shalt  }
0x52: {  	_ =	shalt  }
0x53: {  	_ =	shalt  }
0x54: {  	_ =	shalt  }
0x55: {  	_ =	shalt  }
0x56: {  	_ =	shalt  }
0x57: {  	_ =	shalt  }
0x58: {  	_ =	shalt  }
0x59: {  	_ =	shalt  }
0x5a: {  	_ =	shalt  }
0x5b: {  	_ =	shalt  }
0x5c: {  	_ =	shalt  }
0x5d: {  	_ =	shalt  }
0x5e: {  	_ =	shalt  }
0x5f: {  	_ =	shalt  }
0x60: {  	_ =	shalt  }
0x61: {  	_ =	shalt  }
0x62: {  	_ =	shalt  }
0x63: {  	_ =	shalt  }
0x64: {  	_ =	shalt  }
0x65: {  	_ =	shalt  }
0x66: {  	_ =	shalt  }
0x67: {  	_ =	shalt  }
0x68: {  	_ =	shalt  }
0x69: {  	_ =	shalt  }
0x6a: {  	_ =	shalt  }
0x6b: {  	_ =	shalt  }
0x6c: {  	_ =	shalt  }
0x6d: {  	_ =	shalt  }
0x6e: {  	_ =	shalt  }
0x6f: {  	_ =	shalt  }
0x70: {  	_ =	shalt  }
0x71: {  	_ =	shalt  }
0x72: {  	_ =	shalt  }
0x73: {  	_ =	shalt  }
0x74: {  	_ =	shalt  }
0x75: {  	_ =	shalt  }
0x76: {  	_ =	shalt  }
0x77: {  	_ =	shalt  }
0x78: {  	_ =	shalt  }
0x79: {  	_ =	shalt  }
0x7a: {  	_ =	shalt  }
0x7b: {  	_ =	shalt  }
0x7c: {  	_ =	shalt  }
0x7d: {  	_ =	shalt  }
0x7e: {  	_ =	shalt  }
0x7f: {  	_ =	shalt  }
0x80: {  	_ =	shalt  }
0x81: {  	_ =	shalt  }
0x82: {  	_ =	shalt  }
0x83: {  	_ =	shalt  }
0x84: {  	_ =	shalt  }
0x85: {  	_ =	shalt  }
0x86: {  	_ =	shalt  }
0x87: {  	_ =	shalt  }
.Lfunc_end0:
.L_simem_size_0:
called_computation_lowered:
.L_overlay_start_0:
0x88: {  	s2 =	sld [smem:$0x3FD9]  }
0x89: {  	s3 =	sld [smem:$0x3FFE];
	_ =	sdelay $0x1  }
0x8a: {  	s1 =	srdreg.scid  }
0x8b: {  	s0 =	sand.u32 $0x1, s1  }
0x8c: {  	s17 =	sshll.u32 s0, $0xA;
	s2 =	sadd.s32 s3, s2  }
0x8d: {  	s2 =	sadd.s32 s2, s17  }
0x8e: {  	[smem:$0x3FBF] =	sst s2  }
0x8f: {  	_ = 	snop  }
0x90: {  	s2 =	sld [smem:$0x3FC3]  }
0x91: {  	s18 =	sld [smem:$0x3FD0];
	(tm) =	ssettm $0x1  }
0x92: {  	s4 =	sld [smem:$0x3FFB];
	_ =	sdelay $0x3  }
0x93: {  	_ =	strace s4  }
0x94: {  	s4 =	sld [smem:$0x3FFC];
	_ =	sdelay $0x3  }
0x95: {  	_ =	strace s4  }
0x96: {  	s4 =	sld [smem:$0x3FFD];
	_ =	sdelay $0x3  }
0x97: {  	_ =	strace s4  }
0x98: {  	_ =	strace $0x8FFFFFFF  }
0x99: {  	s19 =	sld [smem:$0x3FDB];
	_ =	sdelay $0x1  }
0x9a: {  	s5 =	simm.s32 $_scs_section_size  }
0x9b: {  	s6 =	simm.s32 $_size__tile_overlayer_lowered;
	s7 =	simm.s32 $_tile_overlayer_lowered  }
0x9c: {  	s22 =	simm.s32 $0x1BFF;
	s21 =	sshll.u32 s7, $0x1;
	s4 =	sadd.s32 s5, s19  }
0x9d: {  	s8 =	simm.s32 $0x0;
	s20 =	sshll.u32 s6, $0x1;
	s6 =	sadd.s32 s21, s4  }
0x9e: {  	[timem:s8], [sflag:s22] =	dma.local [hbm:s6], s20  }
0x9f: {  	_ =	swait.ge [sflag:s22], s20  }
0xa0: {  	s5 =	ssub.s32 $0x0, s20;
	[sflag:s22] =	ssyncset.done $0x0  }
0xa1: {  	[sflag:s22] =	ssyncadd.s32 s5;
	_ =	sdelay $0x1  }
0xa2: {  	s23 =	simm.s32 $0x1B8B  }
0xa3: {  	_ =	swait.ge [sflag:s23], $0x1  }
0xa4: {  	[sflag:s23] =	ssyncset.done $0x0  }
0xa5: {  	s25 =	simm.s32 $0x1B8E;
	s24 =	sld [smem:$0x3FFE];
	[sflag:s23] =	ssyncadd.s32 $0xFFFFFFFF  }
0xa6: {  	s26 =	simm.s32 $execute0_lowered;
	[smem:$0x3FD2] =	sst s25  }
0xa7: {  	s6 =	sshll.u32 s26, $0x1;
	_ =	strace $0x80000046;
	[dreg:$0x1] =	wrdreg $0xFFFFFFFF  }
0xa8: {  	s28 =	simm.s32 $_size_execute0_lowered;
	s4 =	sadd.s32 s4, s6;
	[dreg:$0x0] =	wrdreg $0x0  }
0xa9: {  	s6 =	sshll.u32 s28, $0x1;
	[dreg:$0x2] =	wrdreg s4  }
0xaa: {  	[dreg:$0x3] =	wrdreg s6  }
0xab: {  	[dreg:$0x4] =	wrdreg $0xC0  }
0xac: {  	_ =	task [dreg:s8], $0x5FFFF  }
0xad: {  	[dreg:$0x1] =	wrdreg $0xFFFFFFFF  }
0xae: {  	[dreg:$0x0] =	wrdreg $0x60  }
0xaf: {  	[dreg:$0x2] =	wrdreg s24  }
0xb0: {  	[dreg:$0x3] =	wrdreg s2  }
0xb1: {  	[dreg:$0x4] =	wrdreg s18  }
0xb2: {  	[dreg:$0x5] =	wrdreg $0x9  }
0xb3: {  	_ =	task.clear_ibuf [dreg:s8], $0x6FFFF;
	_ =	strace $0x90000046  }
0xb4: {  	s29 =	simm.s32 $0x9;
	_ =	strace $0x80000048  }
0xb5: {  	_ =	swait.ge [sflag:s29], $0x1  }
0xb6: {  	[sflag:s29] =	ssyncadd.s32 $0xFFFFFFFF  }
0xb7: {  	_ =	strace $0x90000048  }
0xb8: {  	_ =	sfence  }
0xb9: {  	s30 =	sld [smem:$0x0];
	_ =	sdelay $0x2  }
0xba: {  	s31 =	sshll.u32 s1, $0xD;
	s1 =	sshrl.u32 s1, $0x2  }
0xbb: {  	s3 =	sand.u32 $0x4000, s31;
	s1 =	sadd.s32 s1, s30  }
0xbc: {  	s0 =	sor.u32 s3, s0;
	s1 =	sshll.u32 s1, $0x11  }
0xbd: {  	s0 =	sor.u32 s1, s0  }
0xbe: {  	s0 =	sadd.s32 $0x8F2B, s0  }
0xbf: {  	[sflag:s0] =	ssyncadd.remote.s32 $0x1  }
0xc0: {  	_ =	sfence.sel $0xFFFF  }
0xc1: {  	[dreg:$0x0] =	wrdreg $0xFFFFFFFF;
	(pc) =	sbr.abs _section_cstart, $3  }
0xc2: {  	[dreg:$0x1] =	wrdreg $0xFFFFFFFF  }
0xc3: {  	_ =	task.clear_ibuf [dreg:s8], $0x2FFFF;
	_ =	strace $0x9FFFFFFF  }
0xc4: {  	(tm) =	ssettm $0x7FFFFFFF  }
0xc5: {  	_ =	shalt  }
tec
execute0_lowered:
.L_overlay_start_1:
0x0: {  	(tag) =	ssettag $0x1  }
0x1: {  	s7 =	rddreg [dreg:$0x0]  }
0x2: {  	s1 =	rddreg [dreg:$0x1]  }
0x3: {  	s2 =	rddreg [dreg:$0x2]  }
0x4: {  	s0 =	rddreg [dreg:$0x3];
	s3 =	simm.s32 $0x0;
	s8 =	srdreg.scid  }
0x5: {  	s14 =	simm.s32 $0x2;
	s15 =	simm.s32 $0x80;
	s16 =	simm.s32 $0x100  }
0x6: {  	s17 =	simm.s32 $0x180;
	s18 =	simm.s32 $0x1;
	s19 =	simm.s32 $0x4180  }
0x7: {  	s20 =	simm.s32 $0x8180;
	s21 =	simm.s32 $0xC200;
	s22 =	simm.s32 $0x0  }
0x8: {  	[smem:$0x7FF] =	sst s3;
	s4 =	sadd.s32 $0x8C00, s7;
	s5 =	sadd.s32 $0x10C00, s7  }
0x9: {  	s6 =	sadd.s32 $0x18C00, s7;
	s11 =	sand.u32 $0x1, s8;
	s8 =	sadd.s32 $0x6C00, s7  }
0xa: {  	s9 =	sadd.s32 $0x4C00, s7;
	s10 =	sadd.s32 $0x2C00, s7;
	s12 =	ssub.s32 $0x2, s11  }
0xb: {  	s7 =	stileid.u32;
	_ =	strace $0x80000047;
	s13 =	sshrl.u32 s12, $0x1  }
0xc: {  	s11 =	sshll.u32 s11, $0xF;
	s31 =	sshll.u32 s7, $0xB;
	s12 =	ssub.s32 s12, s13  }
0xd: {  	s11 =	sor.u32 s31, s11;
	s13 =	simm.s32 $0xC180;
	s12 =	smax.u32 s12, $0x1  }
.LBB2_1:
0xe: {  	[tilespmem:s13], [sflag:$0x2] =	stream.linear.gather [hbm4b:s1+s3], $0x80, $0x38;
	[tilespmem:$0xCA00] =	vst v63  }
0xf: {  	_ =	swait.ge [sflag:s14], $0x80  }
0x10: {  	[sflag:s14] =	ssyncset.done $0x0  }
0x11: {  	s23 =	simm.s32 $0x0;
	[sflag:s14] =	ssyncadd.s32 $0xFFFFFF80  }
.LBB2_2:
0x12: {  	s24 =	sshll.u32 s23, $0x7  }
0x13: {  	s24 =	sadd.s32 s11, s24  }
0x14: {  	s25 =	sshrl.u32 s24, $0x3  }
0x15: {  	s28 =	simm.s32 $0x0;
	s26 =	sadd.s32 s8, s25  }
0x16: {  	[tilespmem:s28], [sflag:$0x2] =	stream.linear.gather [hbm4b:s26+s28], $0x80, $0x38;
	[tilespmem:$0xCA00] =	vst v63  }
0x17: {  	_ =	swait.ge [sflag:s14], $0x80  }
0x18: {  	[sflag:s14] =	ssyncset.done $0x0  }
0x19: {  	s30 =	sadd.s32 s9, s25;
	[sflag:s14] =	ssyncadd.s32 $0xFFFFFF80  }
0x1a: {  	[tilespmem:s15], [sflag:$0x2] =	stream.linear.gather [hbm4b:s30+s28], $0x80, $0x38;
	[tilespmem:$0xCA00] =	vst v63  }
0x1b: {  	_ =	swait.ge [sflag:s14], $0x80  }
0x1c: {  	[sflag:s14] =	ssyncset.done $0x0  }
0x1d: {  	s25 =	sadd.s32 s10, s25;
	[sflag:s14] =	ssyncadd.s32 $0xFFFFFF80  }
0x1e: {  	[tilespmem:s16], [sflag:$0x2] =	stream.linear.gather [hbm4b:s25+s28], $0x80, $0x38;
	[tilespmem:$0xCA00] =	vst v63  }
0x1f: {  	_ =	swait.ge [sflag:s14], $0x80  }
0x20: {  	[sflag:s14] =	ssyncset.done $0x0  }
0x21: {  	[sflag:s14] =	ssyncadd.s32 $0xFFFFFF80  }
0x22: {  	[tilespmem:s17], [sflag:$0x1] =	stream.indirect.gather [hbm4b:s4+s15], $0x80, s28, s15, $0xb8;
	[tilespmem:$0xCA00] =	vst v63  }
0x23: {  	_ =	swait.ge [sflag:s18], $0x4000  }
0x24: {  	[sflag:s18] =	ssyncset.done $0x0  }
0x25: {  	[sflag:s18] =	ssyncadd.s32 $0xFFFFC000  }
0x26: {  	[tilespmem:s19], [sflag:$0x1] =	stream.indirect.gather [hbm4b:s5+s15], $0x80, s15, s15, $0xb8;
	[tilespmem:$0xCA00] =	vst v63  }
0x27: {  	_ =	swait.ge [sflag:s18], $0x4000  }
0x28: {  	[sflag:s18] =	ssyncset.done $0x0  }
0x29: {  	[sflag:s18] =	ssyncadd.s32 $0xFFFFC000  }
0x2a: {  	[tilespmem:s20], [sflag:$0x1] =	stream.indirect.gather [hbm4b:s6+s15], $0x80, s16, s15, $0xb8;
	[tilespmem:$0xCA00] =	vst v63  }
0x2b: {  	_ =	swait.ge [sflag:s18], $0x4000  }
0x2c: {  	[sflag:s18] =	ssyncset.done $0x0  }
0x2d: {  	[sflag:s18] =	ssyncadd.s32 $0xFFFFC000  }
0x2e: {  	s31 =	simm.s32 $0x0;
	v0 =	vld [tilespmem:$0xC1B0]  }
0x2f: {  	v1 =	vld [tilespmem:s31+$0x1F0]  }
0x30: {  	v2 =	vld [tilespmem:$0xC1A0]  }
0x31: {  	v3 =	vld [tilespmem:s31+$0x1E0]  }
0x32: {  	v4 =	vld [tilespmem:$0xC190]  }
0x33: {  	v5 =	vld [tilespmem:s31+$0x1D0]  }
0x34: {  	v6 =	vld [tilespmem:$0xC180]  }
0x35: {  	v7 =	vld [tilespmem:s31+$0x1C0]  }
0x36: {  	v8 =	vld [tilespmem:s31+$0x1B0]  }
0x37: {  	v9 =	vld [tilespmem:s31+$0x8190]  }
0x38: {  	v10 =	vld [tilespmem:s31+$0x8180]  }
0x39: {  	v11 =	vld [tilespmem:s31+$0x4180]  }
0x3a: {  	v12 =	vld [tilespmem:s31+$0x180]  }
0x3b: {  	v13 =	vld [tilespmem:s31+$0x190]  }
0x3c: {  	v14 =	vld [tilespmem:s31+$0x4190]  }
0x3d: {  	v15 =	vld [tilespmem:s31+$0x1A0]  }
0x3e: {  	v16 =	vld [tilespmem:s31+$0x41A0]  }
0x3f: {  	v53 =	vld [tilespmem:s31+$0x41B0];
	v11 =	vadd.f32 v11, v12  }
0x40: {  	v17 =	vld [tilespmem:s31+$0x81A0]  }
0x41: {  	v54 =	vld [tilespmem:s31+$0x41C0];
	v10 =	vadd.f32 v10, v11;
	v11 =	vadd.f32 v14, v13  }
0x42: {  	v55 =	vld [tilespmem:s31+$0x81B0]  }
0x43: {  	v56 =	vld [tilespmem:s31+$0x41D0];
	v18 =	vmul.f32 $2.000000030e-01, v10;
	v9 =	vadd.f32 v9, v11;
	v11 =	vadd.f32 v16, v15  }
0x44: {  	v57 =	vld [tilespmem:s31+$0x81C0];
	v8 =	vadd.f32 v53, v8  }
0x45: {  	v59 =	vld [tilespmem:s31+$0x41E0];
	v10 =	vmax.f32 v10, v18;
	v58 =	vmul.f32 $2.000000030e-01, v9;
	v11 =	vadd.f32 v17, v11  }
0x46: {  	v7 =	vadd.f32 v54, v7;
	v6 =	vmul.f32 v10, v6;
	v10 =	vld [tilespmem:s31+$0x81D0]  }
0x47: {  	v61 =	vld [tilespmem:s31+$0x41F0];
	v8 =	vadd.f32 v55, v8;
	v9 =	vmax.f32 v9, v58;
	v60 =	vmul.f32 $2.000000030e-01, v11  }
0x48: {  	v5 =	vadd.f32 v56, v5;
	v6 =	vadd.f32 $0.0e+00, v6;
	v4 =	vmul.f32 v9, v4;
	v9 =	vld [tilespmem:s31+$0x81E0]  }
0x49: {  	v63 =	vld [tilespmem:$0xC1C0];
	v7 =	vadd.f32 v57, v7;
	v62 =	vmul.f32 $2.000000030e-01, v8;
	v11 =	vmax.f32 v11, v60  }
0x4a: {  	v3 =	vadd.f32 v59, v3;
	v4 =	vadd.f32 v4, v6;
	v2 =	vmul.f32 v11, v2;
	v6 =	vld [tilespmem:s31+$0x81F0]  }
0x4b: {  	v8 =	vmax.f32 v8, v62;
	v11 =	vmul.f32 $2.000000030e-01, v7;
	v5 =	vadd.f32 v10, v5;
	v10 =	vld [tilespmem:$0xC1D0]  }
0x4c: {  	v1 =	vadd.f32 v61, v1;
	v0 =	vmul.f32 v8, v0;
	v2 =	vadd.f32 v2, v4  }
0x4d: {  	v8 =	vld [tilespmem:$0xC1E0];
	v4 =	vmax.f32 v7, v11;
	v7 =	vmul.f32 $2.000000030e-01, v5;
	v3 =	vadd.f32 v9, v3  }
0x4e: {  	v0 =	vadd.f32 v0, v2;
	v2 =	vmul.f32 v4, v63  }
0x4f: {  	v4 =	vmax.f32 v5, v7;
	v5 =	vmul.f32 $2.000000030e-01, v3;
	v1 =	vadd.f32 v6, v1;
	v6 =	vld [tilespmem:$0xC1F0]  }
0x50: {  	v0 =	vadd.f32 v2, v0;
	v2 =	vmul.f32 v4, v10  }
0x51: {  	v3 =	vmax.f32 v3, v5;
	v4 =	vmul.f32 $2.000000030e-01, v1  }
0x52: {  	v0 =	vadd.f32 v2, v0;
	v2 =	vmul.f32 v3, v8  }
0x53: {  	v1 =	vmax.f32 v1, v4  }
0x54: {  	v0 =	vadd.f32 v2, v0;
	v1 =	vmul.f32 v1, v6;
	_ =	sdelay $0x1  }
0x55: {  	v0 =	vadd.f32 v1, v0  }
0x56: {  	s25 =	simm.s32 $0xC200  }
0x57: {  	[tilespmem:s25+$0x0] =	vst v0  }
0x58: {  	s26 =	simm.s32 $0x80;
	v0 =	vld [tilespmem:$0xC1B0]  }
0x59: {  	v1 =	vld [tilespmem:s26+$0x1F0]  }
0x5a: {  	v2 =	vld [tilespmem:$0xC1A0]  }
0x5b: {  	v3 =	vld [tilespmem:s26+$0x1E0]  }
0x5c: {  	v4 =	vld [tilespmem:$0xC190]  }
0x5d: {  	v5 =	vld [tilespmem:s26+$0x1D0]  }
0x5e: {  	v6 =	vld [tilespmem:$0xC180]  }
0x5f: {  	v7 =	vld [tilespmem:s26+$0x1C0]  }
0x60: {  	v8 =	vld [tilespmem:s26+$0x1B0]  }
0x61: {  	v9 =	vld [tilespmem:s26+$0x8190]  }
0x62: {  	v10 =	vld [tilespmem:s26+$0x8180]  }
0x63: {  	s28 =	simm.s32 $0x400;
	v11 =	vld [tilespmem:s26+$0x4180]  }
.LBB2_3:
0x64: {  	p0 =	sne.s32 s28, $0xFE00;
	v12 =	vld [tilespmem:s26+$0x180]  }
0x65: {  	v13 =	vld [tilespmem:s26+$0x190]  }
0x66: {  	v14 =	vld [tilespmem:s26+$0x4190]  }
0x67: {  	v15 =	vld [tilespmem:s26+$0x1A0]  }
0x68: {  	v16 =	vld [tilespmem:s26+$0x41A0]  }
0x69: {  	v11 =	vadd.f32 v11, v12;
	v12 =	vld [tilespmem:s26+$0x41B0]  }
0x6a: {  	v17 =	vld [tilespmem:s26+$0x81A0]  }
0x6b: {  	v10 =	vadd.f32 v10, v11;
	v11 =	vadd.f32 v14, v13;
	v13 =	vld [tilespmem:s26+$0x41C0]  }
0x6c: {  	v14 =	vld [tilespmem:s26+$0x81B0]  }
0x6d: {  	v18 =	vmul.f32 $2.000000030e-01, v10;
	v9 =	vadd.f32 v9, v11;
	v11 =	vadd.f32 v16, v15;
	v15 =	vld [tilespmem:s26+$0x41D0]  }
0x6e: {  	v8 =	vadd.f32 v12, v8;
	v12 =	vld [tilespmem:s26+$0x81C0]  }
0x6f: {  	v10 =	vmax.f32 v10, v18;
	v16 =	vmul.f32 $2.000000030e-01, v9;
	v11 =	vadd.f32 v17, v11;
	v17 =	vld [tilespmem:s26+$0x41E0]  }
0x70: {  	v6 =	vmul.f32 v10, v6;
	v7 =	vadd.f32 v13, v7;
	v10 =	vld [tilespmem:s26+$0x81D0]  }
0x71: {  	v9 =	vmax.f32 v9, v16;
	v13 =	vmul.f32 $2.000000030e-01, v11;
	v8 =	vadd.f32 v14, v8;
	v14 =	vld [tilespmem:s26+$0x41F0]  }
0x72: {  	v6 =	vadd.f32 $0.0e+00, v6;
	v4 =	vmul.f32 v9, v4;
	v5 =	vadd.f32 v15, v5;
	v9 =	vld [tilespmem:s26+$0x81E0]  }
0x73: {  	v11 =	vmax.f32 v11, v13;
	v13 =	vmul.f32 $2.000000030e-01, v8;
	v7 =	vadd.f32 v12, v7;
	v12 =	vld [tilespmem:$0xC1C0]  }
0x74: {  	v4 =	vadd.f32 v4, v6;
	v2 =	vmul.f32 v11, v2;
	v3 =	vadd.f32 v17, v3;
	v6 =	vld [tilespmem:s26+$0x81F0]  }
0x75: {  	v8 =	vmax.f32 v8, v13;
	v11 =	vmul.f32 $2.000000030e-01, v7;
	v5 =	vadd.f32 v10, v5;
	v10 =	vld [tilespmem:$0xC1D0]  }
0x76: {  	v2 =	vadd.f32 v2, v4;
	v0 =	vmul.f32 v8, v0;
	v1 =	vadd.f32 v14, v1  }
0x77: {  	v4 =	vmax.f32 v7, v11;
	v7 =	vmul.f32 $2.000000030e-01, v5;
	v3 =	vadd.f32 v9, v3;
	v8 =	vld [tilespmem:$0xC1E0]  }
0x78: {  	v0 =	vadd.f32 v0, v2;
	v2 =	vmul.f32 v4, v12  }
0x79: {  	v4 =	vmax.f32 v5, v7;
	v5 =	vmul.f32 $2.000000030e-01, v3;
	v1 =	vadd.f32 v6, v1;
	v6 =	vld [tilespmem:$0xC1F0]  }
0x7a: {  	v0 =	vadd.f32 v2, v0;
	v2 =	vmul.f32 v4, v10  }
0x7b: {  	v3 =	vmax.f32 v3, v5;
	v4 =	vmul.f32 $2.000000030e-01, v1  }
0x7c: {  	v0 =	vadd.f32 v2, v0;
	v2 =	vmul.f32 v3, v8  }
0x7d: {  	v1 =	vmax.f32 v1, v4  }
0x7e: {  	v0 =	vadd.f32 v2, v0;
	v1 =	vmul.f32 v1, v6;
	_ =	sdelay $0x1  }
0x7f: {  	v0 =	vadd.f32 v1, v0  }
0x80: {  	s25 =	sadd.s32 $0x10, s25  }
0x81: {  	[tilespmem:s25+$0x0] =	vst v0  }
0x82: {  	s26 =	sshra.s32 s28, $0x2;
	v0 =	vld [tilespmem:$0xC1B0]  }
0x83: {  	v1 =	vld [tilespmem:s26+$0x1F0]  }
0x84: {  	v2 =	vld [tilespmem:$0xC1A0]  }
0x85: {  	v3 =	vld [tilespmem:s26+$0x1E0]  }
0x86: {  	v4 =	vld [tilespmem:$0xC190]  }
0x87: {  	v5 =	vld [tilespmem:s26+$0x1D0]  }
0x88: {  	v6 =	vld [tilespmem:$0xC180]  }
.Ltmp0:
0x89: {  	v7 =	vld [tilespmem:s26+$0x1C0];
	(pc) =	sbr.rel @p0 .LBB2_3-.Ltmp0, $4  }
0x8a: {  	v8 =	vld [tilespmem:s26+$0x1B0]  }
0x8b: {  	v9 =	vld [tilespmem:s26+$0x8190]  }
0x8c: {  	v10 =	vld [tilespmem:s26+$0x8180]  }
0x8d: {  	s28 =	sadd.s32 $0x200, s28;
	v11 =	vld [tilespmem:s26+$0x4180]  }
0x8e: {  	v12 =	vld [tilespmem:s26+$0x180]  }
0x8f: {  	v13 =	vld [tilespmem:s26+$0x190]  }
0x90: {  	v14 =	vld [tilespmem:s26+$0x4190]  }
0x91: {  	v15 =	vld [tilespmem:s26+$0x1A0]  }
0x92: {  	v16 =	vld [tilespmem:s26+$0x41A0]  }
0x93: {  	v36 =	vld [tilespmem:s26+$0x41B0];
	v11 =	vadd.f32 v11, v12  }
0x94: {  	v17 =	vld [tilespmem:s26+$0x81A0]  }
0x95: {  	v38 =	vld [tilespmem:s26+$0x41C0];
	v37 =	vadd.f32 v14, v13;
	v10 =	vadd.f32 v10, v11  }
0x96: {  	v39 =	vld [tilespmem:s26+$0x81B0]  }
0x97: {  	v41 =	vld [tilespmem:s26+$0x41D0];
	v40 =	vadd.f32 v16, v15;
	v9 =	vadd.f32 v9, v37;
	v18 =	vmul.f32 $2.000000030e-01, v10  }
0x98: {  	v42 =	vld [tilespmem:s26+$0x81C0];
	v8 =	vadd.f32 v36, v8  }
0x99: {  	v44 =	vld [tilespmem:s26+$0x41E0];
	v11 =	vadd.f32 v17, v40;
	v43 =	vmul.f32 $2.000000030e-01, v9;
	v10 =	vmax.f32 v10, v18  }
0x9a: {  	v45 =	vld [tilespmem:s26+$0x81D0];
	v7 =	vadd.f32 v38, v7;
	v6 =	vmul.f32 v10, v6  }
0x9b: {  	v47 =	vld [tilespmem:s26+$0x41F0];
	v8 =	vadd.f32 v39, v8;
	v46 =	vmul.f32 $2.000000030e-01, v11;
	v9 =	vmax.f32 v9, v43  }
0x9c: {  	v48 =	vld [tilespmem:s26+$0x81E0];
	v5 =	vadd.f32 v41, v5;
	v4 =	vmul.f32 v9, v4;
	v6 =	vadd.f32 $0.0e+00, v6  }
0x9d: {  	v50 =	vld [tilespmem:$0xC1C0];
	v7 =	vadd.f32 v42, v7;
	v49 =	vmul.f32 $2.000000030e-01, v8;
	v11 =	vmax.f32 v11, v46  }
0x9e: {  	v51 =	vld [tilespmem:s26+$0x81F0];
	v3 =	vadd.f32 v44, v3;
	v2 =	vmul.f32 v11, v2;
	v4 =	vadd.f32 v4, v6  }
0x9f: {  	v53 =	vld [tilespmem:$0xC1D0];
	v5 =	vadd.f32 v45, v5;
	v52 =	vmul.f32 $2.000000030e-01, v7;
	v8 =	vmax.f32 v8, v49  }
0xa0: {  	v1 =	vadd.f32 v47, v1;
	v0 =	vmul.f32 v8, v0;
	v2 =	vadd.f32 v2, v4  }
0xa1: {  	v56 =	vld [tilespmem:$0xC1E0];
	v3 =	vadd.f32 v48, v3;
	v55 =	vmul.f32 $2.000000030e-01, v5;
	v54 =	vmax.f32 v7, v52  }
0xa2: {  	v57 =	vmul.f32 v54, v50;
	v0 =	vadd.f32 v0, v2  }
0xa3: {  	v60 =	vld [tilespmem:$0xC1F0];
	v1 =	vadd.f32 v51, v1;
	v59 =	vmul.f32 $2.000000030e-01, v3;
	v58 =	vmax.f32 v5, v55  }
0xa4: {  	v61 =	vmul.f32 v58, v53;
	v0 =	vadd.f32 v57, v0  }
0xa5: {  	v62 =	vmul.f32 $2.000000030e-01, v1;
	v3 =	vmax.f32 v3, v59  }
0xa6: {  	v63 =	vmul.f32 v3, v56;
	v0 =	vadd.f32 v61, v0  }
0xa7: {  	v1 =	vmax.f32 v1, v62  }
0xa8: {  	v1 =	vmul.f32 v1, v60;
	v0 =	vadd.f32 v63, v0;
	_ =	sdelay $0x1  }
0xa9: {  	s23 =	sadd.s32 $0x1, s23;
	v0 =	vadd.f32 v1, v0  }
0xaa: {  	s25 =	sadd.s32 $0x10, s25;
	s24 =	sshll.u32 s24, $0x1;
	p0 =	sne.s32 s23, $0x10  }
.Ltmp1:
0xab: {  	s24 =	sadd.s32 s2, s24;
	[tilespmem:s25+$0x0] =	vst v0;
	(pc) =	sbr.rel @p0 .LBB2_2-.Ltmp1, $4  }
0xac: {  	[hbm4b:s24+s3] =	stream.linear.scatter [tilespmem:s21], [sflag:$0x2], $0x800, $0x38;
	[tilespmem:$0xCA00] =	vst v63  }
0xad: {  	_ =	swait.ge [sflag:s14], $0x800  }
0xae: {  	[sflag:s14] =	ssyncset.done $0x0  }
0xaf: {  	[sflag:s14] =	ssyncadd.s32 $0xFFFFF800  }
0xb0: {  	s22 =	sadd.s32 $0x1, s22  }
0xb1: {  	p0 =	sne.s32 s22, s12  }
.Ltmp2:
0xb2: {  	_ = 	snop;
	(pc) =	sbr.rel @p0 .LBB2_1-.Ltmp2, $1  }
0xb3: {  	_ =	sdelay $0x3  }
0xb4: {  	_ =	sfence.sel $0x180000  }
0xb5: {  	[bflag:$0x0] =	sbarrier.arrive $0xFFFF  }
0xb6: {  	p0 =	sne.s32 s7, $0x0;
	_ =	strace $0x90000047  }
0xb7: {  	s0 =	sadd.s32 @!p0 $0x100000, s0;
	[bflag:$0x2] =	sbarrier.arrive $0xFFFF  }
0xb8: {  	[sflag:s0] =	ssyncadd.tile.s32 @!p0 $0x1;
	_ =	shalt  }
.Lfunc_end2:
_tile_overlayer_lowered:
.L_overlay_start_2:
0xb9: {  	(tag) =	ssettag $0x2  }
0xba: {  	s0 =	rddreg [dreg:$0x0];
	s2 =	stileid.u32  }
0xbb: {  	s1 =	rddreg [dreg:$0x1];
	p0 =	sne.s32 s2, $0x0  }
0xbc: {  	s3 =	rddreg [dreg:$0x2];
	[bflag:$0x3] =	sbarrier.arrive $0xFFFF;
	s2 =	simm.s32 @!p0 $0x1C02  }
0xbd: {  	[timem:s3], [sflag:s2] =	dma.local @!p0 [hbm:s0], s1  }
0xbe: {  	s0 =	simm.s32 @!p0 $0x2  }
0xbf: {  	_ =	swait.ge @!p0 [sflag:s0], s1  }
0xc0: {  	s1 =	ssub.s32 @!p0 $0x0, s1;
	[sflag:s0] =	ssyncset.done @!p0 $0x0  }
0xc1: {  	[sflag:s0] =	ssyncadd.s32 @!p0 s1  }
0xc2: {  	[bflag:$0x3] =	sbarrier.arrive $0xFFFF  }
0xc3: {  	_ =	shalt  }

// kernel: kernel.13.cloned.1.call-start
scs
__scs_entry_jumppad:
0x0: {  	(pc) =	sbr.rel $0x88, $3  }
0x1: {  	(tag) =	ssettag $0x0;
	lr =	simm.s32 $0x1  }
0x2: {  	[smem:$0x3F98] =	sst lr;
	_ =	strace $0xD0000000  }
0x3: {  	_ = 	snop  }
0x4: {  	_ = 	snop  }
0x5: {  	_ = 	snop  }
0x6: {  	_ = 	snop  }
0x7: {  	_ = 	snop  }
__scs_overlays_trampoline_lowered:
0x8: {  	[smem:$0x3FA7] =	sst s0  }
0x9: {  	[smem:$0x3FA8] =	sst s1  }
0xa: {  	[smem:$0x3FA9] =	sst s2  }
0xb: {  	[smem:$0x3FAA] =	sst s3  }
0xc: {  	[smem:$0x3FAB] =	sst s4  }
0xd: {  	[smem:$0x3FAC] =	sst s5  }
0xe: {  	[smem:$0x3FAD] =	sst s6  }
0xf: {  	[smem:$0x3FAE] =	sst s7  }
0x10: {  	[smem:$0x3FAF] =	sst s8  }
0x11: {  	[smem:$0x3FB0] =	sst s9;
	s0 =	simm.s32 @!p0 $0x0  }
0x12: {  	s1 =	sld [smem:$0x3F96];
	s0 =	simm.s32 @p0 $0x1  }
0x13: {  	[smem:$0x3FB1] =	sst s0;
	s0 =	simm.s32 @!p1 $0x0  }
0x14: {  	s2 =	sld [smem:$0x3F95];
	s0 =	simm.s32 @p1 $0x1  }
0x15: {  	[smem:$0x3FB2] =	sst s0;
	s0 =	simm.s32 @!p2 $0x0  }
0x16: {  	s3 =	sld [smem:$0x3FDB];
	s0 =	simm.s32 @p2 $0x1  }
0x17: {  	s4 =	simm.s32 $0x1BF5;
	[smem:$0x3FB4] =	sst s0  }
0x18: {  	s0 =	sld [smem:$0x3F97];
	_ =	swait.ge [sflag:s4], $0x0  }
0x19: {  	s7 =	sld [smem:$0x3F98]  }
0x1a: {  	s8 =	sadd.s32 $0xFFFFE003, lr  }
0x1b: {  	s9 =	sadd.s32 $0xFFFFFEF7, lr;
	s5 =	simm.s32 $0xFFFFFFFF;
	p2 =	slt.u32 s8, $0xFFFFF086  }
0x1c: {  	p1 =	slt.u32 s9, $0xF7A;
	s5 =	simm.s32 @!p2 $0x0  }
0x1d: {  	s5 =	simm.s32 @p1 $0x1;
	p0 =	seq.s32 s7, s2  }
0x1e: {  	s7 =	smul.u32 @!p0 $0xF7A, s2;
	p2 =	seq.s32 @!p0 s5, $0x0  }
0x1f: {  	s9 =	smul.u32 $0xF7A, s1;
	s8 =	simm.s32 @!p0 $0x1BF5;
	p2 =	por !p2, p0  }
0x20: {  	[sflag:s8] =	ssyncset.s32 @!p0 $0xFFFFF086;
	s6 =	sadd.s32 @!p0 s3, s7;
	s7 =	simm.s32 @!p0 $0x108  }
0x21: {  	s3 =	sadd.s32 s3, s9;
	s6 =	sadd.s32 @!p0 $0x88, s6;
	s7 =	simm.s32 @p2 $0x1082  }
0x22: {  	[simem:s7], [sflag:s8] =	dma.local @!p0 [hbm:s6], $0xF7A  }
0x23: {  	s9 =	sor.u32 $0xD0000000, s2;
	s6 =	simm.s32 $0x108;
	_ =	swait.ge @!p0 [sflag:s8], $0x0  }
0x24: {  	s3 =	sadd.s32 $0x88, s3;
	s6 =	simm.s32 @!p1 $0x1082;
	[sflag:s4] =	ssyncset.s32 $0xFFFFF086  }
0x25: {  	[simem:s6], [sflag:s4] =	dma.local [hbm:s3], $0xF7A  }
0x26: {  	[smem:$0x3F98] =	sst s1;
	(tag) =	ssettag s2;
	_ =	strace s9  }
0x27: {  	s1 =	sld [smem:$0x3FA8]  }
0x28: {  	s2 =	sld [smem:$0x3FA9]  }
0x29: {  	s4 =	sld [smem:$0x3FAB]  }
0x2a: {  	p0 =	seq.s32 s5, $0x0;
	s5 =	sld [smem:$0x3FAC]  }
0x2b: {  	s6 =	sld [smem:$0x3FAD]  }
0x2c: {  	s7 =	sld [smem:$0x3FAE]  }
0x2d: {  	s3 =	simm.s32 $0x108;
	s8 =	sld [smem:$0x3FAF]  }
0x2e: {  	s3 =	simm.s32 @!p0 $0x1082;
	s9 =	sld [smem:$0x3FB0]  }
0x2f: {  	lr =	sadd.s32 s0, s3;
	s0 =	sld [smem:$0x3FA7]  }
0x30: {  	s3 =	sld [smem:$0x3FAA]  }
0x31: {  	[smem:$0x3FB3] =	sst s10  }
0x32: {  	s10 =	sld [smem:$0x3FB1];
	_ =	sdelay $0x3  }
0x33: {  	p0 =	seq.s32 s10, $0x1;
	s10 =	sld [smem:$0x3FB3];
	_ =	sdelay $0x3  }
0x34: {  	[smem:$0x3FB3] =	sst s10  }
0x35: {  	s10 =	sld [smem:$0x3FB2];
	_ =	sdelay $0x3  }
0x36: {  	p1 =	seq.s32 s10, $0x1;
	s10 =	sld [smem:$0x3FB3];
	_ =	sdelay $0x3  }
0x37: {  	[smem:$0x3FB3] =	sst s10  }
0x38: {  	s10 =	sld [smem:$0x3FB4]  }
0x39: {  	_ = 	snop;
	(pc) =	sbr.ind lr, $3  }
0x3a: {  	_ = 	snop  }
0x3b: {  	_ = 	snop  }
0x3c: {  	p2 =	seq.s32 s10, $0x1;
	s10 =	sld [smem:$0x3FB3]  }
0x3d: {  	_ =	shalt  }
0x3e: {  	_ =	shalt  }
0x3f: {  	_ =	shalt  }
0x40: {  	_ =	shalt  }
0x41: {  	_ =	shalt  }
0x42: {  	_ =	shalt  }
0x43: {  	_ =	shalt  }
0x44: {  	_ =	shalt  }
0x45: {  	_ =	shalt  }
0x46: {  	_ =	shalt  }
0x47: {  	_ =	shalt  }
0x48: {  	_ =	shalt  }
0x49: {  	_ =	shalt  }
0x4a: {  	_ =	shalt  }
0x4b: {  	_ =	shalt  }
0x4c: {  	_ =	shalt  }
0x4d: {  	_ =	shalt  }
0x4e: {  	_ =	shalt  }
0x4f: {  	_ =	shalt  }
0x50: {  	_ =	shalt  }
0x51: {  	_ =	shalt  }
0x52: {  	_ =	shalt  }
0x53: {  	_ =	shalt  }
0x54: {  	_ =	shalt  }
0x55: {  	_ =	shalt  }
0x56: {  	_ =	shalt  }
0x57: {  	_ =	shalt  }
0x58: {  	_ =	shalt  }
0x59: {  	_ =	shalt  }
0x5a: {  	_ =	shalt  }
0x5b: {  	_ =	shalt  }
0x5c: {  	_ =	shalt  }
0x5d: {  	_ =	shalt  }
0x5e: {  	_ =	shalt  }
0x5f: {  	_ =	shalt  }
0x60: {  	_ =	shalt  }
0x61: {  	_ =	shalt  }
0x62: {  	_ =	shalt  }
0x63: {  	_ =	shalt  }
0x64: {  	_ =	shalt  }
0x65: {  	_ =	shalt  }
0x66: {  	_ =	shalt  }
0x67: {  	_ =	shalt  }
0x68: {  	_ =	shalt  }
0x69: {  	_ =	shalt  }
0x6a: {  	_ =	shalt  }
0x6b: {  	_ =	shalt  }
0x6c: {  	_ =	shalt  }
0x6d: {  	_ =	shalt  }
0x6e: {  	_ =	shalt  }
0x6f: {  	_ =	shalt  }
0x70: {  	_ =	shalt  }
0x71: {  	_ =	shalt  }
0x72: {  	_ =	shalt  }
0x73: {  	_ =	shalt  }
0x74: {  	_ =	shalt  }
0x75: {  	_ =	shalt  }
0x76: {  	_ =	shalt  }
0x77: {  	_ =	shalt  }
0x78: {  	_ =	shalt  }
0x79: {  	_ =	shalt  }
0x7a: {  	_ =	shalt  }
0x7b: {  	_ =	shalt  }
0x7c: {  	_ =	shalt  }
0x7d: {  	_ =	shalt  }
0x7e: {  	_ =	shalt  }
0x7f: {  	_ =	shalt  }
0x80: {  	_ =	shalt  }
0x81: {  	_ =	shalt  }
0x82: {  	_ =	shalt  }
0x83: {  	_ =	shalt  }
0x84: {  	_ =	shalt  }
0x85: {  	_ =	shalt  }
0x86: {  	_ =	shalt  }
0x87: {  	_ =	shalt  }
.Lfunc_end0:
.L_simem_size_0:
called_computation.1_lowered:
.L_overlay_start_0:
0x88: {  	s2 =	sld [smem:$0x3FD9]  }
0x89: {  	s3 =	sld [smem:$0x3FFE];
	_ =	sdelay $0x1  }
0x8a: {  	s1 =	srdreg.scid  }
0x8b: {  	s0 =	sand.u32 $0x1, s1  }
0x8c: {  	s17 =	sshll.u32 s0, $0xA;
	s2 =	sadd.s32 s3, s2  }
0x8d: {  	s2 =	sadd.s32 s2, s17  }
0x8e: {  	[smem:$0x3FBF] =	sst s2  }
0x8f: {  	_ = 	snop  }
0x90: {  	s2 =	sld [smem:$0x3FD0];
	(tm) =	ssettm $0x1  }
0x91: {  	s18 =	sld [smem:$0x3FFB];
	_ =	sdelay $0x3  }
0x92: {  	_ =	strace s18  }
0x93: {  	s3 =	sld [smem:$0x3FFC];
	_ =	sdelay $0x3  }
0x94: {  	_ =	strace s3  }
0x95: {  	s3 =	sld [smem:$0x3FFD];
	_ =	sdelay $0x3  }
0x96: {  	_ =	strace s3  }
0x97: {  	_ =	strace $0x8FFFFFFF  }
0x98: {  	s19 =	sld [smem:$0x3FDB];
	_ =	sdelay $0x1  }
0x99: {  	s4 =	simm.s32 $_scs_section_size  }
0x9a: {  	s5 =	simm.s32 $_size__tile_overlayer_lowered;
	s6 =	simm.s32 $_tile_overlayer_lowered  }
0x9b: {  	s22 =	simm.s32 $0x1BFF;
	s21 =	sshll.u32 s6, $0x1;
	s3 =	sadd.s32 s4, s19  }
0x9c: {  	s7 =	simm.s32 $0x0;
	s20 =	sshll.u32 s5, $0x1;
	s5 =	sadd.s32 s21, s3  }
0x9d: {  	[timem:s7], [sflag:s22] =	dma.local [hbm:s5], s20  }
0x9e: {  	_ =	swait.ge [sflag:s22], s20  }
0x9f: {  	s4 =	ssub.s32 $0x0, s20;
	[sflag:s22] =	ssyncset.done $0x0  }
0xa0: {  	[sflag:s22] =	ssyncadd.s32 s4;
	_ =	sdelay $0x1  }
0xa1: {  	s23 =	simm.s32 $0x1B8B  }
0xa2: {  	_ =	swait.ge [sflag:s23], $0x1  }
0xa3: {  	[sflag:s23] =	ssyncset.done $0x0  }
0xa4: {  	s25 =	simm.s32 $0x1B8E;
	s24 =	sld [smem:$0x3FFE];
	[sflag:s23] =	ssyncadd.s32 $0xFFFFFFFF  }
0xa5: {  	s26 =	simm.s32 $execute0_lowered;
	[smem:$0x3FD2] =	sst s25  }
0xa6: {  	s5 =	sshll.u32 s26, $0x1;
	_ =	strace $0x80000049;
	[dreg:$0x1] =	wrdreg $0xFFFFFFFF  }
0xa7: {  	s28 =	simm.s32 $_size_execute0_lowered;
	s3 =	sadd.s32 s3, s5;
	[dreg:$0x0] =	wrdreg $0x0  }
0xa8: {  	s5 =	sshll.u32 s28, $0x1;
	[dreg:$0x2] =	wrdreg s3  }
0xa9: {  	[dreg:$0x3] =	wrdreg s5  }
0xaa: {  	[dreg:$0x4] =	wrdreg $0xC0  }
0xab: {  	_ =	task [dreg:s7], $0x5FFFF  }
0xac: {  	[dreg:$0x1] =	wrdreg $0xFFFFFFFF  }
0xad: {  	[dreg:$0x0] =	wrdreg $0x60  }
0xae: {  	[dreg:$0x2] =	wrdreg s24  }
0xaf: {  	[dreg:$0x3] =	wrdreg s2  }
0xb0: {  	[dreg:$0x4] =	wrdreg $0x9  }
0xb1: {  	_ =	task.clear_ibuf [dreg:s7], $0x5FFFF;
	_ =	strace $0x90000049  }
0xb2: {  	s29 =	simm.s32 $0x9;
	_ =	strace $0x8000004B  }
0xb3: {  	_ =	swait.ge [sflag:s29], $0x1  }
0xb4: {  	[sflag:s29] =	ssyncadd.s32 $0xFFFFFFFF  }
0xb5: {  	_ =	strace $0x9000004B  }
0xb6: {  	_ =	sfence  }
0xb7: {  	s30 =	sld [smem:$0x0];
	_ =	sdelay $0x2  }
0xb8: {  	s31 =	sshll.u32 s1, $0xD;
	s1 =	sshrl.u32 s1, $0x2  }
0xb9: {  	s3 =	sand.u32 $0x4000, s31;
	s1 =	sadd.s32 s1, s30  }
0xba: {  	s0 =	sor.u32 s3, s0;
	s1 =	sshll.u32 s1, $0x11  }
0xbb: {  	s0 =	sor.u32 s1, s0  }
0xbc: {  	s0 =	sadd.s32 $0x8F2B, s0  }
0xbd: {  	[sflag:s0] =	ssyncadd.remote.s32 $0x1  }
0xbe: {  	_ =	sfence.sel $0xFFFF  }
0xbf: {  	[dreg:$0x0] =	wrdreg $0xFFFFFFFF;
	(pc) =	sbr.abs _section_cstart, $3  }
0xc0: {  	[dreg:$0x1] =	wrdreg $0xFFFFFFFF  }
0xc1: {  	_ =	task.clear_ibuf [dreg:s7], $0x2FFFF;
	_ =	strace $0x9FFFFFFF  }
0xc2: {  	(tm) =	ssettm $0x7FFFFFFF  }
0xc3: {  	_ =	shalt  }
tec
execute0_lowered:
.L_overlay_start_1:
0x0: {  	(tag) =	ssettag $0x1  }
0x1: {  	s7 =	rddreg [dreg:$0x0]  }
0x2: {  	s1 =	rddreg [dreg:$0x1]  }
0x3: {  	s0 =	rddreg [dreg:$0x2]  }
0x4: {  	s2 =	simm.s32 $0x0;
	s3 =	srdreg.scid;
	s16 =	simm.s32 $0x100  }
0x5: {  	s17 =	simm.s32 $0x900;
	s18 =	simm.s32 $0x1;
	s19 =	simm.s32 $0x4900  }
0x6: {  	s20 =	simm.s32 $0x14900;
	s21 =	simm.s32 $0x0;
	[smem:$0x7FF] =	sst s2  }
0x7: {  	s4 =	sadd.s32 $0x8C00, s7;
	s8 =	sand.u32 $0x1, s3;
	s5 =	sadd.s32 $0x6C00, s7  }
0x8: {  	v0 =	vimm.f32 $0.0e+00;
	s3 =	stileid.u32;
	s6 =	sadd.s32 $0x4C00, s7;
	s9 =	sshll.u32 s8, $0x4  }
0x9: {  	v1 =	vimm.s32 $0x5;
	v2 =	vimm.s32 $0x0;
	v3 =	vlaneseq.u32;
	_ =	strace $0x8000004A;
	s8 =	ssub.s32 $0x2, s8;
	s9 =	sor.u32 s3, s9  }
0xa: {  	v5 =	vimm.s32 $0x1;
	v6 =	vimm.s32 $0x2;
	v7 =	vimm.s32 $0x3;
	s12 =	sshrl.u32 s8, $0x1;
	s10 =	sshll.u32 s9, $0xD;
	s11 =	sshll.u32 s9, $0xC  }
0xb: {  	v8 =	vimm.s32 $0x4;
	v9 =	vimm.s32 $0x6;
	v10 =	vimm.s32 $0x7;
	s15 =	ssub.s32 s8, s12;
	s13 =	sadd.s32 s10, s7;
	s14 =	sadd.s32 s11, s7  }
0xc: {  	v11 =	vimm.s32 $0x8;
	v12 =	vimm.s32 $0x9;
	v13 =	vimm.s32 $0xA;
	s7 =	sshll.u32 s9, $0xB;
	s8 =	sadd.s32 $0x30C00, s13;
	s9 =	sadd.s32 $0x70C00, s13  }
0xd: {  	v14 =	vimm.s32 $0xB;
	v15 =	vimm.s32 $0xC;
	v16 =	vimm.s32 $0xD;
	s10 =	sadd.s32 $0xB0C00, s13;
	s11 =	sadd.s32 $0xF0C00, s13;
	s12 =	sadd.s32 $0x10C00, s14  }
0xe: {  	v17 =	vimm.s32 $0xE;
	v18 =	vimm.s32 $0xF;
	v4 =	vor.u32 $0x10, v3;
	s13 =	smax.u32 s15, $0x1;
	s14 =	simm.s32 $0x2;
	s15 =	simm.s32 $0x80  }
.LBB2_1:
0xf: {  	s22 =	simm.s32 $0x40;
	s23 =	simm.s32 $0x0  }
.LBB2_2:
0x10: {  	p0 =	sne.s32 s22, $0x1FFC0;
	[tilespmem:s23+$0x14900] =	vst v0;
	s23 =	smov.u32 s22;
	s22 =	sadd.s32 $0x40, s22  }
.Ltmp0:
0x11: {  	(pc) =	sbr.rel @p0 .LBB2_2-.Ltmp0, $2  }
0x12: {  	_ =	sdelay $0x2  }
0x13: {  	s23 =	sshra.s32 s23, $0x2  }
0x14: {  	[tilespmem:s23+$0x14900] =	vst v0;
	s22 =	simm.s32 $0x0;
	s23 =	simm.s32 $0x40;
	s24 =	simm.s32 $0x0  }
.LBB2_4:
0x15: {  	p0 =	sne.s32 s23, $0x3FFC0;
	[tilespmem:s24+$0x4900] =	vst v0;
	s24 =	smov.u32 s23;
	s23 =	sadd.s32 $0x40, s23  }
.Ltmp1:
0x16: {  	(pc) =	sbr.rel @p0 .LBB2_4-.Ltmp1, $2  }
0x17: {  	_ =	sdelay $0x2  }
0x18: {  	s24 =	sshra.s32 s24, $0x2  }
0x19: {  	[tilespmem:s24+$0x4900] =	vst v0  }
.LBB2_6:
0x1a: {  	s23 =	sshll.u32 s22, $0x7  }
0x1b: {  	s23 =	sadd.s32 s7, s23  }
0x1c: {  	s24 =	sshrl.u32 s23, $0x3  }
0x1d: {  	s26 =	simm.s32 $0x0;
	s25 =	sadd.s32 s5, s24  }
0x1e: {  	[tilespmem:s26], [sflag:$0x2] =	stream.linear.gather [hbm4b:s25+s26], $0x80, $0x38;
	[tilespmem:$0x1C900] =	vst v63  }
0x1f: {  	_ =	swait.ge [sflag:s14], $0x80  }
0x20: {  	[sflag:s14] =	ssyncset.done $0x0  }
0x21: {  	s24 =	sadd.s32 s6, s24;
	[sflag:s14] =	ssyncadd.s32 $0xFFFFFF80  }
0x22: {  	[tilespmem:s15], [sflag:$0x2] =	stream.linear.gather [hbm4b:s24+s26], $0x80, $0x38;
	[tilespmem:$0x1C900] =	vst v63  }
0x23: {  	_ =	swait.ge [sflag:s14], $0x80  }
0x24: {  	s23 =	sshll.u32 s23, $0x1;
	[sflag:s14] =	ssyncset.done $0x0  }
0x25: {  	s23 =	sadd.s32 s1, s23;
	[sflag:s14] =	ssyncadd.s32 $0xFFFFFF80  }
0x26: {  	[tilespmem:s16], [sflag:$0x2] =	stream.linear.gather [hbm4b:s23+s26], $0x800, $0x38;
	[tilespmem:$0x1C900] =	vst v63  }
0x27: {  	_ =	swait.ge [sflag:s14], $0x800  }
0x28: {  	[sflag:s14] =	ssyncset.done $0x0  }
0x29: {  	[sflag:s14] =	ssyncadd.s32 $0xFFFFF800  }
0x2a: {  	[tilespmem:s17], [sflag:$0x1] =	stream.indirect.gather [hbm4b:s4+s15], $0x80, s26, s15, $0xb8;
	[tilespmem:$0x1C900] =	vst v63  }
0x2b: {  	_ =	swait.ge [sflag:s18], $0x4000  }
0x2c: {  	[sflag:s18] =	ssyncset.done $0x0  }
0x2d: {  	s31 =	simm.s32 $0x0;
	[sflag:s18] =	ssyncadd.s32 $0xFFFFC000  }
0x2e: {  	v19 =	vld [tilespmem:s31+$0x80];
	_ =	sdelay $0x3  }
0x2f: {  	s23 =	simm.s32 $0xD00  }
0x30: {  	s24 =	simm.s32 $0x180;
	v20 =	vld [tilespmem:s23+$0xFFFFFC00];
	v19 =	vshll.u32 v19, $0x5  }
0x31: {  	v22 =	vld [tilespmem:s24+$0xFFFFFF80];
	v21 =	vperm.xlane v19, v2;
	_ =	sdelay $0x1  }
0x32: {  	v23 =	vadd.s32 v3, v21;
	_ =	sdelay $0x2  }
0x33: {  	v20 =	vmul.f32 v20, v22;
	_ =	sdelay $0x1  }
0x34: {  	[tilespmem:v23+s19+$0x0] =	vst.idx.add.f32.msk $0xffff, v20  }
0x35: {  	v20 =	vld [tilespmem:s23+$0xFFFFFC10];
	_ =	sdelay $0x1  }
0x36: {  	v23 =	vshra.s32 v21, $0x1;
	v21 =	vadd.s32 v4, v21  }
0x37: {  	v23 =	vadd.s32 v3, v23;
	_ =	sdelay $0x1  }
0x38: {  	v20 =	vmul.f32 v20, v22;
	_ =	sdelay $0x1  }
0x39: {  	[tilespmem:v21+s19+$0x0] =	vst.idx.add.f32.msk $0xffff, v20  }
0x3a: {  	[tilespmem:v23+s20+$0x0] =	vst.idx.add.f32.msk $0xffff, v22  }
0x3b: {  	v20 =	vld [tilespmem:s24+$0xFFFFFF90]  }
0x3c: {  	v21 =	vperm.xlane v19, v5;
	v22 =	vld [tilespmem:s23+$0xFFFFFC80];
	_ =	sdelay $0x1  }
0x3d: {  	v23 =	vadd.s32 v3, v21;
	_ =	sdelay $0x2  }
0x3e: {  	v22 =	vmul.f32 v22, v20;
	_ =	sdelay $0x1  }
0x3f: {  	[tilespmem:v23+s19+$0x0] =	vst.idx.add.f32.msk $0xffff, v22  }
0x40: {  	v22 =	vld [tilespmem:s23+$0xFFFFFC90];
	_ =	sdelay $0x1  }
0x41: {  	v23 =	vshra.s32 v21, $0x1;
	v21 =	vadd.s32 v4, v21  }
0x42: {  	v23 =	vadd.s32 v3, v23;
	_ =	sdelay $0x1  }
0x43: {  	v22 =	vmul.f32 v22, v20;
	_ =	sdelay $0x1  }
0x44: {  	[tilespmem:v21+s19+$0x0] =	vst.idx.add.f32.msk $0xffff, v22  }
0x45: {  	[tilespmem:v23+s20+$0x0] =	vst.idx.add.f32.msk $0xffff, v20  }
0x46: {  	v20 =	vld [tilespmem:s24+$0xFFFFFFA0]  }
0x47: {  	v21 =	vperm.xlane v19, v6;
	v22 =	vld [tilespmem:s23+$0xFFFFFD00];
	_ =	sdelay $0x1  }
0x48: {  	v23 =	vadd.s32 v3, v21;
	_ =	sdelay $0x2  }
0x49: {  	v22 =	vmul.f32 v22, v20;
	_ =	sdelay $0x1  }
0x4a: {  	[tilespmem:v23+s19+$0x0] =	vst.idx.add.f32.msk $0xffff, v22  }
0x4b: {  	v22 =	vld [tilespmem:s23+$0xFFFFFD10];
	_ =	sdelay $0x1  }
0x4c: {  	v23 =	vshra.s32 v21, $0x1;
	v21 =	vadd.s32 v4, v21  }
0x4d: {  	v23 =	vadd.s32 v3, v23;
	_ =	sdelay $0x1  }
0x4e: {  	v22 =	vmul.f32 v22, v20;
	_ =	sdelay $0x1  }
0x4f: {  	[tilespmem:v21+s19+$0x0] =	vst.idx.add.f32.msk $0xffff, v22  }
0x50: {  	[tilespmem:v23+s20+$0x0] =	vst.idx.add.f32.msk $0xffff, v20  }
0x51: {  	v20 =	vld [tilespmem:s24+$0xFFFFFFB0]  }
0x52: {  	v21 =	vperm.xlane v19, v7;
	v22 =	vld [tilespmem:s23+$0xFFFFFD80];
	_ =	sdelay $0x1  }
0x53: {  	v23 =	vadd.s32 v3, v21;
	_ =	sdelay $0x2  }
0x54: {  	v22 =	vmul.f32 v22, v20;
	_ =	sdelay $0x1  }
0x55: {  	[tilespmem:v23+s19+$0x0] =	vst.idx.add.f32.msk $0xffff, v22  }
0x56: {  	v22 =	vld [tilespmem:s23+$0xFFFFFD90];
	_ =	sdelay $0x1  }
0x57: {  	v23 =	vshra.s32 v21, $0x1;
	v21 =	vadd.s32 v4, v21  }
0x58: {  	v23 =	vadd.s32 v3, v23;
	_ =	sdelay $0x1  }
0x59: {  	v22 =	vmul.f32 v22, v20;
	_ =	sdelay $0x1  }
0x5a: {  	[tilespmem:v21+s19+$0x0] =	vst.idx.add.f32.msk $0xffff, v22  }
0x5b: {  	[tilespmem:v23+s20+$0x0] =	vst.idx.add.f32.msk $0xffff, v20  }
0x5c: {  	v20 =	vld [tilespmem:s24+$0xFFFFFFC0]  }
0x5d: {  	v21 =	vperm.xlane v19, v8;
	v22 =	vld [tilespmem:s23+$0xFFFFFE00];
	_ =	sdelay $0x1  }
0x5e: {  	v23 =	vadd.s32 v3, v21;
	_ =	sdelay $0x2  }
0x5f: {  	v22 =	vmul.f32 v22, v20;
	_ =	sdelay $0x1  }
0x60: {  	[tilespmem:v23+s19+$0x0] =	vst.idx.add.f32.msk $0xffff, v22  }
0x61: {  	v22 =	vld [tilespmem:s23+$0xFFFFFE10];
	_ =	sdelay $0x1  }
0x62: {  	v23 =	vshra.s32 v21, $0x1;
	v21 =	vadd.s32 v4, v21  }
0x63: {  	v23 =	vadd.s32 v3, v23;
	_ =	sdelay $0x1  }
0x64: {  	v22 =	vmul.f32 v22, v20;
	_ =	sdelay $0x1  }
0x65: {  	[tilespmem:v21+s19+$0x0] =	vst.idx.add.f32.msk $0xffff, v22  }
0x66: {  	[tilespmem:v23+s20+$0x0] =	vst.idx.add.f32.msk $0xffff, v20  }
0x67: {  	v20 =	vld [tilespmem:s24+$0xFFFFFFD0]  }
0x68: {  	v21 =	vperm.xlane v19, v1;
	v22 =	vld [tilespmem:s23+$0xFFFFFE80];
	_ =	sdelay $0x1  }
0x69: {  	v23 =	vadd.s32 v3, v21;
	_ =	sdelay $0x2  }
0x6a: {  	v22 =	vmul.f32 v22, v20;
	_ =	sdelay $0x1  }
0x6b: {  	[tilespmem:v23+s19+$0x0] =	vst.idx.add.f32.msk $0xffff, v22  }
0x6c: {  	v22 =	vld [tilespmem:s23+$0xFFFFFE90];
	_ =	sdelay $0x1  }
0x6d: {  	v23 =	vshra.s32 v21, $0x1;
	v21 =	vadd.s32 v4, v21  }
0x6e: {  	v23 =	vadd.s32 v3, v23;
	_ =	sdelay $0x1  }
0x6f: {  	v22 =	vmul.f32 v22, v20;
	_ =	sdelay $0x1  }
0x70: {  	[tilespmem:v21+s19+$0x0] =	vst.idx.add.f32.msk $0xffff, v22  }
0x71: {  	[tilespmem:v23+s20+$0x0] =	vst.idx.add.f32.msk $0xffff, v20  }
0x72: {  	v20 =	vld [tilespmem:s24+$0xFFFFFFE0]  }
0x73: {  	v21 =	vperm.xlane v19, v9;
	v22 =	vld [tilespmem:s23+$0xFFFFFF00];
	_ =	sdelay $0x1  }
0x74: {  	v23 =	vadd.s32 v3, v21;
	_ =	sdelay $0x2  }
0x75: {  	v22 =	vmul.f32 v22, v20;
	_ =	sdelay $0x1  }
0x76: {  	[tilespmem:v23+s19+$0x0] =	vst.idx.add.f32.msk $0xffff, v22  }
0x77: {  	v22 =	vld [tilespmem:s23+$0xFFFFFF10];
	_ =	sdelay $0x1  }
0x78: {  	v23 =	vshra.s32 v21, $0x1;
	v21 =	vadd.s32 v4, v21  }
0x79: {  	v23 =	vadd.s32 v3, v23;
	_ =	sdelay $0x1  }
0x7a: {  	v22 =	vmul.f32 v22, v20;
	_ =	sdelay $0x1  }
0x7b: {  	[tilespmem:v21+s19+$0x0] =	vst.idx.add.f32.msk $0xffff, v22  }
0x7c: {  	[tilespmem:v23+s20+$0x0] =	vst.idx.add.f32.msk $0xffff, v20  }
0x7d: {  	v20 =	vld [tilespmem:s24+$0xFFFFFFF0]  }
0x7e: {  	v21 =	vperm.xlane v19, v10;
	v22 =	vld [tilespmem:s23+$0xFFFFFF80];
	_ =	sdelay $0x1  }
0x7f: {  	v23 =	vadd.s32 v3, v21;
	_ =	sdelay $0x2  }
0x80: {  	v22 =	vmul.f32 v22, v20;
	_ =	sdelay $0x1  }
0x81: {  	[tilespmem:v23+s19+$0x0] =	vst.idx.add.f32.msk $0xffff, v22  }
0x82: {  	v22 =	vld [tilespmem:s23+$0xFFFFFF90];
	_ =	sdelay $0x1  }
0x83: {  	v23 =	vshra.s32 v21, $0x1;
	v21 =	vadd.s32 v4, v21  }
0x84: {  	v23 =	vadd.s32 v3, v23;
	_ =	sdelay $0x1  }
0x85: {  	v22 =	vmul.f32 v22, v20;
	_ =	sdelay $0x1  }
0x86: {  	[tilespmem:v21+s19+$0x0] =	vst.idx.add.f32.msk $0xffff, v22  }
0x87: {  	[tilespmem:v23+s20+$0x0] =	vst.idx.add.f32.msk $0xffff, v20  }
0x88: {  	v20 =	vld [tilespmem:s24+$0x0]  }
0x89: {  	v21 =	vperm.xlane v19, v11;
	v22 =	vld [tilespmem:s23+$0x0];
	_ =	sdelay $0x1  }
0x8a: {  	v23 =	vadd.s32 v3, v21;
	_ =	sdelay $0x2  }
0x8b: {  	v22 =	vmul.f32 v22, v20;
	_ =	sdelay $0x1  }
0x8c: {  	[tilespmem:v23+s19+$0x0] =	vst.idx.add.f32.msk $0xffff, v22  }
0x8d: {  	v22 =	vld [tilespmem:s23+$0x10];
	_ =	sdelay $0x1  }
0x8e: {  	v23 =	vshra.s32 v21, $0x1;
	v21 =	vadd.s32 v4, v21  }
0x8f: {  	v23 =	vadd.s32 v3, v23;
	_ =	sdelay $0x1  }
0x90: {  	v22 =	vmul.f32 v22, v20;
	_ =	sdelay $0x1  }
0x91: {  	[tilespmem:v21+s19+$0x0] =	vst.idx.add.f32.msk $0xffff, v22  }
0x92: {  	[tilespmem:v23+s20+$0x0] =	vst.idx.add.f32.msk $0xffff, v20  }
0x93: {  	v20 =	vld [tilespmem:s24+$0x10]  }
0x94: {  	v21 =	vperm.xlane v19, v12;
	v22 =	vld [tilespmem:s23+$0x80];
	_ =	sdelay $0x1  }
0x95: {  	v23 =	vadd.s32 v3, v21;
	_ =	sdelay $0x2  }
0x96: {  	v22 =	vmul.f32 v22, v20;
	_ =	sdelay $0x1  }
0x97: {  	[tilespmem:v23+s19+$0x0] =	vst.idx.add.f32.msk $0xffff, v22  }
0x98: {  	v22 =	vld [tilespmem:s23+$0x90];
	_ =	sdelay $0x1  }
0x99: {  	v23 =	vshra.s32 v21, $0x1;
	v21 =	vadd.s32 v4, v21  }
0x9a: {  	v23 =	vadd.s32 v3, v23;
	_ =	sdelay $0x1  }
0x9b: {  	v22 =	vmul.f32 v22, v20;
	_ =	sdelay $0x1  }
0x9c: {  	[tilespmem:v21+s19+$0x0] =	vst.idx.add.f32.msk $0xffff, v22  }
0x9d: {  	[tilespmem:v23+s20+$0x0] =	vst.idx.add.f32.msk $0xffff, v20  }
0x9e: {  	v20 =	vld [tilespmem:s24+$0x20]  }
0x9f: {  	v21 =	vperm.xlane v19, v13;
	v22 =	vld [tilespmem:s23+$0x100];
	_ =	sdelay $0x1  }
0xa0: {  	v23 =	vadd.s32 v3, v21;
	_ =	sdelay $0x2  }
0xa1: {  	v22 =	vmul.f32 v22, v20;
	_ =	sdelay $0x1  }
0xa2: {  	[tilespmem:v23+s19+$0x0] =	vst.idx.add.f32.msk $0xffff, v22  }
0xa3: {  	v22 =	vld [tilespmem:s23+$0x110];
	_ =	sdelay $0x1  }
0xa4: {  	v23 =	vshra.s32 v21, $0x1;
	v21 =	vadd.s32 v4, v21  }
0xa5: {  	v23 =	vadd.s32 v3, v23;
	_ =	sdelay $0x1  }
0xa6: {  	v22 =	vmul.f32 v22, v20;
	_ =	sdelay $0x1  }
0xa7: {  	[tilespmem:v21+s19+$0x0] =	vst.idx.add.f32.msk $0xffff, v22  }
0xa8: {  	[tilespmem:v23+s20+$0x0] =	vst.idx.add.f32.msk $0xffff, v20  }
0xa9: {  	v20 =	vld [tilespmem:s24+$0x30]  }
0xaa: {  	v21 =	vperm.xlane v19, v14;
	v22 =	vld [tilespmem:s23+$0x180];
	_ =	sdelay $0x1  }
0xab: {  	v23 =	vadd.s32 v3, v21;
	_ =	sdelay $0x2  }
0xac: {  	v22 =	vmul.f32 v22, v20;
	_ =	sdelay $0x1  }
0xad: {  	[tilespmem:v23+s19+$0x0] =	vst.idx.add.f32.msk $0xffff, v22  }
0xae: {  	v22 =	vld [tilespmem:s23+$0x190];
	_ =	sdelay $0x1  }
0xaf: {  	v23 =	vshra.s32 v21, $0x1;
	v21 =	vadd.s32 v4, v21  }
0xb0: {  	v23 =	vadd.s32 v3, v23;
	_ =	sdelay $0x1  }
0xb1: {  	v22 =	vmul.f32 v22, v20;
	_ =	sdelay $0x1  }
0xb2: {  	[tilespmem:v21+s19+$0x0] =	vst.idx.add.f32.msk $0xffff, v22  }
0xb3: {  	[tilespmem:v23+s20+$0x0] =	vst.idx.add.f32.msk $0xffff, v20  }
0xb4: {  	v20 =	vld [tilespmem:s24+$0x40]  }
0xb5: {  	v21 =	vperm.xlane v19, v15;
	v22 =	vld [tilespmem:s23+$0x200];
	_ =	sdelay $0x1  }
0xb6: {  	v23 =	vadd.s32 v3, v21;
	_ =	sdelay $0x2  }
0xb7: {  	v22 =	vmul.f32 v22, v20;
	_ =	sdelay $0x1  }
0xb8: {  	[tilespmem:v23+s19+$0x0] =	vst.idx.add.f32.msk $0xffff, v22  }
0xb9: {  	v22 =	vld [tilespmem:s23+$0x210];
	_ =	sdelay $0x1  }
0xba: {  	v23 =	vshra.s32 v21, $0x1;
	v21 =	vadd.s32 v4, v21  }
0xbb: {  	v23 =	vadd.s32 v3, v23;
	_ =	sdelay $0x1  }
0xbc: {  	v22 =	vmul.f32 v22, v20;
	_ =	sdelay $0x1  }
0xbd: {  	[tilespmem:v21+s19+$0x0] =	vst.idx.add.f32.msk $0xffff, v22  }
0xbe: {  	[tilespmem:v23+s20+$0x0] =	vst.idx.add.f32.msk $0xffff, v20  }
0xbf: {  	v20 =	vld [tilespmem:s24+$0x50]  }
0xc0: {  	v21 =	vperm.xlane v19, v16;
	v22 =	vld [tilespmem:s23+$0x280];
	_ =	sdelay $0x1  }
0xc1: {  	v23 =	vadd.s32 v3, v21;
	_ =	sdelay $0x2  }
0xc2: {  	v22 =	vmul.f32 v22, v20;
	_ =	sdelay $0x1  }
0xc3: {  	[tilespmem:v23+s19+$0x0] =	vst.idx.add.f32.msk $0xffff, v22  }
0xc4: {  	v22 =	vld [tilespmem:s23+$0x290];
	_ =	sdelay $0x1  }
0xc5: {  	v23 =	vshra.s32 v21, $0x1;
	v21 =	vadd.s32 v4, v21  }
0xc6: {  	v23 =	vadd.s32 v3, v23;
	_ =	sdelay $0x1  }
0xc7: {  	v22 =	vmul.f32 v22, v20;
	_ =	sdelay $0x1  }
0xc8: {  	[tilespmem:v21+s19+$0x0] =	vst.idx.add.f32.msk $0xffff, v22  }
0xc9: {  	[tilespmem:v23+s20+$0x0] =	vst.idx.add.f32.msk $0xffff, v20  }
0xca: {  	v20 =	vld [tilespmem:s24+$0x60]  }
0xcb: {  	v21 =	vperm.xlane v19, v17;
	v22 =	vld [tilespmem:s23+$0x300];
	_ =	sdelay $0x1  }
0xcc: {  	v23 =	vadd.s32 v3, v21;
	_ =	sdelay $0x2  }
0xcd: {  	v22 =	vmul.f32 v22, v20;
	_ =	sdelay $0x1  }
0xce: {  	[tilespmem:v23+s19+$0x0] =	vst.idx.add.f32.msk $0xffff, v22  }
0xcf: {  	v22 =	vld [tilespmem:s23+$0x310];
	_ =	sdelay $0x1  }
0xd0: {  	v23 =	vshra.s32 v21, $0x1;
	v21 =	vadd.s32 v4, v21  }
0xd1: {  	v23 =	vadd.s32 v3, v23;
	_ =	sdelay $0x1  }
0xd2: {  	v22 =	vmul.f32 v22, v20;
	_ =	sdelay $0x1  }
0xd3: {  	v19 =	vperm.xlane v19, v18;
	[tilespmem:v21+s19+$0x0] =	vst.idx.add.f32.msk $0xffff, v22  }
0xd4: {  	[tilespmem:v23+s20+$0x0] =	vst.idx.add.f32.msk $0xffff, v20  }
0xd5: {  	v23 =	vshra.s32 v19, $0x1;
	v20 =	vld [tilespmem:s24+$0x70]  }
0xd6: {  	s25 =	simm.s32 $0x40;
	s26 =	simm.s32 $0xD00;
	v22 =	vadd.s32 v3, v19;
	v21 =	vadd.s32 v4, v19;
	v19 =	vadd.s32 v3, v23;
	v23 =	vld [tilespmem:s23+$0x380]  }
.LBB2_7:
0xd7: {  	p0 =	sne.s32 s25, $0x1C0;
	s24 =	sadd.s32 $0x100, s24;
	s23 =	sadd.s32 $0x800, s23  }
0xd8: {  	s28 =	smov.u32 s25;
	s25 =	sadd.s32 $0x40, s25;
	_ =	sdelay $0x2  }
0xd9: {  	v23 =	vmul.f32 v23, v20;
	_ =	sdelay $0x1  }
0xda: {  	[tilespmem:v22+s19+$0x0] =	vst.idx.add.f32.msk $0xffff, v23  }
0xdb: {  	v22 =	vld [tilespmem:s26+$0x390];
	s26 =	smov.u32 s23;
	_ =	sdelay $0x4  }
0xdc: {  	v22 =	vmul.f32 v22, v20;
	_ =	sdelay $0x1  }
0xdd: {  	[tilespmem:v21+s19+$0x0] =	vst.idx.add.f32.msk $0xffff, v22  }
0xde: {  	s28 =	sshra.s32 s28, $0x2;
	[tilespmem:v19+s20+$0x0] =	vst.idx.add.f32.msk $0xffff, v20  }
0xdf: {  	v19 =	vld [tilespmem:s28+$0x80];
	_ =	sdelay $0x4  }
0xe0: {  	v19 =	vshll.u32 v19, $0x5;
	v20 =	vld [tilespmem:s23+$0xFFFFFC00]  }
0xe1: {  	v21 =	vperm.xlane v19, v2;
	v43 =	vld [tilespmem:s24+$0xFFFFFF80];
	v44 =	vperm.xlane v19, v5  }
0xe2: {  	v45 =	vperm.xlane v19, v6;
	v46 =	vperm.xlane v19, v7  }
0xe3: {  	v22 =	vadd.s32 v3, v21;
	v24 =	vshra.s32 v21, $0x1;
	v47 =	vshra.s32 v44, $0x1  }
0xe4: {  	v41 =	vperm.xlane v19, v8;
	v48 =	vshra.s32 v45, $0x1;
	v49 =	vshra.s32 v46, $0x1  }
0xe5: {  	v39 =	vperm.xlane v19, v1;
	v37 =	vperm.xlane v19, v9  }
0xe6: {  	v35 =	vperm.xlane v19, v10;
	v42 =	vshra.s32 v41, $0x1;
	v20 =	vmul.f32 v20, v43  }
0xe7: {  	v33 =	vperm.xlane v19, v11;
	v40 =	vshra.s32 v39, $0x1;
	v38 =	vshra.s32 v37, $0x1  }
0xe8: {  	v31 =	vperm.xlane v19, v12;
	v29 =	vperm.xlane v19, v13;
	v36 =	vshra.s32 v35, $0x1;
	[tilespmem:v22+s19+$0x0] =	vst.idx.add.f32.msk $0xffff, v20  }
0xe9: {  	v27 =	vperm.xlane v19, v14;
	v25 =	vperm.xlane v19, v15;
	v34 =	vshra.s32 v33, $0x1;
	v20 =	vld [tilespmem:s23+$0xFFFFFC10]  }
0xea: {  	v23 =	vperm.xlane v19, v16;
	v32 =	vshra.s32 v31, $0x1;
	v30 =	vshra.s32 v29, $0x1  }
0xeb: {  	v50 =	vadd.s32 v4, v21;
	v28 =	vshra.s32 v27, $0x1;
	v26 =	vshra.s32 v25, $0x1  }
0xec: {  	v21 =	vperm.xlane v19, v17;
	v51 =	vadd.s32 v3, v24;
	v24 =	vshra.s32 v23, $0x1  }
0xed: {  	v19 =	vperm.xlane v19, v18  }
0xee: {  	v22 =	vshra.s32 v21, $0x1;
	v52 =	vmul.f32 v20, v43  }
0xef: {  	v20 =	vshra.s32 v19, $0x1  }
0xf0: {  	[tilespmem:v50+s19+$0x0] =	vst.idx.add.f32.msk $0xffff, v52  }
0xf1: {  	[tilespmem:v51+s20+$0x0] =	vst.idx.add.f32.msk $0xffff, v43  }
0xf2: {  	v43 =	vld [tilespmem:s24+$0xFFFFFF90]  }
0xf3: {  	v50 =	vld [tilespmem:s23+$0xFFFFFC80]  }
0xf4: {  	v51 =	vadd.s32 v3, v44;
	_ =	sdelay $0x3  }
0xf5: {  	v50 =	vmul.f32 v50, v43;
	_ =	sdelay $0x1  }
0xf6: {  	[tilespmem:v51+s19+$0x0] =	vst.idx.add.f32.msk $0xffff, v50  }
0xf7: {  	v50 =	vld [tilespmem:s23+$0xFFFFFC90]  }
0xf8: {  	v44 =	vadd.s32 v4, v44  }
0xf9: {  	v47 =	vadd.s32 v3, v47;
	_ =	sdelay $0x2  }
0xfa: {  	v50 =	vmul.f32 v50, v43;
	_ =	sdelay $0x1  }
0xfb: {  	[tilespmem:v44+s19+$0x0] =	vst.idx.add.f32.msk $0xffff, v50  }
0xfc: {  	[tilespmem:v47+s20+$0x0] =	vst.idx.add.f32.msk $0xffff, v43  }
0xfd: {  	v43 =	vld [tilespmem:s24+$0xFFFFFFA0]  }
0xfe: {  	v47 =	vadd.s32 v3, v45;
	v44 =	vld [tilespmem:s23+$0xFFFFFD00];
	_ =	sdelay $0x4  }
0xff: {  	v44 =	vmul.f32 v44, v43;
	_ =	sdelay $0x1  }
0x100: {  	[tilespmem:v47+s19+$0x0] =	vst.idx.add.f32.msk $0xffff, v44  }
0x101: {  	v45 =	vadd.s32 v4, v45;
	v44 =	vld [tilespmem:s23+$0xFFFFFD10]  }
0x102: {  	v47 =	vadd.s32 v3, v48;
	_ =	sdelay $0x3  }
0x103: {  	v44 =	vmul.f32 v44, v43;
	_ =	sdelay $0x1  }
0x104: {  	[tilespmem:v45+s19+$0x0] =	vst.idx.add.f32.msk $0xffff, v44  }
0x105: {  	[tilespmem:v47+s20+$0x0] =	vst.idx.add.f32.msk $0xffff, v43  }
0x106: {  	v44 =	vadd.s32 v3, v46;
	v43 =	vld [tilespmem:s24+$0xFFFFFFB0]  }
0x107: {  	v45 =	vld [tilespmem:s23+$0xFFFFFD80];
	_ =	sdelay $0x4  }
0x108: {  	v45 =	vmul.f32 v45, v43;
	_ =	sdelay $0x1  }
0x109: {  	[tilespmem:v44+s19+$0x0] =	vst.idx.add.f32.msk $0xffff, v45;
	v44 =	vadd.s32 v4, v46  }
0x10a: {  	v46 =	vadd.s32 v3, v49;
	v45 =	vld [tilespmem:s23+$0xFFFFFD90];
	_ =	sdelay $0x4  }
0x10b: {  	v45 =	vmul.f32 v45, v43;
	_ =	sdelay $0x1  }
0x10c: {  	[tilespmem:v44+s19+$0x0] =	vst.idx.add.f32.msk $0xffff, v45  }
0x10d: {  	[tilespmem:v46+s20+$0x0] =	vst.idx.add.f32.msk $0xffff, v43;
	v43 =	vadd.s32 v3, v41  }
0x10e: {  	v44 =	vld [tilespmem:s24+$0xFFFFFFC0]  }
0x10f: {  	v45 =	vld [tilespmem:s23+$0xFFFFFE00];
	_ =	sdelay $0x4  }
0x110: {  	v45 =	vmul.f32 v45, v44  }
0x111: {  	v41 =	vadd.s32 v4, v41  }
0x112: {  	v42 =	vadd.s32 v3, v42;
	[tilespmem:v43+s19+$0x0] =	vst.idx.add.f32.msk $0xffff, v45  }
0x113: {  	v43 =	vld [tilespmem:s23+$0xFFFFFE10];
	_ =	sdelay $0x4  }
0x114: {  	v43 =	vmul.f32 v43, v44;
	_ =	sdelay $0x1  }
0x115: {  	[tilespmem:v41+s19+$0x0] =	vst.idx.add.f32.msk $0xffff, v43;
	v41 =	vadd.s32 v3, v39  }
0x116: {  	[tilespmem:v42+s20+$0x0] =	vst.idx.add.f32.msk $0xffff, v44  }
0x117: {  	v42 =	vld [tilespmem:s24+$0xFFFFFFD0]  }
0x118: {  	v43 =	vld [tilespmem:s23+$0xFFFFFE80];
	_ =	sdelay $0x4  }
0x119: {  	v39 =	vadd.s32 v4, v39;
	v43 =	vmul.f32 v43, v42  }
0x11a: {  	v40 =	vadd.s32 v3, v40  }
0x11b: {  	[tilespmem:v41+s19+$0x0] =	vst.idx.add.f32.msk $0xffff, v43  }
0x11c: {  	v41 =	vld [tilespmem:s23+$0xFFFFFE90];
	_ =	sdelay $0x4  }
0x11d: {  	v41 =	vmul.f32 v41, v42  }
0x11e: {  	v43 =	vadd.s32 v3, v37  }
0x11f: {  	[tilespmem:v39+s19+$0x0] =	vst.idx.add.f32.msk $0xffff, v41  }
0x120: {  	[tilespmem:v40+s20+$0x0] =	vst.idx.add.f32.msk $0xffff, v42  }
0x121: {  	v39 =	vld [tilespmem:s24+$0xFFFFFFE0]  }
0x122: {  	v40 =	vld [tilespmem:s23+$0xFFFFFF00];
	_ =	sdelay $0x3  }
0x123: {  	v37 =	vadd.s32 v4, v37  }
0x124: {  	v38 =	vadd.s32 v3, v38;
	v40 =	vmul.f32 v40, v39;
	_ =	sdelay $0x1  }
0x125: {  	[tilespmem:v43+s19+$0x0] =	vst.idx.add.f32.msk $0xffff, v40  }
0x126: {  	v40 =	vld [tilespmem:s23+$0xFFFFFF10];
	_ =	sdelay $0x4  }
0x127: {  	v41 =	vadd.s32 v3, v35;
	v40 =	vmul.f32 v40, v39;
	_ =	sdelay $0x1  }
0x128: {  	[tilespmem:v37+s19+$0x0] =	vst.idx.add.f32.msk $0xffff, v40  }
0x129: {  	[tilespmem:v38+s20+$0x0] =	vst.idx.add.f32.msk $0xffff, v39  }
0x12a: {  	v37 =	vld [tilespmem:s24+$0xFFFFFFF0]  }
0x12b: {  	v38 =	vld [tilespmem:s23+$0xFFFFFF80];
	_ =	sdelay $0x2  }
0x12c: {  	v35 =	vadd.s32 v4, v35  }
0x12d: {  	v36 =	vadd.s32 v3, v36  }
0x12e: {  	v38 =	vmul.f32 v38, v37;
	_ =	sdelay $0x1  }
0x12f: {  	[tilespmem:v41+s19+$0x0] =	vst.idx.add.f32.msk $0xffff, v38  }
0x130: {  	v38 =	vld [tilespmem:s23+$0xFFFFFF90];
	_ =	sdelay $0x3  }
0x131: {  	v39 =	vadd.s32 v3, v33  }
0x132: {  	v38 =	vmul.f32 v38, v37;
	_ =	sdelay $0x1  }
0x133: {  	[tilespmem:v35+s19+$0x0] =	vst.idx.add.f32.msk $0xffff, v38  }
0x134: {  	[tilespmem:v36+s20+$0x0] =	vst.idx.add.f32.msk $0xffff, v37  }
0x135: {  	v35 =	vld [tilespmem:s24+$0x0]  }
0x136: {  	v36 =	vld [tilespmem:s23+$0x0];
	_ =	sdelay $0x1  }
0x137: {  	v33 =	vadd.s32 v4, v33  }
0x138: {  	v34 =	vadd.s32 v3, v34;
	_ =	sdelay $0x1  }
0x139: {  	v36 =	vmul.f32 v36, v35;
	_ =	sdelay $0x1  }
0x13a: {  	[tilespmem:v39+s19+$0x0] =	vst.idx.add.f32.msk $0xffff, v36  }
0x13b: {  	v36 =	vld [tilespmem:s23+$0x10];
	_ =	sdelay $0x2  }
0x13c: {  	v37 =	vadd.s32 v3, v31;
	_ =	sdelay $0x1  }
0x13d: {  	v36 =	vmul.f32 v36, v35;
	_ =	sdelay $0x1  }
0x13e: {  	[tilespmem:v33+s19+$0x0] =	vst.idx.add.f32.msk $0xffff, v36  }
0x13f: {  	[tilespmem:v34+s20+$0x0] =	vst.idx.add.f32.msk $0xffff, v35  }
0x140: {  	v33 =	vld [tilespmem:s24+$0x10]  }
0x141: {  	v34 =	vld [tilespmem:s23+$0x80]  }
0x142: {  	v31 =	vadd.s32 v4, v31  }
0x143: {  	v32 =	vadd.s32 v3, v32;
	_ =	sdelay $0x2  }
0x144: {  	v34 =	vmul.f32 v34, v33;
	_ =	sdelay $0x1  }
0x145: {  	[tilespmem:v37+s19+$0x0] =	vst.idx.add.f32.msk $0xffff, v34  }
0x146: {  	v34 =	vld [tilespmem:s23+$0x90];
	_ =	sdelay $0x1  }
0x147: {  	v35 =	vadd.s32 v3, v29;
	_ =	sdelay $0x2  }
0x148: {  	v34 =	vmul.f32 v34, v33;
	_ =	sdelay $0x1  }
0x149: {  	[tilespmem:v31+s19+$0x0] =	vst.idx.add.f32.msk $0xffff, v34  }
0x14a: {  	[tilespmem:v32+s20+$0x0] =	vst.idx.add.f32.msk $0xffff, v33  }
0x14b: {  	v31 =	vld [tilespmem:s24+$0x20]  }
0x14c: {  	v29 =	vadd.s32 v4, v29;
	v32 =	vld [tilespmem:s23+$0x100]  }
0x14d: {  	v30 =	vadd.s32 v3, v30;
	_ =	sdelay $0x3  }
0x14e: {  	v32 =	vmul.f32 v32, v31;
	_ =	sdelay $0x1  }
0x14f: {  	[tilespmem:v35+s19+$0x0] =	vst.idx.add.f32.msk $0xffff, v32  }
0x150: {  	v32 =	vld [tilespmem:s23+$0x110]  }
0x151: {  	v33 =	vadd.s32 v3, v27;
	_ =	sdelay $0x3  }
0x152: {  	v32 =	vmul.f32 v32, v31;
	_ =	sdelay $0x1  }
0x153: {  	[tilespmem:v29+s19+$0x0] =	vst.idx.add.f32.msk $0xffff, v32  }
0x154: {  	[tilespmem:v30+s20+$0x0] =	vst.idx.add.f32.msk $0xffff, v31  }
0x155: {  	v27 =	vadd.s32 v4, v27;
	v29 =	vld [tilespmem:s24+$0x30]  }
0x156: {  	v28 =	vadd.s32 v3, v28;
	v30 =	vld [tilespmem:s23+$0x180];
	_ =	sdelay $0x4  }
0x157: {  	v30 =	vmul.f32 v30, v29;
	_ =	sdelay $0x1  }
0x158: {  	[tilespmem:v33+s19+$0x0] =	vst.idx.add.f32.msk $0xffff, v30  }
0x159: {  	v31 =	vadd.s32 v3, v25;
	v30 =	vld [tilespmem:s23+$0x190];
	_ =	sdelay $0x4  }
0x15a: {  	v30 =	vmul.f32 v30, v29;
	_ =	sdelay $0x1  }
0x15b: {  	[tilespmem:v27+s19+$0x0] =	vst.idx.add.f32.msk $0xffff, v30  }
0x15c: {  	v25 =	vadd.s32 v4, v25;
	[tilespmem:v28+s20+$0x0] =	vst.idx.add.f32.msk $0xffff, v29  }
0x15d: {  	v26 =	vadd.s32 v3, v26;
	v27 =	vld [tilespmem:s24+$0x40]  }
0x15e: {  	v28 =	vld [tilespmem:s23+$0x200];
	_ =	sdelay $0x4  }
0x15f: {  	v28 =	vmul.f32 v28, v27;
	_ =	sdelay $0x1  }
0x160: {  	[tilespmem:v31+s19+$0x0] =	vst.idx.add.f32.msk $0xffff, v28;
	v28 =	vadd.s32 v3, v23  }
0x161: {  	v29 =	vld [tilespmem:s23+$0x210];
	_ =	sdelay $0x4  }
0x162: {  	v29 =	vmul.f32 v29, v27;
	_ =	sdelay $0x1  }
0x163: {  	v23 =	vadd.s32 v4, v23;
	[tilespmem:v25+s19+$0x0] =	vst.idx.add.f32.msk $0xffff, v29  }
0x164: {  	v24 =	vadd.s32 v3, v24;
	[tilespmem:v26+s20+$0x0] =	vst.idx.add.f32.msk $0xffff, v27  }
0x165: {  	v25 =	vld [tilespmem:s24+$0x50]  }
0x166: {  	v26 =	vld [tilespmem:s23+$0x280];
	_ =	sdelay $0x4  }
0x167: {  	v26 =	vmul.f32 v26, v25  }
0x168: {  	v27 =	vadd.s32 v3, v21  }
0x169: {  	[tilespmem:v28+s19+$0x0] =	vst.idx.add.f32.msk $0xffff, v26  }
0x16a: {  	v26 =	vld [tilespmem:s23+$0x290];
	_ =	sdelay $0x4  }
0x16b: {  	v26 =	vmul.f32 v26, v25  }
0x16c: {  	v28 =	vadd.s32 v4, v21  }
0x16d: {  	[tilespmem:v23+s19+$0x0] =	vst.idx.add.f32.msk $0xffff, v26;
	v23 =	vadd.s32 v3, v22  }
0x16e: {  	[tilespmem:v24+s20+$0x0] =	vst.idx.add.f32.msk $0xffff, v25  }
0x16f: {  	v24 =	vld [tilespmem:s24+$0x60]  }
0x170: {  	v21 =	vld [tilespmem:s23+$0x300];
	_ =	sdelay $0x4  }
0x171: {  	v22 =	vadd.s32 v3, v19;
	v21 =	vmul.f32 v21, v24;
	_ =	sdelay $0x1  }
0x172: {  	[tilespmem:v27+s19+$0x0] =	vst.idx.add.f32.msk $0xffff, v21  }
0x173: {  	v21 =	vld [tilespmem:s23+$0x310];
	_ =	sdelay $0x4  }
0x174: {  	v25 =	vmul.f32 v21, v24;
	v21 =	vadd.s32 v4, v19  }
.Ltmp2:
0x175: {  	v19 =	vadd.s32 v3, v20;
	(pc) =	sbr.rel @p0 .LBB2_7-.Ltmp2, $4  }
0x176: {  	[tilespmem:v28+s19+$0x0] =	vst.idx.add.f32.msk $0xffff, v25  }
0x177: {  	[tilespmem:v23+s20+$0x0] =	vst.idx.add.f32.msk $0xffff, v24  }
0x178: {  	v20 =	vld [tilespmem:s24+$0x70]  }
0x179: {  	v23 =	vld [tilespmem:s23+$0x380]  }
0x17a: {  	_ =	sdelay $0x3  }
0x17b: {  	v23 =	vmul.f32 v23, v20;
	_ =	sdelay $0x1  }
0x17c: {  	[tilespmem:v22+s19+$0x0] =	vst.idx.add.f32.msk $0xffff, v23  }
0x17d: {  	v22 =	vld [tilespmem:s26+$0x390];
	_ =	sdelay $0x1  }
0x17e: {  	s22 =	sadd.s32 $0x1, s22  }
0x17f: {  	p0 =	sne.s32 s22, $0x10  }
.Ltmp3:
0x180: {  	_ = 	snop;
	(pc) =	sbr.rel @p0 .LBB2_6-.Ltmp3, $3  }
0x181: {  	v22 =	vmul.f32 v22, v20;
	_ =	sdelay $0x1  }
0x182: {  	[tilespmem:v21+s19+$0x0] =	vst.idx.add.f32.msk $0xffff, v22  }
0x183: {  	[tilespmem:v19+s20+$0x0] =	vst.idx.add.f32.msk $0xffff, v20  }
0x184: {  	s22 =	simm.s32 $0x0  }
0x185: {  	[hbm4b:s8+s22] =	stream.linear.scatter [tilespmem:s19], [sflag:$0x2], $0x10000, $0x38;
	[tilespmem:$0x1C900] =	vst v63  }
0x186: {  	_ =	swait.ge [sflag:s14], $0x10000  }
0x187: {  	[sflag:s14] =	ssyncset.done $0x0  }
0x188: {  	s23 =	simm.s32 $0x40;
	s24 =	simm.s32 $0x0;
	[sflag:s14] =	ssyncadd.s32 $0xFFFF0000  }
.LBB2_10:
0x189: {  	p0 =	sne.s32 s23, $0x3FFC0;
	[tilespmem:s24+$0x4900] =	vst v0;
	s24 =	smov.u32 s23;
	s23 =	sadd.s32 $0x40, s23  }
.Ltmp4:
0x18a: {  	(pc) =	sbr.rel @p0 .LBB2_10-.Ltmp4, $2  }
0x18b: {  	_ =	sdelay $0x2  }
0x18c: {  	s24 =	sshra.s32 s24, $0x2  }
0x18d: {  	[tilespmem:s24+$0x4900] =	vst v0  }
.LBB2_12:
0x18e: {  	s23 =	sshll.u32 s22, $0x7  }
0x18f: {  	s23 =	sadd.s32 s7, s23  }
0x190: {  	s24 =	sshrl.u32 s23, $0x3  }
0x191: {  	s26 =	simm.s32 $0x0;
	s25 =	sadd.s32 s5, s24  }
0x192: {  	[tilespmem:s26], [sflag:$0x2] =	stream.linear.gather [hbm4b:s25+s26], $0x80, $0x38;
	[tilespmem:$0x1C900] =	vst v63  }
0x193: {  	_ =	swait.ge [sflag:s14], $0x80  }
0x194: {  	[sflag:s14] =	ssyncset.done $0x0  }
0x195: {  	s24 =	sadd.s32 s6, s24;
	[sflag:s14] =	ssyncadd.s32 $0xFFFFFF80  }
0x196: {  	[tilespmem:s15], [sflag:$0x2] =	stream.linear.gather [hbm4b:s24+s26], $0x80, $0x38;
	[tilespmem:$0x1C900] =	vst v63  }
0x197: {  	_ =	swait.ge [sflag:s14], $0x80  }
0x198: {  	s23 =	sshll.u32 s23, $0x1;
	[sflag:s14] =	ssyncset.done $0x0  }
0x199: {  	s23 =	sadd.s32 s1, s23;
	[sflag:s14] =	ssyncadd.s32 $0xFFFFFF80  }
0x19a: {  	[tilespmem:s16], [sflag:$0x2] =	stream.linear.gather [hbm4b:s23+s26], $0x800, $0x38;
	[tilespmem:$0x1C900] =	vst v63  }
0x19b: {  	_ =	swait.ge [sflag:s14], $0x800  }
0x19c: {  	[sflag:s14] =	ssyncset.done $0x0  }
0x19d: {  	[sflag:s14] =	ssyncadd.s32 $0xFFFFF800  }
0x19e: {  	[tilespmem:s17], [sflag:$0x1] =	stream.indirect.gather [hbm4b:s4+s15], $0x80, s26, s15, $0xb8;
	[tilespmem:$0x1C900] =	vst v63  }
0x19f: {  	_ =	swait.ge [sflag:s18], $0x4000  }
0x1a0: {  	[sflag:s18] =	ssyncset.done $0x0  }
0x1a1: {  	s31 =	simm.s32 $0x0;
	[sflag:s18] =	ssyncadd.s32 $0xFFFFC000  }
0x1a2: {  	v19 =	vld [tilespmem:s31+$0x80];
	_ =	sdelay $0x3  }
0x1a3: {  	s23 =	simm.s32 $0xD20  }
0x1a4: {  	s24 =	simm.s32 $0x180;
	v20 =	vld [tilespmem:s23+$0xFFFFFC00];
	v19 =	vshll.u32 v19, $0x5  }
0x1a5: {  	v22 =	vld [tilespmem:s24+$0xFFFFFF80];
	v21 =	vperm.xlane v19, v2;
	_ =	sdelay $0x1  }
0x1a6: {  	v23 =	vadd.s32 v3, v21;
	_ =	sdelay $0x2  }
0x1a7: {  	v20 =	vmul.f32 v20, v22;
	_ =	sdelay $0x1  }
0x1a8: {  	[tilespmem:v23+s19+$0x0] =	vst.idx.add.f32.msk $0xffff, v20  }
0x1a9: {  	v20 =	vld [tilespmem:s23+$0xFFFFFC10];
	_ =	sdelay $0x1  }
0x1aa: {  	v21 =	vadd.s32 v4, v21;
	_ =	sdelay $0x2  }
0x1ab: {  	v20 =	vmul.f32 v20, v22;
	_ =	sdelay $0x1  }
0x1ac: {  	[tilespmem:v21+s19+$0x0] =	vst.idx.add.f32.msk $0xffff, v20  }
0x1ad: {  	v20 =	vld [tilespmem:s24+$0xFFFFFF90]  }
0x1ae: {  	v21 =	vperm.xlane v19, v5;
	v22 =	vld [tilespmem:s23+$0xFFFFFC80];
	_ =	sdelay $0x1  }
0x1af: {  	v23 =	vadd.s32 v3, v21;
	_ =	sdelay $0x2  }
0x1b0: {  	v22 =	vmul.f32 v22, v20;
	_ =	sdelay $0x1  }
0x1b1: {  	[tilespmem:v23+s19+$0x0] =	vst.idx.add.f32.msk $0xffff, v22  }
0x1b2: {  	v22 =	vld [tilespmem:s23+$0xFFFFFC90];
	_ =	sdelay $0x1  }
0x1b3: {  	v21 =	vadd.s32 v4, v21;
	_ =	sdelay $0x2  }
0x1b4: {  	v20 =	vmul.f32 v22, v20;
	_ =	sdelay $0x1  }
0x1b5: {  	[tilespmem:v21+s19+$0x0] =	vst.idx.add.f32.msk $0xffff, v20  }
0x1b6: {  	v20 =	vld [tilespmem:s24+$0xFFFFFFA0]  }
0x1b7: {  	v21 =	vperm.xlane v19, v6;
	v22 =	vld [tilespmem:s23+$0xFFFFFD00];
	_ =	sdelay $0x1  }
0x1b8: {  	v23 =	vadd.s32 v3, v21;
	_ =	sdelay $0x2  }
0x1b9: {  	v22 =	vmul.f32 v22, v20;
	_ =	sdelay $0x1  }
0x1ba: {  	[tilespmem:v23+s19+$0x0] =	vst.idx.add.f32.msk $0xffff, v22  }
0x1bb: {  	v22 =	vld [tilespmem:s23+$0xFFFFFD10];
	_ =	sdelay $0x1  }
0x1bc: {  	v21 =	vadd.s32 v4, v21;
	_ =	sdelay $0x2  }
0x1bd: {  	v20 =	vmul.f32 v22, v20;
	_ =	sdelay $0x1  }
0x1be: {  	[tilespmem:v21+s19+$0x0] =	vst.idx.add.f32.msk $0xffff, v20  }
0x1bf: {  	v20 =	vld [tilespmem:s24+$0xFFFFFFB0]  }
0x1c0: {  	v21 =	vperm.xlane v19, v7;
	v22 =	vld [tilespmem:s23+$0xFFFFFD80];
	_ =	sdelay $0x1  }
0x1c1: {  	v23 =	vadd.s32 v3, v21;
	_ =	sdelay $0x2  }
0x1c2: {  	v22 =	vmul.f32 v22, v20;
	_ =	sdelay $0x1  }
0x1c3: {  	[tilespmem:v23+s19+$0x0] =	vst.idx.add.f32.msk $0xffff, v22  }
0x1c4: {  	v22 =	vld [tilespmem:s23+$0xFFFFFD90];
	_ =	sdelay $0x1  }
0x1c5: {  	v21 =	vadd.s32 v4, v21;
	_ =	sdelay $0x2  }
0x1c6: {  	v20 =	vmul.f32 v22, v20;
	_ =	sdelay $0x1  }
0x1c7: {  	[tilespmem:v21+s19+$0x0] =	vst.idx.add.f32.msk $0xffff, v20  }
0x1c8: {  	v20 =	vld [tilespmem:s24+$0xFFFFFFC0]  }
0x1c9: {  	v21 =	vperm.xlane v19, v8;
	v22 =	vld [tilespmem:s23+$0xFFFFFE00];
	_ =	sdelay $0x1  }
0x1ca: {  	v23 =	vadd.s32 v3, v21;
	_ =	sdelay $0x2  }
0x1cb: {  	v22 =	vmul.f32 v22, v20;
	_ =	sdelay $0x1  }
0x1cc: {  	[tilespmem:v23+s19+$0x0] =	vst.idx.add.f32.msk $0xffff, v22  }
0x1cd: {  	v22 =	vld [tilespmem:s23+$0xFFFFFE10];
	_ =	sdelay $0x1  }
0x1ce: {  	v21 =	vadd.s32 v4, v21;
	_ =	sdelay $0x2  }
0x1cf: {  	v20 =	vmul.f32 v22, v20;
	_ =	sdelay $0x1  }
0x1d0: {  	[tilespmem:v21+s19+$0x0] =	vst.idx.add.f32.msk $0xffff, v20  }
0x1d1: {  	v20 =	vld [tilespmem:s24+$0xFFFFFFD0]  }
0x1d2: {  	v21 =	vperm.xlane v19, v1;
	v22 =	vld [tilespmem:s23+$0xFFFFFE80];
	_ =	sdelay $0x1  }
0x1d3: {  	v23 =	vadd.s32 v3, v21;
	_ =	sdelay $0x2  }
0x1d4: {  	v22 =	vmul.f32 v22, v20;
	_ =	sdelay $0x1  }
0x1d5: {  	[tilespmem:v23+s19+$0x0] =	vst.idx.add.f32.msk $0xffff, v22  }
0x1d6: {  	v22 =	vld [tilespmem:s23+$0xFFFFFE90];
	_ =	sdelay $0x1  }
0x1d7: {  	v21 =	vadd.s32 v4, v21;
	_ =	sdelay $0x2  }
0x1d8: {  	v20 =	vmul.f32 v22, v20;
	_ =	sdelay $0x1  }
0x1d9: {  	[tilespmem:v21+s19+$0x0] =	vst.idx.add.f32.msk $0xffff, v20  }
0x1da: {  	v20 =	vld [tilespmem:s24+$0xFFFFFFE0]  }
0x1db: {  	v21 =	vperm.xlane v19, v9;
	v22 =	vld [tilespmem:s23+$0xFFFFFF00];
	_ =	sdelay $0x1  }
0x1dc: {  	v23 =	vadd.s32 v3, v21;
	_ =	sdelay $0x2  }
0x1dd: {  	v22 =	vmul.f32 v22, v20;
	_ =	sdelay $0x1  }
0x1de: {  	[tilespmem:v23+s19+$0x0] =	vst.idx.add.f32.msk $0xffff, v22  }
0x1df: {  	v22 =	vld [tilespmem:s23+$0xFFFFFF10];
	_ =	sdelay $0x1  }
0x1e0: {  	v21 =	vadd.s32 v4, v21;
	_ =	sdelay $0x2  }
0x1e1: {  	v20 =	vmul.f32 v22, v20;
	_ =	sdelay $0x1  }
0x1e2: {  	[tilespmem:v21+s19+$0x0] =	vst.idx.add.f32.msk $0xffff, v20  }
0x1e3: {  	v20 =	vld [tilespmem:s24+$0xFFFFFFF0]  }
0x1e4: {  	v21 =	vperm.xlane v19, v10;
	v22 =	vld [tilespmem:s23+$0xFFFFFF80];
	_ =	sdelay $0x1  }
0x1e5: {  	v23 =	vadd.s32 v3, v21;
	_ =	sdelay $0x2  }
0x1e6: {  	v22 =	vmul.f32 v22, v20;
	_ =	sdelay $0x1  }
0x1e7: {  	[tilespmem:v23+s19+$0x0] =	vst.idx.add.f32.msk $0xffff, v22  }
0x1e8: {  	v22 =	vld [tilespmem:s23+$0xFFFFFF90];
	_ =	sdelay $0x1  }
0x1e9: {  	v21 =	vadd.s32 v4, v21;
	_ =	sdelay $0x2  }
0x1ea: {  	v20 =	vmul.f32 v22, v20;
	_ =	sdelay $0x1  }
0x1eb: {  	[tilespmem:v21+s19+$0x0] =	vst.idx.add.f32.msk $0xffff, v20  }
0x1ec: {  	v20 =	vld [tilespmem:s24+$0x0]  }
0x1ed: {  	v21 =	vperm.xlane v19, v11;
	v22 =	vld [tilespmem:s23+$0x0];
	_ =	sdelay $0x1  }
0x1ee: {  	v23 =	vadd.s32 v3, v21;
	_ =	sdelay $0x2  }
0x1ef: {  	v22 =	vmul.f32 v22, v20;
	_ =	sdelay $0x1  }
0x1f0: {  	[tilespmem:v23+s19+$0x0] =	vst.idx.add.f32.msk $0xffff, v22  }
0x1f1: {  	v22 =	vld [tilespmem:s23+$0x10];
	_ =	sdelay $0x1  }
0x1f2: {  	v21 =	vadd.s32 v4, v21;
	_ =	sdelay $0x2  }
0x1f3: {  	v20 =	vmul.f32 v22, v20;
	_ =	sdelay $0x1  }
0x1f4: {  	[tilespmem:v21+s19+$0x0] =	vst.idx.add.f32.msk $0xffff, v20  }
0x1f5: {  	v20 =	vld [tilespmem:s24+$0x10]  }
0x1f6: {  	v21 =	vperm.xlane v19, v12;
	v22 =	vld [tilespmem:s23+$0x80];
	_ =	sdelay $0x1  }
0x1f7: {  	v23 =	vadd.s32 v3, v21;
	_ =	sdelay $0x2  }
0x1f8: {  	v22 =	vmul.f32 v22, v20;
	_ =	sdelay $0x1  }
0x1f9: {  	[tilespmem:v23+s19+$0x0] =	vst.idx.add.f32.msk $0xffff, v22  }
0x1fa: {  	v22 =	vld [tilespmem:s23+$0x90];
	_ =	sdelay $0x1  }
0x1fb: {  	v21 =	vadd.s32 v4, v21;
	_ =	sdelay $0x2  }
0x1fc: {  	v20 =	vmul.f32 v22, v20;
	_ =	sdelay $0x1  }
0x1fd: {  	[tilespmem:v21+s19+$0x0] =	vst.idx.add.f32.msk $0xffff, v20  }
0x1fe: {  	v20 =	vld [tilespmem:s24+$0x20]  }
0x1ff: {  	v21 =	vperm.xlane v19, v13;
	v22 =	vld [tilespmem:s23+$0x100];
	_ =	sdelay $0x1  }
0x200: {  	v23 =	vadd.s32 v3, v21;
	_ =	sdelay $0x2  }
0x201: {  	v22 =	vmul.f32 v22, v20;
	_ =	sdelay $0x1  }
0x202: {  	[tilespmem:v23+s19+$0x0] =	vst.idx.add.f32.msk $0xffff, v22  }
0x203: {  	v22 =	vld [tilespmem:s23+$0x110];
	_ =	sdelay $0x1  }
0x204: {  	v21 =	vadd.s32 v4, v21;
	_ =	sdelay $0x2  }
0x205: {  	v20 =	vmul.f32 v22, v20;
	_ =	sdelay $0x1  }
0x206: {  	[tilespmem:v21+s19+$0x0] =	vst.idx.add.f32.msk $0xffff, v20  }
0x207: {  	v20 =	vld [tilespmem:s24+$0x30]  }
0x208: {  	v21 =	vperm.xlane v19, v14;
	v22 =	vld [tilespmem:s23+$0x180];
	_ =	sdelay $0x1  }
0x209: {  	v23 =	vadd.s32 v3, v21;
	_ =	sdelay $0x2  }
0x20a: {  	v22 =	vmul.f32 v22, v20;
	_ =	sdelay $0x1  }
0x20b: {  	[tilespmem:v23+s19+$0x0] =	vst.idx.add.f32.msk $0xffff, v22  }
0x20c: {  	v22 =	vld [tilespmem:s23+$0x190];
	_ =	sdelay $0x1  }
0x20d: {  	v21 =	vadd.s32 v4, v21;
	_ =	sdelay $0x2  }
0x20e: {  	v20 =	vmul.f32 v22, v20;
	_ =	sdelay $0x1  }
0x20f: {  	[tilespmem:v21+s19+$0x0] =	vst.idx.add.f32.msk $0xffff, v20  }
0x210: {  	v20 =	vld [tilespmem:s24+$0x40]  }
0x211: {  	v21 =	vperm.xlane v19, v15;
	v22 =	vld [tilespmem:s23+$0x200];
	_ =	sdelay $0x1  }
0x212: {  	v23 =	vadd.s32 v3, v21;
	_ =	sdelay $0x2  }
0x213: {  	v22 =	vmul.f32 v22, v20;
	_ =	sdelay $0x1  }
0x214: {  	[tilespmem:v23+s19+$0x0] =	vst.idx.add.f32.msk $0xffff, v22  }
0x215: {  	v22 =	vld [tilespmem:s23+$0x210];
	_ =	sdelay $0x1  }
0x216: {  	v21 =	vadd.s32 v4, v21;
	_ =	sdelay $0x2  }
0x217: {  	v20 =	vmul.f32 v22, v20;
	_ =	sdelay $0x1  }
0x218: {  	[tilespmem:v21+s19+$0x0] =	vst.idx.add.f32.msk $0xffff, v20  }
0x219: {  	v20 =	vld [tilespmem:s24+$0x50]  }
0x21a: {  	v21 =	vperm.xlane v19, v16;
	v22 =	vld [tilespmem:s23+$0x280];
	_ =	sdelay $0x1  }
0x21b: {  	v23 =	vadd.s32 v3, v21;
	_ =	sdelay $0x2  }
0x21c: {  	v22 =	vmul.f32 v22, v20;
	_ =	sdelay $0x1  }
0x21d: {  	[tilespmem:v23+s19+$0x0] =	vst.idx.add.f32.msk $0xffff, v22  }
0x21e: {  	v22 =	vld [tilespmem:s23+$0x290];
	_ =	sdelay $0x1  }
0x21f: {  	v21 =	vadd.s32 v4, v21;
	_ =	sdelay $0x2  }
0x220: {  	v20 =	vmul.f32 v22, v20;
	_ =	sdelay $0x1  }
0x221: {  	[tilespmem:v21+s19+$0x0] =	vst.idx.add.f32.msk $0xffff, v20  }
0x222: {  	v20 =	vld [tilespmem:s24+$0x60]  }
0x223: {  	v21 =	vperm.xlane v19, v17;
	v22 =	vld [tilespmem:s23+$0x300];
	_ =	sdelay $0x1  }
0x224: {  	v23 =	vadd.s32 v3, v21;
	_ =	sdelay $0x2  }
0x225: {  	v22 =	vmul.f32 v22, v20;
	_ =	sdelay $0x1  }
0x226: {  	[tilespmem:v23+s19+$0x0] =	vst.idx.add.f32.msk $0xffff, v22  }
0x227: {  	v22 =	vld [tilespmem:s23+$0x310];
	_ =	sdelay $0x1  }
0x228: {  	v21 =	vadd.s32 v4, v21;
	_ =	sdelay $0x2  }
0x229: {  	v20 =	vmul.f32 v22, v20  }
0x22a: {  	v19 =	vperm.xlane v19, v18  }
0x22b: {  	[tilespmem:v21+s19+$0x0] =	vst.idx.add.f32.msk $0xffff, v20  }
0x22c: {  	s25 =	simm.s32 $0x40;
	s26 =	simm.s32 $0xD20;
	v20 =	vadd.s32 v3, v19;
	v19 =	vadd.s32 v4, v19;
	v21 =	vld [tilespmem:s24+$0x70]  }
.LBB2_13:
0x22d: {  	p0 =	sne.s32 s25, $0x1C0;
	v22 =	vld [tilespmem:s23+$0x380];
	s26 =	sadd.s32 $0x800, s26;
	s24 =	sadd.s32 $0x100, s24  }
0x22e: {  	s28 =	smov.u32 s25;
	s25 =	sadd.s32 $0x40, s25;
	_ =	sdelay $0x3  }
0x22f: {  	v22 =	vmul.f32 v22, v21;
	_ =	sdelay $0x1  }
0x230: {  	[tilespmem:v20+s19+$0x0] =	vst.idx.add.f32.msk $0xffff, v22  }
0x231: {  	v20 =	vld [tilespmem:s23+$0x390];
	s23 =	smov.u32 s26;
	_ =	sdelay $0x4  }
0x232: {  	v20 =	vmul.f32 v20, v21;
	_ =	sdelay $0x1  }
0x233: {  	s28 =	sshra.s32 s28, $0x2;
	[tilespmem:v19+s19+$0x0] =	vst.idx.add.f32.msk $0xffff, v20  }
0x234: {  	v19 =	vld [tilespmem:s28+$0x80];
	_ =	sdelay $0x4  }
0x235: {  	v19 =	vshll.u32 v19, $0x5;
	v20 =	vld [tilespmem:s26+$0xFFFFFC00]  }
0x236: {  	v30 =	vperm.xlane v19, v2;
	v31 =	vld [tilespmem:s24+$0xFFFFFF80];
	v32 =	vperm.xlane v19, v5  }
0x237: {  	v33 =	vperm.xlane v19, v6;
	v34 =	vperm.xlane v19, v7  }
0x238: {  	v35 =	vperm.xlane v19, v8;
	v29 =	vperm.xlane v19, v1;
	v21 =	vadd.s32 v3, v30  }
0x239: {  	v28 =	vperm.xlane v19, v9;
	v27 =	vperm.xlane v19, v10  }
0x23a: {  	v26 =	vperm.xlane v19, v11;
	v25 =	vperm.xlane v19, v12  }
0x23b: {  	v24 =	vperm.xlane v19, v13;
	v20 =	vmul.f32 v20, v31  }
0x23c: {  	v23 =	vperm.xlane v19, v14;
	v22 =	vperm.xlane v19, v15  }
0x23d: {  	[tilespmem:v21+s19+$0x0] =	vst.idx.add.f32.msk $0xffff, v20;
	v21 =	vperm.xlane v19, v16;
	v20 =	vperm.xlane v19, v17  }
0x23e: {  	v19 =	vperm.xlane v19, v18;
	v36 =	vld [tilespmem:s26+$0xFFFFFC10];
	_ =	sdelay $0x1  }
0x23f: {  	v30 =	vadd.s32 v4, v30;
	_ =	sdelay $0x2  }
0x240: {  	v31 =	vmul.f32 v36, v31;
	_ =	sdelay $0x1  }
0x241: {  	[tilespmem:v30+s19+$0x0] =	vst.idx.add.f32.msk $0xffff, v31  }
0x242: {  	v30 =	vld [tilespmem:s24+$0xFFFFFF90]  }
0x243: {  	v31 =	vld [tilespmem:s26+$0xFFFFFC80]  }
0x244: {  	v36 =	vadd.s32 v3, v32;
	_ =	sdelay $0x3  }
0x245: {  	v31 =	vmul.f32 v31, v30;
	_ =	sdelay $0x1  }
0x246: {  	[tilespmem:v36+s19+$0x0] =	vst.idx.add.f32.msk $0xffff, v31  }
0x247: {  	v31 =	vld [tilespmem:s26+$0xFFFFFC90]  }
0x248: {  	v32 =	vadd.s32 v4, v32;
	_ =	sdelay $0x3  }
0x249: {  	v30 =	vmul.f32 v31, v30;
	_ =	sdelay $0x1  }
0x24a: {  	[tilespmem:v32+s19+$0x0] =	vst.idx.add.f32.msk $0xffff, v30  }
0x24b: {  	v30 =	vld [tilespmem:s24+$0xFFFFFFA0]  }
0x24c: {  	v32 =	vadd.s32 v3, v33;
	v31 =	vld [tilespmem:s26+$0xFFFFFD00];
	_ =	sdelay $0x4  }
0x24d: {  	v31 =	vmul.f32 v31, v30;
	_ =	sdelay $0x1  }
0x24e: {  	[tilespmem:v32+s19+$0x0] =	vst.idx.add.f32.msk $0xffff, v31  }
0x24f: {  	v32 =	vadd.s32 v4, v33;
	v31 =	vld [tilespmem:s26+$0xFFFFFD10];
	_ =	sdelay $0x4  }
0x250: {  	v30 =	vmul.f32 v31, v30;
	_ =	sdelay $0x1  }
0x251: {  	[tilespmem:v32+s19+$0x0] =	vst.idx.add.f32.msk $0xffff, v30  }
0x252: {  	v31 =	vadd.s32 v3, v34;
	v30 =	vld [tilespmem:s24+$0xFFFFFFB0]  }
0x253: {  	v32 =	vld [tilespmem:s26+$0xFFFFFD80];
	_ =	sdelay $0x4  }
0x254: {  	v32 =	vmul.f32 v32, v30;
	_ =	sdelay $0x1  }
0x255: {  	[tilespmem:v31+s19+$0x0] =	vst.idx.add.f32.msk $0xffff, v32;
	v31 =	vadd.s32 v4, v34  }
0x256: {  	v32 =	vld [tilespmem:s26+$0xFFFFFD90];
	_ =	sdelay $0x4  }
0x257: {  	v30 =	vmul.f32 v32, v30;
	_ =	sdelay $0x1  }
0x258: {  	[tilespmem:v31+s19+$0x0] =	vst.idx.add.f32.msk $0xffff, v30;
	v30 =	vadd.s32 v3, v35  }
0x259: {  	v31 =	vld [tilespmem:s24+$0xFFFFFFC0]  }
0x25a: {  	v32 =	vld [tilespmem:s26+$0xFFFFFE00];
	_ =	sdelay $0x4  }
0x25b: {  	v32 =	vmul.f32 v32, v31  }
0x25c: {  	v33 =	vadd.s32 v4, v35  }
0x25d: {  	[tilespmem:v30+s19+$0x0] =	vst.idx.add.f32.msk $0xffff, v32  }
0x25e: {  	v30 =	vld [tilespmem:s26+$0xFFFFFE10];
	_ =	sdelay $0x4  }
0x25f: {  	v30 =	vmul.f32 v30, v31  }
0x260: {  	v31 =	vadd.s32 v3, v29  }
0x261: {  	[tilespmem:v33+s19+$0x0] =	vst.idx.add.f32.msk $0xffff, v30  }
0x262: {  	v30 =	vld [tilespmem:s24+$0xFFFFFFD0]  }
0x263: {  	v32 =	vld [tilespmem:s26+$0xFFFFFE80];
	_ =	sdelay $0x4  }
0x264: {  	v29 =	vadd.s32 v4, v29;
	v32 =	vmul.f32 v32, v30;
	_ =	sdelay $0x1  }
0x265: {  	[tilespmem:v31+s19+$0x0] =	vst.idx.add.f32.msk $0xffff, v32  }
0x266: {  	v31 =	vld [tilespmem:s26+$0xFFFFFE90];
	_ =	sdelay $0x4  }
0x267: {  	v30 =	vmul.f32 v31, v30;
	v31 =	vadd.s32 v3, v28;
	_ =	sdelay $0x1  }
0x268: {  	[tilespmem:v29+s19+$0x0] =	vst.idx.add.f32.msk $0xffff, v30  }
0x269: {  	v29 =	vld [tilespmem:s24+$0xFFFFFFE0]  }
0x26a: {  	v30 =	vld [tilespmem:s26+$0xFFFFFF00];
	_ =	sdelay $0x3  }
0x26b: {  	v28 =	vadd.s32 v4, v28  }
0x26c: {  	v30 =	vmul.f32 v30, v29;
	_ =	sdelay $0x1  }
0x26d: {  	[tilespmem:v31+s19+$0x0] =	vst.idx.add.f32.msk $0xffff, v30  }
0x26e: {  	v30 =	vld [tilespmem:s26+$0xFFFFFF10];
	_ =	sdelay $0x3  }
0x26f: {  	v31 =	vadd.s32 v3, v27  }
0x270: {  	v29 =	vmul.f32 v30, v29;
	_ =	sdelay $0x1  }
0x271: {  	[tilespmem:v28+s19+$0x0] =	vst.idx.add.f32.msk $0xffff, v29  }
0x272: {  	v28 =	vld [tilespmem:s24+$0xFFFFFFF0]  }
0x273: {  	v29 =	vld [tilespmem:s26+$0xFFFFFF80];
	_ =	sdelay $0x2  }
0x274: {  	v27 =	vadd.s32 v4, v27;
	_ =	sdelay $0x1  }
0x275: {  	v29 =	vmul.f32 v29, v28;
	_ =	sdelay $0x1  }
0x276: {  	[tilespmem:v31+s19+$0x0] =	vst.idx.add.f32.msk $0xffff, v29  }
0x277: {  	v29 =	vld [tilespmem:s26+$0xFFFFFF90];
	_ =	sdelay $0x2  }
0x278: {  	v30 =	vadd.s32 v3, v26;
	_ =	sdelay $0x1  }
0x279: {  	v28 =	vmul.f32 v29, v28;
	_ =	sdelay $0x1  }
0x27a: {  	[tilespmem:v27+s19+$0x0] =	vst.idx.add.f32.msk $0xffff, v28  }
0x27b: {  	v27 =	vld [tilespmem:s24+$0x0]  }
0x27c: {  	v28 =	vld [tilespmem:s26+$0x0];
	_ =	sdelay $0x1  }
0x27d: {  	v26 =	vadd.s32 v4, v26;
	_ =	sdelay $0x2  }
0x27e: {  	v28 =	vmul.f32 v28, v27;
	_ =	sdelay $0x1  }
0x27f: {  	[tilespmem:v30+s19+$0x0] =	vst.idx.add.f32.msk $0xffff, v28  }
0x280: {  	v28 =	vld [tilespmem:s26+$0x10];
	_ =	sdelay $0x1  }
0x281: {  	v29 =	vadd.s32 v3, v25;
	_ =	sdelay $0x2  }
0x282: {  	v27 =	vmul.f32 v28, v27;
	_ =	sdelay $0x1  }
0x283: {  	[tilespmem:v26+s19+$0x0] =	vst.idx.add.f32.msk $0xffff, v27  }
0x284: {  	v26 =	vld [tilespmem:s24+$0x10]  }
0x285: {  	v27 =	vld [tilespmem:s26+$0x80]  }
0x286: {  	v25 =	vadd.s32 v4, v25;
	_ =	sdelay $0x3  }
0x287: {  	v27 =	vmul.f32 v27, v26;
	_ =	sdelay $0x1  }
0x288: {  	[tilespmem:v29+s19+$0x0] =	vst.idx.add.f32.msk $0xffff, v27  }
0x289: {  	v27 =	vld [tilespmem:s26+$0x90]  }
0x28a: {  	v28 =	vadd.s32 v3, v24;
	_ =	sdelay $0x3  }
0x28b: {  	v26 =	vmul.f32 v27, v26;
	_ =	sdelay $0x1  }
0x28c: {  	[tilespmem:v25+s19+$0x0] =	vst.idx.add.f32.msk $0xffff, v26  }
0x28d: {  	v25 =	vld [tilespmem:s24+$0x20]  }
0x28e: {  	v24 =	vadd.s32 v4, v24;
	v26 =	vld [tilespmem:s26+$0x100];
	_ =	sdelay $0x4  }
0x28f: {  	v26 =	vmul.f32 v26, v25;
	_ =	sdelay $0x1  }
0x290: {  	[tilespmem:v28+s19+$0x0] =	vst.idx.add.f32.msk $0xffff, v26  }
0x291: {  	v27 =	vadd.s32 v3, v23;
	v26 =	vld [tilespmem:s26+$0x110];
	_ =	sdelay $0x4  }
0x292: {  	v25 =	vmul.f32 v26, v25;
	_ =	sdelay $0x1  }
0x293: {  	[tilespmem:v24+s19+$0x0] =	vst.idx.add.f32.msk $0xffff, v25  }
0x294: {  	v23 =	vadd.s32 v4, v23;
	v24 =	vld [tilespmem:s24+$0x30]  }
0x295: {  	v25 =	vld [tilespmem:s26+$0x180];
	_ =	sdelay $0x4  }
0x296: {  	v25 =	vmul.f32 v25, v24;
	_ =	sdelay $0x1  }
0x297: {  	[tilespmem:v27+s19+$0x0] =	vst.idx.add.f32.msk $0xffff, v25;
	v25 =	vadd.s32 v3, v22  }
0x298: {  	v26 =	vld [tilespmem:s26+$0x190];
	_ =	sdelay $0x4  }
0x299: {  	v24 =	vmul.f32 v26, v24;
	_ =	sdelay $0x1  }
0x29a: {  	v22 =	vadd.s32 v4, v22;
	[tilespmem:v23+s19+$0x0] =	vst.idx.add.f32.msk $0xffff, v24  }
0x29b: {  	v23 =	vld [tilespmem:s24+$0x40]  }
0x29c: {  	v24 =	vld [tilespmem:s26+$0x200];
	_ =	sdelay $0x4  }
0x29d: {  	v24 =	vmul.f32 v24, v23  }
0x29e: {  	v26 =	vadd.s32 v3, v21  }
0x29f: {  	[tilespmem:v25+s19+$0x0] =	vst.idx.add.f32.msk $0xffff, v24  }
0x2a0: {  	v24 =	vld [tilespmem:s26+$0x210];
	_ =	sdelay $0x4  }
0x2a1: {  	v23 =	vmul.f32 v24, v23  }
0x2a2: {  	v21 =	vadd.s32 v4, v21  }
0x2a3: {  	[tilespmem:v22+s19+$0x0] =	vst.idx.add.f32.msk $0xffff, v23  }
0x2a4: {  	v22 =	vld [tilespmem:s24+$0x50]  }
0x2a5: {  	v23 =	vld [tilespmem:s26+$0x280];
	_ =	sdelay $0x4  }
0x2a6: {  	v24 =	vadd.s32 v3, v20;
	v23 =	vmul.f32 v23, v22;
	_ =	sdelay $0x1  }
0x2a7: {  	[tilespmem:v26+s19+$0x0] =	vst.idx.add.f32.msk $0xffff, v23  }
0x2a8: {  	v23 =	vld [tilespmem:s26+$0x290];
	_ =	sdelay $0x4  }
0x2a9: {  	v22 =	vmul.f32 v23, v22;
	v23 =	vadd.s32 v4, v20;
	_ =	sdelay $0x1  }
0x2aa: {  	[tilespmem:v21+s19+$0x0] =	vst.idx.add.f32.msk $0xffff, v22  }
0x2ab: {  	v21 =	vld [tilespmem:s24+$0x60]  }
0x2ac: {  	v22 =	vld [tilespmem:s26+$0x300];
	_ =	sdelay $0x3  }
0x2ad: {  	v20 =	vadd.s32 v3, v19  }
0x2ae: {  	v22 =	vmul.f32 v22, v21;
	_ =	sdelay $0x1  }
0x2af: {  	[tilespmem:v24+s19+$0x0] =	vst.idx.add.f32.msk $0xffff, v22  }
0x2b0: {  	v22 =	vld [tilespmem:s26+$0x310];
	_ =	sdelay $0x3  }
.Ltmp5:
0x2b1: {  	v19 =	vadd.s32 v4, v19;
	(pc) =	sbr.rel @p0 .LBB2_13-.Ltmp5, $3  }
0x2b2: {  	v21 =	vmul.f32 v22, v21;
	_ =	sdelay $0x1  }
0x2b3: {  	[tilespmem:v23+s19+$0x0] =	vst.idx.add.f32.msk $0xffff, v21  }
0x2b4: {  	v21 =	vld [tilespmem:s24+$0x70]  }
0x2b5: {  	v22 =	vld [tilespmem:s23+$0x380];
	_ =	sdelay $0x4  }
0x2b6: {  	v22 =	vmul.f32 v22, v21;
	_ =	sdelay $0x1  }
0x2b7: {  	[tilespmem:v20+s19+$0x0] =	vst.idx.add.f32.msk $0xffff, v22  }
0x2b8: {  	v20 =	vld [tilespmem:s23+$0x390]  }
0x2b9: {  	s22 =	sadd.s32 $0x1, s22  }
0x2ba: {  	p0 =	sne.s32 s22, $0x10  }
.Ltmp6:
0x2bb: {  	_ = 	snop;
	(pc) =	sbr.rel @p0 .LBB2_12-.Ltmp6, $3  }
0x2bc: {  	_ = 	snop  }
0x2bd: {  	v20 =	vmul.f32 v20, v21;
	_ =	sdelay $0x1  }
0x2be: {  	[tilespmem:v19+s19+$0x0] =	vst.idx.add.f32.msk $0xffff, v20  }
0x2bf: {  	s22 =	simm.s32 $0x0  }
0x2c0: {  	[hbm4b:s9+s22] =	stream.linear.scatter [tilespmem:s19], [sflag:$0x2], $0x10000, $0x38;
	[tilespmem:$0x1C900] =	vst v63  }
0x2c1: {  	_ =	swait.ge [sflag:s14], $0x10000  }
0x2c2: {  	[sflag:s14] =	ssyncset.done $0x0  }
0x2c3: {  	s23 =	simm.s32 $0x40;
	s24 =	simm.s32 $0x0;
	[sflag:s14] =	ssyncadd.s32 $0xFFFF0000  }
.LBB2_16:
0x2c4: {  	p0 =	sne.s32 s23, $0x3FFC0;
	[tilespmem:s24+$0x4900] =	vst v0;
	s24 =	smov.u32 s23;
	s23 =	sadd.s32 $0x40, s23  }
.Ltmp7:
0x2c5: {  	(pc) =	sbr.rel @p0 .LBB2_16-.Ltmp7, $2  }
0x2c6: {  	_ =	sdelay $0x2  }
0x2c7: {  	s24 =	sshra.s32 s24, $0x2  }
0x2c8: {  	[tilespmem:s24+$0x4900] =	vst v0  }
.LBB2_18:
0x2c9: {  	s23 =	sshll.u32 s22, $0x7  }
0x2ca: {  	s23 =	sadd.s32 s7, s23  }
0x2cb: {  	s24 =	sshrl.u32 s23, $0x3  }
0x2cc: {  	s26 =	simm.s32 $0x0;
	s25 =	sadd.s32 s5, s24  }
0x2cd: {  	[tilespmem:s26], [sflag:$0x2] =	stream.linear.gather [hbm4b:s25+s26], $0x80, $0x38;
	[tilespmem:$0x1C900] =	vst v63  }
0x2ce: {  	_ =	swait.ge [sflag:s14], $0x80  }
0x2cf: {  	[sflag:s14] =	ssyncset.done $0x0  }
0x2d0: {  	s24 =	sadd.s32 s6, s24;
	[sflag:s14] =	ssyncadd.s32 $0xFFFFFF80  }
0x2d1: {  	[tilespmem:s15], [sflag:$0x2] =	stream.linear.gather [hbm4b:s24+s26], $0x80, $0x38;
	[tilespmem:$0x1C900] =	vst v63  }
0x2d2: {  	_ =	swait.ge [sflag:s14], $0x80  }
0x2d3: {  	s23 =	sshll.u32 s23, $0x1;
	[sflag:s14] =	ssyncset.done $0x0  }
0x2d4: {  	s23 =	sadd.s32 s1, s23;
	[sflag:s14] =	ssyncadd.s32 $0xFFFFFF80  }
0x2d5: {  	[tilespmem:s16], [sflag:$0x2] =	stream.linear.gather [hbm4b:s23+s26], $0x800, $0x38;
	[tilespmem:$0x1C900] =	vst v63  }
0x2d6: {  	_ =	swait.ge [sflag:s14], $0x800  }
0x2d7: {  	[sflag:s14] =	ssyncset.done $0x0  }
0x2d8: {  	[sflag:s14] =	ssyncadd.s32 $0xFFFFF800  }
0x2d9: {  	[tilespmem:s17], [sflag:$0x1] =	stream.indirect.gather [hbm4b:s4+s15], $0x80, s26, s15, $0xb8;
	[tilespmem:$0x1C900] =	vst v63  }
0x2da: {  	_ =	swait.ge [sflag:s18], $0x4000  }
0x2db: {  	[sflag:s18] =	ssyncset.done $0x0  }
0x2dc: {  	s31 =	simm.s32 $0x0;
	[sflag:s18] =	ssyncadd.s32 $0xFFFFC000  }
0x2dd: {  	v19 =	vld [tilespmem:s31+$0x80];
	_ =	sdelay $0x3  }
0x2de: {  	s23 =	simm.s32 $0xD40  }
0x2df: {  	s24 =	simm.s32 $0x180;
	v20 =	vld [tilespmem:s23+$0xFFFFFC00];
	v19 =	vshll.u32 v19, $0x5  }
0x2e0: {  	v22 =	vld [tilespmem:s24+$0xFFFFFF80];
	v21 =	vperm.xlane v19, v2;
	_ =	sdelay $0x1  }
0x2e1: {  	v23 =	vadd.s32 v3, v21;
	_ =	sdelay $0x2  }
0x2e2: {  	v20 =	vmul.f32 v20, v22;
	_ =	sdelay $0x1  }
0x2e3: {  	[tilespmem:v23+s19+$0x0] =	vst.idx.add.f32.msk $0xffff, v20  }
0x2e4: {  	v20 =	vld [tilespmem:s23+$0xFFFFFC10];
	_ =	sdelay $0x1  }
0x2e5: {  	v21 =	vadd.s32 v4, v21;
	_ =	sdelay $0x2  }
0x2e6: {  	v20 =	vmul.f32 v20, v22;
	_ =	sdelay $0x1  }
0x2e7: {  	[tilespmem:v21+s19+$0x0] =	vst.idx.add.f32.msk $0xffff, v20  }
0x2e8: {  	v20 =	vld [tilespmem:s24+$0xFFFFFF90]  }
0x2e9: {  	v21 =	vperm.xlane v19, v5;
	v22 =	vld [tilespmem:s23+$0xFFFFFC80];
	_ =	sdelay $0x1  }
0x2ea: {  	v23 =	vadd.s32 v3, v21;
	_ =	sdelay $0x2  }
0x2eb: {  	v22 =	vmul.f32 v22, v20;
	_ =	sdelay $0x1  }
0x2ec: {  	[tilespmem:v23+s19+$0x0] =	vst.idx.add.f32.msk $0xffff, v22  }
0x2ed: {  	v22 =	vld [tilespmem:s23+$0xFFFFFC90];
	_ =	sdelay $0x1  }
0x2ee: {  	v21 =	vadd.s32 v4, v21;
	_ =	sdelay $0x2  }
0x2ef: {  	v20 =	vmul.f32 v22, v20;
	_ =	sdelay $0x1  }
0x2f0: {  	[tilespmem:v21+s19+$0x0] =	vst.idx.add.f32.msk $0xffff, v20  }
0x2f1: {  	v20 =	vld [tilespmem:s24+$0xFFFFFFA0]  }
0x2f2: {  	v21 =	vperm.xlane v19, v6;
	v22 =	vld [tilespmem:s23+$0xFFFFFD00];
	_ =	sdelay $0x1  }
0x2f3: {  	v23 =	vadd.s32 v3, v21;
	_ =	sdelay $0x2  }
0x2f4: {  	v22 =	vmul.f32 v22, v20;
	_ =	sdelay $0x1  }
0x2f5: {  	[tilespmem:v23+s19+$0x0] =	vst.idx.add.f32.msk $0xffff, v22  }
0x2f6: {  	v22 =	vld [tilespmem:s23+$0xFFFFFD10];
	_ =	sdelay $0x1  }
0x2f7: {  	v21 =	vadd.s32 v4, v21;
	_ =	sdelay $0x2  }
0x2f8: {  	v20 =	vmul.f32 v22, v20;
	_ =	sdelay $0x1  }
0x2f9: {  	[tilespmem:v21+s19+$0x0] =	vst.idx.add.f32.msk $0xffff, v20  }
0x2fa: {  	v20 =	vld [tilespmem:s24+$0xFFFFFFB0]  }
0x2fb: {  	v21 =	vperm.xlane v19, v7;
	v22 =	vld [tilespmem:s23+$0xFFFFFD80];
	_ =	sdelay $0x1  }
0x2fc: {  	v23 =	vadd.s32 v3, v21;
	_ =	sdelay $0x2  }
0x2fd: {  	v22 =	vmul.f32 v22, v20;
	_ =	sdelay $0x1  }
0x2fe: {  	[tilespmem:v23+s19+$0x0] =	vst.idx.add.f32.msk $0xffff, v22  }
0x2ff: {  	v22 =	vld [tilespmem:s23+$0xFFFFFD90];
	_ =	sdelay $0x1  }
0x300: {  	v21 =	vadd.s32 v4, v21;
	_ =	sdelay $0x2  }
0x301: {  	v20 =	vmul.f32 v22, v20;
	_ =	sdelay $0x1  }
0x302: {  	[tilespmem:v21+s19+$0x0] =	vst.idx.add.f32.msk $0xffff, v20  }
0x303: {  	v20 =	vld [tilespmem:s24+$0xFFFFFFC0]  }
0x304: {  	v21 =	vperm.xlane v19, v8;
	v22 =	vld [tilespmem:s23+$0xFFFFFE00];
	_ =	sdelay $0x1  }
0x305: {  	v23 =	vadd.s32 v3, v21;
	_ =	sdelay $0x2  }
0x306: {  	v22 =	vmul.f32 v22, v20;
	_ =	sdelay $0x1  }
0x307: {  	[tilespmem:v23+s19+$0x0] =	vst.idx.add.f32.msk $0xffff, v22  }
0x308: {  	v22 =	vld [tilespmem:s23+$0xFFFFFE10];
	_ =	sdelay $0x1  }
0x309: {  	v21 =	vadd.s32 v4, v21;
	_ =	sdelay $0x2  }
0x30a: {  	v20 =	vmul.f32 v22, v20;
	_ =	sdelay $0x1  }
0x30b: {  	[tilespmem:v21+s19+$0x0] =	vst.idx.add.f32.msk $0xffff, v20  }
0x30c: {  	v20 =	vld [tilespmem:s24+$0xFFFFFFD0]  }
0x30d: {  	v21 =	vperm.xlane v19, v1;
	v22 =	vld [tilespmem:s23+$0xFFFFFE80];
	_ =	sdelay $0x1  }
0x30e: {  	v23 =	vadd.s32 v3, v21;
	_ =	sdelay $0x2  }
0x30f: {  	v22 =	vmul.f32 v22, v20;
	_ =	sdelay $0x1  }
0x310: {  	[tilespmem:v23+s19+$0x0] =	vst.idx.add.f32.msk $0xffff, v22  }
0x311: {  	v22 =	vld [tilespmem:s23+$0xFFFFFE90];
	_ =	sdelay $0x1  }
0x312: {  	v21 =	vadd.s32 v4, v21;
	_ =	sdelay $0x2  }
0x313: {  	v20 =	vmul.f32 v22, v20;
	_ =	sdelay $0x1  }
0x314: {  	[tilespmem:v21+s19+$0x0] =	vst.idx.add.f32.msk $0xffff, v20  }
0x315: {  	v20 =	vld [tilespmem:s24+$0xFFFFFFE0]  }
0x316: {  	v21 =	vperm.xlane v19, v9;
	v22 =	vld [tilespmem:s23+$0xFFFFFF00];
	_ =	sdelay $0x1  }
0x317: {  	v23 =	vadd.s32 v3, v21;
	_ =	sdelay $0x2  }
0x318: {  	v22 =	vmul.f32 v22, v20;
	_ =	sdelay $0x1  }
0x319: {  	[tilespmem:v23+s19+$0x0] =	vst.idx.add.f32.msk $0xffff, v22  }
0x31a: {  	v22 =	vld [tilespmem:s23+$0xFFFFFF10];
	_ =	sdelay $0x1  }
0x31b: {  	v21 =	vadd.s32 v4, v21;
	_ =	sdelay $0x2  }
0x31c: {  	v20 =	vmul.f32 v22, v20;
	_ =	sdelay $0x1  }
0x31d: {  	[tilespmem:v21+s19+$0x0] =	vst.idx.add.f32.msk $0xffff, v20  }
0x31e: {  	v20 =	vld [tilespmem:s24+$0xFFFFFFF0]  }
0x31f: {  	v21 =	vperm.xlane v19, v10;
	v22 =	vld [tilespmem:s23+$0xFFFFFF80];
	_ =	sdelay $0x1  }
0x320: {  	v23 =	vadd.s32 v3, v21;
	_ =	sdelay $0x2  }
0x321: {  	v22 =	vmul.f32 v22, v20;
	_ =	sdelay $0x1  }
0x322: {  	[tilespmem:v23+s19+$0x0] =	vst.idx.add.f32.msk $0xffff, v22  }
0x323: {  	v22 =	vld [tilespmem:s23+$0xFFFFFF90];
	_ =	sdelay $0x1  }
0x324: {  	v21 =	vadd.s32 v4, v21;
	_ =	sdelay $0x2  }
0x325: {  	v20 =	vmul.f32 v22, v20;
	_ =	sdelay $0x1  }
0x326: {  	[tilespmem:v21+s19+$0x0] =	vst.idx.add.f32.msk $0xffff, v20  }
0x327: {  	v20 =	vld [tilespmem:s24+$0x0]  }
0x328: {  	v21 =	vperm.xlane v19, v11;
	v22 =	vld [tilespmem:s23+$0x0];
	_ =	sdelay $0x1  }
0x329: {  	v23 =	vadd.s32 v3, v21;
	_ =	sdelay $0x2  }
0x32a: {  	v22 =	vmul.f32 v22, v20;
	_ =	sdelay $0x1  }
0x32b: {  	[tilespmem:v23+s19+$0x0] =	vst.idx.add.f32.msk $0xffff, v22  }
0x32c: {  	v22 =	vld [tilespmem:s23+$0x10];
	_ =	sdelay $0x1  }
0x32d: {  	v21 =	vadd.s32 v4, v21;
	_ =	sdelay $0x2  }
0x32e: {  	v20 =	vmul.f32 v22, v20;
	_ =	sdelay $0x1  }
0x32f: {  	[tilespmem:v21+s19+$0x0] =	vst.idx.add.f32.msk $0xffff, v20  }
0x330: {  	v20 =	vld [tilespmem:s24+$0x10]  }
0x331: {  	v21 =	vperm.xlane v19, v12;
	v22 =	vld [tilespmem:s23+$0x80];
	_ =	sdelay $0x1  }
0x332: {  	v23 =	vadd.s32 v3, v21;
	_ =	sdelay $0x2  }
0x333: {  	v22 =	vmul.f32 v22, v20;
	_ =	sdelay $0x1  }
0x334: {  	[tilespmem:v23+s19+$0x0] =	vst.idx.add.f32.msk $0xffff, v22  }
0x335: {  	v22 =	vld [tilespmem:s23+$0x90];
	_ =	sdelay $0x1  }
0x336: {  	v21 =	vadd.s32 v4, v21;
	_ =	sdelay $0x2  }
0x337: {  	v20 =	vmul.f32 v22, v20;
	_ =	sdelay $0x1  }
0x338: {  	[tilespmem:v21+s19+$0x0] =	vst.idx.add.f32.msk $0xffff, v20  }
0x339: {  	v20 =	vld [tilespmem:s24+$0x20]  }
0x33a: {  	v21 =	vperm.xlane v19, v13;
	v22 =	vld [tilespmem:s23+$0x100];
	_ =	sdelay $0x1  }
0x33b: {  	v23 =	vadd.s32 v3, v21;
	_ =	sdelay $0x2  }
0x33c: {  	v22 =	vmul.f32 v22, v20;
	_ =	sdelay $0x1  }
0x33d: {  	[tilespmem:v23+s19+$0x0] =	vst.idx.add.f32.msk $0xffff, v22  }
0x33e: {  	v22 =	vld [tilespmem:s23+$0x110];
	_ =	sdelay $0x1  }
0x33f: {  	v21 =	vadd.s32 v4, v21;
	_ =	sdelay $0x2  }
0x340: {  	v20 =	vmul.f32 v22, v20;
	_ =	sdelay $0x1  }
0x341: {  	[tilespmem:v21+s19+$0x0] =	vst.idx.add.f32.msk $0xffff, v20  }
0x342: {  	v20 =	vld [tilespmem:s24+$0x30]  }
0x343: {  	v21 =	vperm.xlane v19, v14;
	v22 =	vld [tilespmem:s23+$0x180];
	_ =	sdelay $0x1  }
0x344: {  	v23 =	vadd.s32 v3, v21;
	_ =	sdelay $0x2  }
0x345: {  	v22 =	vmul.f32 v22, v20;
	_ =	sdelay $0x1  }
0x346: {  	[tilespmem:v23+s19+$0x0] =	vst.idx.add.f32.msk $0xffff, v22  }
0x347: {  	v22 =	vld [tilespmem:s23+$0x190];
	_ =	sdelay $0x1  }
0x348: {  	v21 =	vadd.s32 v4, v21;
	_ =	sdelay $0x2  }
0x349: {  	v20 =	vmul.f32 v22, v20;
	_ =	sdelay $0x1  }
0x34a: {  	[tilespmem:v21+s19+$0x0] =	vst.idx.add.f32.msk $0xffff, v20  }
0x34b: {  	v20 =	vld [tilespmem:s24+$0x40]  }
0x34c: {  	v21 =	vperm.xlane v19, v15;
	v22 =	vld [tilespmem:s23+$0x200];
	_ =	sdelay $0x1  }
0x34d: {  	v23 =	vadd.s32 v3, v21;
	_ =	sdelay $0x2  }
0x34e: {  	v22 =	vmul.f32 v22, v20;
	_ =	sdelay $0x1  }
0x34f: {  	[tilespmem:v23+s19+$0x0] =	vst.idx.add.f32.msk $0xffff, v22  }
0x350: {  	v22 =	vld [tilespmem:s23+$0x210];
	_ =	sdelay $0x1  }
0x351: {  	v21 =	vadd.s32 v4, v21;
	_ =	sdelay $0x2  }
0x352: {  	v20 =	vmul.f32 v22, v20;
	_ =	sdelay $0x1  }
0x353: {  	[tilespmem:v21+s19+$0x0] =	vst.idx.add.f32.msk $0xffff, v20  }
0x354: {  	v20 =	vld [tilespmem:s24+$0x50]  }
0x355: {  	v21 =	vperm.xlane v19, v16;
	v22 =	vld [tilespmem:s23+$0x280];
	_ =	sdelay $0x1  }
0x356: {  	v23 =	vadd.s32 v3, v21;
	_ =	sdelay $0x2  }
0x357: {  	v22 =	vmul.f32 v22, v20;
	_ =	sdelay $0x1  }
0x358: {  	[tilespmem:v23+s19+$0x0] =	vst.idx.add.f32.msk $0xffff, v22  }
0x359: {  	v22 =	vld [tilespmem:s23+$0x290];
	_ =	sdelay $0x1  }
0x35a: {  	v21 =	vadd.s32 v4, v21;
	_ =	sdelay $0x2  }
0x35b: {  	v20 =	vmul.f32 v22, v20;
	_ =	sdelay $0x1  }
0x35c: {  	[tilespmem:v21+s19+$0x0] =	vst.idx.add.f32.msk $0xffff, v20  }
0x35d: {  	v20 =	vld [tilespmem:s24+$0x60]  }
0x35e: {  	v21 =	vperm.xlane v19, v17;
	v22 =	vld [tilespmem:s23+$0x300];
	_ =	sdelay $0x1  }
0x35f: {  	v23 =	vadd.s32 v3, v21;
	_ =	sdelay $0x2  }
0x360: {  	v22 =	vmul.f32 v22, v20;
	_ =	sdelay $0x1  }
0x361: {  	[tilespmem:v23+s19+$0x0] =	vst.idx.add.f32.msk $0xffff, v22  }
0x362: {  	v22 =	vld [tilespmem:s23+$0x310];
	_ =	sdelay $0x1  }
0x363: {  	v21 =	vadd.s32 v4, v21;
	_ =	sdelay $0x2  }
0x364: {  	v20 =	vmul.f32 v22, v20  }
0x365: {  	v19 =	vperm.xlane v19, v18  }
0x366: {  	[tilespmem:v21+s19+$0x0] =	vst.idx.add.f32.msk $0xffff, v20  }
0x367: {  	s25 =	simm.s32 $0x40;
	s26 =	simm.s32 $0xD40;
	v20 =	vadd.s32 v3, v19;
	v19 =	vadd.s32 v4, v19;
	v21 =	vld [tilespmem:s24+$0x70]  }
.LBB2_19:
0x368: {  	p0 =	sne.s32 s25, $0x1C0;
	v22 =	vld [tilespmem:s23+$0x380];
	s26 =	sadd.s32 $0x800, s26;
	s24 =	sadd.s32 $0x100, s24  }
0x369: {  	s28 =	smov.u32 s25;
	s25 =	sadd.s32 $0x40, s25;
	_ =	sdelay $0x3  }
0x36a: {  	v22 =	vmul.f32 v22, v21;
	_ =	sdelay $0x1  }
0x36b: {  	[tilespmem:v20+s19+$0x0] =	vst.idx.add.f32.msk $0xffff, v22  }
0x36c: {  	v20 =	vld [tilespmem:s23+$0x390];
	s23 =	smov.u32 s26;
	_ =	sdelay $0x4  }
0x36d: {  	v20 =	vmul.f32 v20, v21;
	_ =	sdelay $0x1  }
0x36e: {  	s28 =	sshra.s32 s28, $0x2;
	[tilespmem:v19+s19+$0x0] =	vst.idx.add.f32.msk $0xffff, v20  }
0x36f: {  	v19 =	vld [tilespmem:s28+$0x80];
	_ =	sdelay $0x4  }
0x370: {  	v19 =	vshll.u32 v19, $0x5;
	v20 =	vld [tilespmem:s26+$0xFFFFFC00]  }
0x371: {  	v30 =	vperm.xlane v19, v2;
	v31 =	vld [tilespmem:s24+$0xFFFFFF80];
	v32 =	vperm.xlane v19, v5  }
0x372: {  	v33 =	vperm.xlane v19, v6;
	v34 =	vperm.xlane v19, v7  }
0x373: {  	v35 =	vperm.xlane v19, v8;
	v29 =	vperm.xlane v19, v1;
	v21 =	vadd.s32 v3, v30  }
0x374: {  	v28 =	vperm.xlane v19, v9;
	v27 =	vperm.xlane v19, v10  }
0x375: {  	v26 =	vperm.xlane v19, v11;
	v25 =	vperm.xlane v19, v12  }
0x376: {  	v24 =	vperm.xlane v19, v13;
	v20 =	vmul.f32 v20, v31  }
0x377: {  	v23 =	vperm.xlane v19, v14;
	v22 =	vperm.xlane v19, v15  }
0x378: {  	[tilespmem:v21+s19+$0x0] =	vst.idx.add.f32.msk $0xffff, v20;
	v21 =	vperm.xlane v19, v16;
	v20 =	vperm.xlane v19, v17  }
0x379: {  	v19 =	vperm.xlane v19, v18;
	v36 =	vld [tilespmem:s26+$0xFFFFFC10];
	_ =	sdelay $0x1  }
0x37a: {  	v30 =	vadd.s32 v4, v30;
	_ =	sdelay $0x2  }
0x37b: {  	v31 =	vmul.f32 v36, v31;
	_ =	sdelay $0x1  }
0x37c: {  	[tilespmem:v30+s19+$0x0] =	vst.idx.add.f32.msk $0xffff, v31  }
0x37d: {  	v30 =	vld [tilespmem:s24+$0xFFFFFF90]  }
0x37e: {  	v31 =	vld [tilespmem:s26+$0xFFFFFC80]  }
0x37f: {  	v36 =	vadd.s32 v3, v32;
	_ =	sdelay $0x3  }
0x380: {  	v31 =	vmul.f32 v31, v30;
	_ =	sdelay $0x1  }
0x381: {  	[tilespmem:v36+s19+$0x0] =	vst.idx.add.f32.msk $0xffff, v31  }
0x382: {  	v31 =	vld [tilespmem:s26+$0xFFFFFC90]  }
0x383: {  	v32 =	vadd.s32 v4, v32;
	_ =	sdelay $0x3  }
0x384: {  	v30 =	vmul.f32 v31, v30;
	_ =	sdelay $0x1  }
0x385: {  	[tilespmem:v32+s19+$0x0] =	vst.idx.add.f32.msk $0xffff, v30  }
0x386: {  	v30 =	vld [tilespmem:s24+$0xFFFFFFA0]  }
0x387: {  	v32 =	vadd.s32 v3, v33;
	v31 =	vld [tilespmem:s26+$0xFFFFFD00];
	_ =	sdelay $0x4  }
0x388: {  	v31 =	vmul.f32 v31, v30;
	_ =	sdelay $0x1  }
0x389: {  	[tilespmem:v32+s19+$0x0] =	vst.idx.add.f32.msk $0xffff, v31  }
0x38a: {  	v32 =	vadd.s32 v4, v33;
	v31 =	vld [tilespmem:s26+$0xFFFFFD10];
	_ =	sdelay $0x4  }
0x38b: {  	v30 =	vmul.f32 v31, v30;
	_ =	sdelay $0x1  }
0x38c: {  	[tilespmem:v32+s19+$0x0] =	vst.idx.add.f32.msk $0xffff, v30  }
0x38d: {  	v31 =	vadd.s32 v3, v34;
	v30 =	vld [tilespmem:s24+$0xFFFFFFB0]  }
0x38e: {  	v32 =	vld [tilespmem:s26+$0xFFFFFD80];
	_ =	sdelay $0x4  }
0x38f: {  	v32 =	vmul.f32 v32, v30;
	_ =	sdelay $0x1  }
0x390: {  	[tilespmem:v31+s19+$0x0] =	vst.idx.add.f32.msk $0xffff, v32;
	v31 =	vadd.s32 v4, v34  }
0x391: {  	v32 =	vld [tilespmem:s26+$0xFFFFFD90];
	_ =	sdelay $0x4  }
0x392: {  	v30 =	vmul.f32 v32, v30;
	_ =	sdelay $0x1  }
0x393: {  	[tilespmem:v31+s19+$0x0] =	vst.idx.add.f32.msk $0xffff, v30;
	v30 =	vadd.s32 v3, v35  }
0x394: {  	v31 =	vld [tilespmem:s24+$0xFFFFFFC0]  }
0x395: {  	v32 =	vld [tilespmem:s26+$0xFFFFFE00];
	_ =	sdelay $0x4  }
0x396: {  	v32 =	vmul.f32 v32, v31  }
0x397: {  	v33 =	vadd.s32 v4, v35  }
0x398: {  	[tilespmem:v30+s19+$0x0] =	vst.idx.add.f32.msk $0xffff, v32  }
0x399: {  	v30 =	vld [tilespmem:s26+$0xFFFFFE10];
	_ =	sdelay $0x4  }
0x39a: {  	v30 =	vmul.f32 v30, v31  }
0x39b: {  	v31 =	vadd.s32 v3, v29  }
0x39c: {  	[tilespmem:v33+s19+$0x0] =	vst.idx.add.f32.msk $0xffff, v30  }
0x39d: {  	v30 =	vld [tilespmem:s24+$0xFFFFFFD0]  }
0x39e: {  	v32 =	vld [tilespmem:s26+$0xFFFFFE80];
	_ =	sdelay $0x4  }
0x39f: {  	v29 =	vadd.s32 v4, v29;
	v32 =	vmul.f32 v32, v30;
	_ =	sdelay $0x1  }
0x3a0: {  	[tilespmem:v31+s19+$0x0] =	vst.idx.add.f32.msk $0xffff, v32  }
0x3a1: {  	v31 =	vld [tilespmem:s26+$0xFFFFFE90];
	_ =	sdelay $0x4  }
0x3a2: {  	v30 =	vmul.f32 v31, v30;
	v31 =	vadd.s32 v3, v28;
	_ =	sdelay $0x1  }
0x3a3: {  	[tilespmem:v29+s19+$0x0] =	vst.idx.add.f32.msk $0xffff, v30  }
0x3a4: {  	v29 =	vld [tilespmem:s24+$0xFFFFFFE0]  }
0x3a5: {  	v30 =	vld [tilespmem:s26+$0xFFFFFF00];
	_ =	sdelay $0x3  }
0x3a6: {  	v28 =	vadd.s32 v4, v28  }
0x3a7: {  	v30 =	vmul.f32 v30, v29;
	_ =	sdelay $0x1  }
0x3a8: {  	[tilespmem:v31+s19+$0x0] =	vst.idx.add.f32.msk $0xffff, v30  }
0x3a9: {  	v30 =	vld [tilespmem:s26+$0xFFFFFF10];
	_ =	sdelay $0x3  }
0x3aa: {  	v31 =	vadd.s32 v3, v27  }
0x3ab: {  	v29 =	vmul.f32 v30, v29;
	_ =	sdelay $0x1  }
0x3ac: {  	[tilespmem:v28+s19+$0x0] =	vst.idx.add.f32.msk $0xffff, v29  }
0x3ad: {  	v28 =	vld [tilespmem:s24+$0xFFFFFFF0]  }
0x3ae: {  	v29 =	vld [tilespmem:s26+$0xFFFFFF80];
	_ =	sdelay $0x2  }
0x3af: {  	v27 =	vadd.s32 v4, v27;
	_ =	sdelay $0x1  }
0x3b0: {  	v29 =	vmul.f32 v29, v28;
	_ =	sdelay $0x1  }
0x3b1: {  	[tilespmem:v31+s19+$0x0] =	vst.idx.add.f32.msk $0xffff, v29  }
0x3b2: {  	v29 =	vld [tilespmem:s26+$0xFFFFFF90];
	_ =	sdelay $0x2  }
0x3b3: {  	v30 =	vadd.s32 v3, v26;
	_ =	sdelay $0x1  }
0x3b4: {  	v28 =	vmul.f32 v29, v28;
	_ =	sdelay $0x1  }
0x3b5: {  	[tilespmem:v27+s19+$0x0] =	vst.idx.add.f32.msk $0xffff, v28  }
0x3b6: {  	v27 =	vld [tilespmem:s24+$0x0]  }
0x3b7: {  	v28 =	vld [tilespmem:s26+$0x0];
	_ =	sdelay $0x1  }
0x3b8: {  	v26 =	vadd.s32 v4, v26;
	_ =	sdelay $0x2  }
0x3b9: {  	v28 =	vmul.f32 v28, v27;
	_ =	sdelay $0x1  }
0x3ba: {  	[tilespmem:v30+s19+$0x0] =	vst.idx.add.f32.msk $0xffff, v28  }
0x3bb: {  	v28 =	vld [tilespmem:s26+$0x10];
	_ =	sdelay $0x1  }
0x3bc: {  	v29 =	vadd.s32 v3, v25;
	_ =	sdelay $0x2  }
0x3bd: {  	v27 =	vmul.f32 v28, v27;
	_ =	sdelay $0x1  }
0x3be: {  	[tilespmem:v26+s19+$0x0] =	vst.idx.add.f32.msk $0xffff, v27  }
0x3bf: {  	v26 =	vld [tilespmem:s24+$0x10]  }
0x3c0: {  	v27 =	vld [tilespmem:s26+$0x80]  }
0x3c1: {  	v25 =	vadd.s32 v4, v25;
	_ =	sdelay $0x3  }
0x3c2: {  	v27 =	vmul.f32 v27, v26;
	_ =	sdelay $0x1  }
0x3c3: {  	[tilespmem:v29+s19+$0x0] =	vst.idx.add.f32.msk $0xffff, v27  }
0x3c4: {  	v27 =	vld [tilespmem:s26+$0x90]  }
0x3c5: {  	v28 =	vadd.s32 v3, v24;
	_ =	sdelay $0x3  }
0x3c6: {  	v26 =	vmul.f32 v27, v26;
	_ =	sdelay $0x1  }
0x3c7: {  	[tilespmem:v25+s19+$0x0] =	vst.idx.add.f32.msk $0xffff, v26  }
0x3c8: {  	v25 =	vld [tilespmem:s24+$0x20]  }
0x3c9: {  	v24 =	vadd.s32 v4, v24;
	v26 =	vld [tilespmem:s26+$0x100];
	_ =	sdelay $0x4  }
0x3ca: {  	v26 =	vmul.f32 v26, v25;
	_ =	sdelay $0x1  }
0x3cb: {  	[tilespmem:v28+s19+$0x0] =	vst.idx.add.f32.msk $0xffff, v26  }
0x3cc: {  	v27 =	vadd.s32 v3, v23;
	v26 =	vld [tilespmem:s26+$0x110];
	_ =	sdelay $0x4  }
0x3cd: {  	v25 =	vmul.f32 v26, v25;
	_ =	sdelay $0x1  }
0x3ce: {  	[tilespmem:v24+s19+$0x0] =	vst.idx.add.f32.msk $0xffff, v25  }
0x3cf: {  	v23 =	vadd.s32 v4, v23;
	v24 =	vld [tilespmem:s24+$0x30]  }
0x3d0: {  	v25 =	vld [tilespmem:s26+$0x180];
	_ =	sdelay $0x4  }
0x3d1: {  	v25 =	vmul.f32 v25, v24;
	_ =	sdelay $0x1  }
0x3d2: {  	[tilespmem:v27+s19+$0x0] =	vst.idx.add.f32.msk $0xffff, v25;
	v25 =	vadd.s32 v3, v22  }
0x3d3: {  	v26 =	vld [tilespmem:s26+$0x190];
	_ =	sdelay $0x4  }
0x3d4: {  	v24 =	vmul.f32 v26, v24;
	_ =	sdelay $0x1  }
0x3d5: {  	v22 =	vadd.s32 v4, v22;
	[tilespmem:v23+s19+$0x0] =	vst.idx.add.f32.msk $0xffff, v24  }
0x3d6: {  	v23 =	vld [tilespmem:s24+$0x40]  }
0x3d7: {  	v24 =	vld [tilespmem:s26+$0x200];
	_ =	sdelay $0x4  }
0x3d8: {  	v24 =	vmul.f32 v24, v23  }
0x3d9: {  	v26 =	vadd.s32 v3, v21  }
0x3da: {  	[tilespmem:v25+s19+$0x0] =	vst.idx.add.f32.msk $0xffff, v24  }
0x3db: {  	v24 =	vld [tilespmem:s26+$0x210];
	_ =	sdelay $0x4  }
0x3dc: {  	v23 =	vmul.f32 v24, v23  }
0x3dd: {  	v21 =	vadd.s32 v4, v21  }
0x3de: {  	[tilespmem:v22+s19+$0x0] =	vst.idx.add.f32.msk $0xffff, v23  }
0x3df: {  	v22 =	vld [tilespmem:s24+$0x50]  }
0x3e0: {  	v23 =	vld [tilespmem:s26+$0x280];
	_ =	sdelay $0x4  }
0x3e1: {  	v24 =	vadd.s32 v3, v20;
	v23 =	vmul.f32 v23, v22;
	_ =	sdelay $0x1  }
0x3e2: {  	[tilespmem:v26+s19+$0x0] =	vst.idx.add.f32.msk $0xffff, v23  }
0x3e3: {  	v23 =	vld [tilespmem:s26+$0x290];
	_ =	sdelay $0x4  }
0x3e4: {  	v22 =	vmul.f32 v23, v22;
	v23 =	vadd.s32 v4, v20;
	_ =	sdelay $0x1  }
0x3e5: {  	[tilespmem:v21+s19+$0x0] =	vst.idx.add.f32.msk $0xffff, v22  }
0x3e6: {  	v21 =	vld [tilespmem:s24+$0x60]  }
0x3e7: {  	v22 =	vld [tilespmem:s26+$0x300];
	_ =	sdelay $0x3  }
0x3e8: {  	v20 =	vadd.s32 v3, v19  }
0x3e9: {  	v22 =	vmul.f32 v22, v21;
	_ =	sdelay $0x1  }
0x3ea: {  	[tilespmem:v24+s19+$0x0] =	vst.idx.add.f32.msk $0xffff, v22  }
0x3eb: {  	v22 =	vld [tilespmem:s26+$0x310];
	_ =	sdelay $0x3  }
.Ltmp8:
0x3ec: {  	v19 =	vadd.s32 v4, v19;
	(pc) =	sbr.rel @p0 .LBB2_19-.Ltmp8, $3  }
0x3ed: {  	v21 =	vmul.f32 v22, v21;
	_ =	sdelay $0x1  }
0x3ee: {  	[tilespmem:v23+s19+$0x0] =	vst.idx.add.f32.msk $0xffff, v21  }
0x3ef: {  	v21 =	vld [tilespmem:s24+$0x70]  }
0x3f0: {  	v22 =	vld [tilespmem:s23+$0x380];
	_ =	sdelay $0x4  }
0x3f1: {  	v22 =	vmul.f32 v22, v21;
	_ =	sdelay $0x1  }
0x3f2: {  	[tilespmem:v20+s19+$0x0] =	vst.idx.add.f32.msk $0xffff, v22  }
0x3f3: {  	v20 =	vld [tilespmem:s23+$0x390]  }
0x3f4: {  	s22 =	sadd.s32 $0x1, s22  }
0x3f5: {  	p0 =	sne.s32 s22, $0x10  }
.Ltmp9:
0x3f6: {  	_ = 	snop;
	(pc) =	sbr.rel @p0 .LBB2_18-.Ltmp9, $3  }
0x3f7: {  	_ = 	snop  }
0x3f8: {  	v20 =	vmul.f32 v20, v21;
	_ =	sdelay $0x1  }
0x3f9: {  	[tilespmem:v19+s19+$0x0] =	vst.idx.add.f32.msk $0xffff, v20  }
0x3fa: {  	s22 =	simm.s32 $0x0  }
0x3fb: {  	[hbm4b:s10+s22] =	stream.linear.scatter [tilespmem:s19], [sflag:$0x2], $0x10000, $0x38;
	[tilespmem:$0x1C900] =	vst v63  }
0x3fc: {  	_ =	swait.ge [sflag:s14], $0x10000  }
0x3fd: {  	[sflag:s14] =	ssyncset.done $0x0  }
0x3fe: {  	s23 =	simm.s32 $0x40;
	s24 =	simm.s32 $0x0;
	[sflag:s14] =	ssyncadd.s32 $0xFFFF0000  }
.LBB2_22:
0x3ff: {  	p0 =	sne.s32 s23, $0x3FFC0;
	[tilespmem:s24+$0x4900] =	vst v0;
	s24 =	smov.u32 s23;
	s23 =	sadd.s32 $0x40, s23  }
.Ltmp10:
0x400: {  	(pc) =	sbr.rel @p0 .LBB2_22-.Ltmp10, $2  }
0x401: {  	_ =	sdelay $0x2  }
0x402: {  	s24 =	sshra.s32 s24, $0x2  }
0x403: {  	[tilespmem:s24+$0x4900] =	vst v0  }
.LBB2_24:
0x404: {  	s23 =	sshll.u32 s22, $0x7  }
0x405: {  	s23 =	sadd.s32 s7, s23  }
0x406: {  	s24 =	sshrl.u32 s23, $0x3  }
0x407: {  	s26 =	simm.s32 $0x0;
	s25 =	sadd.s32 s5, s24  }
0x408: {  	[tilespmem:s26], [sflag:$0x2] =	stream.linear.gather [hbm4b:s25+s26], $0x80, $0x38;
	[tilespmem:$0x1C900] =	vst v63  }
0x409: {  	_ =	swait.ge [sflag:s14], $0x80  }
0x40a: {  	[sflag:s14] =	ssyncset.done $0x0  }
0x40b: {  	s24 =	sadd.s32 s6, s24;
	[sflag:s14] =	ssyncadd.s32 $0xFFFFFF80  }
0x40c: {  	[tilespmem:s15], [sflag:$0x2] =	stream.linear.gather [hbm4b:s24+s26], $0x80, $0x38;
	[tilespmem:$0x1C900] =	vst v63  }
0x40d: {  	_ =	swait.ge [sflag:s14], $0x80  }
0x40e: {  	s23 =	sshll.u32 s23, $0x1;
	[sflag:s14] =	ssyncset.done $0x0  }
0x40f: {  	s23 =	sadd.s32 s1, s23;
	[sflag:s14] =	ssyncadd.s32 $0xFFFFFF80  }
0x410: {  	[tilespmem:s16], [sflag:$0x2] =	stream.linear.gather [hbm4b:s23+s26], $0x800, $0x38;
	[tilespmem:$0x1C900] =	vst v63  }
0x411: {  	_ =	swait.ge [sflag:s14], $0x800  }
0x412: {  	[sflag:s14] =	ssyncset.done $0x0  }
0x413: {  	[sflag:s14] =	ssyncadd.s32 $0xFFFFF800  }
0x414: {  	[tilespmem:s17], [sflag:$0x1] =	stream.indirect.gather [hbm4b:s4+s15], $0x80, s26, s15, $0xb8;
	[tilespmem:$0x1C900] =	vst v63  }
0x415: {  	_ =	swait.ge [sflag:s18], $0x4000  }
0x416: {  	[sflag:s18] =	ssyncset.done $0x0  }
0x417: {  	s31 =	simm.s32 $0x0;
	[sflag:s18] =	ssyncadd.s32 $0xFFFFC000  }
0x418: {  	v19 =	vld [tilespmem:s31+$0x80];
	_ =	sdelay $0x3  }
0x419: {  	s23 =	simm.s32 $0xD60  }
0x41a: {  	s24 =	simm.s32 $0x180;
	v20 =	vld [tilespmem:s23+$0xFFFFFC00];
	v19 =	vshll.u32 v19, $0x5  }
0x41b: {  	v22 =	vld [tilespmem:s24+$0xFFFFFF80];
	v21 =	vperm.xlane v19, v2;
	_ =	sdelay $0x1  }
0x41c: {  	v23 =	vadd.s32 v3, v21;
	_ =	sdelay $0x2  }
0x41d: {  	v20 =	vmul.f32 v20, v22;
	_ =	sdelay $0x1  }
0x41e: {  	[tilespmem:v23+s19+$0x0] =	vst.idx.add.f32.msk $0xffff, v20  }
0x41f: {  	v20 =	vld [tilespmem:s23+$0xFFFFFC10];
	_ =	sdelay $0x1  }
0x420: {  	v21 =	vadd.s32 v4, v21;
	_ =	sdelay $0x2  }
0x421: {  	v20 =	vmul.f32 v20, v22;
	_ =	sdelay $0x1  }
0x422: {  	[tilespmem:v21+s19+$0x0] =	vst.idx.add.f32.msk $0xffff, v20  }
0x423: {  	v20 =	vld [tilespmem:s24+$0xFFFFFF90]  }
0x424: {  	v21 =	vperm.xlane v19, v5;
	v22 =	vld [tilespmem:s23+$0xFFFFFC80];
	_ =	sdelay $0x1  }
0x425: {  	v23 =	vadd.s32 v3, v21;
	_ =	sdelay $0x2  }
0x426: {  	v22 =	vmul.f32 v22, v20;
	_ =	sdelay $0x1  }
0x427: {  	[tilespmem:v23+s19+$0x0] =	vst.idx.add.f32.msk $0xffff, v22  }
0x428: {  	v22 =	vld [tilespmem:s23+$0xFFFFFC90];
	_ =	sdelay $0x1  }
0x429: {  	v21 =	vadd.s32 v4, v21;
	_ =	sdelay $0x2  }
0x42a: {  	v20 =	vmul.f32 v22, v20;
	_ =	sdelay $0x1  }
0x42b: {  	[tilespmem:v21+s19+$0x0] =	vst.idx.add.f32.msk $0xffff, v20  }
0x42c: {  	v20 =	vld [tilespmem:s24+$0xFFFFFFA0]  }
0x42d: {  	v21 =	vperm.xlane v19, v6;
	v22 =	vld [tilespmem:s23+$0xFFFFFD00];
	_ =	sdelay $0x1  }
0x42e: {  	v23 =	vadd.s32 v3, v21;
	_ =	sdelay $0x2  }
0x42f: {  	v22 =	vmul.f32 v22, v20;
	_ =	sdelay $0x1  }
0x430: {  	[tilespmem:v23+s19+$0x0] =	vst.idx.add.f32.msk $0xffff, v22  }
0x431: {  	v22 =	vld [tilespmem:s23+$0xFFFFFD10];
	_ =	sdelay $0x1  }
0x432: {  	v21 =	vadd.s32 v4, v21;
	_ =	sdelay $0x2  }
0x433: {  	v20 =	vmul.f32 v22, v20;
	_ =	sdelay $0x1  }
0x434: {  	[tilespmem:v21+s19+$0x0] =	vst.idx.add.f32.msk $0xffff, v20  }
0x435: {  	v20 =	vld [tilespmem:s24+$0xFFFFFFB0]  }
0x436: {  	v21 =	vperm.xlane v19, v7;
	v22 =	vld [tilespmem:s23+$0xFFFFFD80];
	_ =	sdelay $0x1  }
0x437: {  	v23 =	vadd.s32 v3, v21;
	_ =	sdelay $0x2  }
0x438: {  	v22 =	vmul.f32 v22, v20;
	_ =	sdelay $0x1  }
0x439: {  	[tilespmem:v23+s19+$0x0] =	vst.idx.add.f32.msk $0xffff, v22  }
0x43a: {  	v22 =	vld [tilespmem:s23+$0xFFFFFD90];
	_ =	sdelay $0x1  }
0x43b: {  	v21 =	vadd.s32 v4, v21;
	_ =	sdelay $0x2  }
0x43c: {  	v20 =	vmul.f32 v22, v20;
	_ =	sdelay $0x1  }
0x43d: {  	[tilespmem:v21+s19+$0x0] =	vst.idx.add.f32.msk $0xffff, v20  }
0x43e: {  	v20 =	vld [tilespmem:s24+$0xFFFFFFC0]  }
0x43f: {  	v21 =	vperm.xlane v19, v8;
	v22 =	vld [tilespmem:s23+$0xFFFFFE00];
	_ =	sdelay $0x1  }
0x440: {  	v23 =	vadd.s32 v3, v21;
	_ =	sdelay $0x2  }
0x441: {  	v22 =	vmul.f32 v22, v20;
	_ =	sdelay $0x1  }
0x442: {  	[tilespmem:v23+s19+$0x0] =	vst.idx.add.f32.msk $0xffff, v22  }
0x443: {  	v22 =	vld [tilespmem:s23+$0xFFFFFE10];
	_ =	sdelay $0x1  }
0x444: {  	v21 =	vadd.s32 v4, v21;
	_ =	sdelay $0x2  }
0x445: {  	v20 =	vmul.f32 v22, v20;
	_ =	sdelay $0x1  }
0x446: {  	[tilespmem:v21+s19+$0x0] =	vst.idx.add.f32.msk $0xffff, v20  }
0x447: {  	v20 =	vld [tilespmem:s24+$0xFFFFFFD0]  }
0x448: {  	v21 =	vperm.xlane v19, v1;
	v22 =	vld [tilespmem:s23+$0xFFFFFE80];
	_ =	sdelay $0x1  }
0x449: {  	v23 =	vadd.s32 v3, v21;
	_ =	sdelay $0x2  }
0x44a: {  	v22 =	vmul.f32 v22, v20;
	_ =	sdelay $0x1  }
0x44b: {  	[tilespmem:v23+s19+$0x0] =	vst.idx.add.f32.msk $0xffff, v22  }
0x44c: {  	v22 =	vld [tilespmem:s23+$0xFFFFFE90];
	_ =	sdelay $0x1  }
0x44d: {  	v21 =	vadd.s32 v4, v21;
	_ =	sdelay $0x2  }
0x44e: {  	v20 =	vmul.f32 v22, v20;
	_ =	sdelay $0x1  }
0x44f: {  	[tilespmem:v21+s19+$0x0] =	vst.idx.add.f32.msk $0xffff, v20  }
0x450: {  	v20 =	vld [tilespmem:s24+$0xFFFFFFE0]  }
0x451: {  	v21 =	vperm.xlane v19, v9;
	v22 =	vld [tilespmem:s23+$0xFFFFFF00];
	_ =	sdelay $0x1  }
0x452: {  	v23 =	vadd.s32 v3, v21;
	_ =	sdelay $0x2  }
0x453: {  	v22 =	vmul.f32 v22, v20;
	_ =	sdelay $0x1  }
0x454: {  	[tilespmem:v23+s19+$0x0] =	vst.idx.add.f32.msk $0xffff, v22  }
0x455: {  	v22 =	vld [tilespmem:s23+$0xFFFFFF10];
	_ =	sdelay $0x1  }
0x456: {  	v21 =	vadd.s32 v4, v21;
	_ =	sdelay $0x2  }
0x457: {  	v20 =	vmul.f32 v22, v20;
	_ =	sdelay $0x1  }
0x458: {  	[tilespmem:v21+s19+$0x0] =	vst.idx.add.f32.msk $0xffff, v20  }
0x459: {  	v20 =	vld [tilespmem:s24+$0xFFFFFFF0]  }
0x45a: {  	v21 =	vperm.xlane v19, v10;
	v22 =	vld [tilespmem:s23+$0xFFFFFF80];
	_ =	sdelay $0x1  }
0x45b: {  	v23 =	vadd.s32 v3, v21;
	_ =	sdelay $0x2  }
0x45c: {  	v22 =	vmul.f32 v22, v20;
	_ =	sdelay $0x1  }
0x45d: {  	[tilespmem:v23+s19+$0x0] =	vst.idx.add.f32.msk $0xffff, v22  }
0x45e: {  	v22 =	vld [tilespmem:s23+$0xFFFFFF90];
	_ =	sdelay $0x1  }
0x45f: {  	v21 =	vadd.s32 v4, v21;
	_ =	sdelay $0x2  }
0x460: {  	v20 =	vmul.f32 v22, v20;
	_ =	sdelay $0x1  }
0x461: {  	[tilespmem:v21+s19+$0x0] =	vst.idx.add.f32.msk $0xffff, v20  }
0x462: {  	v20 =	vld [tilespmem:s24+$0x0]  }
0x463: {  	v21 =	vperm.xlane v19, v11;
	v22 =	vld [tilespmem:s23+$0x0];
	_ =	sdelay $0x1  }
0x464: {  	v23 =	vadd.s32 v3, v21;
	_ =	sdelay $0x2  }
0x465: {  	v22 =	vmul.f32 v22, v20;
	_ =	sdelay $0x1  }
0x466: {  	[tilespmem:v23+s19+$0x0] =	vst.idx.add.f32.msk $0xffff, v22  }
0x467: {  	v22 =	vld [tilespmem:s23+$0x10];
	_ =	sdelay $0x1  }
0x468: {  	v21 =	vadd.s32 v4, v21;
	_ =	sdelay $0x2  }
0x469: {  	v20 =	vmul.f32 v22, v20;
	_ =	sdelay $0x1  }
0x46a: {  	[tilespmem:v21+s19+$0x0] =	vst.idx.add.f32.msk $0xffff, v20  }
0x46b: {  	v20 =	vld [tilespmem:s24+$0x10]  }
0x46c: {  	v21 =	vperm.xlane v19, v12;
	v22 =	vld [tilespmem:s23+$0x80];
	_ =	sdelay $0x1  }
0x46d: {  	v23 =	vadd.s32 v3, v21;
	_ =	sdelay $0x2  }
0x46e: {  	v22 =	vmul.f32 v22, v20;
	_ =	sdelay $0x1  }
0x46f: {  	[tilespmem:v23+s19+$0x0] =	vst.idx.add.f32.msk $0xffff, v22  }
0x470: {  	v22 =	vld [tilespmem:s23+$0x90];
	_ =	sdelay $0x1  }
0x471: {  	v21 =	vadd.s32 v4, v21;
	_ =	sdelay $0x2  }
0x472: {  	v20 =	vmul.f32 v22, v20;
	_ =	sdelay $0x1  }
0x473: {  	[tilespmem:v21+s19+$0x0] =	vst.idx.add.f32.msk $0xffff, v20  }
0x474: {  	v20 =	vld [tilespmem:s24+$0x20]  }
0x475: {  	v21 =	vperm.xlane v19, v13;
	v22 =	vld [tilespmem:s23+$0x100];
	_ =	sdelay $0x1  }
0x476: {  	v23 =	vadd.s32 v3, v21;
	_ =	sdelay $0x2  }
0x477: {  	v22 =	vmul.f32 v22, v20;
	_ =	sdelay $0x1  }
0x478: {  	[tilespmem:v23+s19+$0x0] =	vst.idx.add.f32.msk $0xffff, v22  }
0x479: {  	v22 =	vld [tilespmem:s23+$0x110];
	_ =	sdelay $0x1  }
0x47a: {  	v21 =	vadd.s32 v4, v21;
	_ =	sdelay $0x2  }
0x47b: {  	v20 =	vmul.f32 v22, v20;
	_ =	sdelay $0x1  }
0x47c: {  	[tilespmem:v21+s19+$0x0] =	vst.idx.add.f32.msk $0xffff, v20  }
0x47d: {  	v20 =	vld [tilespmem:s24+$0x30]  }
0x47e: {  	v21 =	vperm.xlane v19, v14;
	v22 =	vld [tilespmem:s23+$0x180];
	_ =	sdelay $0x1  }
0x47f: {  	v23 =	vadd.s32 v3, v21;
	_ =	sdelay $0x2  }
0x480: {  	v22 =	vmul.f32 v22, v20;
	_ =	sdelay $0x1  }
0x481: {  	[tilespmem:v23+s19+$0x0] =	vst.idx.add.f32.msk $0xffff, v22  }
0x482: {  	v22 =	vld [tilespmem:s23+$0x190];
	_ =	sdelay $0x1  }
0x483: {  	v21 =	vadd.s32 v4, v21;
	_ =	sdelay $0x2  }
0x484: {  	v20 =	vmul.f32 v22, v20;
	_ =	sdelay $0x1  }
0x485: {  	[tilespmem:v21+s19+$0x0] =	vst.idx.add.f32.msk $0xffff, v20  }
0x486: {  	v20 =	vld [tilespmem:s24+$0x40]  }
0x487: {  	v21 =	vperm.xlane v19, v15;
	v22 =	vld [tilespmem:s23+$0x200];
	_ =	sdelay $0x1  }
0x488: {  	v23 =	vadd.s32 v3, v21;
	_ =	sdelay $0x2  }
0x489: {  	v22 =	vmul.f32 v22, v20;
	_ =	sdelay $0x1  }
0x48a: {  	[tilespmem:v23+s19+$0x0] =	vst.idx.add.f32.msk $0xffff, v22  }
0x48b: {  	v22 =	vld [tilespmem:s23+$0x210];
	_ =	sdelay $0x1  }
0x48c: {  	v21 =	vadd.s32 v4, v21;
	_ =	sdelay $0x2  }
0x48d: {  	v20 =	vmul.f32 v22, v20;
	_ =	sdelay $0x1  }
0x48e: {  	[tilespmem:v21+s19+$0x0] =	vst.idx.add.f32.msk $0xffff, v20  }
0x48f: {  	v20 =	vld [tilespmem:s24+$0x50]  }
0x490: {  	v21 =	vperm.xlane v19, v16;
	v22 =	vld [tilespmem:s23+$0x280];
	_ =	sdelay $0x1  }
0x491: {  	v23 =	vadd.s32 v3, v21;
	_ =	sdelay $0x2  }
0x492: {  	v22 =	vmul.f32 v22, v20;
	_ =	sdelay $0x1  }
0x493: {  	[tilespmem:v23+s19+$0x0] =	vst.idx.add.f32.msk $0xffff, v22  }
0x494: {  	v22 =	vld [tilespmem:s23+$0x290];
	_ =	sdelay $0x1  }
0x495: {  	v21 =	vadd.s32 v4, v21;
	_ =	sdelay $0x2  }
0x496: {  	v20 =	vmul.f32 v22, v20;
	_ =	sdelay $0x1  }
0x497: {  	[tilespmem:v21+s19+$0x0] =	vst.idx.add.f32.msk $0xffff, v20  }
0x498: {  	v20 =	vld [tilespmem:s24+$0x60]  }
0x499: {  	v21 =	vperm.xlane v19, v17;
	v22 =	vld [tilespmem:s23+$0x300];
	_ =	sdelay $0x1  }
0x49a: {  	v23 =	vadd.s32 v3, v21;
	_ =	sdelay $0x2  }
0x49b: {  	v22 =	vmul.f32 v22, v20;
	_ =	sdelay $0x1  }
0x49c: {  	[tilespmem:v23+s19+$0x0] =	vst.idx.add.f32.msk $0xffff, v22  }
0x49d: {  	v22 =	vld [tilespmem:s23+$0x310];
	_ =	sdelay $0x1  }
0x49e: {  	v21 =	vadd.s32 v4, v21;
	_ =	sdelay $0x2  }
0x49f: {  	v20 =	vmul.f32 v22, v20  }
0x4a0: {  	v19 =	vperm.xlane v19, v18  }
0x4a1: {  	[tilespmem:v21+s19+$0x0] =	vst.idx.add.f32.msk $0xffff, v20  }
0x4a2: {  	s25 =	simm.s32 $0x40;
	s26 =	simm.s32 $0xD60;
	v20 =	vadd.s32 v3, v19;
	v19 =	vadd.s32 v4, v19;
	v21 =	vld [tilespmem:s24+$0x70]  }
.LBB2_25:
0x4a3: {  	p0 =	sne.s32 s25, $0x1C0;
	v22 =	vld [tilespmem:s23+$0x380];
	s26 =	sadd.s32 $0x800, s26;
	s24 =	sadd.s32 $0x100, s24  }
0x4a4: {  	s28 =	smov.u32 s25;
	s25 =	sadd.s32 $0x40, s25;
	_ =	sdelay $0x3  }
0x4a5: {  	v22 =	vmul.f32 v22, v21;
	_ =	sdelay $0x1  }
0x4a6: {  	[tilespmem:v20+s19+$0x0] =	vst.idx.add.f32.msk $0xffff, v22  }
0x4a7: {  	v20 =	vld [tilespmem:s23+$0x390];
	s23 =	smov.u32 s26;
	_ =	sdelay $0x4  }
0x4a8: {  	v20 =	vmul.f32 v20, v21;
	_ =	sdelay $0x1  }
0x4a9: {  	s28 =	sshra.s32 s28, $0x2;
	[tilespmem:v19+s19+$0x0] =	vst.idx.add.f32.msk $0xffff, v20  }
0x4aa: {  	v19 =	vld [tilespmem:s28+$0x80];
	_ =	sdelay $0x4  }
0x4ab: {  	v19 =	vshll.u32 v19, $0x5;
	v20 =	vld [tilespmem:s26+$0xFFFFFC00]  }
0x4ac: {  	v30 =	vperm.xlane v19, v2;
	v31 =	vld [tilespmem:s24+$0xFFFFFF80];
	v32 =	vperm.xlane v19, v5  }
0x4ad: {  	v33 =	vperm.xlane v19, v6;
	v34 =	vperm.xlane v19, v7  }
0x4ae: {  	v35 =	vperm.xlane v19, v8;
	v29 =	vperm.xlane v19, v1;
	v21 =	vadd.s32 v3, v30  }
0x4af: {  	v28 =	vperm.xlane v19, v9;
	v27 =	vperm.xlane v19, v10  }
0x4b0: {  	v26 =	vperm.xlane v19, v11;
	v25 =	vperm.xlane v19, v12  }
0x4b1: {  	v24 =	vperm.xlane v19, v13;
	v20 =	vmul.f32 v20, v31  }
0x4b2: {  	v23 =	vperm.xlane v19, v14;
	v22 =	vperm.xlane v19, v15  }
0x4b3: {  	[tilespmem:v21+s19+$0x0] =	vst.idx.add.f32.msk $0xffff, v20;
	v21 =	vperm.xlane v19, v16;
	v20 =	vperm.xlane v19, v17  }
0x4b4: {  	v19 =	vperm.xlane v19, v18;
	v36 =	vld [tilespmem:s26+$0xFFFFFC10];
	_ =	sdelay $0x1  }
0x4b5: {  	v30 =	vadd.s32 v4, v30;
	_ =	sdelay $0x2  }
0x4b6: {  	v31 =	vmul.f32 v36, v31;
	_ =	sdelay $0x1  }
0x4b7: {  	[tilespmem:v30+s19+$0x0] =	vst.idx.add.f32.msk $0xffff, v31  }
0x4b8: {  	v30 =	vld [tilespmem:s24+$0xFFFFFF90]  }
0x4b9: {  	v31 =	vld [tilespmem:s26+$0xFFFFFC80]  }
0x4ba: {  	v36 =	vadd.s32 v3, v32;
	_ =	sdelay $0x3  }
0x4bb: {  	v31 =	vmul.f32 v31, v30;
	_ =	sdelay $0x1  }
0x4bc: {  	[tilespmem:v36+s19+$0x0] =	vst.idx.add.f32.msk $0xffff, v31  }
0x4bd: {  	v31 =	vld [tilespmem:s26+$0xFFFFFC90]  }
0x4be: {  	v32 =	vadd.s32 v4, v32;
	_ =	sdelay $0x3  }
0x4bf: {  	v30 =	vmul.f32 v31, v30;
	_ =	sdelay $0x1  }
0x4c0: {  	[tilespmem:v32+s19+$0x0] =	vst.idx.add.f32.msk $0xffff, v30  }
0x4c1: {  	v30 =	vld [tilespmem:s24+$0xFFFFFFA0]  }
0x4c2: {  	v32 =	vadd.s32 v3, v33;
	v31 =	vld [tilespmem:s26+$0xFFFFFD00];
	_ =	sdelay $0x4  }
0x4c3: {  	v31 =	vmul.f32 v31, v30;
	_ =	sdelay $0x1  }
0x4c4: {  	[tilespmem:v32+s19+$0x0] =	vst.idx.add.f32.msk $0xffff, v31  }
0x4c5: {  	v32 =	vadd.s32 v4, v33;
	v31 =	vld [tilespmem:s26+$0xFFFFFD10];
	_ =	sdelay $0x4  }
0x4c6: {  	v30 =	vmul.f32 v31, v30;
	_ =	sdelay $0x1  }
0x4c7: {  	[tilespmem:v32+s19+$0x0] =	vst.idx.add.f32.msk $0xffff, v30  }
0x4c8: {  	v31 =	vadd.s32 v3, v34;
	v30 =	vld [tilespmem:s24+$0xFFFFFFB0]  }
0x4c9: {  	v32 =	vld [tilespmem:s26+$0xFFFFFD80];
	_ =	sdelay $0x4  }
0x4ca: {  	v32 =	vmul.f32 v32, v30;
	_ =	sdelay $0x1  }
0x4cb: {  	[tilespmem:v31+s19+$0x0] =	vst.idx.add.f32.msk $0xffff, v32;
	v31 =	vadd.s32 v4, v34  }
0x4cc: {  	v32 =	vld [tilespmem:s26+$0xFFFFFD90];
	_ =	sdelay $0x4  }
0x4cd: {  	v30 =	vmul.f32 v32, v30;
	_ =	sdelay $0x1  }
0x4ce: {  	[tilespmem:v31+s19+$0x0] =	vst.idx.add.f32.msk $0xffff, v30;
	v30 =	vadd.s32 v3, v35  }
0x4cf: {  	v31 =	vld [tilespmem:s24+$0xFFFFFFC0]  }
0x4d0: {  	v32 =	vld [tilespmem:s26+$0xFFFFFE00];
	_ =	sdelay $0x4  }
0x4d1: {  	v32 =	vmul.f32 v32, v31  }
0x4d2: {  	v33 =	vadd.s32 v4, v35  }
0x4d3: {  	[tilespmem:v30+s19+$0x0] =	vst.idx.add.f32.msk $0xffff, v32  }
0x4d4: {  	v30 =	vld [tilespmem:s26+$0xFFFFFE10];
	_ =	sdelay $0x4  }
0x4d5: {  	v30 =	vmul.f32 v30, v31  }
0x4d6: {  	v31 =	vadd.s32 v3, v29  }
0x4d7: {  	[tilespmem:v33+s19+$0x0] =	vst.idx.add.f32.msk $0xffff, v30  }
0x4d8: {  	v30 =	vld [tilespmem:s24+$0xFFFFFFD0]  }
0x4d9: {  	v32 =	vld [tilespmem:s26+$0xFFFFFE80];
	_ =	sdelay $0x4  }
0x4da: {  	v29 =	vadd.s32 v4, v29;
	v32 =	vmul.f32 v32, v30;
	_ =	sdelay $0x1  }
0x4db: {  	[tilespmem:v31+s19+$0x0] =	vst.idx.add.f32.msk $0xffff, v32  }
0x4dc: {  	v31 =	vld [tilespmem:s26+$0xFFFFFE90];
	_ =	sdelay $0x4  }
0x4dd: {  	v30 =	vmul.f32 v31, v30;
	v31 =	vadd.s32 v3, v28;
	_ =	sdelay $0x1  }
0x4de: {  	[tilespmem:v29+s19+$0x0] =	vst.idx.add.f32.msk $0xffff, v30  }
0x4df: {  	v29 =	vld [tilespmem:s24+$0xFFFFFFE0]  }
0x4e0: {  	v30 =	vld [tilespmem:s26+$0xFFFFFF00];
	_ =	sdelay $0x3  }
0x4e1: {  	v28 =	vadd.s32 v4, v28  }
0x4e2: {  	v30 =	vmul.f32 v30, v29;
	_ =	sdelay $0x1  }
0x4e3: {  	[tilespmem:v31+s19+$0x0] =	vst.idx.add.f32.msk $0xffff, v30  }
0x4e4: {  	v30 =	vld [tilespmem:s26+$0xFFFFFF10];
	_ =	sdelay $0x3  }
0x4e5: {  	v31 =	vadd.s32 v3, v27  }
0x4e6: {  	v29 =	vmul.f32 v30, v29;
	_ =	sdelay $0x1  }
0x4e7: {  	[tilespmem:v28+s19+$0x0] =	vst.idx.add.f32.msk $0xffff, v29  }
0x4e8: {  	v28 =	vld [tilespmem:s24+$0xFFFFFFF0]  }
0x4e9: {  	v29 =	vld [tilespmem:s26+$0xFFFFFF80];
	_ =	sdelay $0x2  }
0x4ea: {  	v27 =	vadd.s32 v4, v27;
	_ =	sdelay $0x1  }
0x4eb: {  	v29 =	vmul.f32 v29, v28;
	_ =	sdelay $0x1  }
0x4ec: {  	[tilespmem:v31+s19+$0x0] =	vst.idx.add.f32.msk $0xffff, v29  }
0x4ed: {  	v29 =	vld [tilespmem:s26+$0xFFFFFF90];
	_ =	sdelay $0x2  }
0x4ee: {  	v30 =	vadd.s32 v3, v26;
	_ =	sdelay $0x1  }
0x4ef: {  	v28 =	vmul.f32 v29, v28;
	_ =	sdelay $0x1  }
0x4f0: {  	[tilespmem:v27+s19+$0x0] =	vst.idx.add.f32.msk $0xffff, v28  }
0x4f1: {  	v27 =	vld [tilespmem:s24+$0x0]  }
0x4f2: {  	v28 =	vld [tilespmem:s26+$0x0];
	_ =	sdelay $0x1  }
0x4f3: {  	v26 =	vadd.s32 v4, v26;
	_ =	sdelay $0x2  }
0x4f4: {  	v28 =	vmul.f32 v28, v27;
	_ =	sdelay $0x1  }
0x4f5: {  	[tilespmem:v30+s19+$0x0] =	vst.idx.add.f32.msk $0xffff, v28  }
0x4f6: {  	v28 =	vld [tilespmem:s26+$0x10];
	_ =	sdelay $0x1  }
0x4f7: {  	v29 =	vadd.s32 v3, v25;
	_ =	sdelay $0x2  }
0x4f8: {  	v27 =	vmul.f32 v28, v27;
	_ =	sdelay $0x1  }
0x4f9: {  	[tilespmem:v26+s19+$0x0] =	vst.idx.add.f32.msk $0xffff, v27  }
0x4fa: {  	v26 =	vld [tilespmem:s24+$0x10]  }
0x4fb: {  	v27 =	vld [tilespmem:s26+$0x80]  }
0x4fc: {  	v25 =	vadd.s32 v4, v25;
	_ =	sdelay $0x3  }
0x4fd: {  	v27 =	vmul.f32 v27, v26;
	_ =	sdelay $0x1  }
0x4fe: {  	[tilespmem:v29+s19+$0x0] =	vst.idx.add.f32.msk $0xffff, v27  }
0x4ff: {  	v27 =	vld [tilespmem:s26+$0x90]  }
0x500: {  	v28 =	vadd.s32 v3, v24;
	_ =	sdelay $0x3  }
0x501: {  	v26 =	vmul.f32 v27, v26;
	_ =	sdelay $0x1  }
0x502: {  	[tilespmem:v25+s19+$0x0] =	vst.idx.add.f32.msk $0xffff, v26  }
0x503: {  	v25 =	vld [tilespmem:s24+$0x20]  }
0x504: {  	v24 =	vadd.s32 v4, v24;
	v26 =	vld [tilespmem:s26+$0x100];
	_ =	sdelay $0x4  }
0x505: {  	v26 =	vmul.f32 v26, v25;
	_ =	sdelay $0x1  }
0x506: {  	[tilespmem:v28+s19+$0x0] =	vst.idx.add.f32.msk $0xffff, v26  }
0x507: {  	v27 =	vadd.s32 v3, v23;
	v26 =	vld [tilespmem:s26+$0x110];
	_ =	sdelay $0x4  }
0x508: {  	v25 =	vmul.f32 v26, v25;
	_ =	sdelay $0x1  }
0x509: {  	[tilespmem:v24+s19+$0x0] =	vst.idx.add.f32.msk $0xffff, v25  }
0x50a: {  	v23 =	vadd.s32 v4, v23;
	v24 =	vld [tilespmem:s24+$0x30]  }
0x50b: {  	v25 =	vld [tilespmem:s26+$0x180];
	_ =	sdelay $0x4  }
0x50c: {  	v25 =	vmul.f32 v25, v24;
	_ =	sdelay $0x1  }
0x50d: {  	[tilespmem:v27+s19+$0x0] =	vst.idx.add.f32.msk $0xffff, v25;
	v25 =	vadd.s32 v3, v22  }
0x50e: {  	v26 =	vld [tilespmem:s26+$0x190];
	_ =	sdelay $0x4  }
0x50f: {  	v24 =	vmul.f32 v26, v24;
	_ =	sdelay $0x1  }
0x510: {  	v22 =	vadd.s32 v4, v22;
	[tilespmem:v23+s19+$0x0] =	vst.idx.add.f32.msk $0xffff, v24  }
0x511: {  	v23 =	vld [tilespmem:s24+$0x40]  }
0x512: {  	v24 =	vld [tilespmem:s26+$0x200];
	_ =	sdelay $0x4  }
0x513: {  	v24 =	vmul.f32 v24, v23  }
0x514: {  	v26 =	vadd.s32 v3, v21  }
0x515: {  	[tilespmem:v25+s19+$0x0] =	vst.idx.add.f32.msk $0xffff, v24  }
0x516: {  	v24 =	vld [tilespmem:s26+$0x210];
	_ =	sdelay $0x4  }
0x517: {  	v23 =	vmul.f32 v24, v23  }
0x518: {  	v21 =	vadd.s32 v4, v21  }
0x519: {  	[tilespmem:v22+s19+$0x0] =	vst.idx.add.f32.msk $0xffff, v23  }
0x51a: {  	v22 =	vld [tilespmem:s24+$0x50]  }
0x51b: {  	v23 =	vld [tilespmem:s26+$0x280];
	_ =	sdelay $0x4  }
0x51c: {  	v24 =	vadd.s32 v3, v20;
	v23 =	vmul.f32 v23, v22;
	_ =	sdelay $0x1  }
0x51d: {  	[tilespmem:v26+s19+$0x0] =	vst.idx.add.f32.msk $0xffff, v23  }
0x51e: {  	v23 =	vld [tilespmem:s26+$0x290];
	_ =	sdelay $0x4  }
0x51f: {  	v22 =	vmul.f32 v23, v22;
	v23 =	vadd.s32 v4, v20;
	_ =	sdelay $0x1  }
0x520: {  	[tilespmem:v21+s19+$0x0] =	vst.idx.add.f32.msk $0xffff, v22  }
0x521: {  	v21 =	vld [tilespmem:s24+$0x60]  }
0x522: {  	v22 =	vld [tilespmem:s26+$0x300];
	_ =	sdelay $0x3  }
0x523: {  	v20 =	vadd.s32 v3, v19  }
0x524: {  	v22 =	vmul.f32 v22, v21;
	_ =	sdelay $0x1  }
0x525: {  	[tilespmem:v24+s19+$0x0] =	vst.idx.add.f32.msk $0xffff, v22  }
0x526: {  	v22 =	vld [tilespmem:s26+$0x310];
	_ =	sdelay $0x3  }
.Ltmp11:
0x527: {  	v19 =	vadd.s32 v4, v19;
	(pc) =	sbr.rel @p0 .LBB2_25-.Ltmp11, $3  }
0x528: {  	v21 =	vmul.f32 v22, v21;
	_ =	sdelay $0x1  }
0x529: {  	[tilespmem:v23+s19+$0x0] =	vst.idx.add.f32.msk $0xffff, v21  }
0x52a: {  	v21 =	vld [tilespmem:s24+$0x70]  }
0x52b: {  	v22 =	vld [tilespmem:s23+$0x380];
	_ =	sdelay $0x4  }
0x52c: {  	v22 =	vmul.f32 v22, v21;
	_ =	sdelay $0x1  }
0x52d: {  	[tilespmem:v20+s19+$0x0] =	vst.idx.add.f32.msk $0xffff, v22  }
0x52e: {  	v20 =	vld [tilespmem:s23+$0x390]  }
0x52f: {  	s22 =	sadd.s32 $0x1, s22  }
0x530: {  	p0 =	sne.s32 s22, $0x10  }
.Ltmp12:
0x531: {  	_ = 	snop;
	(pc) =	sbr.rel @p0 .LBB2_24-.Ltmp12, $3  }
0x532: {  	_ = 	snop  }
0x533: {  	v20 =	vmul.f32 v20, v21;
	_ =	sdelay $0x1  }
0x534: {  	[tilespmem:v19+s19+$0x0] =	vst.idx.add.f32.msk $0xffff, v20  }
0x535: {  	[hbm4b:s11+s2] =	stream.linear.scatter [tilespmem:s19], [sflag:$0x2], $0x10000, $0x38;
	[tilespmem:$0x1C900] =	vst v63  }
0x536: {  	s21 =	sadd.s32 $0x1, s21;
	_ =	swait.ge [sflag:s14], $0x10000  }
0x537: {  	p0 =	sne.s32 s21, s13;
	[sflag:s14] =	ssyncset.done $0x0  }
.Ltmp13:
0x538: {  	[sflag:s14] =	ssyncadd.s32 $0xFFFF0000;
	(pc) =	sbr.rel @p0 .LBB2_1-.Ltmp13, $4  }
0x539: {  	[hbm4b:s12+s2] =	stream.linear.scatter [tilespmem:s20], [sflag:$0x2], $0x8000, $0x38;
	[tilespmem:$0x1C900] =	vst v63  }
0x53a: {  	_ =	swait.ge [sflag:s14], $0x8000  }
0x53b: {  	[sflag:s14] =	ssyncset.done $0x0  }
0x53c: {  	[sflag:s14] =	ssyncadd.s32 $0xFFFF8000  }
0x53d: {  	_ =	sfence.sel $0x180000  }
0x53e: {  	[bflag:$0x0] =	sbarrier.arrive $0xFFFF  }
0x53f: {  	p0 =	sne.s32 s3, $0x0;
	_ =	strace $0x9000004A  }
0x540: {  	s0 =	sadd.s32 @!p0 $0x100000, s0;
	[bflag:$0x2] =	sbarrier.arrive $0xFFFF  }
0x541: {  	[sflag:s0] =	ssyncadd.tile.s32 @!p0 $0x1;
	_ =	shalt  }
.Lfunc_end2:
_tile_overlayer_lowered:
.L_overlay_start_2:
0x542: {  	(tag) =	ssettag $0x2  }
0x543: {  	s0 =	rddreg [dreg:$0x0];
	s2 =	stileid.u32  }
0x544: {  	s1 =	rddreg [dreg:$0x1];
	p0 =	sne.s32 s2, $0x0  }
0x545: {  	s3 =	rddreg [dreg:$0x2];
	[bflag:$0x3] =	sbarrier.arrive $0xFFFF;
	s2 =	simm.s32 @!p0 $0x1C02  }
0x546: {  	[timem:s3], [sflag:s2] =	dma.local @!p0 [hbm:s0], s1  }
0x547: {  	s0 =	simm.s32 @!p0 $0x2  }
0x548: {  	_ =	swait.ge @!p0 [sflag:s0], s1  }
0x549: {  	s1 =	ssub.s32 @!p0 $0x0, s1;
	[sflag:s0] =	ssyncset.done @!p0 $0x0  }
0x54a: {  	[sflag:s0] =	ssyncadd.s32 @!p0 s1  }
0x54b: {  	[bflag:$0x3] =	sbarrier.arrive $0xFFFF  }
0x54c: {  	_ =	shalt  }

</sc_bundles>
